<compile_context>
chip_gen: v7x
topology: tpu7x:2x2x1
jax: 0.10.2.dev20260603
libtpu: 0.0.44.dev20260713+nightly
codegen_flags: <defaults>
</compile_context>

<pallas_src>
import jax
import jax.numpy as jnp
from jax import lax
from jax.experimental import pallas as pl
from jax.experimental.pallas import tpu as pltpu
from jax.experimental.pallas import tpu_sc as plsc

_VOCAB = 100000
_NC = 2
_NS = 16
_NW = _NC * _NS
_VP = 100352
_SLICE = _VP // _NS

_COLS = 16384
_P_ROWS = 50
_C_ROWS = 200
_P_CB = 1024
_C_CB = 4096
_P_BPR = _COLS // _P_CB
_C_BPR = _COLS // _C_CB
_TASKS_PER_W = 25


def _sc_hist_body(preds_hbm, capt_hbm, pred_out, capt_out,
                  pred_acc, capt_acc,
                  pst0, pst1, cst0, cst1, ones_buf, zbuf,
                  sem0, sem1, csem0, csem1):
  c = lax.axis_index("c")
  s = lax.axis_index("s")
  w = c * _NS + s
  t0 = w * _TASKS_PER_W

  def load_from(hbm, buf, sem, blocks_per_row, cb, k):
    t = t0 + k
    row = t // blocks_per_row
    col = (t % blocks_per_row) * cb
    return pltpu.async_copy(hbm.at[row, pl.ds(col, cb)], buf, sem)

  first_p = load_from(preds_hbm, pst0, sem0, _P_BPR, _P_CB, 0)
  first_c = load_from(capt_hbm, cst0, csem0, _C_BPR, _C_CB, 0)

  def fill(buf, n, value):
    def body(i, carry):
      buf[pl.ds(i * 16, 16)] = jnp.full((16,), value, jnp.int32)
      return carry
    lax.fori_loop(0, n // 16, body, 0)

  fill(zbuf, _SLICE, 0)
  fill(ones_buf, _C_CB, 1)

  pltpu.sync_copy(zbuf, pred_acc.at[pl.ds(s * _SLICE, _SLICE)])
  pltpu.sync_copy(zbuf, capt_acc.at[pl.ds(s * _SLICE, _SLICE)])
  plsc.subcore_barrier()

  def scatter_input(hbm, acc, bufs, lsems, blocks_per_row, cb,
                    first_cp=None):
    def load(k, which):
      return load_from(hbm, bufs[which], lsems[which], blocks_per_row, cb, k)

    cps = [None] * _TASKS_PER_W
    cps[0] = first_cp if first_cp is not None else load(0, 0)
    for k in range(_TASKS_PER_W):
      if k + 1 < _TASKS_PER_W:
        cps[k + 1] = load(k + 1, (k + 1) % 2)
      cps[k].wait()
      pltpu.sync_copy(ones_buf.at[pl.ds(0, cb)], acc.at[bufs[k % 2]],
                      add=True)

  scatter_input(preds_hbm, pred_acc, (pst0, pst1), (sem0, sem1),
                _P_BPR, _P_CB, first_cp=first_p)
  scatter_input(capt_hbm, capt_acc, (cst0, cst1), (csem0, csem1),
                _C_BPR, _C_CB, first_cp=first_c)
  plsc.subcore_barrier()

  pltpu.sync_copy(pred_acc.at[pl.ds(s * _SLICE, _SLICE)],
                  pred_out.at[c, pl.ds(s * _SLICE, _SLICE)])
  pltpu.sync_copy(capt_acc.at[pl.ds(s * _SLICE, _SLICE)],
                  capt_out.at[c, pl.ds(s * _SLICE, _SLICE)])


_sc_hist = pl.kernel(
    _sc_hist_body,
    out_type=(
        jax.ShapeDtypeStruct((_NC, _VP), jnp.int32),
        jax.ShapeDtypeStruct((_NC, _VP), jnp.int32),
    ),
    mesh=plsc.VectorSubcoreMesh(core_axis_name="c", subcore_axis_name="s"),
    scratch_types=(
        pltpu.VMEM_SHARED((_VP,), jnp.int32),
        pltpu.VMEM_SHARED((_VP,), jnp.int32),
        pltpu.VMEM((_P_CB,), jnp.int32),
        pltpu.VMEM((_P_CB,), jnp.int32),
        pltpu.VMEM((_C_CB,), jnp.int32),
        pltpu.VMEM((_C_CB,), jnp.int32),
        pltpu.VMEM((_C_CB,), jnp.int32),
        pltpu.VMEM((_SLICE,), jnp.int32),
        pltpu.SemaphoreType.DMA,
        pltpu.SemaphoreType.DMA,
        pltpu.SemaphoreType.DMA,
        pltpu.SemaphoreType.DMA,
    ),
)


def _tc_merge_body(ph_ref, ch_ref, out_ref):
  n_pred = jnp.sum((ph_ref[0] + ph_ref[1]) > 0).astype(jnp.float32)
  n_capt = jnp.sum((ch_ref[0] + ch_ref[1]) > 0).astype(jnp.float32)
  out_ref[0, 0] = jnp.where(
      n_capt > 0, n_pred / jnp.maximum(n_capt, 1.0), jnp.float32(0.0))


@jax.jit
def kernel(preds, captions):
  ph, ch = _sc_hist(preds.T, captions.T)
  ratio = pl.pallas_call(
      _tc_merge_body,
      out_shape=jax.ShapeDtypeStruct((1, 1), jnp.float32),
      in_specs=[
          pl.BlockSpec(memory_space=pltpu.VMEM),
          pl.BlockSpec(memory_space=pltpu.VMEM),
      ],
      out_specs=pl.BlockSpec(memory_space=pltpu.SMEM),
  )(ph, ch)
  return ratio[0, 0]

# --- scband reference (transcript-rebuilt; emitter-appended) ---
"""Pipeline reference for scband-global-tensor-vocab-usage-163208757595 (READ-ONLY COPY).

The authoritative reference and input builder live on the scoring server;
editing this copy changes nothing except your own understanding.
"""

import jax, jax.numpy as jnp
import numpy as np

VOCAB = 100000


def setup_inputs(seed: int = 0) -> dict:
    key = jax.random.key(seed)
    k1, k2 = jax.random.split(key)
    preds = jax.random.randint(k1, (16384, 50), 0, VOCAB, dtype=jnp.int32)
    captions = jax.random.randint(k2, (16384, 200), 0, VOCAB, dtype=jnp.int32)
    return {"preds": preds, "captions": captions}


def reference(preds, captions):
    # GlobalTensorVocabUsage with ignored_indexes=() : no tokens are filtered out.
    # |hyp_vocab| / |ref_vocab| where vocab size = number of distinct token ids.
    # Distinct-count is computed via a presence histogram (jit-friendly analogue
    # of torch.unique followed by len()).
    pred_hist = jnp.bincount(preds.reshape(-1), length=VOCAB)
    capt_hist = jnp.bincount(captions.reshape(-1), length=VOCAB)
    n_pred = jnp.sum(pred_hist > 0).astype(jnp.float32)
    n_capt = jnp.sum(capt_hist > 0).astype(jnp.float32)
    ratio = jnp.where(n_capt > 0, n_pred / jnp.maximum(n_capt, 1.0), jnp.float32(0.0))
    return ratio

if __name__ == "__main__":
    import jax
    _d = setup_inputs()
    print(jax.jit(kernel)(*tuple(_d.values())))

</pallas_src>

<mosaic_0001>
#map = affine_map<(d0, d1) -> (0, 0)>
module attributes {stable_mosaic.version = 14 : i64} {
  func.func @_sc_hist_body(%arg0: i32, %arg1: i32, %arg2: memref<50x16384xi32, #tpu.memory_space<hbm>>, %arg3: memref<200x16384xi32, #tpu.memory_space<hbm>>, %arg4: memref<2x100352xi32, #tpu.memory_space<hbm>>, %arg5: memref<2x100352xi32, #tpu.memory_space<hbm>>, %arg6: memref<100352xi32, #tpu.memory_space<vmem_shared>>, %arg7: memref<100352xi32, #tpu.memory_space<vmem_shared>>, %arg8: memref<1024xi32, #tpu.memory_space<vmem>>, %arg9: memref<1024xi32, #tpu.memory_space<vmem>>, %arg10: memref<4096xi32, #tpu.memory_space<vmem>>, %arg11: memref<4096xi32, #tpu.memory_space<vmem>>, %arg12: memref<4096xi32, #tpu.memory_space<vmem>>, %arg13: memref<6272xi32, #tpu.memory_space<vmem>>, %arg14: memref<!tpu.dma_semaphore, #tpu.memory_space<semaphore_mem>>, %arg15: memref<!tpu.dma_semaphore, #tpu.memory_space<semaphore_mem>>, %arg16: memref<!tpu.dma_semaphore, #tpu.memory_space<semaphore_mem>>, %arg17: memref<!tpu.dma_semaphore, #tpu.memory_space<semaphore_mem>>) attributes {dimension_semantics = [#tpu.dimension_semantics<core_parallel>, #tpu.dimension_semantics<subcore_parallel>], iteration_bounds = array<i64: 2, 16>, scalar_prefetch = 0 : i64, scratch_operands = 12 : i64, tpu.core_type = #tpu.core_type<sc_vector_subcore>, window_params = [{transform_indices = #map}, {transform_indices = #map}, {transform_indices = #map}, {transform_indices = #map}]} {
    %mul3A = arith.constant 16 : i32
    %mul3A_0 = arith.muli %arg0, %mul3A : i32
    %add3A = arith.addi %mul3A_0, %arg1 : i32
    %mul3A_1 = arith.constant 25 : i32
    %mul3A_2 = arith.muli %add3A, %mul3A_1 : i32
    %add3A_3 = arith.constant 0 : i32
    %add3A_4 = arith.addi %mul3A_2, %add3A_3 : i32
    %jit3A = arith.constant 16 : i32
    %div3A = arith.divsi %add3A_4, %jit3A : i32
    %sign3A = arith.constant 0 : i32
    %sign3A_5 = arith.cmpi sgt, %add3A_4, %sign3A : i32
    %sign3A_6 = arith.extui %sign3A_5 : i1 to i32
    %sign3A_7 = arith.constant 0 : i32
    %sign3A_8 = arith.cmpi slt, %add3A_4, %sign3A_7 : i32
    %sign3A_9 = arith.extui %sign3A_8 : i1 to i32
    %sign3A_10 = arith.subi %sign3A_6, %sign3A_9 : i32
    %sign3A_11 = arith.constant 0 : i32
    %sign3A_12 = arith.cmpi sgt, %jit3A, %sign3A_11 : i32
    %sign3A_13 = arith.extui %sign3A_12 : i1 to i32
    %sign3A_14 = arith.constant 0 : i32
    %sign3A_15 = arith.cmpi slt, %jit3A, %sign3A_14 : i32
    %sign3A_16 = arith.extui %sign3A_15 : i1 to i32
    %sign3A_17 = arith.subi %sign3A_13, %sign3A_16 : i32
    %ne3A = arith.cmpi ne, %sign3A_10, %sign3A_17 : i32
    %rem3A = arith.remsi %add3A_4, %jit3A : i32
    %ne3A_18 = arith.constant 0 : i32
    %ne3A_19 = arith.cmpi ne, %rem3A, %ne3A_18 : i32
    %and3A = arith.andi %ne3A, %ne3A_19 : i1
    %sub3A = arith.constant 1 : i32
    %sub3A_20 = arith.subi %div3A, %sub3A : i32
    %select_n3A = arith.select %and3A, %sub3A_20, %div3A : i32
    %jit3A_21 = arith.constant 16 : i32
    %eq3A = arith.constant 0 : i32
    %eq3A_22 = arith.cmpi eq, %jit3A_21, %eq3A : i32
    %jit3A_23 = arith.constant 1 : i32
    %select_n3A_24 = arith.select %eq3A_22, %jit3A_23, %jit3A_21 : i32
    %rem3A_25 = arith.remsi %add3A_4, %select_n3A_24 : i32
    %ne3A_26 = arith.constant 0 : i32
    %ne3A_27 = arith.cmpi ne, %rem3A_25, %ne3A_26 : i32
    %lt3A = arith.constant 0 : i32
    %lt3A_28 = arith.cmpi slt, %rem3A_25, %lt3A : i32
    %lt3A_29 = arith.constant 0 : i32
    %lt3A_30 = arith.cmpi slt, %select_n3A_24, %lt3A_29 : i32
    %ne3A_31 = arith.xori %lt3A_28, %lt3A_30 : i1
    %and3A_32 = arith.andi %ne3A_31, %ne3A_27 : i1
    %add3A_33 = arith.addi %rem3A_25, %select_n3A_24 : i32
    %select_n3A_34 = arith.select %and3A_32, %add3A_33, %rem3A_25 : i32
    %mul3A_35 = arith.constant 1024 : i32
    %mul3A_36 = arith.muli %select_n3A_34, %mul3A_35 : i32
    %dma_start3A = tpu.memref_slice %arg2[%select_n3A, %mul3A_36] : memref<50x16384xi32, #tpu.memory_space<hbm>> -> memref<1x1024xi32, #tpu.memory_space<hbm>>
    %dma_start3A_37 = tpu.memref_squeeze %dma_start3A : memref<1x1024xi32, #tpu.memory_space<hbm>> -> memref<1024xi32, #tpu.memory_space<hbm>>
    %dma_start3A_38 = tpu.memref_slice %arg2[%select_n3A, %mul3A_36] : memref<50x16384xi32, #tpu.memory_space<hbm>> -> memref<1x1024xi32, #tpu.memory_space<hbm>>
    %dma_start3A_39 = tpu.memref_squeeze %dma_start3A_38 : memref<1x1024xi32, #tpu.memory_space<hbm>> -> memref<1024xi32, #tpu.memory_space<hbm>>
    tpu.enqueue_dma source(%dma_start3A_39 : memref<1024xi32, #tpu.memory_space<hbm>>) target(%arg8 : memref<1024xi32, #tpu.memory_space<vmem>>) target_semaphore(%arg14 : memref<!tpu.dma_semaphore, #tpu.memory_space<semaphore_mem>>)
    %add3A_40 = arith.constant 0 : i32
    %add3A_41 = arith.addi %mul3A_2, %add3A_40 : i32
    %jit3A_42 = arith.constant 4 : i32
    %div3A_43 = arith.divsi %add3A_41, %jit3A_42 : i32
    %sign3A_44 = arith.constant 0 : i32
    %sign3A_45 = arith.cmpi sgt, %add3A_41, %sign3A_44 : i32
    %sign3A_46 = arith.extui %sign3A_45 : i1 to i32
    %sign3A_47 = arith.constant 0 : i32
    %sign3A_48 = arith.cmpi slt, %add3A_41, %sign3A_47 : i32
    %sign3A_49 = arith.extui %sign3A_48 : i1 to i32
    %sign3A_50 = arith.subi %sign3A_46, %sign3A_49 : i32
    %sign3A_51 = arith.constant 0 : i32
    %sign3A_52 = arith.cmpi sgt, %jit3A_42, %sign3A_51 : i32
    %sign3A_53 = arith.extui %sign3A_52 : i1 to i32
    %sign3A_54 = arith.constant 0 : i32
    %sign3A_55 = arith.cmpi slt, %jit3A_42, %sign3A_54 : i32
    %sign3A_56 = arith.extui %sign3A_55 : i1 to i32
    %sign3A_57 = arith.subi %sign3A_53, %sign3A_56 : i32
    %ne3A_58 = arith.cmpi ne, %sign3A_50, %sign3A_57 : i32
    %rem3A_59 = arith.remsi %add3A_41, %jit3A_42 : i32
    %ne3A_60 = arith.constant 0 : i32
    %ne3A_61 = arith.cmpi ne, %rem3A_59, %ne3A_60 : i32
    %and3A_62 = arith.andi %ne3A_58, %ne3A_61 : i1
    %sub3A_63 = arith.constant 1 : i32
    %sub3A_64 = arith.subi %div3A_43, %sub3A_63 : i32
    %select_n3A_65 = arith.select %and3A_62, %sub3A_64, %div3A_43 : i32
    %jit3A_66 = arith.constant 4 : i32
    %eq3A_67 = arith.constant 0 : i32
    %eq3A_68 = arith.cmpi eq, %jit3A_66, %eq3A_67 : i32
    %jit3A_69 = arith.constant 1 : i32
    %select_n3A_70 = arith.select %eq3A_68, %jit3A_69, %jit3A_66 : i32
    %rem3A_71 = arith.remsi %add3A_41, %select_n3A_70 : i32
    %ne3A_72 = arith.constant 0 : i32
    %ne3A_73 = arith.cmpi ne, %rem3A_71, %ne3A_72 : i32
    %lt3A_74 = arith.constant 0 : i32
    %lt3A_75 = arith.cmpi slt, %rem3A_71, %lt3A_74 : i32
    %lt3A_76 = arith.constant 0 : i32
    %lt3A_77 = arith.cmpi slt, %select_n3A_70, %lt3A_76 : i32
    %ne3A_78 = arith.xori %lt3A_75, %lt3A_77 : i1
    %and3A_79 = arith.andi %ne3A_78, %ne3A_73 : i1
    %add3A_80 = arith.addi %rem3A_71, %select_n3A_70 : i32
    %select_n3A_81 = arith.select %and3A_79, %add3A_80, %rem3A_71 : i32
    %mul3A_82 = arith.constant 4096 : i32
    %mul3A_83 = arith.muli %select_n3A_81, %mul3A_82 : i32
    %dma_start3A_84 = tpu.memref_slice %arg3[%select_n3A_65, %mul3A_83] : memref<200x16384xi32, #tpu.memory_space<hbm>> -> memref<1x4096xi32, #tpu.memory_space<hbm>>
    %dma_start3A_85 = tpu.memref_squeeze %dma_start3A_84 : memref<1x4096xi32, #tpu.memory_space<hbm>> -> memref<4096xi32, #tpu.memory_space<hbm>>
    %dma_start3A_86 = tpu.memref_slice %arg3[%select_n3A_65, %mul3A_83] : memref<200x16384xi32, #tpu.memory_space<hbm>> -> memref<1x4096xi32, #tpu.memory_space<hbm>>
    %dma_start3A_87 = tpu.memref_squeeze %dma_start3A_86 : memref<1x4096xi32, #tpu.memory_space<hbm>> -> memref<4096xi32, #tpu.memory_space<hbm>>
    tpu.enqueue_dma source(%dma_start3A_87 : memref<4096xi32, #tpu.memory_space<hbm>>) target(%arg10 : memref<4096xi32, #tpu.memory_space<vmem>>) target_semaphore(%arg16 : memref<!tpu.dma_semaphore, #tpu.memory_space<semaphore_mem>>)
    %scan3A = arith.constant 0 : i32
    %scan3A_88 = arith.constant 0 : i32
    %scan3A_89 = arith.constant 392 : i32
    %scan3A_90 = arith.addi %scan3A_88, %scan3A_89 : i32
    %scan3A_91 = arith.constant 1 : i32
    scf.for %scan3A_2615 = %scan3A_88 to %scan3A_90 step %scan3A_91  : i32 {
      %broadcast_in_dim3A = arith.constant 0 : i32
      %broadcast_in_dim3A_2616 = vector.broadcast %broadcast_in_dim3A : i32 to vector<16xi32>
      %mul3A_2617 = arith.constant 16 : i32
      %mul3A_2618 = arith.muli %scan3A_2615, %mul3A_2617 : i32
      %swap3A = arith.index_cast %mul3A_2618 : i32 to index
      %swap3A_2619 = tpu.vector_load %arg13[%swap3A] {strides = array<i32>} : memref<6272xi32, #tpu.memory_space<vmem>>, vector<16xi32>,
      %swap3A_2620 = vector.shape_cast %swap3A_2619 : vector<16xi32> to vector<16xi32>
      %swap3A_2621 = vector.shape_cast %broadcast_in_dim3A_2616 : vector<16xi32> to vector<16xi32>
      tpu.vector_store %arg13[%swap3A], %swap3A_2621 {strides = array<i32>} : memref<6272xi32, #tpu.memory_space<vmem>>, vector<16xi32>,
    }
    %scan3A_92 = arith.constant 392 : i32
    %scan3A_93 = arith.constant 0 : i32
    %scan3A_94 = arith.constant 0 : i32
    %scan3A_95 = arith.constant 256 : i32
    %scan3A_96 = arith.addi %scan3A_94, %scan3A_95 : i32
    %scan3A_97 = arith.constant 1 : i32
    scf.for %scan3A_2615 = %scan3A_94 to %scan3A_96 step %scan3A_97  : i32 {
      %broadcast_in_dim3A = arith.constant 1 : i32
      %broadcast_in_dim3A_2616 = vector.broadcast %broadcast_in_dim3A : i32 to vector<16xi32>
      %mul3A_2617 = arith.constant 16 : i32
      %mul3A_2618 = arith.muli %scan3A_2615, %mul3A_2617 : i32
      %swap3A = arith.index_cast %mul3A_2618 : i32 to index
      %swap3A_2619 = tpu.vector_load %arg12[%swap3A] {strides = array<i32>} : memref<4096xi32, #tpu.memory_space<vmem>>, vector<16xi32>,
      %swap3A_2620 = vector.shape_cast %swap3A_2619 : vector<16xi32> to vector<16xi32>
      %swap3A_2621 = vector.shape_cast %broadcast_in_dim3A_2616 : vector<16xi32> to vector<16xi32>
      tpu.vector_store %arg12[%swap3A], %swap3A_2621 {strides = array<i32>} : memref<4096xi32, #tpu.memory_space<vmem>>, vector<16xi32>,
    }
    %scan3A_98 = arith.constant 256 : i32
    %mul3A_99 = arith.constant 6272 : i32
    %mul3A_100 = arith.muli %arg1, %mul3A_99 : i32
    "tpu.region"() ({
      %run_scoped3A = tpu.sem_alloc : memref<!tpu.dma_semaphore, #tpu.memory_space<semaphore_mem>>
      %dma_start3A_2615 = tpu.memref_slice %arg6[%mul3A_100] : memref<100352xi32, #tpu.memory_space<vmem_shared>> -> memref<6272xi32, #tpu.memory_space<vmem_shared>>
      %dma_start3A_2616 = tpu.memref_slice %arg6[%mul3A_100] : memref<100352xi32, #tpu.memory_space<vmem_shared>> -> memref<6272xi32, #tpu.memory_space<vmem_shared>>
      tpu.enqueue_dma source(%arg13 : memref<6272xi32, #tpu.memory_space<vmem>>) target(%dma_start3A_2616 : memref<6272xi32, #tpu.memory_space<vmem_shared>>) target_semaphore(%run_scoped3A : memref<!tpu.dma_semaphore, #tpu.memory_space<semaphore_mem>>)
      %dma_wait3A_2617 = tpu.memref_slice %arg6[%mul3A_100] : memref<100352xi32, #tpu.memory_space<vmem_shared>> -> memref<6272xi32, #tpu.memory_space<vmem_shared>>
      %dma_wait3A_2618 = tpu.memref_slice %arg6[%mul3A_100] : memref<100352xi32, #tpu.memory_space<vmem_shared>> -> memref<6272xi32, #tpu.memory_space<vmem_shared>>
      tpu.wait_dma2 semaphore(%run_scoped3A : memref<!tpu.dma_semaphore, #tpu.memory_space<semaphore_mem>>) src(%arg13 : memref<6272xi32, #tpu.memory_space<vmem>>) dst(%dma_wait3A_2618 : memref<6272xi32, #tpu.memory_space<vmem_shared>>)
      tpu.yield
    }) : () -> ()
    %mul3A_101 = arith.constant 6272 : i32
    %mul3A_102 = arith.muli %arg1, %mul3A_101 : i32
    "tpu.region"() ({
      %run_scoped3A = tpu.sem_alloc : memref<!tpu.dma_semaphore, #tpu.memory_space<semaphore_mem>>
      %dma_start3A_2615 = tpu.memref_slice %arg7[%mul3A_102] : memref<100352xi32, #tpu.memory_space<vmem_shared>> -> memref<6272xi32, #tpu.memory_space<vmem_shared>>
      %dma_start3A_2616 = tpu.memref_slice %arg7[%mul3A_102] : memref<100352xi32, #tpu.memory_space<vmem_shared>> -> memref<6272xi32, #tpu.memory_space<vmem_shared>>
      tpu.enqueue_dma source(%arg13 : memref<6272xi32, #tpu.memory_space<vmem>>) target(%dma_start3A_2616 : memref<6272xi32, #tpu.memory_space<vmem_shared>>) target_semaphore(%run_scoped3A : memref<!tpu.dma_semaphore, #tpu.memory_space<semaphore_mem>>)
      %dma_wait3A_2617 = tpu.memref_slice %arg7[%mul3A_102] : memref<100352xi32, #tpu.memory_space<vmem_shared>> -> memref<6272xi32, #tpu.memory_space<vmem_shared>>
      %dma_wait3A_2618 = tpu.memref_slice %arg7[%mul3A_102] : memref<100352xi32, #tpu.memory_space<vmem_shared>> -> memref<6272xi32, #tpu.memory_space<vmem_shared>>
      tpu.wait_dma2 semaphore(%run_scoped3A : memref<!tpu.dma_semaphore, #tpu.memory_space<semaphore_mem>>) src(%arg13 : memref<6272xi32, #tpu.memory_space<vmem>>) dst(%dma_wait3A_2618 : memref<6272xi32, #tpu.memory_space<vmem_shared>>)
      tpu.yield
    }) : () -> ()
    %barrier3A = arith.constant 0 : index
    tpu.barrier barrier_id(%barrier3A)
    %add3A_103 = arith.constant 1 : i32
    %add3A_104 = arith.addi %mul3A_2, %add3A_103 : i32
    %jit3A_105 = arith.constant 16 : i32
    %div3A_106 = arith.divsi %add3A_104, %jit3A_105 : i32
    %sign3A_107 = arith.constant 0 : i32
    %sign3A_108 = arith.cmpi sgt, %add3A_104, %sign3A_107 : i32
    %sign3A_109 = arith.extui %sign3A_108 : i1 to i32
    %sign3A_110 = arith.constant 0 : i32
    %sign3A_111 = arith.cmpi slt, %add3A_104, %sign3A_110 : i32
    %sign3A_112 = arith.extui %sign3A_111 : i1 to i32
    %sign3A_113 = arith.subi %sign3A_109, %sign3A_112 : i32
    %sign3A_114 = arith.constant 0 : i32
    %sign3A_115 = arith.cmpi sgt, %jit3A_105, %sign3A_114 : i32
    %sign3A_116 = arith.extui %sign3A_115 : i1 to i32
    %sign3A_117 = arith.constant 0 : i32
    %sign3A_118 = arith.cmpi slt, %jit3A_105, %sign3A_117 : i32
    %sign3A_119 = arith.extui %sign3A_118 : i1 to i32
    %sign3A_120 = arith.subi %sign3A_116, %sign3A_119 : i32
    %ne3A_121 = arith.cmpi ne, %sign3A_113, %sign3A_120 : i32
    %rem3A_122 = arith.remsi %add3A_104, %jit3A_105 : i32
    %ne3A_123 = arith.constant 0 : i32
    %ne3A_124 = arith.cmpi ne, %rem3A_122, %ne3A_123 : i32
    %and3A_125 = arith.andi %ne3A_121, %ne3A_124 : i1
    %sub3A_126 = arith.constant 1 : i32
    %sub3A_127 = arith.subi %div3A_106, %sub3A_126 : i32
    %select_n3A_128 = arith.select %and3A_125, %sub3A_127, %div3A_106 : i32
    %jit3A_129 = arith.constant 16 : i32
    %eq3A_130 = arith.constant 0 : i32
    %eq3A_131 = arith.cmpi eq, %jit3A_129, %eq3A_130 : i32
    %jit3A_132 = arith.constant 1 : i32
    %select_n3A_133 = arith.select %eq3A_131, %jit3A_132, %jit3A_129 : i32
    %rem3A_134 = arith.remsi %add3A_104, %select_n3A_133 : i32
    %ne3A_135 = arith.constant 0 : i32
    %ne3A_136 = arith.cmpi ne, %rem3A_134, %ne3A_135 : i32
    %lt3A_137 = arith.constant 0 : i32
    %lt3A_138 = arith.cmpi slt, %rem3A_134, %lt3A_137 : i32
    %lt3A_139 = arith.constant 0 : i32
    %lt3A_140 = arith.cmpi slt, %select_n3A_133, %lt3A_139 : i32
    %ne3A_141 = arith.xori %lt3A_138, %lt3A_140 : i1
    %and3A_142 = arith.andi %ne3A_141, %ne3A_136 : i1
    %add3A_143 = arith.addi %rem3A_134, %select_n3A_133 : i32
    %select_n3A_144 = arith.select %and3A_142, %add3A_143, %rem3A_134 : i32
    %mul3A_145 = arith.constant 1024 : i32
    %mul3A_146 = arith.muli %select_n3A_144, %mul3A_145 : i32
    %dma_start3A_147 = tpu.memref_slice %arg2[%select_n3A_128, %mul3A_146] : memref<50x16384xi32, #tpu.memory_space<hbm>> -> memref<1x1024xi32, #tpu.memory_space<hbm>>
    %dma_start3A_148 = tpu.memref_squeeze %dma_start3A_147 : memref<1x1024xi32, #tpu.memory_space<hbm>> -> memref<1024xi32, #tpu.memory_space<hbm>>
    %dma_start3A_149 = tpu.memref_slice %arg2[%select_n3A_128, %mul3A_146] : memref<50x16384xi32, #tpu.memory_space<hbm>> -> memref<1x1024xi32, #tpu.memory_space<hbm>>
    %dma_start3A_150 = tpu.memref_squeeze %dma_start3A_149 : memref<1x1024xi32, #tpu.memory_space<hbm>> -> memref<1024xi32, #tpu.memory_space<hbm>>
    tpu.enqueue_dma source(%dma_start3A_150 : memref<1024xi32, #tpu.memory_space<hbm>>) target(%arg9 : memref<1024xi32, #tpu.memory_space<vmem>>) target_semaphore(%arg15 : memref<!tpu.dma_semaphore, #tpu.memory_space<semaphore_mem>>)
    %dma_wait3A = tpu.memref_slice %arg2[%select_n3A, %mul3A_36] : memref<50x16384xi32, #tpu.memory_space<hbm>> -> memref<1x1024xi32, #tpu.memory_space<hbm>>
    %dma_wait3A_151 = tpu.memref_squeeze %dma_wait3A : memref<1x1024xi32, #tpu.memory_space<hbm>> -> memref<1024xi32, #tpu.memory_space<hbm>>
    %dma_wait3A_152 = tpu.memref_slice %arg2[%select_n3A, %mul3A_36] : memref<50x16384xi32, #tpu.memory_space<hbm>> -> memref<1x1024xi32, #tpu.memory_space<hbm>>
    %dma_wait3A_153 = tpu.memref_squeeze %dma_wait3A_152 : memref<1x1024xi32, #tpu.memory_space<hbm>> -> memref<1024xi32, #tpu.memory_space<hbm>>
    tpu.wait_dma2 semaphore(%arg14 : memref<!tpu.dma_semaphore, #tpu.memory_space<semaphore_mem>>) src(%dma_wait3A_153 : memref<1024xi32, #tpu.memory_space<hbm>>) dst(%arg8 : memref<1024xi32, #tpu.memory_space<vmem>>)
    "tpu.region"() ({
      %run_scoped3A = tpu.sem_alloc : memref<!tpu.dma_semaphore, #tpu.memory_space<semaphore_mem>>
      %dma_start3A_2615 = arith.constant 0 : i32
      %dma_start3A_2616 = tpu.memref_slice %arg12[%dma_start3A_2615] : memref<4096xi32, #tpu.memory_space<vmem>> -> memref<1024xi32, #tpu.memory_space<vmem>>
      %dma_start3A_2617 = arith.constant 0 : i32
      %dma_start3A_2618 = tpu.memref_slice %arg6[%dma_start3A_2617] : memref<100352xi32, #tpu.memory_space<vmem_shared>> -> memref<100352xi32, #tpu.memory_space<vmem_shared>>
      tpu.enqueue_indirect_dma source(%dma_start3A_2616 : memref<1024xi32, #tpu.memory_space<vmem>>) target(%dma_start3A_2618 : memref<100352xi32, #tpu.memory_space<vmem_shared>>) offsets(%arg8 : memref<1024xi32, #tpu.memory_space<vmem>>) semaphore(%run_scoped3A : memref<!tpu.dma_semaphore, #tpu.memory_space<semaphore_mem>>) {add = true}
      %dma_wait3A_2619 = arith.constant 0 : i32
      %dma_wait3A_2620 = tpu.memref_slice %arg12[%dma_wait3A_2619] : memref<4096xi32, #tpu.memory_space<vmem>> -> memref<1024xi32, #tpu.memory_space<vmem>>
      %dma_wait3A_2621 = arith.constant 0 : i32
      %dma_wait3A_2622 = tpu.memref_slice %arg6[%dma_wait3A_2621] : memref<100352xi32, #tpu.memory_space<vmem_shared>> -> memref<100352xi32, #tpu.memory_space<vmem_shared>>
      tpu.wait_indirect_dma semaphore(%run_scoped3A : memref<!tpu.dma_semaphore, #tpu.memory_space<semaphore_mem>>) src(%dma_wait3A_2620 : memref<1024xi32, #tpu.memory_space<vmem>>) dst(%dma_wait3A_2622 : memref<100352xi32, #tpu.memory_space<vmem_shared>>)
      tpu.yield
    }) : () -> ()
    %add3A_154 = arith.constant 2 : i32
    %add3A_155 = arith.addi %mul3A_2, %add3A_154 : i32
    %jit3A_156 = arith.constant 16 : i32
    %div3A_157 = arith.divsi %add3A_155, %jit3A_156 : i32
    %sign3A_158 = arith.constant 0 : i32
    %sign3A_159 = arith.cmpi sgt, %add3A_155, %sign3A_158 : i32
    %sign3A_160 = arith.extui %sign3A_159 : i1 to i32
    %sign3A_161 = arith.constant 0 : i32
    %sign3A_162 = arith.cmpi slt, %add3A_155, %sign3A_161 : i32
    %sign3A_163 = arith.extui %sign3A_162 : i1 to i32
    %sign3A_164 = arith.subi %sign3A_160, %sign3A_163 : i32
    %sign3A_165 = arith.constant 0 : i32
    %sign3A_166 = arith.cmpi sgt, %jit3A_156, %sign3A_165 : i32
    %sign3A_167 = arith.extui %sign3A_166 : i1 to i32
    %sign3A_168 = arith.constant 0 : i32
    %sign3A_169 = arith.cmpi slt, %jit3A_156, %sign3A_168 : i32
    %sign3A_170 = arith.extui %sign3A_169 : i1 to i32
    %sign3A_171 = arith.subi %sign3A_167, %sign3A_170 : i32
    %ne3A_172 = arith.cmpi ne, %sign3A_164, %sign3A_171 : i32
    %rem3A_173 = arith.remsi %add3A_155, %jit3A_156 : i32
    %ne3A_174 = arith.constant 0 : i32
    %ne3A_175 = arith.cmpi ne, %rem3A_173, %ne3A_174 : i32
    %and3A_176 = arith.andi %ne3A_172, %ne3A_175 : i1
    %sub3A_177 = arith.constant 1 : i32
    %sub3A_178 = arith.subi %div3A_157, %sub3A_177 : i32
    %select_n3A_179 = arith.select %and3A_176, %sub3A_178, %div3A_157 : i32
    %jit3A_180 = arith.constant 16 : i32
    %eq3A_181 = arith.constant 0 : i32
    %eq3A_182 = arith.cmpi eq, %jit3A_180, %eq3A_181 : i32
    %jit3A_183 = arith.constant 1 : i32
    %select_n3A_184 = arith.select %eq3A_182, %jit3A_183, %jit3A_180 : i32
    %rem3A_185 = arith.remsi %add3A_155, %select_n3A_184 : i32
    %ne3A_186 = arith.constant 0 : i32
    %ne3A_187 = arith.cmpi ne, %rem3A_185, %ne3A_186 : i32
    %lt3A_188 = arith.constant 0 : i32
    %lt3A_189 = arith.cmpi slt, %rem3A_185, %lt3A_188 : i32
    %lt3A_190 = arith.constant 0 : i32
    %lt3A_191 = arith.cmpi slt, %select_n3A_184, %lt3A_190 : i32
    %ne3A_192 = arith.xori %lt3A_189, %lt3A_191 : i1
    %and3A_193 = arith.andi %ne3A_192, %ne3A_187 : i1
    %add3A_194 = arith.addi %rem3A_185, %select_n3A_184 : i32
    %select_n3A_195 = arith.select %and3A_193, %add3A_194, %rem3A_185 : i32
    %mul3A_196 = arith.constant 1024 : i32
    %mul3A_197 = arith.muli %select_n3A_195, %mul3A_196 : i32
    %dma_start3A_198 = tpu.memref_slice %arg2[%select_n3A_179, %mul3A_197] : memref<50x16384xi32, #tpu.memory_space<hbm>> -> memref<1x1024xi32, #tpu.memory_space<hbm>>
    %dma_start3A_199 = tpu.memref_squeeze %dma_start3A_198 : memref<1x1024xi32, #tpu.memory_space<hbm>> -> memref<1024xi32, #tpu.memory_space<hbm>>
    %dma_start3A_200 = tpu.memref_slice %arg2[%select_n3A_179, %mul3A_197] : memref<50x16384xi32, #tpu.memory_space<hbm>> -> memref<1x1024xi32, #tpu.memory_space<hbm>>
    %dma_start3A_201 = tpu.memref_squeeze %dma_start3A_200 : memref<1x1024xi32, #tpu.memory_space<hbm>> -> memref<1024xi32, #tpu.memory_space<hbm>>
    tpu.enqueue_dma source(%dma_start3A_201 : memref<1024xi32, #tpu.memory_space<hbm>>) target(%arg8 : memref<1024xi32, #tpu.memory_space<vmem>>) target_semaphore(%arg14 : memref<!tpu.dma_semaphore, #tpu.memory_space<semaphore_mem>>)
    %dma_wait3A_202 = tpu.memref_slice %arg2[%select_n3A_128, %mul3A_146] : memref<50x16384xi32, #tpu.memory_space<hbm>> -> memref<1x1024xi32, #tpu.memory_space<hbm>>
    %dma_wait3A_203 = tpu.memref_squeeze %dma_wait3A_202 : memref<1x1024xi32, #tpu.memory_space<hbm>> -> memref<1024xi32, #tpu.memory_space<hbm>>
    %dma_wait3A_204 = tpu.memref_slice %arg2[%select_n3A_128, %mul3A_146] : memref<50x16384xi32, #tpu.memory_space<hbm>> -> memref<1x1024xi32, #tpu.memory_space<hbm>>
    %dma_wait3A_205 = tpu.memref_squeeze %dma_wait3A_204 : memref<1x1024xi32, #tpu.memory_space<hbm>> -> memref<1024xi32, #tpu.memory_space<hbm>>
    tpu.wait_dma2 semaphore(%arg15 : memref<!tpu.dma_semaphore, #tpu.memory_space<semaphore_mem>>) src(%dma_wait3A_205 : memref<1024xi32, #tpu.memory_space<hbm>>) dst(%arg9 : memref<1024xi32, #tpu.memory_space<vmem>>)
    "tpu.region"() ({
      %run_scoped3A = tpu.sem_alloc : memref<!tpu.dma_semaphore, #tpu.memory_space<semaphore_mem>>
      %dma_start3A_2615 = arith.constant 0 : i32
      %dma_start3A_2616 = tpu.memref_slice %arg12[%dma_start3A_2615] : memref<4096xi32, #tpu.memory_space<vmem>> -> memref<1024xi32, #tpu.memory_space<vmem>>
      %dma_start3A_2617 = arith.constant 0 : i32
      %dma_start3A_2618 = tpu.memref_slice %arg6[%dma_start3A_2617] : memref<100352xi32, #tpu.memory_space<vmem_shared>> -> memref<100352xi32, #tpu.memory_space<vmem_shared>>
      tpu.enqueue_indirect_dma source(%dma_start3A_2616 : memref<1024xi32, #tpu.memory_space<vmem>>) target(%dma_start3A_2618 : memref<100352xi32, #tpu.memory_space<vmem_shared>>) offsets(%arg9 : memref<1024xi32, #tpu.memory_space<vmem>>) semaphore(%run_scoped3A : memref<!tpu.dma_semaphore, #tpu.memory_space<semaphore_mem>>) {add = true}
      %dma_wait3A_2619 = arith.constant 0 : i32
      %dma_wait3A_2620 = tpu.memref_slice %arg12[%dma_wait3A_2619] : memref<4096xi32, #tpu.memory_space<vmem>> -> memref<1024xi32, #tpu.memory_space<vmem>>
      %dma_wait3A_2621 = arith.constant 0 : i32
      %dma_wait3A_2622 = tpu.memref_slice %arg6[%dma_wait3A_2621] : memref<100352xi32, #tpu.memory_space<vmem_shared>> -> memref<100352xi32, #tpu.memory_space<vmem_shared>>
      tpu.wait_indirect_dma semaphore(%run_scoped3A : memref<!tpu.dma_semaphore, #tpu.memory_space<semaphore_mem>>) src(%dma_wait3A_2620 : memref<1024xi32, #tpu.memory_space<vmem>>) dst(%dma_wait3A_2622 : memref<100352xi32, #tpu.memory_space<vmem_shared>>)
      tpu.yield
    }) : () -> ()
    %add3A_206 = arith.constant 3 : i32
    %add3A_207 = arith.addi %mul3A_2, %add3A_206 : i32
    %jit3A_208 = arith.constant 16 : i32
    %div3A_209 = arith.divsi %add3A_207, %jit3A_208 : i32
    %sign3A_210 = arith.constant 0 : i32
    %sign3A_211 = arith.cmpi sgt, %add3A_207, %sign3A_210 : i32
    %sign3A_212 = arith.extui %sign3A_211 : i1 to i32
    %sign3A_213 = arith.constant 0 : i32
    %sign3A_214 = arith.cmpi slt, %add3A_207, %sign3A_213 : i32
    %sign3A_215 = arith.extui %sign3A_214 : i1 to i32
    %sign3A_216 = arith.subi %sign3A_212, %sign3A_215 : i32
    %sign3A_217 = arith.constant 0 : i32
    %sign3A_218 = arith.cmpi sgt, %jit3A_208, %sign3A_217 : i32
    %sign3A_219 = arith.extui %sign3A_218 : i1 to i32
    %sign3A_220 = arith.constant 0 : i32
    %sign3A_221 = arith.cmpi slt, %jit3A_208, %sign3A_220 : i32
    %sign3A_222 = arith.extui %sign3A_221 : i1 to i32
    %sign3A_223 = arith.subi %sign3A_219, %sign3A_222 : i32
    %ne3A_224 = arith.cmpi ne, %sign3A_216, %sign3A_223 : i32
    %rem3A_225 = arith.remsi %add3A_207, %jit3A_208 : i32
    %ne3A_226 = arith.constant 0 : i32
    %ne3A_227 = arith.cmpi ne, %rem3A_225, %ne3A_226 : i32
    %and3A_228 = arith.andi %ne3A_224, %ne3A_227 : i1
    %sub3A_229 = arith.constant 1 : i32
    %sub3A_230 = arith.subi %div3A_209, %sub3A_229 : i32
    %select_n3A_231 = arith.select %and3A_228, %sub3A_230, %div3A_209 : i32
    %jit3A_232 = arith.constant 16 : i32
    %eq3A_233 = arith.constant 0 : i32
    %eq3A_234 = arith.cmpi eq, %jit3A_232, %eq3A_233 : i32
    %jit3A_235 = arith.constant 1 : i32
    %select_n3A_236 = arith.select %eq3A_234, %jit3A_235, %jit3A_232 : i32
    %rem3A_237 = arith.remsi %add3A_207, %select_n3A_236 : i32
    %ne3A_238 = arith.constant 0 : i32
    %ne3A_239 = arith.cmpi ne, %rem3A_237, %ne3A_238 : i32
    %lt3A_240 = arith.constant 0 : i32
    %lt3A_241 = arith.cmpi slt, %rem3A_237, %lt3A_240 : i32
    %lt3A_242 = arith.constant 0 : i32
    %lt3A_243 = arith.cmpi slt, %select_n3A_236, %lt3A_242 : i32
    %ne3A_244 = arith.xori %lt3A_241, %lt3A_243 : i1
    %and3A_245 = arith.andi %ne3A_244, %ne3A_239 : i1
    %add3A_246 = arith.addi %rem3A_237, %select_n3A_236 : i32
    %select_n3A_247 = arith.select %and3A_245, %add3A_246, %rem3A_237 : i32
    %mul3A_248 = arith.constant 1024 : i32
    %mul3A_249 = arith.muli %select_n3A_247, %mul3A_248 : i32
    %dma_start3A_250 = tpu.memref_slice %arg2[%select_n3A_231, %mul3A_249] : memref<50x16384xi32, #tpu.memory_space<hbm>> -> memref<1x1024xi32, #tpu.memory_space<hbm>>
    %dma_start3A_251 = tpu.memref_squeeze %dma_start3A_250 : memref<1x1024xi32, #tpu.memory_space<hbm>> -> memref<1024xi32, #tpu.memory_space<hbm>>
    %dma_start3A_252 = tpu.memref_slice %arg2[%select_n3A_231, %mul3A_249] : memref<50x16384xi32, #tpu.memory_space<hbm>> -> memref<1x1024xi32, #tpu.memory_space<hbm>>
    %dma_start3A_253 = tpu.memref_squeeze %dma_start3A_252 : memref<1x1024xi32, #tpu.memory_space<hbm>> -> memref<1024xi32, #tpu.memory_space<hbm>>
    tpu.enqueue_dma source(%dma_start3A_253 : memref<1024xi32, #tpu.memory_space<hbm>>) target(%arg9 : memref<1024xi32, #tpu.memory_space<vmem>>) target_semaphore(%arg15 : memref<!tpu.dma_semaphore, #tpu.memory_space<semaphore_mem>>)
    %dma_wait3A_254 = tpu.memref_slice %arg2[%select_n3A_179, %mul3A_197] : memref<50x16384xi32, #tpu.memory_space<hbm>> -> memref<1x1024xi32, #tpu.memory_space<hbm>>
    %dma_wait3A_255 = tpu.memref_squeeze %dma_wait3A_254 : memref<1x1024xi32, #tpu.memory_space<hbm>> -> memref<1024xi32, #tpu.memory_space<hbm>>
    %dma_wait3A_256 = tpu.memref_slice %arg2[%select_n3A_179, %mul3A_197] : memref<50x16384xi32, #tpu.memory_space<hbm>> -> memref<1x1024xi32, #tpu.memory_space<hbm>>
    %dma_wait3A_257 = tpu.memref_squeeze %dma_wait3A_256 : memref<1x1024xi32, #tpu.memory_space<hbm>> -> memref<1024xi32, #tpu.memory_space<hbm>>
    tpu.wait_dma2 semaphore(%arg14 : memref<!tpu.dma_semaphore, #tpu.memory_space<semaphore_mem>>) src(%dma_wait3A_257 : memref<1024xi32, #tpu.memory_space<hbm>>) dst(%arg8 : memref<1024xi32, #tpu.memory_space<vmem>>)
    "tpu.region"() ({
      %run_scoped3A = tpu.sem_alloc : memref<!tpu.dma_semaphore, #tpu.memory_space<semaphore_mem>>
      %dma_start3A_2615 = arith.constant 0 : i32
      %dma_start3A_2616 = tpu.memref_slice %arg12[%dma_start3A_2615] : memref<4096xi32, #tpu.memory_space<vmem>> -> memref<1024xi32, #tpu.memory_space<vmem>>
      %dma_start3A_2617 = arith.constant 0 : i32
      %dma_start3A_2618 = tpu.memref_slice %arg6[%dma_start3A_2617] : memref<100352xi32, #tpu.memory_space<vmem_shared>> -> memref<100352xi32, #tpu.memory_space<vmem_shared>>
      tpu.enqueue_indirect_dma source(%dma_start3A_2616 : memref<1024xi32, #tpu.memory_space<vmem>>) target(%dma_start3A_2618 : memref<100352xi32, #tpu.memory_space<vmem_shared>>) offsets(%arg8 : memref<1024xi32, #tpu.memory_space<vmem>>) semaphore(%run_scoped3A : memref<!tpu.dma_semaphore, #tpu.memory_space<semaphore_mem>>) {add = true}
      %dma_wait3A_2619 = arith.constant 0 : i32
      %dma_wait3A_2620 = tpu.memref_slice %arg12[%dma_wait3A_2619] : memref<4096xi32, #tpu.memory_space<vmem>> -> memref<1024xi32, #tpu.memory_space<vmem>>
      %dma_wait3A_2621 = arith.constant 0 : i32
      %dma_wait3A_2622 = tpu.memref_slice %arg6[%dma_wait3A_2621] : memref<100352xi32, #tpu.memory_space<vmem_shared>> -> memref<100352xi32, #tpu.memory_space<vmem_shared>>
      tpu.wait_indirect_dma semaphore(%run_scoped3A : memref<!tpu.dma_semaphore, #tpu.memory_space<semaphore_mem>>) src(%dma_wait3A_2620 : memref<1024xi32, #tpu.memory_space<vmem>>) dst(%dma_wait3A_2622 : memref<100352xi32, #tpu.memory_space<vmem_shared>>)
      tpu.yield
    }) : () -> ()
    %add3A_258 = arith.constant 4 : i32
    %add3A_259 = arith.addi %mul3A_2, %add3A_258 : i32
    %jit3A_260 = arith.constant 16 : i32
    %div3A_261 = arith.divsi %add3A_259, %jit3A_260 : i32
    %sign3A_262 = arith.constant 0 : i32
    %sign3A_263 = arith.cmpi sgt, %add3A_259, %sign3A_262 : i32
    %sign3A_264 = arith.extui %sign3A_263 : i1 to i32
    %sign3A_265 = arith.constant 0 : i32
    %sign3A_266 = arith.cmpi slt, %add3A_259, %sign3A_265 : i32
    %sign3A_267 = arith.extui %sign3A_266 : i1 to i32
    %sign3A_268 = arith.subi %sign3A_264, %sign3A_267 : i32
    %sign3A_269 = arith.constant 0 : i32
    %sign3A_270 = arith.cmpi sgt, %jit3A_260, %sign3A_269 : i32
    %sign3A_271 = arith.extui %sign3A_270 : i1 to i32
    %sign3A_272 = arith.constant 0 : i32
    %sign3A_273 = arith.cmpi slt, %jit3A_260, %sign3A_272 : i32
    %sign3A_274 = arith.extui %sign3A_273 : i1 to i32
    %sign3A_275 = arith.subi %sign3A_271, %sign3A_274 : i32
    %ne3A_276 = arith.cmpi ne, %sign3A_268, %sign3A_275 : i32
    %rem3A_277 = arith.remsi %add3A_259, %jit3A_260 : i32
    %ne3A_278 = arith.constant 0 : i32
    %ne3A_279 = arith.cmpi ne, %rem3A_277, %ne3A_278 : i32
    %and3A_280 = arith.andi %ne3A_276, %ne3A_279 : i1
    %sub3A_281 = arith.constant 1 : i32
    %sub3A_282 = arith.subi %div3A_261, %sub3A_281 : i32
    %select_n3A_283 = arith.select %and3A_280, %sub3A_282, %div3A_261 : i32
    %jit3A_284 = arith.constant 16 : i32
    %eq3A_285 = arith.constant 0 : i32
    %eq3A_286 = arith.cmpi eq, %jit3A_284, %eq3A_285 : i32
    %jit3A_287 = arith.constant 1 : i32
    %select_n3A_288 = arith.select %eq3A_286, %jit3A_287, %jit3A_284 : i32
    %rem3A_289 = arith.remsi %add3A_259, %select_n3A_288 : i32
    %ne3A_290 = arith.constant 0 : i32
    %ne3A_291 = arith.cmpi ne, %rem3A_289, %ne3A_290 : i32
    %lt3A_292 = arith.constant 0 : i32
    %lt3A_293 = arith.cmpi slt, %rem3A_289, %lt3A_292 : i32
    %lt3A_294 = arith.constant 0 : i32
    %lt3A_295 = arith.cmpi slt, %select_n3A_288, %lt3A_294 : i32
    %ne3A_296 = arith.xori %lt3A_293, %lt3A_295 : i1
    %and3A_297 = arith.andi %ne3A_296, %ne3A_291 : i1
    %add3A_298 = arith.addi %rem3A_289, %select_n3A_288 : i32
    %select_n3A_299 = arith.select %and3A_297, %add3A_298, %rem3A_289 : i32
    %mul3A_300 = arith.constant 1024 : i32
    %mul3A_301 = arith.muli %select_n3A_299, %mul3A_300 : i32
    %dma_start3A_302 = tpu.memref_slice %arg2[%select_n3A_283, %mul3A_301] : memref<50x16384xi32, #tpu.memory_space<hbm>> -> memref<1x1024xi32, #tpu.memory_space<hbm>>
    %dma_start3A_303 = tpu.memref_squeeze %dma_start3A_302 : memref<1x1024xi32, #tpu.memory_space<hbm>> -> memref<1024xi32, #tpu.memory_space<hbm>>
    %dma_start3A_304 = tpu.memref_slice %arg2[%select_n3A_283, %mul3A_301] : memref<50x16384xi32, #tpu.memory_space<hbm>> -> memref<1x1024xi32, #tpu.memory_space<hbm>>
    %dma_start3A_305 = tpu.memref_squeeze %dma_start3A_304 : memref<1x1024xi32, #tpu.memory_space<hbm>> -> memref<1024xi32, #tpu.memory_space<hbm>>
    tpu.enqueue_dma source(%dma_start3A_305 : memref<1024xi32, #tpu.memory_space<hbm>>) target(%arg8 : memref<1024xi32, #tpu.memory_space<vmem>>) target_semaphore(%arg14 : memref<!tpu.dma_semaphore, #tpu.memory_space<semaphore_mem>>)
    %dma_wait3A_306 = tpu.memref_slice %arg2[%select_n3A_231, %mul3A_249] : memref<50x16384xi32, #tpu.memory_space<hbm>> -> memref<1x1024xi32, #tpu.memory_space<hbm>>
    %dma_wait3A_307 = tpu.memref_squeeze %dma_wait3A_306 : memref<1x1024xi32, #tpu.memory_space<hbm>> -> memref<1024xi32, #tpu.memory_space<hbm>>
    %dma_wait3A_308 = tpu.memref_slice %arg2[%select_n3A_231, %mul3A_249] : memref<50x16384xi32, #tpu.memory_space<hbm>> -> memref<1x1024xi32, #tpu.memory_space<hbm>>
    %dma_wait3A_309 = tpu.memref_squeeze %dma_wait3A_308 : memref<1x1024xi32, #tpu.memory_space<hbm>> -> memref<1024xi32, #tpu.memory_space<hbm>>
    tpu.wait_dma2 semaphore(%arg15 : memref<!tpu.dma_semaphore, #tpu.memory_space<semaphore_mem>>) src(%dma_wait3A_309 : memref<1024xi32, #tpu.memory_space<hbm>>) dst(%arg9 : memref<1024xi32, #tpu.memory_space<vmem>>)
    "tpu.region"() ({
      %run_scoped3A = tpu.sem_alloc : memref<!tpu.dma_semaphore, #tpu.memory_space<semaphore_mem>>
      %dma_start3A_2615 = arith.constant 0 : i32
      %dma_start3A_2616 = tpu.memref_slice %arg12[%dma_start3A_2615] : memref<4096xi32, #tpu.memory_space<vmem>> -> memref<1024xi32, #tpu.memory_space<vmem>>
      %dma_start3A_2617 = arith.constant 0 : i32
      %dma_start3A_2618 = tpu.memref_slice %arg6[%dma_start3A_2617] : memref<100352xi32, #tpu.memory_space<vmem_shared>> -> memref<100352xi32, #tpu.memory_space<vmem_shared>>
      tpu.enqueue_indirect_dma source(%dma_start3A_2616 : memref<1024xi32, #tpu.memory_space<vmem>>) target(%dma_start3A_2618 : memref<100352xi32, #tpu.memory_space<vmem_shared>>) offsets(%arg9 : memref<1024xi32, #tpu.memory_space<vmem>>) semaphore(%run_scoped3A : memref<!tpu.dma_semaphore, #tpu.memory_space<semaphore_mem>>) {add = true}
      %dma_wait3A_2619 = arith.constant 0 : i32
      %dma_wait3A_2620 = tpu.memref_slice %arg12[%dma_wait3A_2619] : memref<4096xi32, #tpu.memory_space<vmem>> -> memref<1024xi32, #tpu.memory_space<vmem>>
      %dma_wait3A_2621 = arith.constant 0 : i32
      %dma_wait3A_2622 = tpu.memref_slice %arg6[%dma_wait3A_2621] : memref<100352xi32, #tpu.memory_space<vmem_shared>> -> memref<100352xi32, #tpu.memory_space<vmem_shared>>
      tpu.wait_indirect_dma semaphore(%run_scoped3A : memref<!tpu.dma_semaphore, #tpu.memory_space<semaphore_mem>>) src(%dma_wait3A_2620 : memref<1024xi32, #tpu.memory_space<vmem>>) dst(%dma_wait3A_2622 : memref<100352xi32, #tpu.memory_space<vmem_shared>>)
      tpu.yield
    }) : () -> ()
    %add3A_310 = arith.constant 5 : i32
    %add3A_311 = arith.addi %mul3A_2, %add3A_310 : i32
    %jit3A_312 = arith.constant 16 : i32
    %div3A_313 = arith.divsi %add3A_311, %jit3A_312 : i32
    %sign3A_314 = arith.constant 0 : i32
    %sign3A_315 = arith.cmpi sgt, %add3A_311, %sign3A_314 : i32
    %sign3A_316 = arith.extui %sign3A_315 : i1 to i32
    %sign3A_317 = arith.constant 0 : i32
    %sign3A_318 = arith.cmpi slt, %add3A_311, %sign3A_317 : i32
    %sign3A_319 = arith.extui %sign3A_318 : i1 to i32
    %sign3A_320 = arith.subi %sign3A_316, %sign3A_319 : i32
    %sign3A_321 = arith.constant 0 : i32
    %sign3A_322 = arith.cmpi sgt, %jit3A_312, %sign3A_321 : i32
    %sign3A_323 = arith.extui %sign3A_322 : i1 to i32
    %sign3A_324 = arith.constant 0 : i32
    %sign3A_325 = arith.cmpi slt, %jit3A_312, %sign3A_324 : i32
    %sign3A_326 = arith.extui %sign3A_325 : i1 to i32
    %sign3A_327 = arith.subi %sign3A_323, %sign3A_326 : i32
    %ne3A_328 = arith.cmpi ne, %sign3A_320, %sign3A_327 : i32
    %rem3A_329 = arith.remsi %add3A_311, %jit3A_312 : i32
    %ne3A_330 = arith.constant 0 : i32
    %ne3A_331 = arith.cmpi ne, %rem3A_329, %ne3A_330 : i32
    %and3A_332 = arith.andi %ne3A_328, %ne3A_331 : i1
    %sub3A_333 = arith.constant 1 : i32
    %sub3A_334 = arith.subi %div3A_313, %sub3A_333 : i32
    %select_n3A_335 = arith.select %and3A_332, %sub3A_334, %div3A_313 : i32
    %jit3A_336 = arith.constant 16 : i32
    %eq3A_337 = arith.constant 0 : i32
    %eq3A_338 = arith.cmpi eq, %jit3A_336, %eq3A_337 : i32
    %jit3A_339 = arith.constant 1 : i32
    %select_n3A_340 = arith.select %eq3A_338, %jit3A_339, %jit3A_336 : i32
    %rem3A_341 = arith.remsi %add3A_311, %select_n3A_340 : i32
    %ne3A_342 = arith.constant 0 : i32
    %ne3A_343 = arith.cmpi ne, %rem3A_341, %ne3A_342 : i32
    %lt3A_344 = arith.constant 0 : i32
    %lt3A_345 = arith.cmpi slt, %rem3A_341, %lt3A_344 : i32
    %lt3A_346 = arith.constant 0 : i32
    %lt3A_347 = arith.cmpi slt, %select_n3A_340, %lt3A_346 : i32
    %ne3A_348 = arith.xori %lt3A_345, %lt3A_347 : i1
    %and3A_349 = arith.andi %ne3A_348, %ne3A_343 : i1
    %add3A_350 = arith.addi %rem3A_341, %select_n3A_340 : i32
    %select_n3A_351 = arith.select %and3A_349, %add3A_350, %rem3A_341 : i32
    %mul3A_352 = arith.constant 1024 : i32
    %mul3A_353 = arith.muli %select_n3A_351, %mul3A_352 : i32
    %dma_start3A_354 = tpu.memref_slice %arg2[%select_n3A_335, %mul3A_353] : memref<50x16384xi32, #tpu.memory_space<hbm>> -> memref<1x1024xi32, #tpu.memory_space<hbm>>
    %dma_start3A_355 = tpu.memref_squeeze %dma_start3A_354 : memref<1x1024xi32, #tpu.memory_space<hbm>> -> memref<1024xi32, #tpu.memory_space<hbm>>
    %dma_start3A_356 = tpu.memref_slice %arg2[%select_n3A_335, %mul3A_353] : memref<50x16384xi32, #tpu.memory_space<hbm>> -> memref<1x1024xi32, #tpu.memory_space<hbm>>
    %dma_start3A_357 = tpu.memref_squeeze %dma_start3A_356 : memref<1x1024xi32, #tpu.memory_space<hbm>> -> memref<1024xi32, #tpu.memory_space<hbm>>
    tpu.enqueue_dma source(%dma_start3A_357 : memref<1024xi32, #tpu.memory_space<hbm>>) target(%arg9 : memref<1024xi32, #tpu.memory_space<vmem>>) target_semaphore(%arg15 : memref<!tpu.dma_semaphore, #tpu.memory_space<semaphore_mem>>)
    %dma_wait3A_358 = tpu.memref_slice %arg2[%select_n3A_283, %mul3A_301] : memref<50x16384xi32, #tpu.memory_space<hbm>> -> memref<1x1024xi32, #tpu.memory_space<hbm>>
    %dma_wait3A_359 = tpu.memref_squeeze %dma_wait3A_358 : memref<1x1024xi32, #tpu.memory_space<hbm>> -> memref<1024xi32, #tpu.memory_space<hbm>>
    %dma_wait3A_360 = tpu.memref_slice %arg2[%select_n3A_283, %mul3A_301] : memref<50x16384xi32, #tpu.memory_space<hbm>> -> memref<1x1024xi32, #tpu.memory_space<hbm>>
    %dma_wait3A_361 = tpu.memref_squeeze %dma_wait3A_360 : memref<1x1024xi32, #tpu.memory_space<hbm>> -> memref<1024xi32, #tpu.memory_space<hbm>>
    tpu.wait_dma2 semaphore(%arg14 : memref<!tpu.dma_semaphore, #tpu.memory_space<semaphore_mem>>) src(%dma_wait3A_361 : memref<1024xi32, #tpu.memory_space<hbm>>) dst(%arg8 : memref<1024xi32, #tpu.memory_space<vmem>>)
    "tpu.region"() ({
      %run_scoped3A = tpu.sem_alloc : memref<!tpu.dma_semaphore, #tpu.memory_space<semaphore_mem>>
      %dma_start3A_2615 = arith.constant 0 : i32
      %dma_start3A_2616 = tpu.memref_slice %arg12[%dma_start3A_2615] : memref<4096xi32, #tpu.memory_space<vmem>> -> memref<1024xi32, #tpu.memory_space<vmem>>
      %dma_start3A_2617 = arith.constant 0 : i32
      %dma_start3A_2618 = tpu.memref_slice %arg6[%dma_start3A_2617] : memref<100352xi32, #tpu.memory_space<vmem_shared>> -> memref<100352xi32, #tpu.memory_space<vmem_shared>>
      tpu.enqueue_indirect_dma source(%dma_start3A_2616 : memref<1024xi32, #tpu.memory_space<vmem>>) target(%dma_start3A_2618 : memref<100352xi32, #tpu.memory_space<vmem_shared>>) offsets(%arg8 : memref<1024xi32, #tpu.memory_space<vmem>>) semaphore(%run_scoped3A : memref<!tpu.dma_semaphore, #tpu.memory_space<semaphore_mem>>) {add = true}
      %dma_wait3A_2619 = arith.constant 0 : i32
      %dma_wait3A_2620 = tpu.memref_slice %arg12[%dma_wait3A_2619] : memref<4096xi32, #tpu.memory_space<vmem>> -> memref<1024xi32, #tpu.memory_space<vmem>>
      %dma_wait3A_2621 = arith.constant 0 : i32
      %dma_wait3A_2622 = tpu.memref_slice %arg6[%dma_wait3A_2621] : memref<100352xi32, #tpu.memory_space<vmem_shared>> -> memref<100352xi32, #tpu.memory_space<vmem_shared>>
      tpu.wait_indirect_dma semaphore(%run_scoped3A : memref<!tpu.dma_semaphore, #tpu.memory_space<semaphore_mem>>) src(%dma_wait3A_2620 : memref<1024xi32, #tpu.memory_space<vmem>>) dst(%dma_wait3A_2622 : memref<100352xi32, #tpu.memory_space<vmem_shared>>)
      tpu.yield
    }) : () -> ()
    %add3A_362 = arith.constant 6 : i32
    %add3A_363 = arith.addi %mul3A_2, %add3A_362 : i32
    %jit3A_364 = arith.constant 16 : i32
    %div3A_365 = arith.divsi %add3A_363, %jit3A_364 : i32
    %sign3A_366 = arith.constant 0 : i32
    %sign3A_367 = arith.cmpi sgt, %add3A_363, %sign3A_366 : i32
    %sign3A_368 = arith.extui %sign3A_367 : i1 to i32
    %sign3A_369 = arith.constant 0 : i32
    %sign3A_370 = arith.cmpi slt, %add3A_363, %sign3A_369 : i32
    %sign3A_371 = arith.extui %sign3A_370 : i1 to i32
    %sign3A_372 = arith.subi %sign3A_368, %sign3A_371 : i32
    %sign3A_373 = arith.constant 0 : i32
    %sign3A_374 = arith.cmpi sgt, %jit3A_364, %sign3A_373 : i32
    %sign3A_375 = arith.extui %sign3A_374 : i1 to i32
    %sign3A_376 = arith.constant 0 : i32
    %sign3A_377 = arith.cmpi slt, %jit3A_364, %sign3A_376 : i32
    %sign3A_378 = arith.extui %sign3A_377 : i1 to i32
    %sign3A_379 = arith.subi %sign3A_375, %sign3A_378 : i32
    %ne3A_380 = arith.cmpi ne, %sign3A_372, %sign3A_379 : i32
    %rem3A_381 = arith.remsi %add3A_363, %jit3A_364 : i32
    %ne3A_382 = arith.constant 0 : i32
    %ne3A_383 = arith.cmpi ne, %rem3A_381, %ne3A_382 : i32
    %and3A_384 = arith.andi %ne3A_380, %ne3A_383 : i1
    %sub3A_385 = arith.constant 1 : i32
    %sub3A_386 = arith.subi %div3A_365, %sub3A_385 : i32
    %select_n3A_387 = arith.select %and3A_384, %sub3A_386, %div3A_365 : i32
    %jit3A_388 = arith.constant 16 : i32
    %eq3A_389 = arith.constant 0 : i32
    %eq3A_390 = arith.cmpi eq, %jit3A_388, %eq3A_389 : i32
    %jit3A_391 = arith.constant 1 : i32
    %select_n3A_392 = arith.select %eq3A_390, %jit3A_391, %jit3A_388 : i32
    %rem3A_393 = arith.remsi %add3A_363, %select_n3A_392 : i32
    %ne3A_394 = arith.constant 0 : i32
    %ne3A_395 = arith.cmpi ne, %rem3A_393, %ne3A_394 : i32
    %lt3A_396 = arith.constant 0 : i32
    %lt3A_397 = arith.cmpi slt, %rem3A_393, %lt3A_396 : i32
    %lt3A_398 = arith.constant 0 : i32
    %lt3A_399 = arith.cmpi slt, %select_n3A_392, %lt3A_398 : i32
    %ne3A_400 = arith.xori %lt3A_397, %lt3A_399 : i1
    %and3A_401 = arith.andi %ne3A_400, %ne3A_395 : i1
    %add3A_402 = arith.addi %rem3A_393, %select_n3A_392 : i32
    %select_n3A_403 = arith.select %and3A_401, %add3A_402, %rem3A_393 : i32
    %mul3A_404 = arith.constant 1024 : i32
    %mul3A_405 = arith.muli %select_n3A_403, %mul3A_404 : i32
    %dma_start3A_406 = tpu.memref_slice %arg2[%select_n3A_387, %mul3A_405] : memref<50x16384xi32, #tpu.memory_space<hbm>> -> memref<1x1024xi32, #tpu.memory_space<hbm>>
    %dma_start3A_407 = tpu.memref_squeeze %dma_start3A_406 : memref<1x1024xi32, #tpu.memory_space<hbm>> -> memref<1024xi32, #tpu.memory_space<hbm>>
    %dma_start3A_408 = tpu.memref_slice %arg2[%select_n3A_387, %mul3A_405] : memref<50x16384xi32, #tpu.memory_space<hbm>> -> memref<1x1024xi32, #tpu.memory_space<hbm>>
    %dma_start3A_409 = tpu.memref_squeeze %dma_start3A_408 : memref<1x1024xi32, #tpu.memory_space<hbm>> -> memref<1024xi32, #tpu.memory_space<hbm>>
    tpu.enqueue_dma source(%dma_start3A_409 : memref<1024xi32, #tpu.memory_space<hbm>>) target(%arg8 : memref<1024xi32, #tpu.memory_space<vmem>>) target_semaphore(%arg14 : memref<!tpu.dma_semaphore, #tpu.memory_space<semaphore_mem>>)
    %dma_wait3A_410 = tpu.memref_slice %arg2[%select_n3A_335, %mul3A_353] : memref<50x16384xi32, #tpu.memory_space<hbm>> -> memref<1x1024xi32, #tpu.memory_space<hbm>>
    %dma_wait3A_411 = tpu.memref_squeeze %dma_wait3A_410 : memref<1x1024xi32, #tpu.memory_space<hbm>> -> memref<1024xi32, #tpu.memory_space<hbm>>
    %dma_wait3A_412 = tpu.memref_slice %arg2[%select_n3A_335, %mul3A_353] : memref<50x16384xi32, #tpu.memory_space<hbm>> -> memref<1x1024xi32, #tpu.memory_space<hbm>>
    %dma_wait3A_413 = tpu.memref_squeeze %dma_wait3A_412 : memref<1x1024xi32, #tpu.memory_space<hbm>> -> memref<1024xi32, #tpu.memory_space<hbm>>
    tpu.wait_dma2 semaphore(%arg15 : memref<!tpu.dma_semaphore, #tpu.memory_space<semaphore_mem>>) src(%dma_wait3A_413 : memref<1024xi32, #tpu.memory_space<hbm>>) dst(%arg9 : memref<1024xi32, #tpu.memory_space<vmem>>)
    "tpu.region"() ({
      %run_scoped3A = tpu.sem_alloc : memref<!tpu.dma_semaphore, #tpu.memory_space<semaphore_mem>>
      %dma_start3A_2615 = arith.constant 0 : i32
      %dma_start3A_2616 = tpu.memref_slice %arg12[%dma_start3A_2615] : memref<4096xi32, #tpu.memory_space<vmem>> -> memref<1024xi32, #tpu.memory_space<vmem>>
      %dma_start3A_2617 = arith.constant 0 : i32
      %dma_start3A_2618 = tpu.memref_slice %arg6[%dma_start3A_2617] : memref<100352xi32, #tpu.memory_space<vmem_shared>> -> memref<100352xi32, #tpu.memory_space<vmem_shared>>
      tpu.enqueue_indirect_dma source(%dma_start3A_2616 : memref<1024xi32, #tpu.memory_space<vmem>>) target(%dma_start3A_2618 : memref<100352xi32, #tpu.memory_space<vmem_shared>>) offsets(%arg9 : memref<1024xi32, #tpu.memory_space<vmem>>) semaphore(%run_scoped3A : memref<!tpu.dma_semaphore, #tpu.memory_space<semaphore_mem>>) {add = true}
      %dma_wait3A_2619 = arith.constant 0 : i32
      %dma_wait3A_2620 = tpu.memref_slice %arg12[%dma_wait3A_2619] : memref<4096xi32, #tpu.memory_space<vmem>> -> memref<1024xi32, #tpu.memory_space<vmem>>
      %dma_wait3A_2621 = arith.constant 0 : i32
      %dma_wait3A_2622 = tpu.memref_slice %arg6[%dma_wait3A_2621] : memref<100352xi32, #tpu.memory_space<vmem_shared>> -> memref<100352xi32, #tpu.memory_space<vmem_shared>>
      tpu.wait_indirect_dma semaphore(%run_scoped3A : memref<!tpu.dma_semaphore, #tpu.memory_space<semaphore_mem>>) src(%dma_wait3A_2620 : memref<1024xi32, #tpu.memory_space<vmem>>) dst(%dma_wait3A_2622 : memref<100352xi32, #tpu.memory_space<vmem_shared>>)
      tpu.yield
    }) : () -> ()
    %add3A_414 = arith.constant 7 : i32
    %add3A_415 = arith.addi %mul3A_2, %add3A_414 : i32
    %jit3A_416 = arith.constant 16 : i32
    %div3A_417 = arith.divsi %add3A_415, %jit3A_416 : i32
    %sign3A_418 = arith.constant 0 : i32
    %sign3A_419 = arith.cmpi sgt, %add3A_415, %sign3A_418 : i32
    %sign3A_420 = arith.extui %sign3A_419 : i1 to i32
    %sign3A_421 = arith.constant 0 : i32
    %sign3A_422 = arith.cmpi slt, %add3A_415, %sign3A_421 : i32
    %sign3A_423 = arith.extui %sign3A_422 : i1 to i32
    %sign3A_424 = arith.subi %sign3A_420, %sign3A_423 : i32
    %sign3A_425 = arith.constant 0 : i32
    %sign3A_426 = arith.cmpi sgt, %jit3A_416, %sign3A_425 : i32
    %sign3A_427 = arith.extui %sign3A_426 : i1 to i32
    %sign3A_428 = arith.constant 0 : i32
    %sign3A_429 = arith.cmpi slt, %jit3A_416, %sign3A_428 : i32
    %sign3A_430 = arith.extui %sign3A_429 : i1 to i32
    %sign3A_431 = arith.subi %sign3A_427, %sign3A_430 : i32
    %ne3A_432 = arith.cmpi ne, %sign3A_424, %sign3A_431 : i32
    %rem3A_433 = arith.remsi %add3A_415, %jit3A_416 : i32
    %ne3A_434 = arith.constant 0 : i32
    %ne3A_435 = arith.cmpi ne, %rem3A_433, %ne3A_434 : i32
    %and3A_436 = arith.andi %ne3A_432, %ne3A_435 : i1
    %sub3A_437 = arith.constant 1 : i32
    %sub3A_438 = arith.subi %div3A_417, %sub3A_437 : i32
    %select_n3A_439 = arith.select %and3A_436, %sub3A_438, %div3A_417 : i32
    %jit3A_440 = arith.constant 16 : i32
    %eq3A_441 = arith.constant 0 : i32
    %eq3A_442 = arith.cmpi eq, %jit3A_440, %eq3A_441 : i32
    %jit3A_443 = arith.constant 1 : i32
    %select_n3A_444 = arith.select %eq3A_442, %jit3A_443, %jit3A_440 : i32
    %rem3A_445 = arith.remsi %add3A_415, %select_n3A_444 : i32
    %ne3A_446 = arith.constant 0 : i32
    %ne3A_447 = arith.cmpi ne, %rem3A_445, %ne3A_446 : i32
    %lt3A_448 = arith.constant 0 : i32
    %lt3A_449 = arith.cmpi slt, %rem3A_445, %lt3A_448 : i32
    %lt3A_450 = arith.constant 0 : i32
    %lt3A_451 = arith.cmpi slt, %select_n3A_444, %lt3A_450 : i32
    %ne3A_452 = arith.xori %lt3A_449, %lt3A_451 : i1
    %and3A_453 = arith.andi %ne3A_452, %ne3A_447 : i1
    %add3A_454 = arith.addi %rem3A_445, %select_n3A_444 : i32
    %select_n3A_455 = arith.select %and3A_453, %add3A_454, %rem3A_445 : i32
    %mul3A_456 = arith.constant 1024 : i32
    %mul3A_457 = arith.muli %select_n3A_455, %mul3A_456 : i32
    %dma_start3A_458 = tpu.memref_slice %arg2[%select_n3A_439, %mul3A_457] : memref<50x16384xi32, #tpu.memory_space<hbm>> -> memref<1x1024xi32, #tpu.memory_space<hbm>>
    %dma_start3A_459 = tpu.memref_squeeze %dma_start3A_458 : memref<1x1024xi32, #tpu.memory_space<hbm>> -> memref<1024xi32, #tpu.memory_space<hbm>>
    %dma_start3A_460 = tpu.memref_slice %arg2[%select_n3A_439, %mul3A_457] : memref<50x16384xi32, #tpu.memory_space<hbm>> -> memref<1x1024xi32, #tpu.memory_space<hbm>>
    %dma_start3A_461 = tpu.memref_squeeze %dma_start3A_460 : memref<1x1024xi32, #tpu.memory_space<hbm>> -> memref<1024xi32, #tpu.memory_space<hbm>>
    tpu.enqueue_dma source(%dma_start3A_461 : memref<1024xi32, #tpu.memory_space<hbm>>) target(%arg9 : memref<1024xi32, #tpu.memory_space<vmem>>) target_semaphore(%arg15 : memref<!tpu.dma_semaphore, #tpu.memory_space<semaphore_mem>>)
    %dma_wait3A_462 = tpu.memref_slice %arg2[%select_n3A_387, %mul3A_405] : memref<50x16384xi32, #tpu.memory_space<hbm>> -> memref<1x1024xi32, #tpu.memory_space<hbm>>
    %dma_wait3A_463 = tpu.memref_squeeze %dma_wait3A_462 : memref<1x1024xi32, #tpu.memory_space<hbm>> -> memref<1024xi32, #tpu.memory_space<hbm>>
    %dma_wait3A_464 = tpu.memref_slice %arg2[%select_n3A_387, %mul3A_405] : memref<50x16384xi32, #tpu.memory_space<hbm>> -> memref<1x1024xi32, #tpu.memory_space<hbm>>
    %dma_wait3A_465 = tpu.memref_squeeze %dma_wait3A_464 : memref<1x1024xi32, #tpu.memory_space<hbm>> -> memref<1024xi32, #tpu.memory_space<hbm>>
    tpu.wait_dma2 semaphore(%arg14 : memref<!tpu.dma_semaphore, #tpu.memory_space<semaphore_mem>>) src(%dma_wait3A_465 : memref<1024xi32, #tpu.memory_space<hbm>>) dst(%arg8 : memref<1024xi32, #tpu.memory_space<vmem>>)
    "tpu.region"() ({
      %run_scoped3A = tpu.sem_alloc : memref<!tpu.dma_semaphore, #tpu.memory_space<semaphore_mem>>
      %dma_start3A_2615 = arith.constant 0 : i32
      %dma_start3A_2616 = tpu.memref_slice %arg12[%dma_start3A_2615] : memref<4096xi32, #tpu.memory_space<vmem>> -> memref<1024xi32, #tpu.memory_space<vmem>>
      %dma_start3A_2617 = arith.constant 0 : i32
      %dma_start3A_2618 = tpu.memref_slice %arg6[%dma_start3A_2617] : memref<100352xi32, #tpu.memory_space<vmem_shared>> -> memref<100352xi32, #tpu.memory_space<vmem_shared>>
      tpu.enqueue_indirect_dma source(%dma_start3A_2616 : memref<1024xi32, #tpu.memory_space<vmem>>) target(%dma_start3A_2618 : memref<100352xi32, #tpu.memory_space<vmem_shared>>) offsets(%arg8 : memref<1024xi32, #tpu.memory_space<vmem>>) semaphore(%run_scoped3A : memref<!tpu.dma_semaphore, #tpu.memory_space<semaphore_mem>>) {add = true}
      %dma_wait3A_2619 = arith.constant 0 : i32
      %dma_wait3A_2620 = tpu.memref_slice %arg12[%dma_wait3A_2619] : memref<4096xi32, #tpu.memory_space<vmem>> -> memref<1024xi32, #tpu.memory_space<vmem>>
      %dma_wait3A_2621 = arith.constant 0 : i32
      %dma_wait3A_2622 = tpu.memref_slice %arg6[%dma_wait3A_2621] : memref<100352xi32, #tpu.memory_space<vmem_shared>> -> memref<100352xi32, #tpu.memory_space<vmem_shared>>
      tpu.wait_indirect_dma semaphore(%run_scoped3A : memref<!tpu.dma_semaphore, #tpu.memory_space<semaphore_mem>>) src(%dma_wait3A_2620 : memref<1024xi32, #tpu.memory_space<vmem>>) dst(%dma_wait3A_2622 : memref<100352xi32, #tpu.memory_space<vmem_shared>>)
      tpu.yield
    }) : () -> ()
    %add3A_466 = arith.constant 8 : i32
    %add3A_467 = arith.addi %mul3A_2, %add3A_466 : i32
    %jit3A_468 = arith.constant 16 : i32
    %div3A_469 = arith.divsi %add3A_467, %jit3A_468 : i32
    %sign3A_470 = arith.constant 0 : i32
    %sign3A_471 = arith.cmpi sgt, %add3A_467, %sign3A_470 : i32
    %sign3A_472 = arith.extui %sign3A_471 : i1 to i32
    %sign3A_473 = arith.constant 0 : i32
    %sign3A_474 = arith.cmpi slt, %add3A_467, %sign3A_473 : i32
    %sign3A_475 = arith.extui %sign3A_474 : i1 to i32
    %sign3A_476 = arith.subi %sign3A_472, %sign3A_475 : i32
    %sign3A_477 = arith.constant 0 : i32
    %sign3A_478 = arith.cmpi sgt, %jit3A_468, %sign3A_477 : i32
    %sign3A_479 = arith.extui %sign3A_478 : i1 to i32
    %sign3A_480 = arith.constant 0 : i32
    %sign3A_481 = arith.cmpi slt, %jit3A_468, %sign3A_480 : i32
    %sign3A_482 = arith.extui %sign3A_481 : i1 to i32
    %sign3A_483 = arith.subi %sign3A_479, %sign3A_482 : i32
    %ne3A_484 = arith.cmpi ne, %sign3A_476, %sign3A_483 : i32
    %rem3A_485 = arith.remsi %add3A_467, %jit3A_468 : i32
    %ne3A_486 = arith.constant 0 : i32
    %ne3A_487 = arith.cmpi ne, %rem3A_485, %ne3A_486 : i32
    %and3A_488 = arith.andi %ne3A_484, %ne3A_487 : i1
    %sub3A_489 = arith.constant 1 : i32
    %sub3A_490 = arith.subi %div3A_469, %sub3A_489 : i32
    %select_n3A_491 = arith.select %and3A_488, %sub3A_490, %div3A_469 : i32
    %jit3A_492 = arith.constant 16 : i32
    %eq3A_493 = arith.constant 0 : i32
    %eq3A_494 = arith.cmpi eq, %jit3A_492, %eq3A_493 : i32
    %jit3A_495 = arith.constant 1 : i32
    %select_n3A_496 = arith.select %eq3A_494, %jit3A_495, %jit3A_492 : i32
    %rem3A_497 = arith.remsi %add3A_467, %select_n3A_496 : i32
    %ne3A_498 = arith.constant 0 : i32
    %ne3A_499 = arith.cmpi ne, %rem3A_497, %ne3A_498 : i32
    %lt3A_500 = arith.constant 0 : i32
    %lt3A_501 = arith.cmpi slt, %rem3A_497, %lt3A_500 : i32
    %lt3A_502 = arith.constant 0 : i32
    %lt3A_503 = arith.cmpi slt, %select_n3A_496, %lt3A_502 : i32
    %ne3A_504 = arith.xori %lt3A_501, %lt3A_503 : i1
    %and3A_505 = arith.andi %ne3A_504, %ne3A_499 : i1
    %add3A_506 = arith.addi %rem3A_497, %select_n3A_496 : i32
    %select_n3A_507 = arith.select %and3A_505, %add3A_506, %rem3A_497 : i32
    %mul3A_508 = arith.constant 1024 : i32
    %mul3A_509 = arith.muli %select_n3A_507, %mul3A_508 : i32
    %dma_start3A_510 = tpu.memref_slice %arg2[%select_n3A_491, %mul3A_509] : memref<50x16384xi32, #tpu.memory_space<hbm>> -> memref<1x1024xi32, #tpu.memory_space<hbm>>
    %dma_start3A_511 = tpu.memref_squeeze %dma_start3A_510 : memref<1x1024xi32, #tpu.memory_space<hbm>> -> memref<1024xi32, #tpu.memory_space<hbm>>
    %dma_start3A_512 = tpu.memref_slice %arg2[%select_n3A_491, %mul3A_509] : memref<50x16384xi32, #tpu.memory_space<hbm>> -> memref<1x1024xi32, #tpu.memory_space<hbm>>
    %dma_start3A_513 = tpu.memref_squeeze %dma_start3A_512 : memref<1x1024xi32, #tpu.memory_space<hbm>> -> memref<1024xi32, #tpu.memory_space<hbm>>
    tpu.enqueue_dma source(%dma_start3A_513 : memref<1024xi32, #tpu.memory_space<hbm>>) target(%arg8 : memref<1024xi32, #tpu.memory_space<vmem>>) target_semaphore(%arg14 : memref<!tpu.dma_semaphore, #tpu.memory_space<semaphore_mem>>)
    %dma_wait3A_514 = tpu.memref_slice %arg2[%select_n3A_439, %mul3A_457] : memref<50x16384xi32, #tpu.memory_space<hbm>> -> memref<1x1024xi32, #tpu.memory_space<hbm>>
    %dma_wait3A_515 = tpu.memref_squeeze %dma_wait3A_514 : memref<1x1024xi32, #tpu.memory_space<hbm>> -> memref<1024xi32, #tpu.memory_space<hbm>>
    %dma_wait3A_516 = tpu.memref_slice %arg2[%select_n3A_439, %mul3A_457] : memref<50x16384xi32, #tpu.memory_space<hbm>> -> memref<1x1024xi32, #tpu.memory_space<hbm>>
    %dma_wait3A_517 = tpu.memref_squeeze %dma_wait3A_516 : memref<1x1024xi32, #tpu.memory_space<hbm>> -> memref<1024xi32, #tpu.memory_space<hbm>>
    tpu.wait_dma2 semaphore(%arg15 : memref<!tpu.dma_semaphore, #tpu.memory_space<semaphore_mem>>) src(%dma_wait3A_517 : memref<1024xi32, #tpu.memory_space<hbm>>) dst(%arg9 : memref<1024xi32, #tpu.memory_space<vmem>>)
    "tpu.region"() ({
      %run_scoped3A = tpu.sem_alloc : memref<!tpu.dma_semaphore, #tpu.memory_space<semaphore_mem>>
      %dma_start3A_2615 = arith.constant 0 : i32
      %dma_start3A_2616 = tpu.memref_slice %arg12[%dma_start3A_2615] : memref<4096xi32, #tpu.memory_space<vmem>> -> memref<1024xi32, #tpu.memory_space<vmem>>
      %dma_start3A_2617 = arith.constant 0 : i32
      %dma_start3A_2618 = tpu.memref_slice %arg6[%dma_start3A_2617] : memref<100352xi32, #tpu.memory_space<vmem_shared>> -> memref<100352xi32, #tpu.memory_space<vmem_shared>>
      tpu.enqueue_indirect_dma source(%dma_start3A_2616 : memref<1024xi32, #tpu.memory_space<vmem>>) target(%dma_start3A_2618 : memref<100352xi32, #tpu.memory_space<vmem_shared>>) offsets(%arg9 : memref<1024xi32, #tpu.memory_space<vmem>>) semaphore(%run_scoped3A : memref<!tpu.dma_semaphore, #tpu.memory_space<semaphore_mem>>) {add = true}
      %dma_wait3A_2619 = arith.constant 0 : i32
      %dma_wait3A_2620 = tpu.memref_slice %arg12[%dma_wait3A_2619] : memref<4096xi32, #tpu.memory_space<vmem>> -> memref<1024xi32, #tpu.memory_space<vmem>>
      %dma_wait3A_2621 = arith.constant 0 : i32
      %dma_wait3A_2622 = tpu.memref_slice %arg6[%dma_wait3A_2621] : memref<100352xi32, #tpu.memory_space<vmem_shared>> -> memref<100352xi32, #tpu.memory_space<vmem_shared>>
      tpu.wait_indirect_dma semaphore(%run_scoped3A : memref<!tpu.dma_semaphore, #tpu.memory_space<semaphore_mem>>) src(%dma_wait3A_2620 : memref<1024xi32, #tpu.memory_space<vmem>>) dst(%dma_wait3A_2622 : memref<100352xi32, #tpu.memory_space<vmem_shared>>)
      tpu.yield
    }) : () -> ()
    %add3A_518 = arith.constant 9 : i32
    %add3A_519 = arith.addi %mul3A_2, %add3A_518 : i32
    %jit3A_520 = arith.constant 16 : i32
    %div3A_521 = arith.divsi %add3A_519, %jit3A_520 : i32
    %sign3A_522 = arith.constant 0 : i32
    %sign3A_523 = arith.cmpi sgt, %add3A_519, %sign3A_522 : i32
    %sign3A_524 = arith.extui %sign3A_523 : i1 to i32
    %sign3A_525 = arith.constant 0 : i32
    %sign3A_526 = arith.cmpi slt, %add3A_519, %sign3A_525 : i32
    %sign3A_527 = arith.extui %sign3A_526 : i1 to i32
    %sign3A_528 = arith.subi %sign3A_524, %sign3A_527 : i32
    %sign3A_529 = arith.constant 0 : i32
    %sign3A_530 = arith.cmpi sgt, %jit3A_520, %sign3A_529 : i32
    %sign3A_531 = arith.extui %sign3A_530 : i1 to i32
    %sign3A_532 = arith.constant 0 : i32
    %sign3A_533 = arith.cmpi slt, %jit3A_520, %sign3A_532 : i32
    %sign3A_534 = arith.extui %sign3A_533 : i1 to i32
    %sign3A_535 = arith.subi %sign3A_531, %sign3A_534 : i32
    %ne3A_536 = arith.cmpi ne, %sign3A_528, %sign3A_535 : i32
    %rem3A_537 = arith.remsi %add3A_519, %jit3A_520 : i32
    %ne3A_538 = arith.constant 0 : i32
    %ne3A_539 = arith.cmpi ne, %rem3A_537, %ne3A_538 : i32
    %and3A_540 = arith.andi %ne3A_536, %ne3A_539 : i1
    %sub3A_541 = arith.constant 1 : i32
    %sub3A_542 = arith.subi %div3A_521, %sub3A_541 : i32
    %select_n3A_543 = arith.select %and3A_540, %sub3A_542, %div3A_521 : i32
    %jit3A_544 = arith.constant 16 : i32
    %eq3A_545 = arith.constant 0 : i32
    %eq3A_546 = arith.cmpi eq, %jit3A_544, %eq3A_545 : i32
    %jit3A_547 = arith.constant 1 : i32
    %select_n3A_548 = arith.select %eq3A_546, %jit3A_547, %jit3A_544 : i32
    %rem3A_549 = arith.remsi %add3A_519, %select_n3A_548 : i32
    %ne3A_550 = arith.constant 0 : i32
    %ne3A_551 = arith.cmpi ne, %rem3A_549, %ne3A_550 : i32
    %lt3A_552 = arith.constant 0 : i32
    %lt3A_553 = arith.cmpi slt, %rem3A_549, %lt3A_552 : i32
    %lt3A_554 = arith.constant 0 : i32
    %lt3A_555 = arith.cmpi slt, %select_n3A_548, %lt3A_554 : i32
    %ne3A_556 = arith.xori %lt3A_553, %lt3A_555 : i1
    %and3A_557 = arith.andi %ne3A_556, %ne3A_551 : i1
    %add3A_558 = arith.addi %rem3A_549, %select_n3A_548 : i32
    %select_n3A_559 = arith.select %and3A_557, %add3A_558, %rem3A_549 : i32
    %mul3A_560 = arith.constant 1024 : i32
    %mul3A_561 = arith.muli %select_n3A_559, %mul3A_560 : i32
    %dma_start3A_562 = tpu.memref_slice %arg2[%select_n3A_543, %mul3A_561] : memref<50x16384xi32, #tpu.memory_space<hbm>> -> memref<1x1024xi32, #tpu.memory_space<hbm>>
    %dma_start3A_563 = tpu.memref_squeeze %dma_start3A_562 : memref<1x1024xi32, #tpu.memory_space<hbm>> -> memref<1024xi32, #tpu.memory_space<hbm>>
    %dma_start3A_564 = tpu.memref_slice %arg2[%select_n3A_543, %mul3A_561] : memref<50x16384xi32, #tpu.memory_space<hbm>> -> memref<1x1024xi32, #tpu.memory_space<hbm>>
    %dma_start3A_565 = tpu.memref_squeeze %dma_start3A_564 : memref<1x1024xi32, #tpu.memory_space<hbm>> -> memref<1024xi32, #tpu.memory_space<hbm>>
    tpu.enqueue_dma source(%dma_start3A_565 : memref<1024xi32, #tpu.memory_space<hbm>>) target(%arg9 : memref<1024xi32, #tpu.memory_space<vmem>>) target_semaphore(%arg15 : memref<!tpu.dma_semaphore, #tpu.memory_space<semaphore_mem>>)
    %dma_wait3A_566 = tpu.memref_slice %arg2[%select_n3A_491, %mul3A_509] : memref<50x16384xi32, #tpu.memory_space<hbm>> -> memref<1x1024xi32, #tpu.memory_space<hbm>>
    %dma_wait3A_567 = tpu.memref_squeeze %dma_wait3A_566 : memref<1x1024xi32, #tpu.memory_space<hbm>> -> memref<1024xi32, #tpu.memory_space<hbm>>
    %dma_wait3A_568 = tpu.memref_slice %arg2[%select_n3A_491, %mul3A_509] : memref<50x16384xi32, #tpu.memory_space<hbm>> -> memref<1x1024xi32, #tpu.memory_space<hbm>>
    %dma_wait3A_569 = tpu.memref_squeeze %dma_wait3A_568 : memref<1x1024xi32, #tpu.memory_space<hbm>> -> memref<1024xi32, #tpu.memory_space<hbm>>
    tpu.wait_dma2 semaphore(%arg14 : memref<!tpu.dma_semaphore, #tpu.memory_space<semaphore_mem>>) src(%dma_wait3A_569 : memref<1024xi32, #tpu.memory_space<hbm>>) dst(%arg8 : memref<1024xi32, #tpu.memory_space<vmem>>)
    "tpu.region"() ({
      %run_scoped3A = tpu.sem_alloc : memref<!tpu.dma_semaphore, #tpu.memory_space<semaphore_mem>>
      %dma_start3A_2615 = arith.constant 0 : i32
      %dma_start3A_2616 = tpu.memref_slice %arg12[%dma_start3A_2615] : memref<4096xi32, #tpu.memory_space<vmem>> -> memref<1024xi32, #tpu.memory_space<vmem>>
      %dma_start3A_2617 = arith.constant 0 : i32
      %dma_start3A_2618 = tpu.memref_slice %arg6[%dma_start3A_2617] : memref<100352xi32, #tpu.memory_space<vmem_shared>> -> memref<100352xi32, #tpu.memory_space<vmem_shared>>
      tpu.enqueue_indirect_dma source(%dma_start3A_2616 : memref<1024xi32, #tpu.memory_space<vmem>>) target(%dma_start3A_2618 : memref<100352xi32, #tpu.memory_space<vmem_shared>>) offsets(%arg8 : memref<1024xi32, #tpu.memory_space<vmem>>) semaphore(%run_scoped3A : memref<!tpu.dma_semaphore, #tpu.memory_space<semaphore_mem>>) {add = true}
      %dma_wait3A_2619 = arith.constant 0 : i32
      %dma_wait3A_2620 = tpu.memref_slice %arg12[%dma_wait3A_2619] : memref<4096xi32, #tpu.memory_space<vmem>> -> memref<1024xi32, #tpu.memory_space<vmem>>
      %dma_wait3A_2621 = arith.constant 0 : i32
      %dma_wait3A_2622 = tpu.memref_slice %arg6[%dma_wait3A_2621] : memref<100352xi32, #tpu.memory_space<vmem_shared>> -> memref<100352xi32, #tpu.memory_space<vmem_shared>>
      tpu.wait_indirect_dma semaphore(%run_scoped3A : memref<!tpu.dma_semaphore, #tpu.memory_space<semaphore_mem>>) src(%dma_wait3A_2620 : memref<1024xi32, #tpu.memory_space<vmem>>) dst(%dma_wait3A_2622 : memref<100352xi32, #tpu.memory_space<vmem_shared>>)
      tpu.yield
    }) : () -> ()
    %add3A_570 = arith.constant 10 : i32
    %add3A_571 = arith.addi %mul3A_2, %add3A_570 : i32
    %jit3A_572 = arith.constant 16 : i32
    %div3A_573 = arith.divsi %add3A_571, %jit3A_572 : i32
    %sign3A_574 = arith.constant 0 : i32
    %sign3A_575 = arith.cmpi sgt, %add3A_571, %sign3A_574 : i32
    %sign3A_576 = arith.extui %sign3A_575 : i1 to i32
    %sign3A_577 = arith.constant 0 : i32
    %sign3A_578 = arith.cmpi slt, %add3A_571, %sign3A_577 : i32
    %sign3A_579 = arith.extui %sign3A_578 : i1 to i32
    %sign3A_580 = arith.subi %sign3A_576, %sign3A_579 : i32
    %sign3A_581 = arith.constant 0 : i32
    %sign3A_582 = arith.cmpi sgt, %jit3A_572, %sign3A_581 : i32
    %sign3A_583 = arith.extui %sign3A_582 : i1 to i32
    %sign3A_584 = arith.constant 0 : i32
    %sign3A_585 = arith.cmpi slt, %jit3A_572, %sign3A_584 : i32
    %sign3A_586 = arith.extui %sign3A_585 : i1 to i32
    %sign3A_587 = arith.subi %sign3A_583, %sign3A_586 : i32
    %ne3A_588 = arith.cmpi ne, %sign3A_580, %sign3A_587 : i32
    %rem3A_589 = arith.remsi %add3A_571, %jit3A_572 : i32
    %ne3A_590 = arith.constant 0 : i32
    %ne3A_591 = arith.cmpi ne, %rem3A_589, %ne3A_590 : i32
    %and3A_592 = arith.andi %ne3A_588, %ne3A_591 : i1
    %sub3A_593 = arith.constant 1 : i32
    %sub3A_594 = arith.subi %div3A_573, %sub3A_593 : i32
    %select_n3A_595 = arith.select %and3A_592, %sub3A_594, %div3A_573 : i32
    %jit3A_596 = arith.constant 16 : i32
    %eq3A_597 = arith.constant 0 : i32
    %eq3A_598 = arith.cmpi eq, %jit3A_596, %eq3A_597 : i32
    %jit3A_599 = arith.constant 1 : i32
    %select_n3A_600 = arith.select %eq3A_598, %jit3A_599, %jit3A_596 : i32
    %rem3A_601 = arith.remsi %add3A_571, %select_n3A_600 : i32
    %ne3A_602 = arith.constant 0 : i32
    %ne3A_603 = arith.cmpi ne, %rem3A_601, %ne3A_602 : i32
    %lt3A_604 = arith.constant 0 : i32
    %lt3A_605 = arith.cmpi slt, %rem3A_601, %lt3A_604 : i32
    %lt3A_606 = arith.constant 0 : i32
    %lt3A_607 = arith.cmpi slt, %select_n3A_600, %lt3A_606 : i32
    %ne3A_608 = arith.xori %lt3A_605, %lt3A_607 : i1
    %and3A_609 = arith.andi %ne3A_608, %ne3A_603 : i1
    %add3A_610 = arith.addi %rem3A_601, %select_n3A_600 : i32
    %select_n3A_611 = arith.select %and3A_609, %add3A_610, %rem3A_601 : i32
    %mul3A_612 = arith.constant 1024 : i32
    %mul3A_613 = arith.muli %select_n3A_611, %mul3A_612 : i32
    %dma_start3A_614 = tpu.memref_slice %arg2[%select_n3A_595, %mul3A_613] : memref<50x16384xi32, #tpu.memory_space<hbm>> -> memref<1x1024xi32, #tpu.memory_space<hbm>>
    %dma_start3A_615 = tpu.memref_squeeze %dma_start3A_614 : memref<1x1024xi32, #tpu.memory_space<hbm>> -> memref<1024xi32, #tpu.memory_space<hbm>>
    %dma_start3A_616 = tpu.memref_slice %arg2[%select_n3A_595, %mul3A_613] : memref<50x16384xi32, #tpu.memory_space<hbm>> -> memref<1x1024xi32, #tpu.memory_space<hbm>>
    %dma_start3A_617 = tpu.memref_squeeze %dma_start3A_616 : memref<1x1024xi32, #tpu.memory_space<hbm>> -> memref<1024xi32, #tpu.memory_space<hbm>>
    tpu.enqueue_dma source(%dma_start3A_617 : memref<1024xi32, #tpu.memory_space<hbm>>) target(%arg8 : memref<1024xi32, #tpu.memory_space<vmem>>) target_semaphore(%arg14 : memref<!tpu.dma_semaphore, #tpu.memory_space<semaphore_mem>>)
    %dma_wait3A_618 = tpu.memref_slice %arg2[%select_n3A_543, %mul3A_561] : memref<50x16384xi32, #tpu.memory_space<hbm>> -> memref<1x1024xi32, #tpu.memory_space<hbm>>
    %dma_wait3A_619 = tpu.memref_squeeze %dma_wait3A_618 : memref<1x1024xi32, #tpu.memory_space<hbm>> -> memref<1024xi32, #tpu.memory_space<hbm>>
    %dma_wait3A_620 = tpu.memref_slice %arg2[%select_n3A_543, %mul3A_561] : memref<50x16384xi32, #tpu.memory_space<hbm>> -> memref<1x1024xi32, #tpu.memory_space<hbm>>
    %dma_wait3A_621 = tpu.memref_squeeze %dma_wait3A_620 : memref<1x1024xi32, #tpu.memory_space<hbm>> -> memref<1024xi32, #tpu.memory_space<hbm>>
    tpu.wait_dma2 semaphore(%arg15 : memref<!tpu.dma_semaphore, #tpu.memory_space<semaphore_mem>>) src(%dma_wait3A_621 : memref<1024xi32, #tpu.memory_space<hbm>>) dst(%arg9 : memref<1024xi32, #tpu.memory_space<vmem>>)
    "tpu.region"() ({
      %run_scoped3A = tpu.sem_alloc : memref<!tpu.dma_semaphore, #tpu.memory_space<semaphore_mem>>
      %dma_start3A_2615 = arith.constant 0 : i32
      %dma_start3A_2616 = tpu.memref_slice %arg12[%dma_start3A_2615] : memref<4096xi32, #tpu.memory_space<vmem>> -> memref<1024xi32, #tpu.memory_space<vmem>>
      %dma_start3A_2617 = arith.constant 0 : i32
      %dma_start3A_2618 = tpu.memref_slice %arg6[%dma_start3A_2617] : memref<100352xi32, #tpu.memory_space<vmem_shared>> -> memref<100352xi32, #tpu.memory_space<vmem_shared>>
      tpu.enqueue_indirect_dma source(%dma_start3A_2616 : memref<1024xi32, #tpu.memory_space<vmem>>) target(%dma_start3A_2618 : memref<100352xi32, #tpu.memory_space<vmem_shared>>) offsets(%arg9 : memref<1024xi32, #tpu.memory_space<vmem>>) semaphore(%run_scoped3A : memref<!tpu.dma_semaphore, #tpu.memory_space<semaphore_mem>>) {add = true}
      %dma_wait3A_2619 = arith.constant 0 : i32
      %dma_wait3A_2620 = tpu.memref_slice %arg12[%dma_wait3A_2619] : memref<4096xi32, #tpu.memory_space<vmem>> -> memref<1024xi32, #tpu.memory_space<vmem>>
      %dma_wait3A_2621 = arith.constant 0 : i32
      %dma_wait3A_2622 = tpu.memref_slice %arg6[%dma_wait3A_2621] : memref<100352xi32, #tpu.memory_space<vmem_shared>> -> memref<100352xi32, #tpu.memory_space<vmem_shared>>
      tpu.wait_indirect_dma semaphore(%run_scoped3A : memref<!tpu.dma_semaphore, #tpu.memory_space<semaphore_mem>>) src(%dma_wait3A_2620 : memref<1024xi32, #tpu.memory_space<vmem>>) dst(%dma_wait3A_2622 : memref<100352xi32, #tpu.memory_space<vmem_shared>>)
      tpu.yield
    }) : () -> ()
    %add3A_622 = arith.constant 11 : i32
    %add3A_623 = arith.addi %mul3A_2, %add3A_622 : i32
    %jit3A_624 = arith.constant 16 : i32
    %div3A_625 = arith.divsi %add3A_623, %jit3A_624 : i32
    %sign3A_626 = arith.constant 0 : i32
    %sign3A_627 = arith.cmpi sgt, %add3A_623, %sign3A_626 : i32
    %sign3A_628 = arith.extui %sign3A_627 : i1 to i32
    %sign3A_629 = arith.constant 0 : i32
    %sign3A_630 = arith.cmpi slt, %add3A_623, %sign3A_629 : i32
    %sign3A_631 = arith.extui %sign3A_630 : i1 to i32
    %sign3A_632 = arith.subi %sign3A_628, %sign3A_631 : i32
    %sign3A_633 = arith.constant 0 : i32
    %sign3A_634 = arith.cmpi sgt, %jit3A_624, %sign3A_633 : i32
    %sign3A_635 = arith.extui %sign3A_634 : i1 to i32
    %sign3A_636 = arith.constant 0 : i32
    %sign3A_637 = arith.cmpi slt, %jit3A_624, %sign3A_636 : i32
    %sign3A_638 = arith.extui %sign3A_637 : i1 to i32
    %sign3A_639 = arith.subi %sign3A_635, %sign3A_638 : i32
    %ne3A_640 = arith.cmpi ne, %sign3A_632, %sign3A_639 : i32
    %rem3A_641 = arith.remsi %add3A_623, %jit3A_624 : i32
    %ne3A_642 = arith.constant 0 : i32
    %ne3A_643 = arith.cmpi ne, %rem3A_641, %ne3A_642 : i32
    %and3A_644 = arith.andi %ne3A_640, %ne3A_643 : i1
    %sub3A_645 = arith.constant 1 : i32
    %sub3A_646 = arith.subi %div3A_625, %sub3A_645 : i32
    %select_n3A_647 = arith.select %and3A_644, %sub3A_646, %div3A_625 : i32
    %jit3A_648 = arith.constant 16 : i32
    %eq3A_649 = arith.constant 0 : i32
    %eq3A_650 = arith.cmpi eq, %jit3A_648, %eq3A_649 : i32
    %jit3A_651 = arith.constant 1 : i32
    %select_n3A_652 = arith.select %eq3A_650, %jit3A_651, %jit3A_648 : i32
    %rem3A_653 = arith.remsi %add3A_623, %select_n3A_652 : i32
    %ne3A_654 = arith.constant 0 : i32
    %ne3A_655 = arith.cmpi ne, %rem3A_653, %ne3A_654 : i32
    %lt3A_656 = arith.constant 0 : i32
    %lt3A_657 = arith.cmpi slt, %rem3A_653, %lt3A_656 : i32
    %lt3A_658 = arith.constant 0 : i32
    %lt3A_659 = arith.cmpi slt, %select_n3A_652, %lt3A_658 : i32
    %ne3A_660 = arith.xori %lt3A_657, %lt3A_659 : i1
    %and3A_661 = arith.andi %ne3A_660, %ne3A_655 : i1
    %add3A_662 = arith.addi %rem3A_653, %select_n3A_652 : i32
    %select_n3A_663 = arith.select %and3A_661, %add3A_662, %rem3A_653 : i32
    %mul3A_664 = arith.constant 1024 : i32
    %mul3A_665 = arith.muli %select_n3A_663, %mul3A_664 : i32
    %dma_start3A_666 = tpu.memref_slice %arg2[%select_n3A_647, %mul3A_665] : memref<50x16384xi32, #tpu.memory_space<hbm>> -> memref<1x1024xi32, #tpu.memory_space<hbm>>
    %dma_start3A_667 = tpu.memref_squeeze %dma_start3A_666 : memref<1x1024xi32, #tpu.memory_space<hbm>> -> memref<1024xi32, #tpu.memory_space<hbm>>
    %dma_start3A_668 = tpu.memref_slice %arg2[%select_n3A_647, %mul3A_665] : memref<50x16384xi32, #tpu.memory_space<hbm>> -> memref<1x1024xi32, #tpu.memory_space<hbm>>
    %dma_start3A_669 = tpu.memref_squeeze %dma_start3A_668 : memref<1x1024xi32, #tpu.memory_space<hbm>> -> memref<1024xi32, #tpu.memory_space<hbm>>
    tpu.enqueue_dma source(%dma_start3A_669 : memref<1024xi32, #tpu.memory_space<hbm>>) target(%arg9 : memref<1024xi32, #tpu.memory_space<vmem>>) target_semaphore(%arg15 : memref<!tpu.dma_semaphore, #tpu.memory_space<semaphore_mem>>)
    %dma_wait3A_670 = tpu.memref_slice %arg2[%select_n3A_595, %mul3A_613] : memref<50x16384xi32, #tpu.memory_space<hbm>> -> memref<1x1024xi32, #tpu.memory_space<hbm>>
    %dma_wait3A_671 = tpu.memref_squeeze %dma_wait3A_670 : memref<1x1024xi32, #tpu.memory_space<hbm>> -> memref<1024xi32, #tpu.memory_space<hbm>>
    %dma_wait3A_672 = tpu.memref_slice %arg2[%select_n3A_595, %mul3A_613] : memref<50x16384xi32, #tpu.memory_space<hbm>> -> memref<1x1024xi32, #tpu.memory_space<hbm>>
    %dma_wait3A_673 = tpu.memref_squeeze %dma_wait3A_672 : memref<1x1024xi32, #tpu.memory_space<hbm>> -> memref<1024xi32, #tpu.memory_space<hbm>>
    tpu.wait_dma2 semaphore(%arg14 : memref<!tpu.dma_semaphore, #tpu.memory_space<semaphore_mem>>) src(%dma_wait3A_673 : memref<1024xi32, #tpu.memory_space<hbm>>) dst(%arg8 : memref<1024xi32, #tpu.memory_space<vmem>>)
    "tpu.region"() ({
      %run_scoped3A = tpu.sem_alloc : memref<!tpu.dma_semaphore, #tpu.memory_space<semaphore_mem>>
      %dma_start3A_2615 = arith.constant 0 : i32
      %dma_start3A_2616 = tpu.memref_slice %arg12[%dma_start3A_2615] : memref<4096xi32, #tpu.memory_space<vmem>> -> memref<1024xi32, #tpu.memory_space<vmem>>
      %dma_start3A_2617 = arith.constant 0 : i32
      %dma_start3A_2618 = tpu.memref_slice %arg6[%dma_start3A_2617] : memref<100352xi32, #tpu.memory_space<vmem_shared>> -> memref<100352xi32, #tpu.memory_space<vmem_shared>>
      tpu.enqueue_indirect_dma source(%dma_start3A_2616 : memref<1024xi32, #tpu.memory_space<vmem>>) target(%dma_start3A_2618 : memref<100352xi32, #tpu.memory_space<vmem_shared>>) offsets(%arg8 : memref<1024xi32, #tpu.memory_space<vmem>>) semaphore(%run_scoped3A : memref<!tpu.dma_semaphore, #tpu.memory_space<semaphore_mem>>) {add = true}
      %dma_wait3A_2619 = arith.constant 0 : i32
      %dma_wait3A_2620 = tpu.memref_slice %arg12[%dma_wait3A_2619] : memref<4096xi32, #tpu.memory_space<vmem>> -> memref<1024xi32, #tpu.memory_space<vmem>>
      %dma_wait3A_2621 = arith.constant 0 : i32
      %dma_wait3A_2622 = tpu.memref_slice %arg6[%dma_wait3A_2621] : memref<100352xi32, #tpu.memory_space<vmem_shared>> -> memref<100352xi32, #tpu.memory_space<vmem_shared>>
      tpu.wait_indirect_dma semaphore(%run_scoped3A : memref<!tpu.dma_semaphore, #tpu.memory_space<semaphore_mem>>) src(%dma_wait3A_2620 : memref<1024xi32, #tpu.memory_space<vmem>>) dst(%dma_wait3A_2622 : memref<100352xi32, #tpu.memory_space<vmem_shared>>)
      tpu.yield
    }) : () -> ()
    %add3A_674 = arith.constant 12 : i32
    %add3A_675 = arith.addi %mul3A_2, %add3A_674 : i32
    %jit3A_676 = arith.constant 16 : i32
    %div3A_677 = arith.divsi %add3A_675, %jit3A_676 : i32
    %sign3A_678 = arith.constant 0 : i32
    %sign3A_679 = arith.cmpi sgt, %add3A_675, %sign3A_678 : i32
    %sign3A_680 = arith.extui %sign3A_679 : i1 to i32
    %sign3A_681 = arith.constant 0 : i32
    %sign3A_682 = arith.cmpi slt, %add3A_675, %sign3A_681 : i32
    %sign3A_683 = arith.extui %sign3A_682 : i1 to i32
    %sign3A_684 = arith.subi %sign3A_680, %sign3A_683 : i32
    %sign3A_685 = arith.constant 0 : i32
    %sign3A_686 = arith.cmpi sgt, %jit3A_676, %sign3A_685 : i32
    %sign3A_687 = arith.extui %sign3A_686 : i1 to i32
    %sign3A_688 = arith.constant 0 : i32
    %sign3A_689 = arith.cmpi slt, %jit3A_676, %sign3A_688 : i32
    %sign3A_690 = arith.extui %sign3A_689 : i1 to i32
    %sign3A_691 = arith.subi %sign3A_687, %sign3A_690 : i32
    %ne3A_692 = arith.cmpi ne, %sign3A_684, %sign3A_691 : i32
    %rem3A_693 = arith.remsi %add3A_675, %jit3A_676 : i32
    %ne3A_694 = arith.constant 0 : i32
    %ne3A_695 = arith.cmpi ne, %rem3A_693, %ne3A_694 : i32
    %and3A_696 = arith.andi %ne3A_692, %ne3A_695 : i1
    %sub3A_697 = arith.constant 1 : i32
    %sub3A_698 = arith.subi %div3A_677, %sub3A_697 : i32
    %select_n3A_699 = arith.select %and3A_696, %sub3A_698, %div3A_677 : i32
    %jit3A_700 = arith.constant 16 : i32
    %eq3A_701 = arith.constant 0 : i32
    %eq3A_702 = arith.cmpi eq, %jit3A_700, %eq3A_701 : i32
    %jit3A_703 = arith.constant 1 : i32
    %select_n3A_704 = arith.select %eq3A_702, %jit3A_703, %jit3A_700 : i32
    %rem3A_705 = arith.remsi %add3A_675, %select_n3A_704 : i32
    %ne3A_706 = arith.constant 0 : i32
    %ne3A_707 = arith.cmpi ne, %rem3A_705, %ne3A_706 : i32
    %lt3A_708 = arith.constant 0 : i32
    %lt3A_709 = arith.cmpi slt, %rem3A_705, %lt3A_708 : i32
    %lt3A_710 = arith.constant 0 : i32
    %lt3A_711 = arith.cmpi slt, %select_n3A_704, %lt3A_710 : i32
    %ne3A_712 = arith.xori %lt3A_709, %lt3A_711 : i1
    %and3A_713 = arith.andi %ne3A_712, %ne3A_707 : i1
    %add3A_714 = arith.addi %rem3A_705, %select_n3A_704 : i32
    %select_n3A_715 = arith.select %and3A_713, %add3A_714, %rem3A_705 : i32
    %mul3A_716 = arith.constant 1024 : i32
    %mul3A_717 = arith.muli %select_n3A_715, %mul3A_716 : i32
    %dma_start3A_718 = tpu.memref_slice %arg2[%select_n3A_699, %mul3A_717] : memref<50x16384xi32, #tpu.memory_space<hbm>> -> memref<1x1024xi32, #tpu.memory_space<hbm>>
    %dma_start3A_719 = tpu.memref_squeeze %dma_start3A_718 : memref<1x1024xi32, #tpu.memory_space<hbm>> -> memref<1024xi32, #tpu.memory_space<hbm>>
    %dma_start3A_720 = tpu.memref_slice %arg2[%select_n3A_699, %mul3A_717] : memref<50x16384xi32, #tpu.memory_space<hbm>> -> memref<1x1024xi32, #tpu.memory_space<hbm>>
    %dma_start3A_721 = tpu.memref_squeeze %dma_start3A_720 : memref<1x1024xi32, #tpu.memory_space<hbm>> -> memref<1024xi32, #tpu.memory_space<hbm>>
    tpu.enqueue_dma source(%dma_start3A_721 : memref<1024xi32, #tpu.memory_space<hbm>>) target(%arg8 : memref<1024xi32, #tpu.memory_space<vmem>>) target_semaphore(%arg14 : memref<!tpu.dma_semaphore, #tpu.memory_space<semaphore_mem>>)
    %dma_wait3A_722 = tpu.memref_slice %arg2[%select_n3A_647, %mul3A_665] : memref<50x16384xi32, #tpu.memory_space<hbm>> -> memref<1x1024xi32, #tpu.memory_space<hbm>>
    %dma_wait3A_723 = tpu.memref_squeeze %dma_wait3A_722 : memref<1x1024xi32, #tpu.memory_space<hbm>> -> memref<1024xi32, #tpu.memory_space<hbm>>
    %dma_wait3A_724 = tpu.memref_slice %arg2[%select_n3A_647, %mul3A_665] : memref<50x16384xi32, #tpu.memory_space<hbm>> -> memref<1x1024xi32, #tpu.memory_space<hbm>>
    %dma_wait3A_725 = tpu.memref_squeeze %dma_wait3A_724 : memref<1x1024xi32, #tpu.memory_space<hbm>> -> memref<1024xi32, #tpu.memory_space<hbm>>
    tpu.wait_dma2 semaphore(%arg15 : memref<!tpu.dma_semaphore, #tpu.memory_space<semaphore_mem>>) src(%dma_wait3A_725 : memref<1024xi32, #tpu.memory_space<hbm>>) dst(%arg9 : memref<1024xi32, #tpu.memory_space<vmem>>)
    "tpu.region"() ({
      %run_scoped3A = tpu.sem_alloc : memref<!tpu.dma_semaphore, #tpu.memory_space<semaphore_mem>>
      %dma_start3A_2615 = arith.constant 0 : i32
      %dma_start3A_2616 = tpu.memref_slice %arg12[%dma_start3A_2615] : memref<4096xi32, #tpu.memory_space<vmem>> -> memref<1024xi32, #tpu.memory_space<vmem>>
      %dma_start3A_2617 = arith.constant 0 : i32
      %dma_start3A_2618 = tpu.memref_slice %arg6[%dma_start3A_2617] : memref<100352xi32, #tpu.memory_space<vmem_shared>> -> memref<100352xi32, #tpu.memory_space<vmem_shared>>
      tpu.enqueue_indirect_dma source(%dma_start3A_2616 : memref<1024xi32, #tpu.memory_space<vmem>>) target(%dma_start3A_2618 : memref<100352xi32, #tpu.memory_space<vmem_shared>>) offsets(%arg9 : memref<1024xi32, #tpu.memory_space<vmem>>) semaphore(%run_scoped3A : memref<!tpu.dma_semaphore, #tpu.memory_space<semaphore_mem>>) {add = true}
      %dma_wait3A_2619 = arith.constant 0 : i32
      %dma_wait3A_2620 = tpu.memref_slice %arg12[%dma_wait3A_2619] : memref<4096xi32, #tpu.memory_space<vmem>> -> memref<1024xi32, #tpu.memory_space<vmem>>
      %dma_wait3A_2621 = arith.constant 0 : i32
      %dma_wait3A_2622 = tpu.memref_slice %arg6[%dma_wait3A_2621] : memref<100352xi32, #tpu.memory_space<vmem_shared>> -> memref<100352xi32, #tpu.memory_space<vmem_shared>>
      tpu.wait_indirect_dma semaphore(%run_scoped3A : memref<!tpu.dma_semaphore, #tpu.memory_space<semaphore_mem>>) src(%dma_wait3A_2620 : memref<1024xi32, #tpu.memory_space<vmem>>) dst(%dma_wait3A_2622 : memref<100352xi32, #tpu.memory_space<vmem_shared>>)
      tpu.yield
    }) : () -> ()
    %add3A_726 = arith.constant 13 : i32
    %add3A_727 = arith.addi %mul3A_2, %add3A_726 : i32
    %jit3A_728 = arith.constant 16 : i32
    %div3A_729 = arith.divsi %add3A_727, %jit3A_728 : i32
    %sign3A_730 = arith.constant 0 : i32
    %sign3A_731 = arith.cmpi sgt, %add3A_727, %sign3A_730 : i32
    %sign3A_732 = arith.extui %sign3A_731 : i1 to i32
    %sign3A_733 = arith.constant 0 : i32
    %sign3A_734 = arith.cmpi slt, %add3A_727, %sign3A_733 : i32
    %sign3A_735 = arith.extui %sign3A_734 : i1 to i32
    %sign3A_736 = arith.subi %sign3A_732, %sign3A_735 : i32
    %sign3A_737 = arith.constant 0 : i32
    %sign3A_738 = arith.cmpi sgt, %jit3A_728, %sign3A_737 : i32
    %sign3A_739 = arith.extui %sign3A_738 : i1 to i32
    %sign3A_740 = arith.constant 0 : i32
    %sign3A_741 = arith.cmpi slt, %jit3A_728, %sign3A_740 : i32
    %sign3A_742 = arith.extui %sign3A_741 : i1 to i32
    %sign3A_743 = arith.subi %sign3A_739, %sign3A_742 : i32
    %ne3A_744 = arith.cmpi ne, %sign3A_736, %sign3A_743 : i32
    %rem3A_745 = arith.remsi %add3A_727, %jit3A_728 : i32
    %ne3A_746 = arith.constant 0 : i32
    %ne3A_747 = arith.cmpi ne, %rem3A_745, %ne3A_746 : i32
    %and3A_748 = arith.andi %ne3A_744, %ne3A_747 : i1
    %sub3A_749 = arith.constant 1 : i32
    %sub3A_750 = arith.subi %div3A_729, %sub3A_749 : i32
    %select_n3A_751 = arith.select %and3A_748, %sub3A_750, %div3A_729 : i32
    %jit3A_752 = arith.constant 16 : i32
    %eq3A_753 = arith.constant 0 : i32
    %eq3A_754 = arith.cmpi eq, %jit3A_752, %eq3A_753 : i32
    %jit3A_755 = arith.constant 1 : i32
    %select_n3A_756 = arith.select %eq3A_754, %jit3A_755, %jit3A_752 : i32
    %rem3A_757 = arith.remsi %add3A_727, %select_n3A_756 : i32
    %ne3A_758 = arith.constant 0 : i32
    %ne3A_759 = arith.cmpi ne, %rem3A_757, %ne3A_758 : i32
    %lt3A_760 = arith.constant 0 : i32
    %lt3A_761 = arith.cmpi slt, %rem3A_757, %lt3A_760 : i32
    %lt3A_762 = arith.constant 0 : i32
    %lt3A_763 = arith.cmpi slt, %select_n3A_756, %lt3A_762 : i32
    %ne3A_764 = arith.xori %lt3A_761, %lt3A_763 : i1
    %and3A_765 = arith.andi %ne3A_764, %ne3A_759 : i1
    %add3A_766 = arith.addi %rem3A_757, %select_n3A_756 : i32
    %select_n3A_767 = arith.select %and3A_765, %add3A_766, %rem3A_757 : i32
    %mul3A_768 = arith.constant 1024 : i32
    %mul3A_769 = arith.muli %select_n3A_767, %mul3A_768 : i32
    %dma_start3A_770 = tpu.memref_slice %arg2[%select_n3A_751, %mul3A_769] : memref<50x16384xi32, #tpu.memory_space<hbm>> -> memref<1x1024xi32, #tpu.memory_space<hbm>>
    %dma_start3A_771 = tpu.memref_squeeze %dma_start3A_770 : memref<1x1024xi32, #tpu.memory_space<hbm>> -> memref<1024xi32, #tpu.memory_space<hbm>>
    %dma_start3A_772 = tpu.memref_slice %arg2[%select_n3A_751, %mul3A_769] : memref<50x16384xi32, #tpu.memory_space<hbm>> -> memref<1x1024xi32, #tpu.memory_space<hbm>>
    %dma_start3A_773 = tpu.memref_squeeze %dma_start3A_772 : memref<1x1024xi32, #tpu.memory_space<hbm>> -> memref<1024xi32, #tpu.memory_space<hbm>>
    tpu.enqueue_dma source(%dma_start3A_773 : memref<1024xi32, #tpu.memory_space<hbm>>) target(%arg9 : memref<1024xi32, #tpu.memory_space<vmem>>) target_semaphore(%arg15 : memref<!tpu.dma_semaphore, #tpu.memory_space<semaphore_mem>>)
    %dma_wait3A_774 = tpu.memref_slice %arg2[%select_n3A_699, %mul3A_717] : memref<50x16384xi32, #tpu.memory_space<hbm>> -> memref<1x1024xi32, #tpu.memory_space<hbm>>
    %dma_wait3A_775 = tpu.memref_squeeze %dma_wait3A_774 : memref<1x1024xi32, #tpu.memory_space<hbm>> -> memref<1024xi32, #tpu.memory_space<hbm>>
    %dma_wait3A_776 = tpu.memref_slice %arg2[%select_n3A_699, %mul3A_717] : memref<50x16384xi32, #tpu.memory_space<hbm>> -> memref<1x1024xi32, #tpu.memory_space<hbm>>
    %dma_wait3A_777 = tpu.memref_squeeze %dma_wait3A_776 : memref<1x1024xi32, #tpu.memory_space<hbm>> -> memref<1024xi32, #tpu.memory_space<hbm>>
    tpu.wait_dma2 semaphore(%arg14 : memref<!tpu.dma_semaphore, #tpu.memory_space<semaphore_mem>>) src(%dma_wait3A_777 : memref<1024xi32, #tpu.memory_space<hbm>>) dst(%arg8 : memref<1024xi32, #tpu.memory_space<vmem>>)
    "tpu.region"() ({
      %run_scoped3A = tpu.sem_alloc : memref<!tpu.dma_semaphore, #tpu.memory_space<semaphore_mem>>
      %dma_start3A_2615 = arith.constant 0 : i32
      %dma_start3A_2616 = tpu.memref_slice %arg12[%dma_start3A_2615] : memref<4096xi32, #tpu.memory_space<vmem>> -> memref<1024xi32, #tpu.memory_space<vmem>>
      %dma_start3A_2617 = arith.constant 0 : i32
      %dma_start3A_2618 = tpu.memref_slice %arg6[%dma_start3A_2617] : memref<100352xi32, #tpu.memory_space<vmem_shared>> -> memref<100352xi32, #tpu.memory_space<vmem_shared>>
      tpu.enqueue_indirect_dma source(%dma_start3A_2616 : memref<1024xi32, #tpu.memory_space<vmem>>) target(%dma_start3A_2618 : memref<100352xi32, #tpu.memory_space<vmem_shared>>) offsets(%arg8 : memref<1024xi32, #tpu.memory_space<vmem>>) semaphore(%run_scoped3A : memref<!tpu.dma_semaphore, #tpu.memory_space<semaphore_mem>>) {add = true}
      %dma_wait3A_2619 = arith.constant 0 : i32
      %dma_wait3A_2620 = tpu.memref_slice %arg12[%dma_wait3A_2619] : memref<4096xi32, #tpu.memory_space<vmem>> -> memref<1024xi32, #tpu.memory_space<vmem>>
      %dma_wait3A_2621 = arith.constant 0 : i32
      %dma_wait3A_2622 = tpu.memref_slice %arg6[%dma_wait3A_2621] : memref<100352xi32, #tpu.memory_space<vmem_shared>> -> memref<100352xi32, #tpu.memory_space<vmem_shared>>
      tpu.wait_indirect_dma semaphore(%run_scoped3A : memref<!tpu.dma_semaphore, #tpu.memory_space<semaphore_mem>>) src(%dma_wait3A_2620 : memref<1024xi32, #tpu.memory_space<vmem>>) dst(%dma_wait3A_2622 : memref<100352xi32, #tpu.memory_space<vmem_shared>>)
      tpu.yield
    }) : () -> ()
    %add3A_778 = arith.constant 14 : i32
    %add3A_779 = arith.addi %mul3A_2, %add3A_778 : i32
    %jit3A_780 = arith.constant 16 : i32
    %div3A_781 = arith.divsi %add3A_779, %jit3A_780 : i32
    %sign3A_782 = arith.constant 0 : i32
    %sign3A_783 = arith.cmpi sgt, %add3A_779, %sign3A_782 : i32
    %sign3A_784 = arith.extui %sign3A_783 : i1 to i32
    %sign3A_785 = arith.constant 0 : i32
    %sign3A_786 = arith.cmpi slt, %add3A_779, %sign3A_785 : i32
    %sign3A_787 = arith.extui %sign3A_786 : i1 to i32
    %sign3A_788 = arith.subi %sign3A_784, %sign3A_787 : i32
    %sign3A_789 = arith.constant 0 : i32
    %sign3A_790 = arith.cmpi sgt, %jit3A_780, %sign3A_789 : i32
    %sign3A_791 = arith.extui %sign3A_790 : i1 to i32
    %sign3A_792 = arith.constant 0 : i32
    %sign3A_793 = arith.cmpi slt, %jit3A_780, %sign3A_792 : i32
    %sign3A_794 = arith.extui %sign3A_793 : i1 to i32
    %sign3A_795 = arith.subi %sign3A_791, %sign3A_794 : i32
    %ne3A_796 = arith.cmpi ne, %sign3A_788, %sign3A_795 : i32
    %rem3A_797 = arith.remsi %add3A_779, %jit3A_780 : i32
    %ne3A_798 = arith.constant 0 : i32
    %ne3A_799 = arith.cmpi ne, %rem3A_797, %ne3A_798 : i32
    %and3A_800 = arith.andi %ne3A_796, %ne3A_799 : i1
    %sub3A_801 = arith.constant 1 : i32
    %sub3A_802 = arith.subi %div3A_781, %sub3A_801 : i32
    %select_n3A_803 = arith.select %and3A_800, %sub3A_802, %div3A_781 : i32
    %jit3A_804 = arith.constant 16 : i32
    %eq3A_805 = arith.constant 0 : i32
    %eq3A_806 = arith.cmpi eq, %jit3A_804, %eq3A_805 : i32
    %jit3A_807 = arith.constant 1 : i32
    %select_n3A_808 = arith.select %eq3A_806, %jit3A_807, %jit3A_804 : i32
    %rem3A_809 = arith.remsi %add3A_779, %select_n3A_808 : i32
    %ne3A_810 = arith.constant 0 : i32
    %ne3A_811 = arith.cmpi ne, %rem3A_809, %ne3A_810 : i32
    %lt3A_812 = arith.constant 0 : i32
    %lt3A_813 = arith.cmpi slt, %rem3A_809, %lt3A_812 : i32
    %lt3A_814 = arith.constant 0 : i32
    %lt3A_815 = arith.cmpi slt, %select_n3A_808, %lt3A_814 : i32
    %ne3A_816 = arith.xori %lt3A_813, %lt3A_815 : i1
    %and3A_817 = arith.andi %ne3A_816, %ne3A_811 : i1
    %add3A_818 = arith.addi %rem3A_809, %select_n3A_808 : i32
    %select_n3A_819 = arith.select %and3A_817, %add3A_818, %rem3A_809 : i32
    %mul3A_820 = arith.constant 1024 : i32
    %mul3A_821 = arith.muli %select_n3A_819, %mul3A_820 : i32
    %dma_start3A_822 = tpu.memref_slice %arg2[%select_n3A_803, %mul3A_821] : memref<50x16384xi32, #tpu.memory_space<hbm>> -> memref<1x1024xi32, #tpu.memory_space<hbm>>
    %dma_start3A_823 = tpu.memref_squeeze %dma_start3A_822 : memref<1x1024xi32, #tpu.memory_space<hbm>> -> memref<1024xi32, #tpu.memory_space<hbm>>
    %dma_start3A_824 = tpu.memref_slice %arg2[%select_n3A_803, %mul3A_821] : memref<50x16384xi32, #tpu.memory_space<hbm>> -> memref<1x1024xi32, #tpu.memory_space<hbm>>
    %dma_start3A_825 = tpu.memref_squeeze %dma_start3A_824 : memref<1x1024xi32, #tpu.memory_space<hbm>> -> memref<1024xi32, #tpu.memory_space<hbm>>
    tpu.enqueue_dma source(%dma_start3A_825 : memref<1024xi32, #tpu.memory_space<hbm>>) target(%arg8 : memref<1024xi32, #tpu.memory_space<vmem>>) target_semaphore(%arg14 : memref<!tpu.dma_semaphore, #tpu.memory_space<semaphore_mem>>)
    %dma_wait3A_826 = tpu.memref_slice %arg2[%select_n3A_751, %mul3A_769] : memref<50x16384xi32, #tpu.memory_space<hbm>> -> memref<1x1024xi32, #tpu.memory_space<hbm>>
    %dma_wait3A_827 = tpu.memref_squeeze %dma_wait3A_826 : memref<1x1024xi32, #tpu.memory_space<hbm>> -> memref<1024xi32, #tpu.memory_space<hbm>>
    %dma_wait3A_828 = tpu.memref_slice %arg2[%select_n3A_751, %mul3A_769] : memref<50x16384xi32, #tpu.memory_space<hbm>> -> memref<1x1024xi32, #tpu.memory_space<hbm>>
    %dma_wait3A_829 = tpu.memref_squeeze %dma_wait3A_828 : memref<1x1024xi32, #tpu.memory_space<hbm>> -> memref<1024xi32, #tpu.memory_space<hbm>>
    tpu.wait_dma2 semaphore(%arg15 : memref<!tpu.dma_semaphore, #tpu.memory_space<semaphore_mem>>) src(%dma_wait3A_829 : memref<1024xi32, #tpu.memory_space<hbm>>) dst(%arg9 : memref<1024xi32, #tpu.memory_space<vmem>>)
    "tpu.region"() ({
      %run_scoped3A = tpu.sem_alloc : memref<!tpu.dma_semaphore, #tpu.memory_space<semaphore_mem>>
      %dma_start3A_2615 = arith.constant 0 : i32
      %dma_start3A_2616 = tpu.memref_slice %arg12[%dma_start3A_2615] : memref<4096xi32, #tpu.memory_space<vmem>> -> memref<1024xi32, #tpu.memory_space<vmem>>
      %dma_start3A_2617 = arith.constant 0 : i32
      %dma_start3A_2618 = tpu.memref_slice %arg6[%dma_start3A_2617] : memref<100352xi32, #tpu.memory_space<vmem_shared>> -> memref<100352xi32, #tpu.memory_space<vmem_shared>>
      tpu.enqueue_indirect_dma source(%dma_start3A_2616 : memref<1024xi32, #tpu.memory_space<vmem>>) target(%dma_start3A_2618 : memref<100352xi32, #tpu.memory_space<vmem_shared>>) offsets(%arg9 : memref<1024xi32, #tpu.memory_space<vmem>>) semaphore(%run_scoped3A : memref<!tpu.dma_semaphore, #tpu.memory_space<semaphore_mem>>) {add = true}
      %dma_wait3A_2619 = arith.constant 0 : i32
      %dma_wait3A_2620 = tpu.memref_slice %arg12[%dma_wait3A_2619] : memref<4096xi32, #tpu.memory_space<vmem>> -> memref<1024xi32, #tpu.memory_space<vmem>>
      %dma_wait3A_2621 = arith.constant 0 : i32
      %dma_wait3A_2622 = tpu.memref_slice %arg6[%dma_wait3A_2621] : memref<100352xi32, #tpu.memory_space<vmem_shared>> -> memref<100352xi32, #tpu.memory_space<vmem_shared>>
      tpu.wait_indirect_dma semaphore(%run_scoped3A : memref<!tpu.dma_semaphore, #tpu.memory_space<semaphore_mem>>) src(%dma_wait3A_2620 : memref<1024xi32, #tpu.memory_space<vmem>>) dst(%dma_wait3A_2622 : memref<100352xi32, #tpu.memory_space<vmem_shared>>)
      tpu.yield
    }) : () -> ()
    %add3A_830 = arith.constant 15 : i32
    %add3A_831 = arith.addi %mul3A_2, %add3A_830 : i32
    %jit3A_832 = arith.constant 16 : i32
    %div3A_833 = arith.divsi %add3A_831, %jit3A_832 : i32
    %sign3A_834 = arith.constant 0 : i32
    %sign3A_835 = arith.cmpi sgt, %add3A_831, %sign3A_834 : i32
    %sign3A_836 = arith.extui %sign3A_835 : i1 to i32
    %sign3A_837 = arith.constant 0 : i32
    %sign3A_838 = arith.cmpi slt, %add3A_831, %sign3A_837 : i32
    %sign3A_839 = arith.extui %sign3A_838 : i1 to i32
    %sign3A_840 = arith.subi %sign3A_836, %sign3A_839 : i32
    %sign3A_841 = arith.constant 0 : i32
    %sign3A_842 = arith.cmpi sgt, %jit3A_832, %sign3A_841 : i32
    %sign3A_843 = arith.extui %sign3A_842 : i1 to i32
    %sign3A_844 = arith.constant 0 : i32
    %sign3A_845 = arith.cmpi slt, %jit3A_832, %sign3A_844 : i32
    %sign3A_846 = arith.extui %sign3A_845 : i1 to i32
    %sign3A_847 = arith.subi %sign3A_843, %sign3A_846 : i32
    %ne3A_848 = arith.cmpi ne, %sign3A_840, %sign3A_847 : i32
    %rem3A_849 = arith.remsi %add3A_831, %jit3A_832 : i32
    %ne3A_850 = arith.constant 0 : i32
    %ne3A_851 = arith.cmpi ne, %rem3A_849, %ne3A_850 : i32
    %and3A_852 = arith.andi %ne3A_848, %ne3A_851 : i1
    %sub3A_853 = arith.constant 1 : i32
    %sub3A_854 = arith.subi %div3A_833, %sub3A_853 : i32
    %select_n3A_855 = arith.select %and3A_852, %sub3A_854, %div3A_833 : i32
    %jit3A_856 = arith.constant 16 : i32
    %eq3A_857 = arith.constant 0 : i32
    %eq3A_858 = arith.cmpi eq, %jit3A_856, %eq3A_857 : i32
    %jit3A_859 = arith.constant 1 : i32
    %select_n3A_860 = arith.select %eq3A_858, %jit3A_859, %jit3A_856 : i32
    %rem3A_861 = arith.remsi %add3A_831, %select_n3A_860 : i32
    %ne3A_862 = arith.constant 0 : i32
    %ne3A_863 = arith.cmpi ne, %rem3A_861, %ne3A_862 : i32
    %lt3A_864 = arith.constant 0 : i32
    %lt3A_865 = arith.cmpi slt, %rem3A_861, %lt3A_864 : i32
    %lt3A_866 = arith.constant 0 : i32
    %lt3A_867 = arith.cmpi slt, %select_n3A_860, %lt3A_866 : i32
    %ne3A_868 = arith.xori %lt3A_865, %lt3A_867 : i1
    %and3A_869 = arith.andi %ne3A_868, %ne3A_863 : i1
    %add3A_870 = arith.addi %rem3A_861, %select_n3A_860 : i32
    %select_n3A_871 = arith.select %and3A_869, %add3A_870, %rem3A_861 : i32
    %mul3A_872 = arith.constant 1024 : i32
    %mul3A_873 = arith.muli %select_n3A_871, %mul3A_872 : i32
    %dma_start3A_874 = tpu.memref_slice %arg2[%select_n3A_855, %mul3A_873] : memref<50x16384xi32, #tpu.memory_space<hbm>> -> memref<1x1024xi32, #tpu.memory_space<hbm>>
    %dma_start3A_875 = tpu.memref_squeeze %dma_start3A_874 : memref<1x1024xi32, #tpu.memory_space<hbm>> -> memref<1024xi32, #tpu.memory_space<hbm>>
    %dma_start3A_876 = tpu.memref_slice %arg2[%select_n3A_855, %mul3A_873] : memref<50x16384xi32, #tpu.memory_space<hbm>> -> memref<1x1024xi32, #tpu.memory_space<hbm>>
    %dma_start3A_877 = tpu.memref_squeeze %dma_start3A_876 : memref<1x1024xi32, #tpu.memory_space<hbm>> -> memref<1024xi32, #tpu.memory_space<hbm>>
    tpu.enqueue_dma source(%dma_start3A_877 : memref<1024xi32, #tpu.memory_space<hbm>>) target(%arg9 : memref<1024xi32, #tpu.memory_space<vmem>>) target_semaphore(%arg15 : memref<!tpu.dma_semaphore, #tpu.memory_space<semaphore_mem>>)
    %dma_wait3A_878 = tpu.memref_slice %arg2[%select_n3A_803, %mul3A_821] : memref<50x16384xi32, #tpu.memory_space<hbm>> -> memref<1x1024xi32, #tpu.memory_space<hbm>>
    %dma_wait3A_879 = tpu.memref_squeeze %dma_wait3A_878 : memref<1x1024xi32, #tpu.memory_space<hbm>> -> memref<1024xi32, #tpu.memory_space<hbm>>
    %dma_wait3A_880 = tpu.memref_slice %arg2[%select_n3A_803, %mul3A_821] : memref<50x16384xi32, #tpu.memory_space<hbm>> -> memref<1x1024xi32, #tpu.memory_space<hbm>>
    %dma_wait3A_881 = tpu.memref_squeeze %dma_wait3A_880 : memref<1x1024xi32, #tpu.memory_space<hbm>> -> memref<1024xi32, #tpu.memory_space<hbm>>
    tpu.wait_dma2 semaphore(%arg14 : memref<!tpu.dma_semaphore, #tpu.memory_space<semaphore_mem>>) src(%dma_wait3A_881 : memref<1024xi32, #tpu.memory_space<hbm>>) dst(%arg8 : memref<1024xi32, #tpu.memory_space<vmem>>)
    "tpu.region"() ({
      %run_scoped3A = tpu.sem_alloc : memref<!tpu.dma_semaphore, #tpu.memory_space<semaphore_mem>>
      %dma_start3A_2615 = arith.constant 0 : i32
      %dma_start3A_2616 = tpu.memref_slice %arg12[%dma_start3A_2615] : memref<4096xi32, #tpu.memory_space<vmem>> -> memref<1024xi32, #tpu.memory_space<vmem>>
      %dma_start3A_2617 = arith.constant 0 : i32
      %dma_start3A_2618 = tpu.memref_slice %arg6[%dma_start3A_2617] : memref<100352xi32, #tpu.memory_space<vmem_shared>> -> memref<100352xi32, #tpu.memory_space<vmem_shared>>
      tpu.enqueue_indirect_dma source(%dma_start3A_2616 : memref<1024xi32, #tpu.memory_space<vmem>>) target(%dma_start3A_2618 : memref<100352xi32, #tpu.memory_space<vmem_shared>>) offsets(%arg8 : memref<1024xi32, #tpu.memory_space<vmem>>) semaphore(%run_scoped3A : memref<!tpu.dma_semaphore, #tpu.memory_space<semaphore_mem>>) {add = true}
      %dma_wait3A_2619 = arith.constant 0 : i32
      %dma_wait3A_2620 = tpu.memref_slice %arg12[%dma_wait3A_2619] : memref<4096xi32, #tpu.memory_space<vmem>> -> memref<1024xi32, #tpu.memory_space<vmem>>
      %dma_wait3A_2621 = arith.constant 0 : i32
      %dma_wait3A_2622 = tpu.memref_slice %arg6[%dma_wait3A_2621] : memref<100352xi32, #tpu.memory_space<vmem_shared>> -> memref<100352xi32, #tpu.memory_space<vmem_shared>>
      tpu.wait_indirect_dma semaphore(%run_scoped3A : memref<!tpu.dma_semaphore, #tpu.memory_space<semaphore_mem>>) src(%dma_wait3A_2620 : memref<1024xi32, #tpu.memory_space<vmem>>) dst(%dma_wait3A_2622 : memref<100352xi32, #tpu.memory_space<vmem_shared>>)
      tpu.yield
    }) : () -> ()
    %add3A_882 = arith.constant 16 : i32
    %add3A_883 = arith.addi %mul3A_2, %add3A_882 : i32
    %jit3A_884 = arith.constant 16 : i32
    %div3A_885 = arith.divsi %add3A_883, %jit3A_884 : i32
    %sign3A_886 = arith.constant 0 : i32
    %sign3A_887 = arith.cmpi sgt, %add3A_883, %sign3A_886 : i32
    %sign3A_888 = arith.extui %sign3A_887 : i1 to i32
    %sign3A_889 = arith.constant 0 : i32
    %sign3A_890 = arith.cmpi slt, %add3A_883, %sign3A_889 : i32
    %sign3A_891 = arith.extui %sign3A_890 : i1 to i32
    %sign3A_892 = arith.subi %sign3A_888, %sign3A_891 : i32
    %sign3A_893 = arith.constant 0 : i32
    %sign3A_894 = arith.cmpi sgt, %jit3A_884, %sign3A_893 : i32
    %sign3A_895 = arith.extui %sign3A_894 : i1 to i32
    %sign3A_896 = arith.constant 0 : i32
    %sign3A_897 = arith.cmpi slt, %jit3A_884, %sign3A_896 : i32
    %sign3A_898 = arith.extui %sign3A_897 : i1 to i32
    %sign3A_899 = arith.subi %sign3A_895, %sign3A_898 : i32
    %ne3A_900 = arith.cmpi ne, %sign3A_892, %sign3A_899 : i32
    %rem3A_901 = arith.remsi %add3A_883, %jit3A_884 : i32
    %ne3A_902 = arith.constant 0 : i32
    %ne3A_903 = arith.cmpi ne, %rem3A_901, %ne3A_902 : i32
    %and3A_904 = arith.andi %ne3A_900, %ne3A_903 : i1
    %sub3A_905 = arith.constant 1 : i32
    %sub3A_906 = arith.subi %div3A_885, %sub3A_905 : i32
    %select_n3A_907 = arith.select %and3A_904, %sub3A_906, %div3A_885 : i32
    %jit3A_908 = arith.constant 16 : i32
    %eq3A_909 = arith.constant 0 : i32
    %eq3A_910 = arith.cmpi eq, %jit3A_908, %eq3A_909 : i32
    %jit3A_911 = arith.constant 1 : i32
    %select_n3A_912 = arith.select %eq3A_910, %jit3A_911, %jit3A_908 : i32
    %rem3A_913 = arith.remsi %add3A_883, %select_n3A_912 : i32
    %ne3A_914 = arith.constant 0 : i32
    %ne3A_915 = arith.cmpi ne, %rem3A_913, %ne3A_914 : i32
    %lt3A_916 = arith.constant 0 : i32
    %lt3A_917 = arith.cmpi slt, %rem3A_913, %lt3A_916 : i32
    %lt3A_918 = arith.constant 0 : i32
    %lt3A_919 = arith.cmpi slt, %select_n3A_912, %lt3A_918 : i32
    %ne3A_920 = arith.xori %lt3A_917, %lt3A_919 : i1
    %and3A_921 = arith.andi %ne3A_920, %ne3A_915 : i1
    %add3A_922 = arith.addi %rem3A_913, %select_n3A_912 : i32
    %select_n3A_923 = arith.select %and3A_921, %add3A_922, %rem3A_913 : i32
    %mul3A_924 = arith.constant 1024 : i32
    %mul3A_925 = arith.muli %select_n3A_923, %mul3A_924 : i32
    %dma_start3A_926 = tpu.memref_slice %arg2[%select_n3A_907, %mul3A_925] : memref<50x16384xi32, #tpu.memory_space<hbm>> -> memref<1x1024xi32, #tpu.memory_space<hbm>>
    %dma_start3A_927 = tpu.memref_squeeze %dma_start3A_926 : memref<1x1024xi32, #tpu.memory_space<hbm>> -> memref<1024xi32, #tpu.memory_space<hbm>>
    %dma_start3A_928 = tpu.memref_slice %arg2[%select_n3A_907, %mul3A_925] : memref<50x16384xi32, #tpu.memory_space<hbm>> -> memref<1x1024xi32, #tpu.memory_space<hbm>>
    %dma_start3A_929 = tpu.memref_squeeze %dma_start3A_928 : memref<1x1024xi32, #tpu.memory_space<hbm>> -> memref<1024xi32, #tpu.memory_space<hbm>>
    tpu.enqueue_dma source(%dma_start3A_929 : memref<1024xi32, #tpu.memory_space<hbm>>) target(%arg8 : memref<1024xi32, #tpu.memory_space<vmem>>) target_semaphore(%arg14 : memref<!tpu.dma_semaphore, #tpu.memory_space<semaphore_mem>>)
    %dma_wait3A_930 = tpu.memref_slice %arg2[%select_n3A_855, %mul3A_873] : memref<50x16384xi32, #tpu.memory_space<hbm>> -> memref<1x1024xi32, #tpu.memory_space<hbm>>
    %dma_wait3A_931 = tpu.memref_squeeze %dma_wait3A_930 : memref<1x1024xi32, #tpu.memory_space<hbm>> -> memref<1024xi32, #tpu.memory_space<hbm>>
    %dma_wait3A_932 = tpu.memref_slice %arg2[%select_n3A_855, %mul3A_873] : memref<50x16384xi32, #tpu.memory_space<hbm>> -> memref<1x1024xi32, #tpu.memory_space<hbm>>
    %dma_wait3A_933 = tpu.memref_squeeze %dma_wait3A_932 : memref<1x1024xi32, #tpu.memory_space<hbm>> -> memref<1024xi32, #tpu.memory_space<hbm>>
    tpu.wait_dma2 semaphore(%arg15 : memref<!tpu.dma_semaphore, #tpu.memory_space<semaphore_mem>>) src(%dma_wait3A_933 : memref<1024xi32, #tpu.memory_space<hbm>>) dst(%arg9 : memref<1024xi32, #tpu.memory_space<vmem>>)
    "tpu.region"() ({
      %run_scoped3A = tpu.sem_alloc : memref<!tpu.dma_semaphore, #tpu.memory_space<semaphore_mem>>
      %dma_start3A_2615 = arith.constant 0 : i32
      %dma_start3A_2616 = tpu.memref_slice %arg12[%dma_start3A_2615] : memref<4096xi32, #tpu.memory_space<vmem>> -> memref<1024xi32, #tpu.memory_space<vmem>>
      %dma_start3A_2617 = arith.constant 0 : i32
      %dma_start3A_2618 = tpu.memref_slice %arg6[%dma_start3A_2617] : memref<100352xi32, #tpu.memory_space<vmem_shared>> -> memref<100352xi32, #tpu.memory_space<vmem_shared>>
      tpu.enqueue_indirect_dma source(%dma_start3A_2616 : memref<1024xi32, #tpu.memory_space<vmem>>) target(%dma_start3A_2618 : memref<100352xi32, #tpu.memory_space<vmem_shared>>) offsets(%arg9 : memref<1024xi32, #tpu.memory_space<vmem>>) semaphore(%run_scoped3A : memref<!tpu.dma_semaphore, #tpu.memory_space<semaphore_mem>>) {add = true}
      %dma_wait3A_2619 = arith.constant 0 : i32
      %dma_wait3A_2620 = tpu.memref_slice %arg12[%dma_wait3A_2619] : memref<4096xi32, #tpu.memory_space<vmem>> -> memref<1024xi32, #tpu.memory_space<vmem>>
      %dma_wait3A_2621 = arith.constant 0 : i32
      %dma_wait3A_2622 = tpu.memref_slice %arg6[%dma_wait3A_2621] : memref<100352xi32, #tpu.memory_space<vmem_shared>> -> memref<100352xi32, #tpu.memory_space<vmem_shared>>
      tpu.wait_indirect_dma semaphore(%run_scoped3A : memref<!tpu.dma_semaphore, #tpu.memory_space<semaphore_mem>>) src(%dma_wait3A_2620 : memref<1024xi32, #tpu.memory_space<vmem>>) dst(%dma_wait3A_2622 : memref<100352xi32, #tpu.memory_space<vmem_shared>>)
      tpu.yield
    }) : () -> ()
    %add3A_934 = arith.constant 17 : i32
    %add3A_935 = arith.addi %mul3A_2, %add3A_934 : i32
    %jit3A_936 = arith.constant 16 : i32
    %div3A_937 = arith.divsi %add3A_935, %jit3A_936 : i32
    %sign3A_938 = arith.constant 0 : i32
    %sign3A_939 = arith.cmpi sgt, %add3A_935, %sign3A_938 : i32
    %sign3A_940 = arith.extui %sign3A_939 : i1 to i32
    %sign3A_941 = arith.constant 0 : i32
    %sign3A_942 = arith.cmpi slt, %add3A_935, %sign3A_941 : i32
    %sign3A_943 = arith.extui %sign3A_942 : i1 to i32
    %sign3A_944 = arith.subi %sign3A_940, %sign3A_943 : i32
    %sign3A_945 = arith.constant 0 : i32
    %sign3A_946 = arith.cmpi sgt, %jit3A_936, %sign3A_945 : i32
    %sign3A_947 = arith.extui %sign3A_946 : i1 to i32
    %sign3A_948 = arith.constant 0 : i32
    %sign3A_949 = arith.cmpi slt, %jit3A_936, %sign3A_948 : i32
    %sign3A_950 = arith.extui %sign3A_949 : i1 to i32
    %sign3A_951 = arith.subi %sign3A_947, %sign3A_950 : i32
    %ne3A_952 = arith.cmpi ne, %sign3A_944, %sign3A_951 : i32
    %rem3A_953 = arith.remsi %add3A_935, %jit3A_936 : i32
    %ne3A_954 = arith.constant 0 : i32
    %ne3A_955 = arith.cmpi ne, %rem3A_953, %ne3A_954 : i32
    %and3A_956 = arith.andi %ne3A_952, %ne3A_955 : i1
    %sub3A_957 = arith.constant 1 : i32
    %sub3A_958 = arith.subi %div3A_937, %sub3A_957 : i32
    %select_n3A_959 = arith.select %and3A_956, %sub3A_958, %div3A_937 : i32
    %jit3A_960 = arith.constant 16 : i32
    %eq3A_961 = arith.constant 0 : i32
    %eq3A_962 = arith.cmpi eq, %jit3A_960, %eq3A_961 : i32
    %jit3A_963 = arith.constant 1 : i32
    %select_n3A_964 = arith.select %eq3A_962, %jit3A_963, %jit3A_960 : i32
    %rem3A_965 = arith.remsi %add3A_935, %select_n3A_964 : i32
    %ne3A_966 = arith.constant 0 : i32
    %ne3A_967 = arith.cmpi ne, %rem3A_965, %ne3A_966 : i32
    %lt3A_968 = arith.constant 0 : i32
    %lt3A_969 = arith.cmpi slt, %rem3A_965, %lt3A_968 : i32
    %lt3A_970 = arith.constant 0 : i32
    %lt3A_971 = arith.cmpi slt, %select_n3A_964, %lt3A_970 : i32
    %ne3A_972 = arith.xori %lt3A_969, %lt3A_971 : i1
    %and3A_973 = arith.andi %ne3A_972, %ne3A_967 : i1
    %add3A_974 = arith.addi %rem3A_965, %select_n3A_964 : i32
    %select_n3A_975 = arith.select %and3A_973, %add3A_974, %rem3A_965 : i32
    %mul3A_976 = arith.constant 1024 : i32
    %mul3A_977 = arith.muli %select_n3A_975, %mul3A_976 : i32
    %dma_start3A_978 = tpu.memref_slice %arg2[%select_n3A_959, %mul3A_977] : memref<50x16384xi32, #tpu.memory_space<hbm>> -> memref<1x1024xi32, #tpu.memory_space<hbm>>
    %dma_start3A_979 = tpu.memref_squeeze %dma_start3A_978 : memref<1x1024xi32, #tpu.memory_space<hbm>> -> memref<1024xi32, #tpu.memory_space<hbm>>
    %dma_start3A_980 = tpu.memref_slice %arg2[%select_n3A_959, %mul3A_977] : memref<50x16384xi32, #tpu.memory_space<hbm>> -> memref<1x1024xi32, #tpu.memory_space<hbm>>
    %dma_start3A_981 = tpu.memref_squeeze %dma_start3A_980 : memref<1x1024xi32, #tpu.memory_space<hbm>> -> memref<1024xi32, #tpu.memory_space<hbm>>
    tpu.enqueue_dma source(%dma_start3A_981 : memref<1024xi32, #tpu.memory_space<hbm>>) target(%arg9 : memref<1024xi32, #tpu.memory_space<vmem>>) target_semaphore(%arg15 : memref<!tpu.dma_semaphore, #tpu.memory_space<semaphore_mem>>)
    %dma_wait3A_982 = tpu.memref_slice %arg2[%select_n3A_907, %mul3A_925] : memref<50x16384xi32, #tpu.memory_space<hbm>> -> memref<1x1024xi32, #tpu.memory_space<hbm>>
    %dma_wait3A_983 = tpu.memref_squeeze %dma_wait3A_982 : memref<1x1024xi32, #tpu.memory_space<hbm>> -> memref<1024xi32, #tpu.memory_space<hbm>>
    %dma_wait3A_984 = tpu.memref_slice %arg2[%select_n3A_907, %mul3A_925] : memref<50x16384xi32, #tpu.memory_space<hbm>> -> memref<1x1024xi32, #tpu.memory_space<hbm>>
    %dma_wait3A_985 = tpu.memref_squeeze %dma_wait3A_984 : memref<1x1024xi32, #tpu.memory_space<hbm>> -> memref<1024xi32, #tpu.memory_space<hbm>>
    tpu.wait_dma2 semaphore(%arg14 : memref<!tpu.dma_semaphore, #tpu.memory_space<semaphore_mem>>) src(%dma_wait3A_985 : memref<1024xi32, #tpu.memory_space<hbm>>) dst(%arg8 : memref<1024xi32, #tpu.memory_space<vmem>>)
    "tpu.region"() ({
      %run_scoped3A = tpu.sem_alloc : memref<!tpu.dma_semaphore, #tpu.memory_space<semaphore_mem>>
      %dma_start3A_2615 = arith.constant 0 : i32
      %dma_start3A_2616 = tpu.memref_slice %arg12[%dma_start3A_2615] : memref<4096xi32, #tpu.memory_space<vmem>> -> memref<1024xi32, #tpu.memory_space<vmem>>
      %dma_start3A_2617 = arith.constant 0 : i32
      %dma_start3A_2618 = tpu.memref_slice %arg6[%dma_start3A_2617] : memref<100352xi32, #tpu.memory_space<vmem_shared>> -> memref<100352xi32, #tpu.memory_space<vmem_shared>>
      tpu.enqueue_indirect_dma source(%dma_start3A_2616 : memref<1024xi32, #tpu.memory_space<vmem>>) target(%dma_start3A_2618 : memref<100352xi32, #tpu.memory_space<vmem_shared>>) offsets(%arg8 : memref<1024xi32, #tpu.memory_space<vmem>>) semaphore(%run_scoped3A : memref<!tpu.dma_semaphore, #tpu.memory_space<semaphore_mem>>) {add = true}
      %dma_wait3A_2619 = arith.constant 0 : i32
      %dma_wait3A_2620 = tpu.memref_slice %arg12[%dma_wait3A_2619] : memref<4096xi32, #tpu.memory_space<vmem>> -> memref<1024xi32, #tpu.memory_space<vmem>>
      %dma_wait3A_2621 = arith.constant 0 : i32
      %dma_wait3A_2622 = tpu.memref_slice %arg6[%dma_wait3A_2621] : memref<100352xi32, #tpu.memory_space<vmem_shared>> -> memref<100352xi32, #tpu.memory_space<vmem_shared>>
      tpu.wait_indirect_dma semaphore(%run_scoped3A : memref<!tpu.dma_semaphore, #tpu.memory_space<semaphore_mem>>) src(%dma_wait3A_2620 : memref<1024xi32, #tpu.memory_space<vmem>>) dst(%dma_wait3A_2622 : memref<100352xi32, #tpu.memory_space<vmem_shared>>)
      tpu.yield
    }) : () -> ()
    %add3A_986 = arith.constant 18 : i32
    %add3A_987 = arith.addi %mul3A_2, %add3A_986 : i32
    %jit3A_988 = arith.constant 16 : i32
    %div3A_989 = arith.divsi %add3A_987, %jit3A_988 : i32
    %sign3A_990 = arith.constant 0 : i32
    %sign3A_991 = arith.cmpi sgt, %add3A_987, %sign3A_990 : i32
    %sign3A_992 = arith.extui %sign3A_991 : i1 to i32
    %sign3A_993 = arith.constant 0 : i32
    %sign3A_994 = arith.cmpi slt, %add3A_987, %sign3A_993 : i32
    %sign3A_995 = arith.extui %sign3A_994 : i1 to i32
    %sign3A_996 = arith.subi %sign3A_992, %sign3A_995 : i32
    %sign3A_997 = arith.constant 0 : i32
    %sign3A_998 = arith.cmpi sgt, %jit3A_988, %sign3A_997 : i32
    %sign3A_999 = arith.extui %sign3A_998 : i1 to i32
    %sign3A_1000 = arith.constant 0 : i32
    %sign3A_1001 = arith.cmpi slt, %jit3A_988, %sign3A_1000 : i32
    %sign3A_1002 = arith.extui %sign3A_1001 : i1 to i32
    %sign3A_1003 = arith.subi %sign3A_999, %sign3A_1002 : i32
    %ne3A_1004 = arith.cmpi ne, %sign3A_996, %sign3A_1003 : i32
    %rem3A_1005 = arith.remsi %add3A_987, %jit3A_988 : i32
    %ne3A_1006 = arith.constant 0 : i32
    %ne3A_1007 = arith.cmpi ne, %rem3A_1005, %ne3A_1006 : i32
    %and3A_1008 = arith.andi %ne3A_1004, %ne3A_1007 : i1
    %sub3A_1009 = arith.constant 1 : i32
    %sub3A_1010 = arith.subi %div3A_989, %sub3A_1009 : i32
    %select_n3A_1011 = arith.select %and3A_1008, %sub3A_1010, %div3A_989 : i32
    %jit3A_1012 = arith.constant 16 : i32
    %eq3A_1013 = arith.constant 0 : i32
    %eq3A_1014 = arith.cmpi eq, %jit3A_1012, %eq3A_1013 : i32
    %jit3A_1015 = arith.constant 1 : i32
    %select_n3A_1016 = arith.select %eq3A_1014, %jit3A_1015, %jit3A_1012 : i32
    %rem3A_1017 = arith.remsi %add3A_987, %select_n3A_1016 : i32
    %ne3A_1018 = arith.constant 0 : i32
    %ne3A_1019 = arith.cmpi ne, %rem3A_1017, %ne3A_1018 : i32
    %lt3A_1020 = arith.constant 0 : i32
    %lt3A_1021 = arith.cmpi slt, %rem3A_1017, %lt3A_1020 : i32
    %lt3A_1022 = arith.constant 0 : i32
    %lt3A_1023 = arith.cmpi slt, %select_n3A_1016, %lt3A_1022 : i32
    %ne3A_1024 = arith.xori %lt3A_1021, %lt3A_1023 : i1
    %and3A_1025 = arith.andi %ne3A_1024, %ne3A_1019 : i1
    %add3A_1026 = arith.addi %rem3A_1017, %select_n3A_1016 : i32
    %select_n3A_1027 = arith.select %and3A_1025, %add3A_1026, %rem3A_1017 : i32
    %mul3A_1028 = arith.constant 1024 : i32
    %mul3A_1029 = arith.muli %select_n3A_1027, %mul3A_1028 : i32
    %dma_start3A_1030 = tpu.memref_slice %arg2[%select_n3A_1011, %mul3A_1029] : memref<50x16384xi32, #tpu.memory_space<hbm>> -> memref<1x1024xi32, #tpu.memory_space<hbm>>
    %dma_start3A_1031 = tpu.memref_squeeze %dma_start3A_1030 : memref<1x1024xi32, #tpu.memory_space<hbm>> -> memref<1024xi32, #tpu.memory_space<hbm>>
    %dma_start3A_1032 = tpu.memref_slice %arg2[%select_n3A_1011, %mul3A_1029] : memref<50x16384xi32, #tpu.memory_space<hbm>> -> memref<1x1024xi32, #tpu.memory_space<hbm>>
    %dma_start3A_1033 = tpu.memref_squeeze %dma_start3A_1032 : memref<1x1024xi32, #tpu.memory_space<hbm>> -> memref<1024xi32, #tpu.memory_space<hbm>>
    tpu.enqueue_dma source(%dma_start3A_1033 : memref<1024xi32, #tpu.memory_space<hbm>>) target(%arg8 : memref<1024xi32, #tpu.memory_space<vmem>>) target_semaphore(%arg14 : memref<!tpu.dma_semaphore, #tpu.memory_space<semaphore_mem>>)
    %dma_wait3A_1034 = tpu.memref_slice %arg2[%select_n3A_959, %mul3A_977] : memref<50x16384xi32, #tpu.memory_space<hbm>> -> memref<1x1024xi32, #tpu.memory_space<hbm>>
    %dma_wait3A_1035 = tpu.memref_squeeze %dma_wait3A_1034 : memref<1x1024xi32, #tpu.memory_space<hbm>> -> memref<1024xi32, #tpu.memory_space<hbm>>
    %dma_wait3A_1036 = tpu.memref_slice %arg2[%select_n3A_959, %mul3A_977] : memref<50x16384xi32, #tpu.memory_space<hbm>> -> memref<1x1024xi32, #tpu.memory_space<hbm>>
    %dma_wait3A_1037 = tpu.memref_squeeze %dma_wait3A_1036 : memref<1x1024xi32, #tpu.memory_space<hbm>> -> memref<1024xi32, #tpu.memory_space<hbm>>
    tpu.wait_dma2 semaphore(%arg15 : memref<!tpu.dma_semaphore, #tpu.memory_space<semaphore_mem>>) src(%dma_wait3A_1037 : memref<1024xi32, #tpu.memory_space<hbm>>) dst(%arg9 : memref<1024xi32, #tpu.memory_space<vmem>>)
    "tpu.region"() ({
      %run_scoped3A = tpu.sem_alloc : memref<!tpu.dma_semaphore, #tpu.memory_space<semaphore_mem>>
      %dma_start3A_2615 = arith.constant 0 : i32
      %dma_start3A_2616 = tpu.memref_slice %arg12[%dma_start3A_2615] : memref<4096xi32, #tpu.memory_space<vmem>> -> memref<1024xi32, #tpu.memory_space<vmem>>
      %dma_start3A_2617 = arith.constant 0 : i32
      %dma_start3A_2618 = tpu.memref_slice %arg6[%dma_start3A_2617] : memref<100352xi32, #tpu.memory_space<vmem_shared>> -> memref<100352xi32, #tpu.memory_space<vmem_shared>>
      tpu.enqueue_indirect_dma source(%dma_start3A_2616 : memref<1024xi32, #tpu.memory_space<vmem>>) target(%dma_start3A_2618 : memref<100352xi32, #tpu.memory_space<vmem_shared>>) offsets(%arg9 : memref<1024xi32, #tpu.memory_space<vmem>>) semaphore(%run_scoped3A : memref<!tpu.dma_semaphore, #tpu.memory_space<semaphore_mem>>) {add = true}
      %dma_wait3A_2619 = arith.constant 0 : i32
      %dma_wait3A_2620 = tpu.memref_slice %arg12[%dma_wait3A_2619] : memref<4096xi32, #tpu.memory_space<vmem>> -> memref<1024xi32, #tpu.memory_space<vmem>>
      %dma_wait3A_2621 = arith.constant 0 : i32
      %dma_wait3A_2622 = tpu.memref_slice %arg6[%dma_wait3A_2621] : memref<100352xi32, #tpu.memory_space<vmem_shared>> -> memref<100352xi32, #tpu.memory_space<vmem_shared>>
      tpu.wait_indirect_dma semaphore(%run_scoped3A : memref<!tpu.dma_semaphore, #tpu.memory_space<semaphore_mem>>) src(%dma_wait3A_2620 : memref<1024xi32, #tpu.memory_space<vmem>>) dst(%dma_wait3A_2622 : memref<100352xi32, #tpu.memory_space<vmem_shared>>)
      tpu.yield
    }) : () -> ()
    %add3A_1038 = arith.constant 19 : i32
    %add3A_1039 = arith.addi %mul3A_2, %add3A_1038 : i32
    %jit3A_1040 = arith.constant 16 : i32
    %div3A_1041 = arith.divsi %add3A_1039, %jit3A_1040 : i32
    %sign3A_1042 = arith.constant 0 : i32
    %sign3A_1043 = arith.cmpi sgt, %add3A_1039, %sign3A_1042 : i32
    %sign3A_1044 = arith.extui %sign3A_1043 : i1 to i32
    %sign3A_1045 = arith.constant 0 : i32
    %sign3A_1046 = arith.cmpi slt, %add3A_1039, %sign3A_1045 : i32
    %sign3A_1047 = arith.extui %sign3A_1046 : i1 to i32
    %sign3A_1048 = arith.subi %sign3A_1044, %sign3A_1047 : i32
    %sign3A_1049 = arith.constant 0 : i32
    %sign3A_1050 = arith.cmpi sgt, %jit3A_1040, %sign3A_1049 : i32
    %sign3A_1051 = arith.extui %sign3A_1050 : i1 to i32
    %sign3A_1052 = arith.constant 0 : i32
    %sign3A_1053 = arith.cmpi slt, %jit3A_1040, %sign3A_1052 : i32
    %sign3A_1054 = arith.extui %sign3A_1053 : i1 to i32
    %sign3A_1055 = arith.subi %sign3A_1051, %sign3A_1054 : i32
    %ne3A_1056 = arith.cmpi ne, %sign3A_1048, %sign3A_1055 : i32
    %rem3A_1057 = arith.remsi %add3A_1039, %jit3A_1040 : i32
    %ne3A_1058 = arith.constant 0 : i32
    %ne3A_1059 = arith.cmpi ne, %rem3A_1057, %ne3A_1058 : i32
    %and3A_1060 = arith.andi %ne3A_1056, %ne3A_1059 : i1
    %sub3A_1061 = arith.constant 1 : i32
    %sub3A_1062 = arith.subi %div3A_1041, %sub3A_1061 : i32
    %select_n3A_1063 = arith.select %and3A_1060, %sub3A_1062, %div3A_1041 : i32
    %jit3A_1064 = arith.constant 16 : i32
    %eq3A_1065 = arith.constant 0 : i32
    %eq3A_1066 = arith.cmpi eq, %jit3A_1064, %eq3A_1065 : i32
    %jit3A_1067 = arith.constant 1 : i32
    %select_n3A_1068 = arith.select %eq3A_1066, %jit3A_1067, %jit3A_1064 : i32
    %rem3A_1069 = arith.remsi %add3A_1039, %select_n3A_1068 : i32
    %ne3A_1070 = arith.constant 0 : i32
    %ne3A_1071 = arith.cmpi ne, %rem3A_1069, %ne3A_1070 : i32
    %lt3A_1072 = arith.constant 0 : i32
    %lt3A_1073 = arith.cmpi slt, %rem3A_1069, %lt3A_1072 : i32
    %lt3A_1074 = arith.constant 0 : i32
    %lt3A_1075 = arith.cmpi slt, %select_n3A_1068, %lt3A_1074 : i32
    %ne3A_1076 = arith.xori %lt3A_1073, %lt3A_1075 : i1
    %and3A_1077 = arith.andi %ne3A_1076, %ne3A_1071 : i1
    %add3A_1078 = arith.addi %rem3A_1069, %select_n3A_1068 : i32
    %select_n3A_1079 = arith.select %and3A_1077, %add3A_1078, %rem3A_1069 : i32
    %mul3A_1080 = arith.constant 1024 : i32
    %mul3A_1081 = arith.muli %select_n3A_1079, %mul3A_1080 : i32
    %dma_start3A_1082 = tpu.memref_slice %arg2[%select_n3A_1063, %mul3A_1081] : memref<50x16384xi32, #tpu.memory_space<hbm>> -> memref<1x1024xi32, #tpu.memory_space<hbm>>
    %dma_start3A_1083 = tpu.memref_squeeze %dma_start3A_1082 : memref<1x1024xi32, #tpu.memory_space<hbm>> -> memref<1024xi32, #tpu.memory_space<hbm>>
    %dma_start3A_1084 = tpu.memref_slice %arg2[%select_n3A_1063, %mul3A_1081] : memref<50x16384xi32, #tpu.memory_space<hbm>> -> memref<1x1024xi32, #tpu.memory_space<hbm>>
    %dma_start3A_1085 = tpu.memref_squeeze %dma_start3A_1084 : memref<1x1024xi32, #tpu.memory_space<hbm>> -> memref<1024xi32, #tpu.memory_space<hbm>>
    tpu.enqueue_dma source(%dma_start3A_1085 : memref<1024xi32, #tpu.memory_space<hbm>>) target(%arg9 : memref<1024xi32, #tpu.memory_space<vmem>>) target_semaphore(%arg15 : memref<!tpu.dma_semaphore, #tpu.memory_space<semaphore_mem>>)
    %dma_wait3A_1086 = tpu.memref_slice %arg2[%select_n3A_1011, %mul3A_1029] : memref<50x16384xi32, #tpu.memory_space<hbm>> -> memref<1x1024xi32, #tpu.memory_space<hbm>>
    %dma_wait3A_1087 = tpu.memref_squeeze %dma_wait3A_1086 : memref<1x1024xi32, #tpu.memory_space<hbm>> -> memref<1024xi32, #tpu.memory_space<hbm>>
    %dma_wait3A_1088 = tpu.memref_slice %arg2[%select_n3A_1011, %mul3A_1029] : memref<50x16384xi32, #tpu.memory_space<hbm>> -> memref<1x1024xi32, #tpu.memory_space<hbm>>
    %dma_wait3A_1089 = tpu.memref_squeeze %dma_wait3A_1088 : memref<1x1024xi32, #tpu.memory_space<hbm>> -> memref<1024xi32, #tpu.memory_space<hbm>>
    tpu.wait_dma2 semaphore(%arg14 : memref<!tpu.dma_semaphore, #tpu.memory_space<semaphore_mem>>) src(%dma_wait3A_1089 : memref<1024xi32, #tpu.memory_space<hbm>>) dst(%arg8 : memref<1024xi32, #tpu.memory_space<vmem>>)
    "tpu.region"() ({
      %run_scoped3A = tpu.sem_alloc : memref<!tpu.dma_semaphore, #tpu.memory_space<semaphore_mem>>
      %dma_start3A_2615 = arith.constant 0 : i32
      %dma_start3A_2616 = tpu.memref_slice %arg12[%dma_start3A_2615] : memref<4096xi32, #tpu.memory_space<vmem>> -> memref<1024xi32, #tpu.memory_space<vmem>>
      %dma_start3A_2617 = arith.constant 0 : i32
      %dma_start3A_2618 = tpu.memref_slice %arg6[%dma_start3A_2617] : memref<100352xi32, #tpu.memory_space<vmem_shared>> -> memref<100352xi32, #tpu.memory_space<vmem_shared>>
      tpu.enqueue_indirect_dma source(%dma_start3A_2616 : memref<1024xi32, #tpu.memory_space<vmem>>) target(%dma_start3A_2618 : memref<100352xi32, #tpu.memory_space<vmem_shared>>) offsets(%arg8 : memref<1024xi32, #tpu.memory_space<vmem>>) semaphore(%run_scoped3A : memref<!tpu.dma_semaphore, #tpu.memory_space<semaphore_mem>>) {add = true}
      %dma_wait3A_2619 = arith.constant 0 : i32
      %dma_wait3A_2620 = tpu.memref_slice %arg12[%dma_wait3A_2619] : memref<4096xi32, #tpu.memory_space<vmem>> -> memref<1024xi32, #tpu.memory_space<vmem>>
      %dma_wait3A_2621 = arith.constant 0 : i32
      %dma_wait3A_2622 = tpu.memref_slice %arg6[%dma_wait3A_2621] : memref<100352xi32, #tpu.memory_space<vmem_shared>> -> memref<100352xi32, #tpu.memory_space<vmem_shared>>
      tpu.wait_indirect_dma semaphore(%run_scoped3A : memref<!tpu.dma_semaphore, #tpu.memory_space<semaphore_mem>>) src(%dma_wait3A_2620 : memref<1024xi32, #tpu.memory_space<vmem>>) dst(%dma_wait3A_2622 : memref<100352xi32, #tpu.memory_space<vmem_shared>>)
      tpu.yield
    }) : () -> ()
    %add3A_1090 = arith.constant 20 : i32
    %add3A_1091 = arith.addi %mul3A_2, %add3A_1090 : i32
    %jit3A_1092 = arith.constant 16 : i32
    %div3A_1093 = arith.divsi %add3A_1091, %jit3A_1092 : i32
    %sign3A_1094 = arith.constant 0 : i32
    %sign3A_1095 = arith.cmpi sgt, %add3A_1091, %sign3A_1094 : i32
    %sign3A_1096 = arith.extui %sign3A_1095 : i1 to i32
    %sign3A_1097 = arith.constant 0 : i32
    %sign3A_1098 = arith.cmpi slt, %add3A_1091, %sign3A_1097 : i32
    %sign3A_1099 = arith.extui %sign3A_1098 : i1 to i32
    %sign3A_1100 = arith.subi %sign3A_1096, %sign3A_1099 : i32
    %sign3A_1101 = arith.constant 0 : i32
    %sign3A_1102 = arith.cmpi sgt, %jit3A_1092, %sign3A_1101 : i32
    %sign3A_1103 = arith.extui %sign3A_1102 : i1 to i32
    %sign3A_1104 = arith.constant 0 : i32
    %sign3A_1105 = arith.cmpi slt, %jit3A_1092, %sign3A_1104 : i32
    %sign3A_1106 = arith.extui %sign3A_1105 : i1 to i32
    %sign3A_1107 = arith.subi %sign3A_1103, %sign3A_1106 : i32
    %ne3A_1108 = arith.cmpi ne, %sign3A_1100, %sign3A_1107 : i32
    %rem3A_1109 = arith.remsi %add3A_1091, %jit3A_1092 : i32
    %ne3A_1110 = arith.constant 0 : i32
    %ne3A_1111 = arith.cmpi ne, %rem3A_1109, %ne3A_1110 : i32
    %and3A_1112 = arith.andi %ne3A_1108, %ne3A_1111 : i1
    %sub3A_1113 = arith.constant 1 : i32
    %sub3A_1114 = arith.subi %div3A_1093, %sub3A_1113 : i32
    %select_n3A_1115 = arith.select %and3A_1112, %sub3A_1114, %div3A_1093 : i32
    %jit3A_1116 = arith.constant 16 : i32
    %eq3A_1117 = arith.constant 0 : i32
    %eq3A_1118 = arith.cmpi eq, %jit3A_1116, %eq3A_1117 : i32
    %jit3A_1119 = arith.constant 1 : i32
    %select_n3A_1120 = arith.select %eq3A_1118, %jit3A_1119, %jit3A_1116 : i32
    %rem3A_1121 = arith.remsi %add3A_1091, %select_n3A_1120 : i32
    %ne3A_1122 = arith.constant 0 : i32
    %ne3A_1123 = arith.cmpi ne, %rem3A_1121, %ne3A_1122 : i32
    %lt3A_1124 = arith.constant 0 : i32
    %lt3A_1125 = arith.cmpi slt, %rem3A_1121, %lt3A_1124 : i32
    %lt3A_1126 = arith.constant 0 : i32
    %lt3A_1127 = arith.cmpi slt, %select_n3A_1120, %lt3A_1126 : i32
    %ne3A_1128 = arith.xori %lt3A_1125, %lt3A_1127 : i1
    %and3A_1129 = arith.andi %ne3A_1128, %ne3A_1123 : i1
    %add3A_1130 = arith.addi %rem3A_1121, %select_n3A_1120 : i32
    %select_n3A_1131 = arith.select %and3A_1129, %add3A_1130, %rem3A_1121 : i32
    %mul3A_1132 = arith.constant 1024 : i32
    %mul3A_1133 = arith.muli %select_n3A_1131, %mul3A_1132 : i32
    %dma_start3A_1134 = tpu.memref_slice %arg2[%select_n3A_1115, %mul3A_1133] : memref<50x16384xi32, #tpu.memory_space<hbm>> -> memref<1x1024xi32, #tpu.memory_space<hbm>>
    %dma_start3A_1135 = tpu.memref_squeeze %dma_start3A_1134 : memref<1x1024xi32, #tpu.memory_space<hbm>> -> memref<1024xi32, #tpu.memory_space<hbm>>
    %dma_start3A_1136 = tpu.memref_slice %arg2[%select_n3A_1115, %mul3A_1133] : memref<50x16384xi32, #tpu.memory_space<hbm>> -> memref<1x1024xi32, #tpu.memory_space<hbm>>
    %dma_start3A_1137 = tpu.memref_squeeze %dma_start3A_1136 : memref<1x1024xi32, #tpu.memory_space<hbm>> -> memref<1024xi32, #tpu.memory_space<hbm>>
    tpu.enqueue_dma source(%dma_start3A_1137 : memref<1024xi32, #tpu.memory_space<hbm>>) target(%arg8 : memref<1024xi32, #tpu.memory_space<vmem>>) target_semaphore(%arg14 : memref<!tpu.dma_semaphore, #tpu.memory_space<semaphore_mem>>)
    %dma_wait3A_1138 = tpu.memref_slice %arg2[%select_n3A_1063, %mul3A_1081] : memref<50x16384xi32, #tpu.memory_space<hbm>> -> memref<1x1024xi32, #tpu.memory_space<hbm>>
    %dma_wait3A_1139 = tpu.memref_squeeze %dma_wait3A_1138 : memref<1x1024xi32, #tpu.memory_space<hbm>> -> memref<1024xi32, #tpu.memory_space<hbm>>
    %dma_wait3A_1140 = tpu.memref_slice %arg2[%select_n3A_1063, %mul3A_1081] : memref<50x16384xi32, #tpu.memory_space<hbm>> -> memref<1x1024xi32, #tpu.memory_space<hbm>>
    %dma_wait3A_1141 = tpu.memref_squeeze %dma_wait3A_1140 : memref<1x1024xi32, #tpu.memory_space<hbm>> -> memref<1024xi32, #tpu.memory_space<hbm>>
    tpu.wait_dma2 semaphore(%arg15 : memref<!tpu.dma_semaphore, #tpu.memory_space<semaphore_mem>>) src(%dma_wait3A_1141 : memref<1024xi32, #tpu.memory_space<hbm>>) dst(%arg9 : memref<1024xi32, #tpu.memory_space<vmem>>)
    "tpu.region"() ({
      %run_scoped3A = tpu.sem_alloc : memref<!tpu.dma_semaphore, #tpu.memory_space<semaphore_mem>>
      %dma_start3A_2615 = arith.constant 0 : i32
      %dma_start3A_2616 = tpu.memref_slice %arg12[%dma_start3A_2615] : memref<4096xi32, #tpu.memory_space<vmem>> -> memref<1024xi32, #tpu.memory_space<vmem>>
      %dma_start3A_2617 = arith.constant 0 : i32
      %dma_start3A_2618 = tpu.memref_slice %arg6[%dma_start3A_2617] : memref<100352xi32, #tpu.memory_space<vmem_shared>> -> memref<100352xi32, #tpu.memory_space<vmem_shared>>
      tpu.enqueue_indirect_dma source(%dma_start3A_2616 : memref<1024xi32, #tpu.memory_space<vmem>>) target(%dma_start3A_2618 : memref<100352xi32, #tpu.memory_space<vmem_shared>>) offsets(%arg9 : memref<1024xi32, #tpu.memory_space<vmem>>) semaphore(%run_scoped3A : memref<!tpu.dma_semaphore, #tpu.memory_space<semaphore_mem>>) {add = true}
      %dma_wait3A_2619 = arith.constant 0 : i32
      %dma_wait3A_2620 = tpu.memref_slice %arg12[%dma_wait3A_2619] : memref<4096xi32, #tpu.memory_space<vmem>> -> memref<1024xi32, #tpu.memory_space<vmem>>
      %dma_wait3A_2621 = arith.constant 0 : i32
      %dma_wait3A_2622 = tpu.memref_slice %arg6[%dma_wait3A_2621] : memref<100352xi32, #tpu.memory_space<vmem_shared>> -> memref<100352xi32, #tpu.memory_space<vmem_shared>>
      tpu.wait_indirect_dma semaphore(%run_scoped3A : memref<!tpu.dma_semaphore, #tpu.memory_space<semaphore_mem>>) src(%dma_wait3A_2620 : memref<1024xi32, #tpu.memory_space<vmem>>) dst(%dma_wait3A_2622 : memref<100352xi32, #tpu.memory_space<vmem_shared>>)
      tpu.yield
    }) : () -> ()
    %add3A_1142 = arith.constant 21 : i32
    %add3A_1143 = arith.addi %mul3A_2, %add3A_1142 : i32
    %jit3A_1144 = arith.constant 16 : i32
    %div3A_1145 = arith.divsi %add3A_1143, %jit3A_1144 : i32
    %sign3A_1146 = arith.constant 0 : i32
    %sign3A_1147 = arith.cmpi sgt, %add3A_1143, %sign3A_1146 : i32
    %sign3A_1148 = arith.extui %sign3A_1147 : i1 to i32
    %sign3A_1149 = arith.constant 0 : i32
    %sign3A_1150 = arith.cmpi slt, %add3A_1143, %sign3A_1149 : i32
    %sign3A_1151 = arith.extui %sign3A_1150 : i1 to i32
    %sign3A_1152 = arith.subi %sign3A_1148, %sign3A_1151 : i32
    %sign3A_1153 = arith.constant 0 : i32
    %sign3A_1154 = arith.cmpi sgt, %jit3A_1144, %sign3A_1153 : i32
    %sign3A_1155 = arith.extui %sign3A_1154 : i1 to i32
    %sign3A_1156 = arith.constant 0 : i32
    %sign3A_1157 = arith.cmpi slt, %jit3A_1144, %sign3A_1156 : i32
    %sign3A_1158 = arith.extui %sign3A_1157 : i1 to i32
    %sign3A_1159 = arith.subi %sign3A_1155, %sign3A_1158 : i32
    %ne3A_1160 = arith.cmpi ne, %sign3A_1152, %sign3A_1159 : i32
    %rem3A_1161 = arith.remsi %add3A_1143, %jit3A_1144 : i32
    %ne3A_1162 = arith.constant 0 : i32
    %ne3A_1163 = arith.cmpi ne, %rem3A_1161, %ne3A_1162 : i32
    %and3A_1164 = arith.andi %ne3A_1160, %ne3A_1163 : i1
    %sub3A_1165 = arith.constant 1 : i32
    %sub3A_1166 = arith.subi %div3A_1145, %sub3A_1165 : i32
    %select_n3A_1167 = arith.select %and3A_1164, %sub3A_1166, %div3A_1145 : i32
    %jit3A_1168 = arith.constant 16 : i32
    %eq3A_1169 = arith.constant 0 : i32
    %eq3A_1170 = arith.cmpi eq, %jit3A_1168, %eq3A_1169 : i32
    %jit3A_1171 = arith.constant 1 : i32
    %select_n3A_1172 = arith.select %eq3A_1170, %jit3A_1171, %jit3A_1168 : i32
    %rem3A_1173 = arith.remsi %add3A_1143, %select_n3A_1172 : i32
    %ne3A_1174 = arith.constant 0 : i32
    %ne3A_1175 = arith.cmpi ne, %rem3A_1173, %ne3A_1174 : i32
    %lt3A_1176 = arith.constant 0 : i32
    %lt3A_1177 = arith.cmpi slt, %rem3A_1173, %lt3A_1176 : i32
    %lt3A_1178 = arith.constant 0 : i32
    %lt3A_1179 = arith.cmpi slt, %select_n3A_1172, %lt3A_1178 : i32
    %ne3A_1180 = arith.xori %lt3A_1177, %lt3A_1179 : i1
    %and3A_1181 = arith.andi %ne3A_1180, %ne3A_1175 : i1
    %add3A_1182 = arith.addi %rem3A_1173, %select_n3A_1172 : i32
    %select_n3A_1183 = arith.select %and3A_1181, %add3A_1182, %rem3A_1173 : i32
    %mul3A_1184 = arith.constant 1024 : i32
    %mul3A_1185 = arith.muli %select_n3A_1183, %mul3A_1184 : i32
    %dma_start3A_1186 = tpu.memref_slice %arg2[%select_n3A_1167, %mul3A_1185] : memref<50x16384xi32, #tpu.memory_space<hbm>> -> memref<1x1024xi32, #tpu.memory_space<hbm>>
    %dma_start3A_1187 = tpu.memref_squeeze %dma_start3A_1186 : memref<1x1024xi32, #tpu.memory_space<hbm>> -> memref<1024xi32, #tpu.memory_space<hbm>>
    %dma_start3A_1188 = tpu.memref_slice %arg2[%select_n3A_1167, %mul3A_1185] : memref<50x16384xi32, #tpu.memory_space<hbm>> -> memref<1x1024xi32, #tpu.memory_space<hbm>>
    %dma_start3A_1189 = tpu.memref_squeeze %dma_start3A_1188 : memref<1x1024xi32, #tpu.memory_space<hbm>> -> memref<1024xi32, #tpu.memory_space<hbm>>
    tpu.enqueue_dma source(%dma_start3A_1189 : memref<1024xi32, #tpu.memory_space<hbm>>) target(%arg9 : memref<1024xi32, #tpu.memory_space<vmem>>) target_semaphore(%arg15 : memref<!tpu.dma_semaphore, #tpu.memory_space<semaphore_mem>>)
    %dma_wait3A_1190 = tpu.memref_slice %arg2[%select_n3A_1115, %mul3A_1133] : memref<50x16384xi32, #tpu.memory_space<hbm>> -> memref<1x1024xi32, #tpu.memory_space<hbm>>
    %dma_wait3A_1191 = tpu.memref_squeeze %dma_wait3A_1190 : memref<1x1024xi32, #tpu.memory_space<hbm>> -> memref<1024xi32, #tpu.memory_space<hbm>>
    %dma_wait3A_1192 = tpu.memref_slice %arg2[%select_n3A_1115, %mul3A_1133] : memref<50x16384xi32, #tpu.memory_space<hbm>> -> memref<1x1024xi32, #tpu.memory_space<hbm>>
    %dma_wait3A_1193 = tpu.memref_squeeze %dma_wait3A_1192 : memref<1x1024xi32, #tpu.memory_space<hbm>> -> memref<1024xi32, #tpu.memory_space<hbm>>
    tpu.wait_dma2 semaphore(%arg14 : memref<!tpu.dma_semaphore, #tpu.memory_space<semaphore_mem>>) src(%dma_wait3A_1193 : memref<1024xi32, #tpu.memory_space<hbm>>) dst(%arg8 : memref<1024xi32, #tpu.memory_space<vmem>>)
    "tpu.region"() ({
      %run_scoped3A = tpu.sem_alloc : memref<!tpu.dma_semaphore, #tpu.memory_space<semaphore_mem>>
      %dma_start3A_2615 = arith.constant 0 : i32
      %dma_start3A_2616 = tpu.memref_slice %arg12[%dma_start3A_2615] : memref<4096xi32, #tpu.memory_space<vmem>> -> memref<1024xi32, #tpu.memory_space<vmem>>
      %dma_start3A_2617 = arith.constant 0 : i32
      %dma_start3A_2618 = tpu.memref_slice %arg6[%dma_start3A_2617] : memref<100352xi32, #tpu.memory_space<vmem_shared>> -> memref<100352xi32, #tpu.memory_space<vmem_shared>>
      tpu.enqueue_indirect_dma source(%dma_start3A_2616 : memref<1024xi32, #tpu.memory_space<vmem>>) target(%dma_start3A_2618 : memref<100352xi32, #tpu.memory_space<vmem_shared>>) offsets(%arg8 : memref<1024xi32, #tpu.memory_space<vmem>>) semaphore(%run_scoped3A : memref<!tpu.dma_semaphore, #tpu.memory_space<semaphore_mem>>) {add = true}
      %dma_wait3A_2619 = arith.constant 0 : i32
      %dma_wait3A_2620 = tpu.memref_slice %arg12[%dma_wait3A_2619] : memref<4096xi32, #tpu.memory_space<vmem>> -> memref<1024xi32, #tpu.memory_space<vmem>>
      %dma_wait3A_2621 = arith.constant 0 : i32
      %dma_wait3A_2622 = tpu.memref_slice %arg6[%dma_wait3A_2621] : memref<100352xi32, #tpu.memory_space<vmem_shared>> -> memref<100352xi32, #tpu.memory_space<vmem_shared>>
      tpu.wait_indirect_dma semaphore(%run_scoped3A : memref<!tpu.dma_semaphore, #tpu.memory_space<semaphore_mem>>) src(%dma_wait3A_2620 : memref<1024xi32, #tpu.memory_space<vmem>>) dst(%dma_wait3A_2622 : memref<100352xi32, #tpu.memory_space<vmem_shared>>)
      tpu.yield
    }) : () -> ()
    %add3A_1194 = arith.constant 22 : i32
    %add3A_1195 = arith.addi %mul3A_2, %add3A_1194 : i32
    %jit3A_1196 = arith.constant 16 : i32
    %div3A_1197 = arith.divsi %add3A_1195, %jit3A_1196 : i32
    %sign3A_1198 = arith.constant 0 : i32
    %sign3A_1199 = arith.cmpi sgt, %add3A_1195, %sign3A_1198 : i32
    %sign3A_1200 = arith.extui %sign3A_1199 : i1 to i32
    %sign3A_1201 = arith.constant 0 : i32
    %sign3A_1202 = arith.cmpi slt, %add3A_1195, %sign3A_1201 : i32
    %sign3A_1203 = arith.extui %sign3A_1202 : i1 to i32
    %sign3A_1204 = arith.subi %sign3A_1200, %sign3A_1203 : i32
    %sign3A_1205 = arith.constant 0 : i32
    %sign3A_1206 = arith.cmpi sgt, %jit3A_1196, %sign3A_1205 : i32
    %sign3A_1207 = arith.extui %sign3A_1206 : i1 to i32
    %sign3A_1208 = arith.constant 0 : i32
    %sign3A_1209 = arith.cmpi slt, %jit3A_1196, %sign3A_1208 : i32
    %sign3A_1210 = arith.extui %sign3A_1209 : i1 to i32
    %sign3A_1211 = arith.subi %sign3A_1207, %sign3A_1210 : i32
    %ne3A_1212 = arith.cmpi ne, %sign3A_1204, %sign3A_1211 : i32
    %rem3A_1213 = arith.remsi %add3A_1195, %jit3A_1196 : i32
    %ne3A_1214 = arith.constant 0 : i32
    %ne3A_1215 = arith.cmpi ne, %rem3A_1213, %ne3A_1214 : i32
    %and3A_1216 = arith.andi %ne3A_1212, %ne3A_1215 : i1
    %sub3A_1217 = arith.constant 1 : i32
    %sub3A_1218 = arith.subi %div3A_1197, %sub3A_1217 : i32
    %select_n3A_1219 = arith.select %and3A_1216, %sub3A_1218, %div3A_1197 : i32
    %jit3A_1220 = arith.constant 16 : i32
    %eq3A_1221 = arith.constant 0 : i32
    %eq3A_1222 = arith.cmpi eq, %jit3A_1220, %eq3A_1221 : i32
    %jit3A_1223 = arith.constant 1 : i32
    %select_n3A_1224 = arith.select %eq3A_1222, %jit3A_1223, %jit3A_1220 : i32
    %rem3A_1225 = arith.remsi %add3A_1195, %select_n3A_1224 : i32
    %ne3A_1226 = arith.constant 0 : i32
    %ne3A_1227 = arith.cmpi ne, %rem3A_1225, %ne3A_1226 : i32
    %lt3A_1228 = arith.constant 0 : i32
    %lt3A_1229 = arith.cmpi slt, %rem3A_1225, %lt3A_1228 : i32
    %lt3A_1230 = arith.constant 0 : i32
    %lt3A_1231 = arith.cmpi slt, %select_n3A_1224, %lt3A_1230 : i32
    %ne3A_1232 = arith.xori %lt3A_1229, %lt3A_1231 : i1
    %and3A_1233 = arith.andi %ne3A_1232, %ne3A_1227 : i1
    %add3A_1234 = arith.addi %rem3A_1225, %select_n3A_1224 : i32
    %select_n3A_1235 = arith.select %and3A_1233, %add3A_1234, %rem3A_1225 : i32
    %mul3A_1236 = arith.constant 1024 : i32
    %mul3A_1237 = arith.muli %select_n3A_1235, %mul3A_1236 : i32
    %dma_start3A_1238 = tpu.memref_slice %arg2[%select_n3A_1219, %mul3A_1237] : memref<50x16384xi32, #tpu.memory_space<hbm>> -> memref<1x1024xi32, #tpu.memory_space<hbm>>
    %dma_start3A_1239 = tpu.memref_squeeze %dma_start3A_1238 : memref<1x1024xi32, #tpu.memory_space<hbm>> -> memref<1024xi32, #tpu.memory_space<hbm>>
    %dma_start3A_1240 = tpu.memref_slice %arg2[%select_n3A_1219, %mul3A_1237] : memref<50x16384xi32, #tpu.memory_space<hbm>> -> memref<1x1024xi32, #tpu.memory_space<hbm>>
    %dma_start3A_1241 = tpu.memref_squeeze %dma_start3A_1240 : memref<1x1024xi32, #tpu.memory_space<hbm>> -> memref<1024xi32, #tpu.memory_space<hbm>>
    tpu.enqueue_dma source(%dma_start3A_1241 : memref<1024xi32, #tpu.memory_space<hbm>>) target(%arg8 : memref<1024xi32, #tpu.memory_space<vmem>>) target_semaphore(%arg14 : memref<!tpu.dma_semaphore, #tpu.memory_space<semaphore_mem>>)
    %dma_wait3A_1242 = tpu.memref_slice %arg2[%select_n3A_1167, %mul3A_1185] : memref<50x16384xi32, #tpu.memory_space<hbm>> -> memref<1x1024xi32, #tpu.memory_space<hbm>>
    %dma_wait3A_1243 = tpu.memref_squeeze %dma_wait3A_1242 : memref<1x1024xi32, #tpu.memory_space<hbm>> -> memref<1024xi32, #tpu.memory_space<hbm>>
    %dma_wait3A_1244 = tpu.memref_slice %arg2[%select_n3A_1167, %mul3A_1185] : memref<50x16384xi32, #tpu.memory_space<hbm>> -> memref<1x1024xi32, #tpu.memory_space<hbm>>
    %dma_wait3A_1245 = tpu.memref_squeeze %dma_wait3A_1244 : memref<1x1024xi32, #tpu.memory_space<hbm>> -> memref<1024xi32, #tpu.memory_space<hbm>>
    tpu.wait_dma2 semaphore(%arg15 : memref<!tpu.dma_semaphore, #tpu.memory_space<semaphore_mem>>) src(%dma_wait3A_1245 : memref<1024xi32, #tpu.memory_space<hbm>>) dst(%arg9 : memref<1024xi32, #tpu.memory_space<vmem>>)
    "tpu.region"() ({
      %run_scoped3A = tpu.sem_alloc : memref<!tpu.dma_semaphore, #tpu.memory_space<semaphore_mem>>
      %dma_start3A_2615 = arith.constant 0 : i32
      %dma_start3A_2616 = tpu.memref_slice %arg12[%dma_start3A_2615] : memref<4096xi32, #tpu.memory_space<vmem>> -> memref<1024xi32, #tpu.memory_space<vmem>>
      %dma_start3A_2617 = arith.constant 0 : i32
      %dma_start3A_2618 = tpu.memref_slice %arg6[%dma_start3A_2617] : memref<100352xi32, #tpu.memory_space<vmem_shared>> -> memref<100352xi32, #tpu.memory_space<vmem_shared>>
      tpu.enqueue_indirect_dma source(%dma_start3A_2616 : memref<1024xi32, #tpu.memory_space<vmem>>) target(%dma_start3A_2618 : memref<100352xi32, #tpu.memory_space<vmem_shared>>) offsets(%arg9 : memref<1024xi32, #tpu.memory_space<vmem>>) semaphore(%run_scoped3A : memref<!tpu.dma_semaphore, #tpu.memory_space<semaphore_mem>>) {add = true}
      %dma_wait3A_2619 = arith.constant 0 : i32
      %dma_wait3A_2620 = tpu.memref_slice %arg12[%dma_wait3A_2619] : memref<4096xi32, #tpu.memory_space<vmem>> -> memref<1024xi32, #tpu.memory_space<vmem>>
      %dma_wait3A_2621 = arith.constant 0 : i32
      %dma_wait3A_2622 = tpu.memref_slice %arg6[%dma_wait3A_2621] : memref<100352xi32, #tpu.memory_space<vmem_shared>> -> memref<100352xi32, #tpu.memory_space<vmem_shared>>
      tpu.wait_indirect_dma semaphore(%run_scoped3A : memref<!tpu.dma_semaphore, #tpu.memory_space<semaphore_mem>>) src(%dma_wait3A_2620 : memref<1024xi32, #tpu.memory_space<vmem>>) dst(%dma_wait3A_2622 : memref<100352xi32, #tpu.memory_space<vmem_shared>>)
      tpu.yield
    }) : () -> ()
    %add3A_1246 = arith.constant 23 : i32
    %add3A_1247 = arith.addi %mul3A_2, %add3A_1246 : i32
    %jit3A_1248 = arith.constant 16 : i32
    %div3A_1249 = arith.divsi %add3A_1247, %jit3A_1248 : i32
    %sign3A_1250 = arith.constant 0 : i32
    %sign3A_1251 = arith.cmpi sgt, %add3A_1247, %sign3A_1250 : i32
    %sign3A_1252 = arith.extui %sign3A_1251 : i1 to i32
    %sign3A_1253 = arith.constant 0 : i32
    %sign3A_1254 = arith.cmpi slt, %add3A_1247, %sign3A_1253 : i32
    %sign3A_1255 = arith.extui %sign3A_1254 : i1 to i32
    %sign3A_1256 = arith.subi %sign3A_1252, %sign3A_1255 : i32
    %sign3A_1257 = arith.constant 0 : i32
    %sign3A_1258 = arith.cmpi sgt, %jit3A_1248, %sign3A_1257 : i32
    %sign3A_1259 = arith.extui %sign3A_1258 : i1 to i32
    %sign3A_1260 = arith.constant 0 : i32
    %sign3A_1261 = arith.cmpi slt, %jit3A_1248, %sign3A_1260 : i32
    %sign3A_1262 = arith.extui %sign3A_1261 : i1 to i32
    %sign3A_1263 = arith.subi %sign3A_1259, %sign3A_1262 : i32
    %ne3A_1264 = arith.cmpi ne, %sign3A_1256, %sign3A_1263 : i32
    %rem3A_1265 = arith.remsi %add3A_1247, %jit3A_1248 : i32
    %ne3A_1266 = arith.constant 0 : i32
    %ne3A_1267 = arith.cmpi ne, %rem3A_1265, %ne3A_1266 : i32
    %and3A_1268 = arith.andi %ne3A_1264, %ne3A_1267 : i1
    %sub3A_1269 = arith.constant 1 : i32
    %sub3A_1270 = arith.subi %div3A_1249, %sub3A_1269 : i32
    %select_n3A_1271 = arith.select %and3A_1268, %sub3A_1270, %div3A_1249 : i32
    %jit3A_1272 = arith.constant 16 : i32
    %eq3A_1273 = arith.constant 0 : i32
    %eq3A_1274 = arith.cmpi eq, %jit3A_1272, %eq3A_1273 : i32
    %jit3A_1275 = arith.constant 1 : i32
    %select_n3A_1276 = arith.select %eq3A_1274, %jit3A_1275, %jit3A_1272 : i32
    %rem3A_1277 = arith.remsi %add3A_1247, %select_n3A_1276 : i32
    %ne3A_1278 = arith.constant 0 : i32
    %ne3A_1279 = arith.cmpi ne, %rem3A_1277, %ne3A_1278 : i32
    %lt3A_1280 = arith.constant 0 : i32
    %lt3A_1281 = arith.cmpi slt, %rem3A_1277, %lt3A_1280 : i32
    %lt3A_1282 = arith.constant 0 : i32
    %lt3A_1283 = arith.cmpi slt, %select_n3A_1276, %lt3A_1282 : i32
    %ne3A_1284 = arith.xori %lt3A_1281, %lt3A_1283 : i1
    %and3A_1285 = arith.andi %ne3A_1284, %ne3A_1279 : i1
    %add3A_1286 = arith.addi %rem3A_1277, %select_n3A_1276 : i32
    %select_n3A_1287 = arith.select %and3A_1285, %add3A_1286, %rem3A_1277 : i32
    %mul3A_1288 = arith.constant 1024 : i32
    %mul3A_1289 = arith.muli %select_n3A_1287, %mul3A_1288 : i32
    %dma_start3A_1290 = tpu.memref_slice %arg2[%select_n3A_1271, %mul3A_1289] : memref<50x16384xi32, #tpu.memory_space<hbm>> -> memref<1x1024xi32, #tpu.memory_space<hbm>>
    %dma_start3A_1291 = tpu.memref_squeeze %dma_start3A_1290 : memref<1x1024xi32, #tpu.memory_space<hbm>> -> memref<1024xi32, #tpu.memory_space<hbm>>
    %dma_start3A_1292 = tpu.memref_slice %arg2[%select_n3A_1271, %mul3A_1289] : memref<50x16384xi32, #tpu.memory_space<hbm>> -> memref<1x1024xi32, #tpu.memory_space<hbm>>
    %dma_start3A_1293 = tpu.memref_squeeze %dma_start3A_1292 : memref<1x1024xi32, #tpu.memory_space<hbm>> -> memref<1024xi32, #tpu.memory_space<hbm>>
    tpu.enqueue_dma source(%dma_start3A_1293 : memref<1024xi32, #tpu.memory_space<hbm>>) target(%arg9 : memref<1024xi32, #tpu.memory_space<vmem>>) target_semaphore(%arg15 : memref<!tpu.dma_semaphore, #tpu.memory_space<semaphore_mem>>)
    %dma_wait3A_1294 = tpu.memref_slice %arg2[%select_n3A_1219, %mul3A_1237] : memref<50x16384xi32, #tpu.memory_space<hbm>> -> memref<1x1024xi32, #tpu.memory_space<hbm>>
    %dma_wait3A_1295 = tpu.memref_squeeze %dma_wait3A_1294 : memref<1x1024xi32, #tpu.memory_space<hbm>> -> memref<1024xi32, #tpu.memory_space<hbm>>
    %dma_wait3A_1296 = tpu.memref_slice %arg2[%select_n3A_1219, %mul3A_1237] : memref<50x16384xi32, #tpu.memory_space<hbm>> -> memref<1x1024xi32, #tpu.memory_space<hbm>>
    %dma_wait3A_1297 = tpu.memref_squeeze %dma_wait3A_1296 : memref<1x1024xi32, #tpu.memory_space<hbm>> -> memref<1024xi32, #tpu.memory_space<hbm>>
    tpu.wait_dma2 semaphore(%arg14 : memref<!tpu.dma_semaphore, #tpu.memory_space<semaphore_mem>>) src(%dma_wait3A_1297 : memref<1024xi32, #tpu.memory_space<hbm>>) dst(%arg8 : memref<1024xi32, #tpu.memory_space<vmem>>)
    "tpu.region"() ({
      %run_scoped3A = tpu.sem_alloc : memref<!tpu.dma_semaphore, #tpu.memory_space<semaphore_mem>>
      %dma_start3A_2615 = arith.constant 0 : i32
      %dma_start3A_2616 = tpu.memref_slice %arg12[%dma_start3A_2615] : memref<4096xi32, #tpu.memory_space<vmem>> -> memref<1024xi32, #tpu.memory_space<vmem>>
      %dma_start3A_2617 = arith.constant 0 : i32
      %dma_start3A_2618 = tpu.memref_slice %arg6[%dma_start3A_2617] : memref<100352xi32, #tpu.memory_space<vmem_shared>> -> memref<100352xi32, #tpu.memory_space<vmem_shared>>
      tpu.enqueue_indirect_dma source(%dma_start3A_2616 : memref<1024xi32, #tpu.memory_space<vmem>>) target(%dma_start3A_2618 : memref<100352xi32, #tpu.memory_space<vmem_shared>>) offsets(%arg8 : memref<1024xi32, #tpu.memory_space<vmem>>) semaphore(%run_scoped3A : memref<!tpu.dma_semaphore, #tpu.memory_space<semaphore_mem>>) {add = true}
      %dma_wait3A_2619 = arith.constant 0 : i32
      %dma_wait3A_2620 = tpu.memref_slice %arg12[%dma_wait3A_2619] : memref<4096xi32, #tpu.memory_space<vmem>> -> memref<1024xi32, #tpu.memory_space<vmem>>
      %dma_wait3A_2621 = arith.constant 0 : i32
      %dma_wait3A_2622 = tpu.memref_slice %arg6[%dma_wait3A_2621] : memref<100352xi32, #tpu.memory_space<vmem_shared>> -> memref<100352xi32, #tpu.memory_space<vmem_shared>>
      tpu.wait_indirect_dma semaphore(%run_scoped3A : memref<!tpu.dma_semaphore, #tpu.memory_space<semaphore_mem>>) src(%dma_wait3A_2620 : memref<1024xi32, #tpu.memory_space<vmem>>) dst(%dma_wait3A_2622 : memref<100352xi32, #tpu.memory_space<vmem_shared>>)
      tpu.yield
    }) : () -> ()
    %add3A_1298 = arith.constant 24 : i32
    %add3A_1299 = arith.addi %mul3A_2, %add3A_1298 : i32
    %jit3A_1300 = arith.constant 16 : i32
    %div3A_1301 = arith.divsi %add3A_1299, %jit3A_1300 : i32
    %sign3A_1302 = arith.constant 0 : i32
    %sign3A_1303 = arith.cmpi sgt, %add3A_1299, %sign3A_1302 : i32
    %sign3A_1304 = arith.extui %sign3A_1303 : i1 to i32
    %sign3A_1305 = arith.constant 0 : i32
    %sign3A_1306 = arith.cmpi slt, %add3A_1299, %sign3A_1305 : i32
    %sign3A_1307 = arith.extui %sign3A_1306 : i1 to i32
    %sign3A_1308 = arith.subi %sign3A_1304, %sign3A_1307 : i32
    %sign3A_1309 = arith.constant 0 : i32
    %sign3A_1310 = arith.cmpi sgt, %jit3A_1300, %sign3A_1309 : i32
    %sign3A_1311 = arith.extui %sign3A_1310 : i1 to i32
    %sign3A_1312 = arith.constant 0 : i32
    %sign3A_1313 = arith.cmpi slt, %jit3A_1300, %sign3A_1312 : i32
    %sign3A_1314 = arith.extui %sign3A_1313 : i1 to i32
    %sign3A_1315 = arith.subi %sign3A_1311, %sign3A_1314 : i32
    %ne3A_1316 = arith.cmpi ne, %sign3A_1308, %sign3A_1315 : i32
    %rem3A_1317 = arith.remsi %add3A_1299, %jit3A_1300 : i32
    %ne3A_1318 = arith.constant 0 : i32
    %ne3A_1319 = arith.cmpi ne, %rem3A_1317, %ne3A_1318 : i32
    %and3A_1320 = arith.andi %ne3A_1316, %ne3A_1319 : i1
    %sub3A_1321 = arith.constant 1 : i32
    %sub3A_1322 = arith.subi %div3A_1301, %sub3A_1321 : i32
    %select_n3A_1323 = arith.select %and3A_1320, %sub3A_1322, %div3A_1301 : i32
    %jit3A_1324 = arith.constant 16 : i32
    %eq3A_1325 = arith.constant 0 : i32
    %eq3A_1326 = arith.cmpi eq, %jit3A_1324, %eq3A_1325 : i32
    %jit3A_1327 = arith.constant 1 : i32
    %select_n3A_1328 = arith.select %eq3A_1326, %jit3A_1327, %jit3A_1324 : i32
    %rem3A_1329 = arith.remsi %add3A_1299, %select_n3A_1328 : i32
    %ne3A_1330 = arith.constant 0 : i32
    %ne3A_1331 = arith.cmpi ne, %rem3A_1329, %ne3A_1330 : i32
    %lt3A_1332 = arith.constant 0 : i32
    %lt3A_1333 = arith.cmpi slt, %rem3A_1329, %lt3A_1332 : i32
    %lt3A_1334 = arith.constant 0 : i32
    %lt3A_1335 = arith.cmpi slt, %select_n3A_1328, %lt3A_1334 : i32
    %ne3A_1336 = arith.xori %lt3A_1333, %lt3A_1335 : i1
    %and3A_1337 = arith.andi %ne3A_1336, %ne3A_1331 : i1
    %add3A_1338 = arith.addi %rem3A_1329, %select_n3A_1328 : i32
    %select_n3A_1339 = arith.select %and3A_1337, %add3A_1338, %rem3A_1329 : i32
    %mul3A_1340 = arith.constant 1024 : i32
    %mul3A_1341 = arith.muli %select_n3A_1339, %mul3A_1340 : i32
    %dma_start3A_1342 = tpu.memref_slice %arg2[%select_n3A_1323, %mul3A_1341] : memref<50x16384xi32, #tpu.memory_space<hbm>> -> memref<1x1024xi32, #tpu.memory_space<hbm>>
    %dma_start3A_1343 = tpu.memref_squeeze %dma_start3A_1342 : memref<1x1024xi32, #tpu.memory_space<hbm>> -> memref<1024xi32, #tpu.memory_space<hbm>>
    %dma_start3A_1344 = tpu.memref_slice %arg2[%select_n3A_1323, %mul3A_1341] : memref<50x16384xi32, #tpu.memory_space<hbm>> -> memref<1x1024xi32, #tpu.memory_space<hbm>>
    %dma_start3A_1345 = tpu.memref_squeeze %dma_start3A_1344 : memref<1x1024xi32, #tpu.memory_space<hbm>> -> memref<1024xi32, #tpu.memory_space<hbm>>
    tpu.enqueue_dma source(%dma_start3A_1345 : memref<1024xi32, #tpu.memory_space<hbm>>) target(%arg8 : memref<1024xi32, #tpu.memory_space<vmem>>) target_semaphore(%arg14 : memref<!tpu.dma_semaphore, #tpu.memory_space<semaphore_mem>>)
    %dma_wait3A_1346 = tpu.memref_slice %arg2[%select_n3A_1271, %mul3A_1289] : memref<50x16384xi32, #tpu.memory_space<hbm>> -> memref<1x1024xi32, #tpu.memory_space<hbm>>
    %dma_wait3A_1347 = tpu.memref_squeeze %dma_wait3A_1346 : memref<1x1024xi32, #tpu.memory_space<hbm>> -> memref<1024xi32, #tpu.memory_space<hbm>>
    %dma_wait3A_1348 = tpu.memref_slice %arg2[%select_n3A_1271, %mul3A_1289] : memref<50x16384xi32, #tpu.memory_space<hbm>> -> memref<1x1024xi32, #tpu.memory_space<hbm>>
    %dma_wait3A_1349 = tpu.memref_squeeze %dma_wait3A_1348 : memref<1x1024xi32, #tpu.memory_space<hbm>> -> memref<1024xi32, #tpu.memory_space<hbm>>
    tpu.wait_dma2 semaphore(%arg15 : memref<!tpu.dma_semaphore, #tpu.memory_space<semaphore_mem>>) src(%dma_wait3A_1349 : memref<1024xi32, #tpu.memory_space<hbm>>) dst(%arg9 : memref<1024xi32, #tpu.memory_space<vmem>>)
    "tpu.region"() ({
      %run_scoped3A = tpu.sem_alloc : memref<!tpu.dma_semaphore, #tpu.memory_space<semaphore_mem>>
      %dma_start3A_2615 = arith.constant 0 : i32
      %dma_start3A_2616 = tpu.memref_slice %arg12[%dma_start3A_2615] : memref<4096xi32, #tpu.memory_space<vmem>> -> memref<1024xi32, #tpu.memory_space<vmem>>
      %dma_start3A_2617 = arith.constant 0 : i32
      %dma_start3A_2618 = tpu.memref_slice %arg6[%dma_start3A_2617] : memref<100352xi32, #tpu.memory_space<vmem_shared>> -> memref<100352xi32, #tpu.memory_space<vmem_shared>>
      tpu.enqueue_indirect_dma source(%dma_start3A_2616 : memref<1024xi32, #tpu.memory_space<vmem>>) target(%dma_start3A_2618 : memref<100352xi32, #tpu.memory_space<vmem_shared>>) offsets(%arg9 : memref<1024xi32, #tpu.memory_space<vmem>>) semaphore(%run_scoped3A : memref<!tpu.dma_semaphore, #tpu.memory_space<semaphore_mem>>) {add = true}
      %dma_wait3A_2619 = arith.constant 0 : i32
      %dma_wait3A_2620 = tpu.memref_slice %arg12[%dma_wait3A_2619] : memref<4096xi32, #tpu.memory_space<vmem>> -> memref<1024xi32, #tpu.memory_space<vmem>>
      %dma_wait3A_2621 = arith.constant 0 : i32
      %dma_wait3A_2622 = tpu.memref_slice %arg6[%dma_wait3A_2621] : memref<100352xi32, #tpu.memory_space<vmem_shared>> -> memref<100352xi32, #tpu.memory_space<vmem_shared>>
      tpu.wait_indirect_dma semaphore(%run_scoped3A : memref<!tpu.dma_semaphore, #tpu.memory_space<semaphore_mem>>) src(%dma_wait3A_2620 : memref<1024xi32, #tpu.memory_space<vmem>>) dst(%dma_wait3A_2622 : memref<100352xi32, #tpu.memory_space<vmem_shared>>)
      tpu.yield
    }) : () -> ()
    %dma_wait3A_1350 = tpu.memref_slice %arg2[%select_n3A_1323, %mul3A_1341] : memref<50x16384xi32, #tpu.memory_space<hbm>> -> memref<1x1024xi32, #tpu.memory_space<hbm>>
    %dma_wait3A_1351 = tpu.memref_squeeze %dma_wait3A_1350 : memref<1x1024xi32, #tpu.memory_space<hbm>> -> memref<1024xi32, #tpu.memory_space<hbm>>
    %dma_wait3A_1352 = tpu.memref_slice %arg2[%select_n3A_1323, %mul3A_1341] : memref<50x16384xi32, #tpu.memory_space<hbm>> -> memref<1x1024xi32, #tpu.memory_space<hbm>>
    %dma_wait3A_1353 = tpu.memref_squeeze %dma_wait3A_1352 : memref<1x1024xi32, #tpu.memory_space<hbm>> -> memref<1024xi32, #tpu.memory_space<hbm>>
    tpu.wait_dma2 semaphore(%arg14 : memref<!tpu.dma_semaphore, #tpu.memory_space<semaphore_mem>>) src(%dma_wait3A_1353 : memref<1024xi32, #tpu.memory_space<hbm>>) dst(%arg8 : memref<1024xi32, #tpu.memory_space<vmem>>)
    "tpu.region"() ({
      %run_scoped3A = tpu.sem_alloc : memref<!tpu.dma_semaphore, #tpu.memory_space<semaphore_mem>>
      %dma_start3A_2615 = arith.constant 0 : i32
      %dma_start3A_2616 = tpu.memref_slice %arg12[%dma_start3A_2615] : memref<4096xi32, #tpu.memory_space<vmem>> -> memref<1024xi32, #tpu.memory_space<vmem>>
      %dma_start3A_2617 = arith.constant 0 : i32
      %dma_start3A_2618 = tpu.memref_slice %arg6[%dma_start3A_2617] : memref<100352xi32, #tpu.memory_space<vmem_shared>> -> memref<100352xi32, #tpu.memory_space<vmem_shared>>
      tpu.enqueue_indirect_dma source(%dma_start3A_2616 : memref<1024xi32, #tpu.memory_space<vmem>>) target(%dma_start3A_2618 : memref<100352xi32, #tpu.memory_space<vmem_shared>>) offsets(%arg8 : memref<1024xi32, #tpu.memory_space<vmem>>) semaphore(%run_scoped3A : memref<!tpu.dma_semaphore, #tpu.memory_space<semaphore_mem>>) {add = true}
      %dma_wait3A_2619 = arith.constant 0 : i32
      %dma_wait3A_2620 = tpu.memref_slice %arg12[%dma_wait3A_2619] : memref<4096xi32, #tpu.memory_space<vmem>> -> memref<1024xi32, #tpu.memory_space<vmem>>
      %dma_wait3A_2621 = arith.constant 0 : i32
      %dma_wait3A_2622 = tpu.memref_slice %arg6[%dma_wait3A_2621] : memref<100352xi32, #tpu.memory_space<vmem_shared>> -> memref<100352xi32, #tpu.memory_space<vmem_shared>>
      tpu.wait_indirect_dma semaphore(%run_scoped3A : memref<!tpu.dma_semaphore, #tpu.memory_space<semaphore_mem>>) src(%dma_wait3A_2620 : memref<1024xi32, #tpu.memory_space<vmem>>) dst(%dma_wait3A_2622 : memref<100352xi32, #tpu.memory_space<vmem_shared>>)
      tpu.yield
    }) : () -> ()
    %add3A_1354 = arith.constant 1 : i32
    %add3A_1355 = arith.addi %mul3A_2, %add3A_1354 : i32
    %jit3A_1356 = arith.constant 4 : i32
    %div3A_1357 = arith.divsi %add3A_1355, %jit3A_1356 : i32
    %sign3A_1358 = arith.constant 0 : i32
    %sign3A_1359 = arith.cmpi sgt, %add3A_1355, %sign3A_1358 : i32
    %sign3A_1360 = arith.extui %sign3A_1359 : i1 to i32
    %sign3A_1361 = arith.constant 0 : i32
    %sign3A_1362 = arith.cmpi slt, %add3A_1355, %sign3A_1361 : i32
    %sign3A_1363 = arith.extui %sign3A_1362 : i1 to i32
    %sign3A_1364 = arith.subi %sign3A_1360, %sign3A_1363 : i32
    %sign3A_1365 = arith.constant 0 : i32
    %sign3A_1366 = arith.cmpi sgt, %jit3A_1356, %sign3A_1365 : i32
    %sign3A_1367 = arith.extui %sign3A_1366 : i1 to i32
    %sign3A_1368 = arith.constant 0 : i32
    %sign3A_1369 = arith.cmpi slt, %jit3A_1356, %sign3A_1368 : i32
    %sign3A_1370 = arith.extui %sign3A_1369 : i1 to i32
    %sign3A_1371 = arith.subi %sign3A_1367, %sign3A_1370 : i32
    %ne3A_1372 = arith.cmpi ne, %sign3A_1364, %sign3A_1371 : i32
    %rem3A_1373 = arith.remsi %add3A_1355, %jit3A_1356 : i32
    %ne3A_1374 = arith.constant 0 : i32
    %ne3A_1375 = arith.cmpi ne, %rem3A_1373, %ne3A_1374 : i32
    %and3A_1376 = arith.andi %ne3A_1372, %ne3A_1375 : i1
    %sub3A_1377 = arith.constant 1 : i32
    %sub3A_1378 = arith.subi %div3A_1357, %sub3A_1377 : i32
    %select_n3A_1379 = arith.select %and3A_1376, %sub3A_1378, %div3A_1357 : i32
    %jit3A_1380 = arith.constant 4 : i32
    %eq3A_1381 = arith.constant 0 : i32
    %eq3A_1382 = arith.cmpi eq, %jit3A_1380, %eq3A_1381 : i32
    %jit3A_1383 = arith.constant 1 : i32
    %select_n3A_1384 = arith.select %eq3A_1382, %jit3A_1383, %jit3A_1380 : i32
    %rem3A_1385 = arith.remsi %add3A_1355, %select_n3A_1384 : i32
    %ne3A_1386 = arith.constant 0 : i32
    %ne3A_1387 = arith.cmpi ne, %rem3A_1385, %ne3A_1386 : i32
    %lt3A_1388 = arith.constant 0 : i32
    %lt3A_1389 = arith.cmpi slt, %rem3A_1385, %lt3A_1388 : i32
    %lt3A_1390 = arith.constant 0 : i32
    %lt3A_1391 = arith.cmpi slt, %select_n3A_1384, %lt3A_1390 : i32
    %ne3A_1392 = arith.xori %lt3A_1389, %lt3A_1391 : i1
    %and3A_1393 = arith.andi %ne3A_1392, %ne3A_1387 : i1
    %add3A_1394 = arith.addi %rem3A_1385, %select_n3A_1384 : i32
    %select_n3A_1395 = arith.select %and3A_1393, %add3A_1394, %rem3A_1385 : i32
    %mul3A_1396 = arith.constant 4096 : i32
    %mul3A_1397 = arith.muli %select_n3A_1395, %mul3A_1396 : i32
    %dma_start3A_1398 = tpu.memref_slice %arg3[%select_n3A_1379, %mul3A_1397] : memref<200x16384xi32, #tpu.memory_space<hbm>> -> memref<1x4096xi32, #tpu.memory_space<hbm>>
    %dma_start3A_1399 = tpu.memref_squeeze %dma_start3A_1398 : memref<1x4096xi32, #tpu.memory_space<hbm>> -> memref<4096xi32, #tpu.memory_space<hbm>>
    %dma_start3A_1400 = tpu.memref_slice %arg3[%select_n3A_1379, %mul3A_1397] : memref<200x16384xi32, #tpu.memory_space<hbm>> -> memref<1x4096xi32, #tpu.memory_space<hbm>>
    %dma_start3A_1401 = tpu.memref_squeeze %dma_start3A_1400 : memref<1x4096xi32, #tpu.memory_space<hbm>> -> memref<4096xi32, #tpu.memory_space<hbm>>
    tpu.enqueue_dma source(%dma_start3A_1401 : memref<4096xi32, #tpu.memory_space<hbm>>) target(%arg11 : memref<4096xi32, #tpu.memory_space<vmem>>) target_semaphore(%arg17 : memref<!tpu.dma_semaphore, #tpu.memory_space<semaphore_mem>>)
    %dma_wait3A_1402 = tpu.memref_slice %arg3[%select_n3A_65, %mul3A_83] : memref<200x16384xi32, #tpu.memory_space<hbm>> -> memref<1x4096xi32, #tpu.memory_space<hbm>>
    %dma_wait3A_1403 = tpu.memref_squeeze %dma_wait3A_1402 : memref<1x4096xi32, #tpu.memory_space<hbm>> -> memref<4096xi32, #tpu.memory_space<hbm>>
    %dma_wait3A_1404 = tpu.memref_slice %arg3[%select_n3A_65, %mul3A_83] : memref<200x16384xi32, #tpu.memory_space<hbm>> -> memref<1x4096xi32, #tpu.memory_space<hbm>>
    %dma_wait3A_1405 = tpu.memref_squeeze %dma_wait3A_1404 : memref<1x4096xi32, #tpu.memory_space<hbm>> -> memref<4096xi32, #tpu.memory_space<hbm>>
    tpu.wait_dma2 semaphore(%arg16 : memref<!tpu.dma_semaphore, #tpu.memory_space<semaphore_mem>>) src(%dma_wait3A_1405 : memref<4096xi32, #tpu.memory_space<hbm>>) dst(%arg10 : memref<4096xi32, #tpu.memory_space<vmem>>)
    "tpu.region"() ({
      %run_scoped3A = tpu.sem_alloc : memref<!tpu.dma_semaphore, #tpu.memory_space<semaphore_mem>>
      %dma_start3A_2615 = arith.constant 0 : i32
      %dma_start3A_2616 = tpu.memref_slice %arg12[%dma_start3A_2615] : memref<4096xi32, #tpu.memory_space<vmem>> -> memref<4096xi32, #tpu.memory_space<vmem>>
      %dma_start3A_2617 = arith.constant 0 : i32
      %dma_start3A_2618 = tpu.memref_slice %arg7[%dma_start3A_2617] : memref<100352xi32, #tpu.memory_space<vmem_shared>> -> memref<100352xi32, #tpu.memory_space<vmem_shared>>
      tpu.enqueue_indirect_dma source(%dma_start3A_2616 : memref<4096xi32, #tpu.memory_space<vmem>>) target(%dma_start3A_2618 : memref<100352xi32, #tpu.memory_space<vmem_shared>>) offsets(%arg10 : memref<4096xi32, #tpu.memory_space<vmem>>) semaphore(%run_scoped3A : memref<!tpu.dma_semaphore, #tpu.memory_space<semaphore_mem>>) {add = true}
      %dma_wait3A_2619 = arith.constant 0 : i32
      %dma_wait3A_2620 = tpu.memref_slice %arg12[%dma_wait3A_2619] : memref<4096xi32, #tpu.memory_space<vmem>> -> memref<4096xi32, #tpu.memory_space<vmem>>
      %dma_wait3A_2621 = arith.constant 0 : i32
      %dma_wait3A_2622 = tpu.memref_slice %arg7[%dma_wait3A_2621] : memref<100352xi32, #tpu.memory_space<vmem_shared>> -> memref<100352xi32, #tpu.memory_space<vmem_shared>>
      tpu.wait_indirect_dma semaphore(%run_scoped3A : memref<!tpu.dma_semaphore, #tpu.memory_space<semaphore_mem>>) src(%dma_wait3A_2620 : memref<4096xi32, #tpu.memory_space<vmem>>) dst(%dma_wait3A_2622 : memref<100352xi32, #tpu.memory_space<vmem_shared>>)
      tpu.yield
    }) : () -> ()
    %add3A_1406 = arith.constant 2 : i32
    %add3A_1407 = arith.addi %mul3A_2, %add3A_1406 : i32
    %jit3A_1408 = arith.constant 4 : i32
    %div3A_1409 = arith.divsi %add3A_1407, %jit3A_1408 : i32
    %sign3A_1410 = arith.constant 0 : i32
    %sign3A_1411 = arith.cmpi sgt, %add3A_1407, %sign3A_1410 : i32
    %sign3A_1412 = arith.extui %sign3A_1411 : i1 to i32
    %sign3A_1413 = arith.constant 0 : i32
    %sign3A_1414 = arith.cmpi slt, %add3A_1407, %sign3A_1413 : i32
    %sign3A_1415 = arith.extui %sign3A_1414 : i1 to i32
    %sign3A_1416 = arith.subi %sign3A_1412, %sign3A_1415 : i32
    %sign3A_1417 = arith.constant 0 : i32
    %sign3A_1418 = arith.cmpi sgt, %jit3A_1408, %sign3A_1417 : i32
    %sign3A_1419 = arith.extui %sign3A_1418 : i1 to i32
    %sign3A_1420 = arith.constant 0 : i32
    %sign3A_1421 = arith.cmpi slt, %jit3A_1408, %sign3A_1420 : i32
    %sign3A_1422 = arith.extui %sign3A_1421 : i1 to i32
    %sign3A_1423 = arith.subi %sign3A_1419, %sign3A_1422 : i32
    %ne3A_1424 = arith.cmpi ne, %sign3A_1416, %sign3A_1423 : i32
    %rem3A_1425 = arith.remsi %add3A_1407, %jit3A_1408 : i32
    %ne3A_1426 = arith.constant 0 : i32
    %ne3A_1427 = arith.cmpi ne, %rem3A_1425, %ne3A_1426 : i32
    %and3A_1428 = arith.andi %ne3A_1424, %ne3A_1427 : i1
    %sub3A_1429 = arith.constant 1 : i32
    %sub3A_1430 = arith.subi %div3A_1409, %sub3A_1429 : i32
    %select_n3A_1431 = arith.select %and3A_1428, %sub3A_1430, %div3A_1409 : i32
    %jit3A_1432 = arith.constant 4 : i32
    %eq3A_1433 = arith.constant 0 : i32
    %eq3A_1434 = arith.cmpi eq, %jit3A_1432, %eq3A_1433 : i32
    %jit3A_1435 = arith.constant 1 : i32
    %select_n3A_1436 = arith.select %eq3A_1434, %jit3A_1435, %jit3A_1432 : i32
    %rem3A_1437 = arith.remsi %add3A_1407, %select_n3A_1436 : i32
    %ne3A_1438 = arith.constant 0 : i32
    %ne3A_1439 = arith.cmpi ne, %rem3A_1437, %ne3A_1438 : i32
    %lt3A_1440 = arith.constant 0 : i32
    %lt3A_1441 = arith.cmpi slt, %rem3A_1437, %lt3A_1440 : i32
    %lt3A_1442 = arith.constant 0 : i32
    %lt3A_1443 = arith.cmpi slt, %select_n3A_1436, %lt3A_1442 : i32
    %ne3A_1444 = arith.xori %lt3A_1441, %lt3A_1443 : i1
    %and3A_1445 = arith.andi %ne3A_1444, %ne3A_1439 : i1
    %add3A_1446 = arith.addi %rem3A_1437, %select_n3A_1436 : i32
    %select_n3A_1447 = arith.select %and3A_1445, %add3A_1446, %rem3A_1437 : i32
    %mul3A_1448 = arith.constant 4096 : i32
    %mul3A_1449 = arith.muli %select_n3A_1447, %mul3A_1448 : i32
    %dma_start3A_1450 = tpu.memref_slice %arg3[%select_n3A_1431, %mul3A_1449] : memref<200x16384xi32, #tpu.memory_space<hbm>> -> memref<1x4096xi32, #tpu.memory_space<hbm>>
    %dma_start3A_1451 = tpu.memref_squeeze %dma_start3A_1450 : memref<1x4096xi32, #tpu.memory_space<hbm>> -> memref<4096xi32, #tpu.memory_space<hbm>>
    %dma_start3A_1452 = tpu.memref_slice %arg3[%select_n3A_1431, %mul3A_1449] : memref<200x16384xi32, #tpu.memory_space<hbm>> -> memref<1x4096xi32, #tpu.memory_space<hbm>>
    %dma_start3A_1453 = tpu.memref_squeeze %dma_start3A_1452 : memref<1x4096xi32, #tpu.memory_space<hbm>> -> memref<4096xi32, #tpu.memory_space<hbm>>
    tpu.enqueue_dma source(%dma_start3A_1453 : memref<4096xi32, #tpu.memory_space<hbm>>) target(%arg10 : memref<4096xi32, #tpu.memory_space<vmem>>) target_semaphore(%arg16 : memref<!tpu.dma_semaphore, #tpu.memory_space<semaphore_mem>>)
    %dma_wait3A_1454 = tpu.memref_slice %arg3[%select_n3A_1379, %mul3A_1397] : memref<200x16384xi32, #tpu.memory_space<hbm>> -> memref<1x4096xi32, #tpu.memory_space<hbm>>
    %dma_wait3A_1455 = tpu.memref_squeeze %dma_wait3A_1454 : memref<1x4096xi32, #tpu.memory_space<hbm>> -> memref<4096xi32, #tpu.memory_space<hbm>>
    %dma_wait3A_1456 = tpu.memref_slice %arg3[%select_n3A_1379, %mul3A_1397] : memref<200x16384xi32, #tpu.memory_space<hbm>> -> memref<1x4096xi32, #tpu.memory_space<hbm>>
    %dma_wait3A_1457 = tpu.memref_squeeze %dma_wait3A_1456 : memref<1x4096xi32, #tpu.memory_space<hbm>> -> memref<4096xi32, #tpu.memory_space<hbm>>
    tpu.wait_dma2 semaphore(%arg17 : memref<!tpu.dma_semaphore, #tpu.memory_space<semaphore_mem>>) src(%dma_wait3A_1457 : memref<4096xi32, #tpu.memory_space<hbm>>) dst(%arg11 : memref<4096xi32, #tpu.memory_space<vmem>>)
    "tpu.region"() ({
      %run_scoped3A = tpu.sem_alloc : memref<!tpu.dma_semaphore, #tpu.memory_space<semaphore_mem>>
      %dma_start3A_2615 = arith.constant 0 : i32
      %dma_start3A_2616 = tpu.memref_slice %arg12[%dma_start3A_2615] : memref<4096xi32, #tpu.memory_space<vmem>> -> memref<4096xi32, #tpu.memory_space<vmem>>
      %dma_start3A_2617 = arith.constant 0 : i32
      %dma_start3A_2618 = tpu.memref_slice %arg7[%dma_start3A_2617] : memref<100352xi32, #tpu.memory_space<vmem_shared>> -> memref<100352xi32, #tpu.memory_space<vmem_shared>>
      tpu.enqueue_indirect_dma source(%dma_start3A_2616 : memref<4096xi32, #tpu.memory_space<vmem>>) target(%dma_start3A_2618 : memref<100352xi32, #tpu.memory_space<vmem_shared>>) offsets(%arg11 : memref<4096xi32, #tpu.memory_space<vmem>>) semaphore(%run_scoped3A : memref<!tpu.dma_semaphore, #tpu.memory_space<semaphore_mem>>) {add = true}
      %dma_wait3A_2619 = arith.constant 0 : i32
      %dma_wait3A_2620 = tpu.memref_slice %arg12[%dma_wait3A_2619] : memref<4096xi32, #tpu.memory_space<vmem>> -> memref<4096xi32, #tpu.memory_space<vmem>>
      %dma_wait3A_2621 = arith.constant 0 : i32
      %dma_wait3A_2622 = tpu.memref_slice %arg7[%dma_wait3A_2621] : memref<100352xi32, #tpu.memory_space<vmem_shared>> -> memref<100352xi32, #tpu.memory_space<vmem_shared>>
      tpu.wait_indirect_dma semaphore(%run_scoped3A : memref<!tpu.dma_semaphore, #tpu.memory_space<semaphore_mem>>) src(%dma_wait3A_2620 : memref<4096xi32, #tpu.memory_space<vmem>>) dst(%dma_wait3A_2622 : memref<100352xi32, #tpu.memory_space<vmem_shared>>)
      tpu.yield
    }) : () -> ()
    %add3A_1458 = arith.constant 3 : i32
    %add3A_1459 = arith.addi %mul3A_2, %add3A_1458 : i32
    %jit3A_1460 = arith.constant 4 : i32
    %div3A_1461 = arith.divsi %add3A_1459, %jit3A_1460 : i32
    %sign3A_1462 = arith.constant 0 : i32
    %sign3A_1463 = arith.cmpi sgt, %add3A_1459, %sign3A_1462 : i32
    %sign3A_1464 = arith.extui %sign3A_1463 : i1 to i32
    %sign3A_1465 = arith.constant 0 : i32
    %sign3A_1466 = arith.cmpi slt, %add3A_1459, %sign3A_1465 : i32
    %sign3A_1467 = arith.extui %sign3A_1466 : i1 to i32
    %sign3A_1468 = arith.subi %sign3A_1464, %sign3A_1467 : i32
    %sign3A_1469 = arith.constant 0 : i32
    %sign3A_1470 = arith.cmpi sgt, %jit3A_1460, %sign3A_1469 : i32
    %sign3A_1471 = arith.extui %sign3A_1470 : i1 to i32
    %sign3A_1472 = arith.constant 0 : i32
    %sign3A_1473 = arith.cmpi slt, %jit3A_1460, %sign3A_1472 : i32
    %sign3A_1474 = arith.extui %sign3A_1473 : i1 to i32
    %sign3A_1475 = arith.subi %sign3A_1471, %sign3A_1474 : i32
    %ne3A_1476 = arith.cmpi ne, %sign3A_1468, %sign3A_1475 : i32
    %rem3A_1477 = arith.remsi %add3A_1459, %jit3A_1460 : i32
    %ne3A_1478 = arith.constant 0 : i32
    %ne3A_1479 = arith.cmpi ne, %rem3A_1477, %ne3A_1478 : i32
    %and3A_1480 = arith.andi %ne3A_1476, %ne3A_1479 : i1
    %sub3A_1481 = arith.constant 1 : i32
    %sub3A_1482 = arith.subi %div3A_1461, %sub3A_1481 : i32
    %select_n3A_1483 = arith.select %and3A_1480, %sub3A_1482, %div3A_1461 : i32
    %jit3A_1484 = arith.constant 4 : i32
    %eq3A_1485 = arith.constant 0 : i32
    %eq3A_1486 = arith.cmpi eq, %jit3A_1484, %eq3A_1485 : i32
    %jit3A_1487 = arith.constant 1 : i32
    %select_n3A_1488 = arith.select %eq3A_1486, %jit3A_1487, %jit3A_1484 : i32
    %rem3A_1489 = arith.remsi %add3A_1459, %select_n3A_1488 : i32
    %ne3A_1490 = arith.constant 0 : i32
    %ne3A_1491 = arith.cmpi ne, %rem3A_1489, %ne3A_1490 : i32
    %lt3A_1492 = arith.constant 0 : i32
    %lt3A_1493 = arith.cmpi slt, %rem3A_1489, %lt3A_1492 : i32
    %lt3A_1494 = arith.constant 0 : i32
    %lt3A_1495 = arith.cmpi slt, %select_n3A_1488, %lt3A_1494 : i32
    %ne3A_1496 = arith.xori %lt3A_1493, %lt3A_1495 : i1
    %and3A_1497 = arith.andi %ne3A_1496, %ne3A_1491 : i1
    %add3A_1498 = arith.addi %rem3A_1489, %select_n3A_1488 : i32
    %select_n3A_1499 = arith.select %and3A_1497, %add3A_1498, %rem3A_1489 : i32
    %mul3A_1500 = arith.constant 4096 : i32
    %mul3A_1501 = arith.muli %select_n3A_1499, %mul3A_1500 : i32
    %dma_start3A_1502 = tpu.memref_slice %arg3[%select_n3A_1483, %mul3A_1501] : memref<200x16384xi32, #tpu.memory_space<hbm>> -> memref<1x4096xi32, #tpu.memory_space<hbm>>
    %dma_start3A_1503 = tpu.memref_squeeze %dma_start3A_1502 : memref<1x4096xi32, #tpu.memory_space<hbm>> -> memref<4096xi32, #tpu.memory_space<hbm>>
    %dma_start3A_1504 = tpu.memref_slice %arg3[%select_n3A_1483, %mul3A_1501] : memref<200x16384xi32, #tpu.memory_space<hbm>> -> memref<1x4096xi32, #tpu.memory_space<hbm>>
    %dma_start3A_1505 = tpu.memref_squeeze %dma_start3A_1504 : memref<1x4096xi32, #tpu.memory_space<hbm>> -> memref<4096xi32, #tpu.memory_space<hbm>>
    tpu.enqueue_dma source(%dma_start3A_1505 : memref<4096xi32, #tpu.memory_space<hbm>>) target(%arg11 : memref<4096xi32, #tpu.memory_space<vmem>>) target_semaphore(%arg17 : memref<!tpu.dma_semaphore, #tpu.memory_space<semaphore_mem>>)
    %dma_wait3A_1506 = tpu.memref_slice %arg3[%select_n3A_1431, %mul3A_1449] : memref<200x16384xi32, #tpu.memory_space<hbm>> -> memref<1x4096xi32, #tpu.memory_space<hbm>>
    %dma_wait3A_1507 = tpu.memref_squeeze %dma_wait3A_1506 : memref<1x4096xi32, #tpu.memory_space<hbm>> -> memref<4096xi32, #tpu.memory_space<hbm>>
    %dma_wait3A_1508 = tpu.memref_slice %arg3[%select_n3A_1431, %mul3A_1449] : memref<200x16384xi32, #tpu.memory_space<hbm>> -> memref<1x4096xi32, #tpu.memory_space<hbm>>
    %dma_wait3A_1509 = tpu.memref_squeeze %dma_wait3A_1508 : memref<1x4096xi32, #tpu.memory_space<hbm>> -> memref<4096xi32, #tpu.memory_space<hbm>>
    tpu.wait_dma2 semaphore(%arg16 : memref<!tpu.dma_semaphore, #tpu.memory_space<semaphore_mem>>) src(%dma_wait3A_1509 : memref<4096xi32, #tpu.memory_space<hbm>>) dst(%arg10 : memref<4096xi32, #tpu.memory_space<vmem>>)
    "tpu.region"() ({
      %run_scoped3A = tpu.sem_alloc : memref<!tpu.dma_semaphore, #tpu.memory_space<semaphore_mem>>
      %dma_start3A_2615 = arith.constant 0 : i32
      %dma_start3A_2616 = tpu.memref_slice %arg12[%dma_start3A_2615] : memref<4096xi32, #tpu.memory_space<vmem>> -> memref<4096xi32, #tpu.memory_space<vmem>>
      %dma_start3A_2617 = arith.constant 0 : i32
      %dma_start3A_2618 = tpu.memref_slice %arg7[%dma_start3A_2617] : memref<100352xi32, #tpu.memory_space<vmem_shared>> -> memref<100352xi32, #tpu.memory_space<vmem_shared>>
      tpu.enqueue_indirect_dma source(%dma_start3A_2616 : memref<4096xi32, #tpu.memory_space<vmem>>) target(%dma_start3A_2618 : memref<100352xi32, #tpu.memory_space<vmem_shared>>) offsets(%arg10 : memref<4096xi32, #tpu.memory_space<vmem>>) semaphore(%run_scoped3A : memref<!tpu.dma_semaphore, #tpu.memory_space<semaphore_mem>>) {add = true}
      %dma_wait3A_2619 = arith.constant 0 : i32
      %dma_wait3A_2620 = tpu.memref_slice %arg12[%dma_wait3A_2619] : memref<4096xi32, #tpu.memory_space<vmem>> -> memref<4096xi32, #tpu.memory_space<vmem>>
      %dma_wait3A_2621 = arith.constant 0 : i32
      %dma_wait3A_2622 = tpu.memref_slice %arg7[%dma_wait3A_2621] : memref<100352xi32, #tpu.memory_space<vmem_shared>> -> memref<100352xi32, #tpu.memory_space<vmem_shared>>
      tpu.wait_indirect_dma semaphore(%run_scoped3A : memref<!tpu.dma_semaphore, #tpu.memory_space<semaphore_mem>>) src(%dma_wait3A_2620 : memref<4096xi32, #tpu.memory_space<vmem>>) dst(%dma_wait3A_2622 : memref<100352xi32, #tpu.memory_space<vmem_shared>>)
      tpu.yield
    }) : () -> ()
    %add3A_1510 = arith.constant 4 : i32
    %add3A_1511 = arith.addi %mul3A_2, %add3A_1510 : i32
    %jit3A_1512 = arith.constant 4 : i32
    %div3A_1513 = arith.divsi %add3A_1511, %jit3A_1512 : i32
    %sign3A_1514 = arith.constant 0 : i32
    %sign3A_1515 = arith.cmpi sgt, %add3A_1511, %sign3A_1514 : i32
    %sign3A_1516 = arith.extui %sign3A_1515 : i1 to i32
    %sign3A_1517 = arith.constant 0 : i32
    %sign3A_1518 = arith.cmpi slt, %add3A_1511, %sign3A_1517 : i32
    %sign3A_1519 = arith.extui %sign3A_1518 : i1 to i32
    %sign3A_1520 = arith.subi %sign3A_1516, %sign3A_1519 : i32
    %sign3A_1521 = arith.constant 0 : i32
    %sign3A_1522 = arith.cmpi sgt, %jit3A_1512, %sign3A_1521 : i32
    %sign3A_1523 = arith.extui %sign3A_1522 : i1 to i32
    %sign3A_1524 = arith.constant 0 : i32
    %sign3A_1525 = arith.cmpi slt, %jit3A_1512, %sign3A_1524 : i32
    %sign3A_1526 = arith.extui %sign3A_1525 : i1 to i32
    %sign3A_1527 = arith.subi %sign3A_1523, %sign3A_1526 : i32
    %ne3A_1528 = arith.cmpi ne, %sign3A_1520, %sign3A_1527 : i32
    %rem3A_1529 = arith.remsi %add3A_1511, %jit3A_1512 : i32
    %ne3A_1530 = arith.constant 0 : i32
    %ne3A_1531 = arith.cmpi ne, %rem3A_1529, %ne3A_1530 : i32
    %and3A_1532 = arith.andi %ne3A_1528, %ne3A_1531 : i1
    %sub3A_1533 = arith.constant 1 : i32
    %sub3A_1534 = arith.subi %div3A_1513, %sub3A_1533 : i32
    %select_n3A_1535 = arith.select %and3A_1532, %sub3A_1534, %div3A_1513 : i32
    %jit3A_1536 = arith.constant 4 : i32
    %eq3A_1537 = arith.constant 0 : i32
    %eq3A_1538 = arith.cmpi eq, %jit3A_1536, %eq3A_1537 : i32
    %jit3A_1539 = arith.constant 1 : i32
    %select_n3A_1540 = arith.select %eq3A_1538, %jit3A_1539, %jit3A_1536 : i32
    %rem3A_1541 = arith.remsi %add3A_1511, %select_n3A_1540 : i32
    %ne3A_1542 = arith.constant 0 : i32
    %ne3A_1543 = arith.cmpi ne, %rem3A_1541, %ne3A_1542 : i32
    %lt3A_1544 = arith.constant 0 : i32
    %lt3A_1545 = arith.cmpi slt, %rem3A_1541, %lt3A_1544 : i32
    %lt3A_1546 = arith.constant 0 : i32
    %lt3A_1547 = arith.cmpi slt, %select_n3A_1540, %lt3A_1546 : i32
    %ne3A_1548 = arith.xori %lt3A_1545, %lt3A_1547 : i1
    %and3A_1549 = arith.andi %ne3A_1548, %ne3A_1543 : i1
    %add3A_1550 = arith.addi %rem3A_1541, %select_n3A_1540 : i32
    %select_n3A_1551 = arith.select %and3A_1549, %add3A_1550, %rem3A_1541 : i32
    %mul3A_1552 = arith.constant 4096 : i32
    %mul3A_1553 = arith.muli %select_n3A_1551, %mul3A_1552 : i32
    %dma_start3A_1554 = tpu.memref_slice %arg3[%select_n3A_1535, %mul3A_1553] : memref<200x16384xi32, #tpu.memory_space<hbm>> -> memref<1x4096xi32, #tpu.memory_space<hbm>>
    %dma_start3A_1555 = tpu.memref_squeeze %dma_start3A_1554 : memref<1x4096xi32, #tpu.memory_space<hbm>> -> memref<4096xi32, #tpu.memory_space<hbm>>
    %dma_start3A_1556 = tpu.memref_slice %arg3[%select_n3A_1535, %mul3A_1553] : memref<200x16384xi32, #tpu.memory_space<hbm>> -> memref<1x4096xi32, #tpu.memory_space<hbm>>
    %dma_start3A_1557 = tpu.memref_squeeze %dma_start3A_1556 : memref<1x4096xi32, #tpu.memory_space<hbm>> -> memref<4096xi32, #tpu.memory_space<hbm>>
    tpu.enqueue_dma source(%dma_start3A_1557 : memref<4096xi32, #tpu.memory_space<hbm>>) target(%arg10 : memref<4096xi32, #tpu.memory_space<vmem>>) target_semaphore(%arg16 : memref<!tpu.dma_semaphore, #tpu.memory_space<semaphore_mem>>)
    %dma_wait3A_1558 = tpu.memref_slice %arg3[%select_n3A_1483, %mul3A_1501] : memref<200x16384xi32, #tpu.memory_space<hbm>> -> memref<1x4096xi32, #tpu.memory_space<hbm>>
    %dma_wait3A_1559 = tpu.memref_squeeze %dma_wait3A_1558 : memref<1x4096xi32, #tpu.memory_space<hbm>> -> memref<4096xi32, #tpu.memory_space<hbm>>
    %dma_wait3A_1560 = tpu.memref_slice %arg3[%select_n3A_1483, %mul3A_1501] : memref<200x16384xi32, #tpu.memory_space<hbm>> -> memref<1x4096xi32, #tpu.memory_space<hbm>>
    %dma_wait3A_1561 = tpu.memref_squeeze %dma_wait3A_1560 : memref<1x4096xi32, #tpu.memory_space<hbm>> -> memref<4096xi32, #tpu.memory_space<hbm>>
    tpu.wait_dma2 semaphore(%arg17 : memref<!tpu.dma_semaphore, #tpu.memory_space<semaphore_mem>>) src(%dma_wait3A_1561 : memref<4096xi32, #tpu.memory_space<hbm>>) dst(%arg11 : memref<4096xi32, #tpu.memory_space<vmem>>)
    "tpu.region"() ({
      %run_scoped3A = tpu.sem_alloc : memref<!tpu.dma_semaphore, #tpu.memory_space<semaphore_mem>>
      %dma_start3A_2615 = arith.constant 0 : i32
      %dma_start3A_2616 = tpu.memref_slice %arg12[%dma_start3A_2615] : memref<4096xi32, #tpu.memory_space<vmem>> -> memref<4096xi32, #tpu.memory_space<vmem>>
      %dma_start3A_2617 = arith.constant 0 : i32
      %dma_start3A_2618 = tpu.memref_slice %arg7[%dma_start3A_2617] : memref<100352xi32, #tpu.memory_space<vmem_shared>> -> memref<100352xi32, #tpu.memory_space<vmem_shared>>
      tpu.enqueue_indirect_dma source(%dma_start3A_2616 : memref<4096xi32, #tpu.memory_space<vmem>>) target(%dma_start3A_2618 : memref<100352xi32, #tpu.memory_space<vmem_shared>>) offsets(%arg11 : memref<4096xi32, #tpu.memory_space<vmem>>) semaphore(%run_scoped3A : memref<!tpu.dma_semaphore, #tpu.memory_space<semaphore_mem>>) {add = true}
      %dma_wait3A_2619 = arith.constant 0 : i32
      %dma_wait3A_2620 = tpu.memref_slice %arg12[%dma_wait3A_2619] : memref<4096xi32, #tpu.memory_space<vmem>> -> memref<4096xi32, #tpu.memory_space<vmem>>
      %dma_wait3A_2621 = arith.constant 0 : i32
      %dma_wait3A_2622 = tpu.memref_slice %arg7[%dma_wait3A_2621] : memref<100352xi32, #tpu.memory_space<vmem_shared>> -> memref<100352xi32, #tpu.memory_space<vmem_shared>>
      tpu.wait_indirect_dma semaphore(%run_scoped3A : memref<!tpu.dma_semaphore, #tpu.memory_space<semaphore_mem>>) src(%dma_wait3A_2620 : memref<4096xi32, #tpu.memory_space<vmem>>) dst(%dma_wait3A_2622 : memref<100352xi32, #tpu.memory_space<vmem_shared>>)
      tpu.yield
    }) : () -> ()
    %add3A_1562 = arith.constant 5 : i32
    %add3A_1563 = arith.addi %mul3A_2, %add3A_1562 : i32
    %jit3A_1564 = arith.constant 4 : i32
    %div3A_1565 = arith.divsi %add3A_1563, %jit3A_1564 : i32
    %sign3A_1566 = arith.constant 0 : i32
    %sign3A_1567 = arith.cmpi sgt, %add3A_1563, %sign3A_1566 : i32
    %sign3A_1568 = arith.extui %sign3A_1567 : i1 to i32
    %sign3A_1569 = arith.constant 0 : i32
    %sign3A_1570 = arith.cmpi slt, %add3A_1563, %sign3A_1569 : i32
    %sign3A_1571 = arith.extui %sign3A_1570 : i1 to i32
    %sign3A_1572 = arith.subi %sign3A_1568, %sign3A_1571 : i32
    %sign3A_1573 = arith.constant 0 : i32
    %sign3A_1574 = arith.cmpi sgt, %jit3A_1564, %sign3A_1573 : i32
    %sign3A_1575 = arith.extui %sign3A_1574 : i1 to i32
    %sign3A_1576 = arith.constant 0 : i32
    %sign3A_1577 = arith.cmpi slt, %jit3A_1564, %sign3A_1576 : i32
    %sign3A_1578 = arith.extui %sign3A_1577 : i1 to i32
    %sign3A_1579 = arith.subi %sign3A_1575, %sign3A_1578 : i32
    %ne3A_1580 = arith.cmpi ne, %sign3A_1572, %sign3A_1579 : i32
    %rem3A_1581 = arith.remsi %add3A_1563, %jit3A_1564 : i32
    %ne3A_1582 = arith.constant 0 : i32
    %ne3A_1583 = arith.cmpi ne, %rem3A_1581, %ne3A_1582 : i32
    %and3A_1584 = arith.andi %ne3A_1580, %ne3A_1583 : i1
    %sub3A_1585 = arith.constant 1 : i32
    %sub3A_1586 = arith.subi %div3A_1565, %sub3A_1585 : i32
    %select_n3A_1587 = arith.select %and3A_1584, %sub3A_1586, %div3A_1565 : i32
    %jit3A_1588 = arith.constant 4 : i32
    %eq3A_1589 = arith.constant 0 : i32
    %eq3A_1590 = arith.cmpi eq, %jit3A_1588, %eq3A_1589 : i32
    %jit3A_1591 = arith.constant 1 : i32
    %select_n3A_1592 = arith.select %eq3A_1590, %jit3A_1591, %jit3A_1588 : i32
    %rem3A_1593 = arith.remsi %add3A_1563, %select_n3A_1592 : i32
    %ne3A_1594 = arith.constant 0 : i32
    %ne3A_1595 = arith.cmpi ne, %rem3A_1593, %ne3A_1594 : i32
    %lt3A_1596 = arith.constant 0 : i32
    %lt3A_1597 = arith.cmpi slt, %rem3A_1593, %lt3A_1596 : i32
    %lt3A_1598 = arith.constant 0 : i32
    %lt3A_1599 = arith.cmpi slt, %select_n3A_1592, %lt3A_1598 : i32
    %ne3A_1600 = arith.xori %lt3A_1597, %lt3A_1599 : i1
    %and3A_1601 = arith.andi %ne3A_1600, %ne3A_1595 : i1
    %add3A_1602 = arith.addi %rem3A_1593, %select_n3A_1592 : i32
    %select_n3A_1603 = arith.select %and3A_1601, %add3A_1602, %rem3A_1593 : i32
    %mul3A_1604 = arith.constant 4096 : i32
    %mul3A_1605 = arith.muli %select_n3A_1603, %mul3A_1604 : i32
    %dma_start3A_1606 = tpu.memref_slice %arg3[%select_n3A_1587, %mul3A_1605] : memref<200x16384xi32, #tpu.memory_space<hbm>> -> memref<1x4096xi32, #tpu.memory_space<hbm>>
    %dma_start3A_1607 = tpu.memref_squeeze %dma_start3A_1606 : memref<1x4096xi32, #tpu.memory_space<hbm>> -> memref<4096xi32, #tpu.memory_space<hbm>>
    %dma_start3A_1608 = tpu.memref_slice %arg3[%select_n3A_1587, %mul3A_1605] : memref<200x16384xi32, #tpu.memory_space<hbm>> -> memref<1x4096xi32, #tpu.memory_space<hbm>>
    %dma_start3A_1609 = tpu.memref_squeeze %dma_start3A_1608 : memref<1x4096xi32, #tpu.memory_space<hbm>> -> memref<4096xi32, #tpu.memory_space<hbm>>
    tpu.enqueue_dma source(%dma_start3A_1609 : memref<4096xi32, #tpu.memory_space<hbm>>) target(%arg11 : memref<4096xi32, #tpu.memory_space<vmem>>) target_semaphore(%arg17 : memref<!tpu.dma_semaphore, #tpu.memory_space<semaphore_mem>>)
    %dma_wait3A_1610 = tpu.memref_slice %arg3[%select_n3A_1535, %mul3A_1553] : memref<200x16384xi32, #tpu.memory_space<hbm>> -> memref<1x4096xi32, #tpu.memory_space<hbm>>
    %dma_wait3A_1611 = tpu.memref_squeeze %dma_wait3A_1610 : memref<1x4096xi32, #tpu.memory_space<hbm>> -> memref<4096xi32, #tpu.memory_space<hbm>>
    %dma_wait3A_1612 = tpu.memref_slice %arg3[%select_n3A_1535, %mul3A_1553] : memref<200x16384xi32, #tpu.memory_space<hbm>> -> memref<1x4096xi32, #tpu.memory_space<hbm>>
    %dma_wait3A_1613 = tpu.memref_squeeze %dma_wait3A_1612 : memref<1x4096xi32, #tpu.memory_space<hbm>> -> memref<4096xi32, #tpu.memory_space<hbm>>
    tpu.wait_dma2 semaphore(%arg16 : memref<!tpu.dma_semaphore, #tpu.memory_space<semaphore_mem>>) src(%dma_wait3A_1613 : memref<4096xi32, #tpu.memory_space<hbm>>) dst(%arg10 : memref<4096xi32, #tpu.memory_space<vmem>>)
    "tpu.region"() ({
      %run_scoped3A = tpu.sem_alloc : memref<!tpu.dma_semaphore, #tpu.memory_space<semaphore_mem>>
      %dma_start3A_2615 = arith.constant 0 : i32
      %dma_start3A_2616 = tpu.memref_slice %arg12[%dma_start3A_2615] : memref<4096xi32, #tpu.memory_space<vmem>> -> memref<4096xi32, #tpu.memory_space<vmem>>
      %dma_start3A_2617 = arith.constant 0 : i32
      %dma_start3A_2618 = tpu.memref_slice %arg7[%dma_start3A_2617] : memref<100352xi32, #tpu.memory_space<vmem_shared>> -> memref<100352xi32, #tpu.memory_space<vmem_shared>>
      tpu.enqueue_indirect_dma source(%dma_start3A_2616 : memref<4096xi32, #tpu.memory_space<vmem>>) target(%dma_start3A_2618 : memref<100352xi32, #tpu.memory_space<vmem_shared>>) offsets(%arg10 : memref<4096xi32, #tpu.memory_space<vmem>>) semaphore(%run_scoped3A : memref<!tpu.dma_semaphore, #tpu.memory_space<semaphore_mem>>) {add = true}
      %dma_wait3A_2619 = arith.constant 0 : i32
      %dma_wait3A_2620 = tpu.memref_slice %arg12[%dma_wait3A_2619] : memref<4096xi32, #tpu.memory_space<vmem>> -> memref<4096xi32, #tpu.memory_space<vmem>>
      %dma_wait3A_2621 = arith.constant 0 : i32
      %dma_wait3A_2622 = tpu.memref_slice %arg7[%dma_wait3A_2621] : memref<100352xi32, #tpu.memory_space<vmem_shared>> -> memref<100352xi32, #tpu.memory_space<vmem_shared>>
      tpu.wait_indirect_dma semaphore(%run_scoped3A : memref<!tpu.dma_semaphore, #tpu.memory_space<semaphore_mem>>) src(%dma_wait3A_2620 : memref<4096xi32, #tpu.memory_space<vmem>>) dst(%dma_wait3A_2622 : memref<100352xi32, #tpu.memory_space<vmem_shared>>)
      tpu.yield
    }) : () -> ()
    %add3A_1614 = arith.constant 6 : i32
    %add3A_1615 = arith.addi %mul3A_2, %add3A_1614 : i32
    %jit3A_1616 = arith.constant 4 : i32
    %div3A_1617 = arith.divsi %add3A_1615, %jit3A_1616 : i32
    %sign3A_1618 = arith.constant 0 : i32
    %sign3A_1619 = arith.cmpi sgt, %add3A_1615, %sign3A_1618 : i32
    %sign3A_1620 = arith.extui %sign3A_1619 : i1 to i32
    %sign3A_1621 = arith.constant 0 : i32
    %sign3A_1622 = arith.cmpi slt, %add3A_1615, %sign3A_1621 : i32
    %sign3A_1623 = arith.extui %sign3A_1622 : i1 to i32
    %sign3A_1624 = arith.subi %sign3A_1620, %sign3A_1623 : i32
    %sign3A_1625 = arith.constant 0 : i32
    %sign3A_1626 = arith.cmpi sgt, %jit3A_1616, %sign3A_1625 : i32
    %sign3A_1627 = arith.extui %sign3A_1626 : i1 to i32
    %sign3A_1628 = arith.constant 0 : i32
    %sign3A_1629 = arith.cmpi slt, %jit3A_1616, %sign3A_1628 : i32
    %sign3A_1630 = arith.extui %sign3A_1629 : i1 to i32
    %sign3A_1631 = arith.subi %sign3A_1627, %sign3A_1630 : i32
    %ne3A_1632 = arith.cmpi ne, %sign3A_1624, %sign3A_1631 : i32
    %rem3A_1633 = arith.remsi %add3A_1615, %jit3A_1616 : i32
    %ne3A_1634 = arith.constant 0 : i32
    %ne3A_1635 = arith.cmpi ne, %rem3A_1633, %ne3A_1634 : i32
    %and3A_1636 = arith.andi %ne3A_1632, %ne3A_1635 : i1
    %sub3A_1637 = arith.constant 1 : i32
    %sub3A_1638 = arith.subi %div3A_1617, %sub3A_1637 : i32
    %select_n3A_1639 = arith.select %and3A_1636, %sub3A_1638, %div3A_1617 : i32
    %jit3A_1640 = arith.constant 4 : i32
    %eq3A_1641 = arith.constant 0 : i32
    %eq3A_1642 = arith.cmpi eq, %jit3A_1640, %eq3A_1641 : i32
    %jit3A_1643 = arith.constant 1 : i32
    %select_n3A_1644 = arith.select %eq3A_1642, %jit3A_1643, %jit3A_1640 : i32
    %rem3A_1645 = arith.remsi %add3A_1615, %select_n3A_1644 : i32
    %ne3A_1646 = arith.constant 0 : i32
    %ne3A_1647 = arith.cmpi ne, %rem3A_1645, %ne3A_1646 : i32
    %lt3A_1648 = arith.constant 0 : i32
    %lt3A_1649 = arith.cmpi slt, %rem3A_1645, %lt3A_1648 : i32
    %lt3A_1650 = arith.constant 0 : i32
    %lt3A_1651 = arith.cmpi slt, %select_n3A_1644, %lt3A_1650 : i32
    %ne3A_1652 = arith.xori %lt3A_1649, %lt3A_1651 : i1
    %and3A_1653 = arith.andi %ne3A_1652, %ne3A_1647 : i1
    %add3A_1654 = arith.addi %rem3A_1645, %select_n3A_1644 : i32
    %select_n3A_1655 = arith.select %and3A_1653, %add3A_1654, %rem3A_1645 : i32
    %mul3A_1656 = arith.constant 4096 : i32
    %mul3A_1657 = arith.muli %select_n3A_1655, %mul3A_1656 : i32
    %dma_start3A_1658 = tpu.memref_slice %arg3[%select_n3A_1639, %mul3A_1657] : memref<200x16384xi32, #tpu.memory_space<hbm>> -> memref<1x4096xi32, #tpu.memory_space<hbm>>
    %dma_start3A_1659 = tpu.memref_squeeze %dma_start3A_1658 : memref<1x4096xi32, #tpu.memory_space<hbm>> -> memref<4096xi32, #tpu.memory_space<hbm>>
    %dma_start3A_1660 = tpu.memref_slice %arg3[%select_n3A_1639, %mul3A_1657] : memref<200x16384xi32, #tpu.memory_space<hbm>> -> memref<1x4096xi32, #tpu.memory_space<hbm>>
    %dma_start3A_1661 = tpu.memref_squeeze %dma_start3A_1660 : memref<1x4096xi32, #tpu.memory_space<hbm>> -> memref<4096xi32, #tpu.memory_space<hbm>>
    tpu.enqueue_dma source(%dma_start3A_1661 : memref<4096xi32, #tpu.memory_space<hbm>>) target(%arg10 : memref<4096xi32, #tpu.memory_space<vmem>>) target_semaphore(%arg16 : memref<!tpu.dma_semaphore, #tpu.memory_space<semaphore_mem>>)
    %dma_wait3A_1662 = tpu.memref_slice %arg3[%select_n3A_1587, %mul3A_1605] : memref<200x16384xi32, #tpu.memory_space<hbm>> -> memref<1x4096xi32, #tpu.memory_space<hbm>>
    %dma_wait3A_1663 = tpu.memref_squeeze %dma_wait3A_1662 : memref<1x4096xi32, #tpu.memory_space<hbm>> -> memref<4096xi32, #tpu.memory_space<hbm>>
    %dma_wait3A_1664 = tpu.memref_slice %arg3[%select_n3A_1587, %mul3A_1605] : memref<200x16384xi32, #tpu.memory_space<hbm>> -> memref<1x4096xi32, #tpu.memory_space<hbm>>
    %dma_wait3A_1665 = tpu.memref_squeeze %dma_wait3A_1664 : memref<1x4096xi32, #tpu.memory_space<hbm>> -> memref<4096xi32, #tpu.memory_space<hbm>>
    tpu.wait_dma2 semaphore(%arg17 : memref<!tpu.dma_semaphore, #tpu.memory_space<semaphore_mem>>) src(%dma_wait3A_1665 : memref<4096xi32, #tpu.memory_space<hbm>>) dst(%arg11 : memref<4096xi32, #tpu.memory_space<vmem>>)
    "tpu.region"() ({
      %run_scoped3A = tpu.sem_alloc : memref<!tpu.dma_semaphore, #tpu.memory_space<semaphore_mem>>
      %dma_start3A_2615 = arith.constant 0 : i32
      %dma_start3A_2616 = tpu.memref_slice %arg12[%dma_start3A_2615] : memref<4096xi32, #tpu.memory_space<vmem>> -> memref<4096xi32, #tpu.memory_space<vmem>>
      %dma_start3A_2617 = arith.constant 0 : i32
      %dma_start3A_2618 = tpu.memref_slice %arg7[%dma_start3A_2617] : memref<100352xi32, #tpu.memory_space<vmem_shared>> -> memref<100352xi32, #tpu.memory_space<vmem_shared>>
      tpu.enqueue_indirect_dma source(%dma_start3A_2616 : memref<4096xi32, #tpu.memory_space<vmem>>) target(%dma_start3A_2618 : memref<100352xi32, #tpu.memory_space<vmem_shared>>) offsets(%arg11 : memref<4096xi32, #tpu.memory_space<vmem>>) semaphore(%run_scoped3A : memref<!tpu.dma_semaphore, #tpu.memory_space<semaphore_mem>>) {add = true}
      %dma_wait3A_2619 = arith.constant 0 : i32
      %dma_wait3A_2620 = tpu.memref_slice %arg12[%dma_wait3A_2619] : memref<4096xi32, #tpu.memory_space<vmem>> -> memref<4096xi32, #tpu.memory_space<vmem>>
      %dma_wait3A_2621 = arith.constant 0 : i32
      %dma_wait3A_2622 = tpu.memref_slice %arg7[%dma_wait3A_2621] : memref<100352xi32, #tpu.memory_space<vmem_shared>> -> memref<100352xi32, #tpu.memory_space<vmem_shared>>
      tpu.wait_indirect_dma semaphore(%run_scoped3A : memref<!tpu.dma_semaphore, #tpu.memory_space<semaphore_mem>>) src(%dma_wait3A_2620 : memref<4096xi32, #tpu.memory_space<vmem>>) dst(%dma_wait3A_2622 : memref<100352xi32, #tpu.memory_space<vmem_shared>>)
      tpu.yield
    }) : () -> ()
    %add3A_1666 = arith.constant 7 : i32
    %add3A_1667 = arith.addi %mul3A_2, %add3A_1666 : i32
    %jit3A_1668 = arith.constant 4 : i32
    %div3A_1669 = arith.divsi %add3A_1667, %jit3A_1668 : i32
    %sign3A_1670 = arith.constant 0 : i32
    %sign3A_1671 = arith.cmpi sgt, %add3A_1667, %sign3A_1670 : i32
    %sign3A_1672 = arith.extui %sign3A_1671 : i1 to i32
    %sign3A_1673 = arith.constant 0 : i32
    %sign3A_1674 = arith.cmpi slt, %add3A_1667, %sign3A_1673 : i32
    %sign3A_1675 = arith.extui %sign3A_1674 : i1 to i32
    %sign3A_1676 = arith.subi %sign3A_1672, %sign3A_1675 : i32
    %sign3A_1677 = arith.constant 0 : i32
    %sign3A_1678 = arith.cmpi sgt, %jit3A_1668, %sign3A_1677 : i32
    %sign3A_1679 = arith.extui %sign3A_1678 : i1 to i32
    %sign3A_1680 = arith.constant 0 : i32
    %sign3A_1681 = arith.cmpi slt, %jit3A_1668, %sign3A_1680 : i32
    %sign3A_1682 = arith.extui %sign3A_1681 : i1 to i32
    %sign3A_1683 = arith.subi %sign3A_1679, %sign3A_1682 : i32
    %ne3A_1684 = arith.cmpi ne, %sign3A_1676, %sign3A_1683 : i32
    %rem3A_1685 = arith.remsi %add3A_1667, %jit3A_1668 : i32
    %ne3A_1686 = arith.constant 0 : i32
    %ne3A_1687 = arith.cmpi ne, %rem3A_1685, %ne3A_1686 : i32
    %and3A_1688 = arith.andi %ne3A_1684, %ne3A_1687 : i1
    %sub3A_1689 = arith.constant 1 : i32
    %sub3A_1690 = arith.subi %div3A_1669, %sub3A_1689 : i32
    %select_n3A_1691 = arith.select %and3A_1688, %sub3A_1690, %div3A_1669 : i32
    %jit3A_1692 = arith.constant 4 : i32
    %eq3A_1693 = arith.constant 0 : i32
    %eq3A_1694 = arith.cmpi eq, %jit3A_1692, %eq3A_1693 : i32
    %jit3A_1695 = arith.constant 1 : i32
    %select_n3A_1696 = arith.select %eq3A_1694, %jit3A_1695, %jit3A_1692 : i32
    %rem3A_1697 = arith.remsi %add3A_1667, %select_n3A_1696 : i32
    %ne3A_1698 = arith.constant 0 : i32
    %ne3A_1699 = arith.cmpi ne, %rem3A_1697, %ne3A_1698 : i32
    %lt3A_1700 = arith.constant 0 : i32
    %lt3A_1701 = arith.cmpi slt, %rem3A_1697, %lt3A_1700 : i32
    %lt3A_1702 = arith.constant 0 : i32
    %lt3A_1703 = arith.cmpi slt, %select_n3A_1696, %lt3A_1702 : i32
    %ne3A_1704 = arith.xori %lt3A_1701, %lt3A_1703 : i1
    %and3A_1705 = arith.andi %ne3A_1704, %ne3A_1699 : i1
    %add3A_1706 = arith.addi %rem3A_1697, %select_n3A_1696 : i32
    %select_n3A_1707 = arith.select %and3A_1705, %add3A_1706, %rem3A_1697 : i32
    %mul3A_1708 = arith.constant 4096 : i32
    %mul3A_1709 = arith.muli %select_n3A_1707, %mul3A_1708 : i32
    %dma_start3A_1710 = tpu.memref_slice %arg3[%select_n3A_1691, %mul3A_1709] : memref<200x16384xi32, #tpu.memory_space<hbm>> -> memref<1x4096xi32, #tpu.memory_space<hbm>>
    %dma_start3A_1711 = tpu.memref_squeeze %dma_start3A_1710 : memref<1x4096xi32, #tpu.memory_space<hbm>> -> memref<4096xi32, #tpu.memory_space<hbm>>
    %dma_start3A_1712 = tpu.memref_slice %arg3[%select_n3A_1691, %mul3A_1709] : memref<200x16384xi32, #tpu.memory_space<hbm>> -> memref<1x4096xi32, #tpu.memory_space<hbm>>
    %dma_start3A_1713 = tpu.memref_squeeze %dma_start3A_1712 : memref<1x4096xi32, #tpu.memory_space<hbm>> -> memref<4096xi32, #tpu.memory_space<hbm>>
    tpu.enqueue_dma source(%dma_start3A_1713 : memref<4096xi32, #tpu.memory_space<hbm>>) target(%arg11 : memref<4096xi32, #tpu.memory_space<vmem>>) target_semaphore(%arg17 : memref<!tpu.dma_semaphore, #tpu.memory_space<semaphore_mem>>)
    %dma_wait3A_1714 = tpu.memref_slice %arg3[%select_n3A_1639, %mul3A_1657] : memref<200x16384xi32, #tpu.memory_space<hbm>> -> memref<1x4096xi32, #tpu.memory_space<hbm>>
    %dma_wait3A_1715 = tpu.memref_squeeze %dma_wait3A_1714 : memref<1x4096xi32, #tpu.memory_space<hbm>> -> memref<4096xi32, #tpu.memory_space<hbm>>
    %dma_wait3A_1716 = tpu.memref_slice %arg3[%select_n3A_1639, %mul3A_1657] : memref<200x16384xi32, #tpu.memory_space<hbm>> -> memref<1x4096xi32, #tpu.memory_space<hbm>>
    %dma_wait3A_1717 = tpu.memref_squeeze %dma_wait3A_1716 : memref<1x4096xi32, #tpu.memory_space<hbm>> -> memref<4096xi32, #tpu.memory_space<hbm>>
    tpu.wait_dma2 semaphore(%arg16 : memref<!tpu.dma_semaphore, #tpu.memory_space<semaphore_mem>>) src(%dma_wait3A_1717 : memref<4096xi32, #tpu.memory_space<hbm>>) dst(%arg10 : memref<4096xi32, #tpu.memory_space<vmem>>)
    "tpu.region"() ({
      %run_scoped3A = tpu.sem_alloc : memref<!tpu.dma_semaphore, #tpu.memory_space<semaphore_mem>>
      %dma_start3A_2615 = arith.constant 0 : i32
      %dma_start3A_2616 = tpu.memref_slice %arg12[%dma_start3A_2615] : memref<4096xi32, #tpu.memory_space<vmem>> -> memref<4096xi32, #tpu.memory_space<vmem>>
      %dma_start3A_2617 = arith.constant 0 : i32
      %dma_start3A_2618 = tpu.memref_slice %arg7[%dma_start3A_2617] : memref<100352xi32, #tpu.memory_space<vmem_shared>> -> memref<100352xi32, #tpu.memory_space<vmem_shared>>
      tpu.enqueue_indirect_dma source(%dma_start3A_2616 : memref<4096xi32, #tpu.memory_space<vmem>>) target(%dma_start3A_2618 : memref<100352xi32, #tpu.memory_space<vmem_shared>>) offsets(%arg10 : memref<4096xi32, #tpu.memory_space<vmem>>) semaphore(%run_scoped3A : memref<!tpu.dma_semaphore, #tpu.memory_space<semaphore_mem>>) {add = true}
      %dma_wait3A_2619 = arith.constant 0 : i32
      %dma_wait3A_2620 = tpu.memref_slice %arg12[%dma_wait3A_2619] : memref<4096xi32, #tpu.memory_space<vmem>> -> memref<4096xi32, #tpu.memory_space<vmem>>
      %dma_wait3A_2621 = arith.constant 0 : i32
      %dma_wait3A_2622 = tpu.memref_slice %arg7[%dma_wait3A_2621] : memref<100352xi32, #tpu.memory_space<vmem_shared>> -> memref<100352xi32, #tpu.memory_space<vmem_shared>>
      tpu.wait_indirect_dma semaphore(%run_scoped3A : memref<!tpu.dma_semaphore, #tpu.memory_space<semaphore_mem>>) src(%dma_wait3A_2620 : memref<4096xi32, #tpu.memory_space<vmem>>) dst(%dma_wait3A_2622 : memref<100352xi32, #tpu.memory_space<vmem_shared>>)
      tpu.yield
    }) : () -> ()
    %add3A_1718 = arith.constant 8 : i32
    %add3A_1719 = arith.addi %mul3A_2, %add3A_1718 : i32
    %jit3A_1720 = arith.constant 4 : i32
    %div3A_1721 = arith.divsi %add3A_1719, %jit3A_1720 : i32
    %sign3A_1722 = arith.constant 0 : i32
    %sign3A_1723 = arith.cmpi sgt, %add3A_1719, %sign3A_1722 : i32
    %sign3A_1724 = arith.extui %sign3A_1723 : i1 to i32
    %sign3A_1725 = arith.constant 0 : i32
    %sign3A_1726 = arith.cmpi slt, %add3A_1719, %sign3A_1725 : i32
    %sign3A_1727 = arith.extui %sign3A_1726 : i1 to i32
    %sign3A_1728 = arith.subi %sign3A_1724, %sign3A_1727 : i32
    %sign3A_1729 = arith.constant 0 : i32
    %sign3A_1730 = arith.cmpi sgt, %jit3A_1720, %sign3A_1729 : i32
    %sign3A_1731 = arith.extui %sign3A_1730 : i1 to i32
    %sign3A_1732 = arith.constant 0 : i32
    %sign3A_1733 = arith.cmpi slt, %jit3A_1720, %sign3A_1732 : i32
    %sign3A_1734 = arith.extui %sign3A_1733 : i1 to i32
    %sign3A_1735 = arith.subi %sign3A_1731, %sign3A_1734 : i32
    %ne3A_1736 = arith.cmpi ne, %sign3A_1728, %sign3A_1735 : i32
    %rem3A_1737 = arith.remsi %add3A_1719, %jit3A_1720 : i32
    %ne3A_1738 = arith.constant 0 : i32
    %ne3A_1739 = arith.cmpi ne, %rem3A_1737, %ne3A_1738 : i32
    %and3A_1740 = arith.andi %ne3A_1736, %ne3A_1739 : i1
    %sub3A_1741 = arith.constant 1 : i32
    %sub3A_1742 = arith.subi %div3A_1721, %sub3A_1741 : i32
    %select_n3A_1743 = arith.select %and3A_1740, %sub3A_1742, %div3A_1721 : i32
    %jit3A_1744 = arith.constant 4 : i32
    %eq3A_1745 = arith.constant 0 : i32
    %eq3A_1746 = arith.cmpi eq, %jit3A_1744, %eq3A_1745 : i32
    %jit3A_1747 = arith.constant 1 : i32
    %select_n3A_1748 = arith.select %eq3A_1746, %jit3A_1747, %jit3A_1744 : i32
    %rem3A_1749 = arith.remsi %add3A_1719, %select_n3A_1748 : i32
    %ne3A_1750 = arith.constant 0 : i32
    %ne3A_1751 = arith.cmpi ne, %rem3A_1749, %ne3A_1750 : i32
    %lt3A_1752 = arith.constant 0 : i32
    %lt3A_1753 = arith.cmpi slt, %rem3A_1749, %lt3A_1752 : i32
    %lt3A_1754 = arith.constant 0 : i32
    %lt3A_1755 = arith.cmpi slt, %select_n3A_1748, %lt3A_1754 : i32
    %ne3A_1756 = arith.xori %lt3A_1753, %lt3A_1755 : i1
    %and3A_1757 = arith.andi %ne3A_1756, %ne3A_1751 : i1
    %add3A_1758 = arith.addi %rem3A_1749, %select_n3A_1748 : i32
    %select_n3A_1759 = arith.select %and3A_1757, %add3A_1758, %rem3A_1749 : i32
    %mul3A_1760 = arith.constant 4096 : i32
    %mul3A_1761 = arith.muli %select_n3A_1759, %mul3A_1760 : i32
    %dma_start3A_1762 = tpu.memref_slice %arg3[%select_n3A_1743, %mul3A_1761] : memref<200x16384xi32, #tpu.memory_space<hbm>> -> memref<1x4096xi32, #tpu.memory_space<hbm>>
    %dma_start3A_1763 = tpu.memref_squeeze %dma_start3A_1762 : memref<1x4096xi32, #tpu.memory_space<hbm>> -> memref<4096xi32, #tpu.memory_space<hbm>>
    %dma_start3A_1764 = tpu.memref_slice %arg3[%select_n3A_1743, %mul3A_1761] : memref<200x16384xi32, #tpu.memory_space<hbm>> -> memref<1x4096xi32, #tpu.memory_space<hbm>>
    %dma_start3A_1765 = tpu.memref_squeeze %dma_start3A_1764 : memref<1x4096xi32, #tpu.memory_space<hbm>> -> memref<4096xi32, #tpu.memory_space<hbm>>
    tpu.enqueue_dma source(%dma_start3A_1765 : memref<4096xi32, #tpu.memory_space<hbm>>) target(%arg10 : memref<4096xi32, #tpu.memory_space<vmem>>) target_semaphore(%arg16 : memref<!tpu.dma_semaphore, #tpu.memory_space<semaphore_mem>>)
    %dma_wait3A_1766 = tpu.memref_slice %arg3[%select_n3A_1691, %mul3A_1709] : memref<200x16384xi32, #tpu.memory_space<hbm>> -> memref<1x4096xi32, #tpu.memory_space<hbm>>
    %dma_wait3A_1767 = tpu.memref_squeeze %dma_wait3A_1766 : memref<1x4096xi32, #tpu.memory_space<hbm>> -> memref<4096xi32, #tpu.memory_space<hbm>>
    %dma_wait3A_1768 = tpu.memref_slice %arg3[%select_n3A_1691, %mul3A_1709] : memref<200x16384xi32, #tpu.memory_space<hbm>> -> memref<1x4096xi32, #tpu.memory_space<hbm>>
    %dma_wait3A_1769 = tpu.memref_squeeze %dma_wait3A_1768 : memref<1x4096xi32, #tpu.memory_space<hbm>> -> memref<4096xi32, #tpu.memory_space<hbm>>
    tpu.wait_dma2 semaphore(%arg17 : memref<!tpu.dma_semaphore, #tpu.memory_space<semaphore_mem>>) src(%dma_wait3A_1769 : memref<4096xi32, #tpu.memory_space<hbm>>) dst(%arg11 : memref<4096xi32, #tpu.memory_space<vmem>>)
    "tpu.region"() ({
      %run_scoped3A = tpu.sem_alloc : memref<!tpu.dma_semaphore, #tpu.memory_space<semaphore_mem>>
      %dma_start3A_2615 = arith.constant 0 : i32
      %dma_start3A_2616 = tpu.memref_slice %arg12[%dma_start3A_2615] : memref<4096xi32, #tpu.memory_space<vmem>> -> memref<4096xi32, #tpu.memory_space<vmem>>
      %dma_start3A_2617 = arith.constant 0 : i32
      %dma_start3A_2618 = tpu.memref_slice %arg7[%dma_start3A_2617] : memref<100352xi32, #tpu.memory_space<vmem_shared>> -> memref<100352xi32, #tpu.memory_space<vmem_shared>>
      tpu.enqueue_indirect_dma source(%dma_start3A_2616 : memref<4096xi32, #tpu.memory_space<vmem>>) target(%dma_start3A_2618 : memref<100352xi32, #tpu.memory_space<vmem_shared>>) offsets(%arg11 : memref<4096xi32, #tpu.memory_space<vmem>>) semaphore(%run_scoped3A : memref<!tpu.dma_semaphore, #tpu.memory_space<semaphore_mem>>) {add = true}
      %dma_wait3A_2619 = arith.constant 0 : i32
      %dma_wait3A_2620 = tpu.memref_slice %arg12[%dma_wait3A_2619] : memref<4096xi32, #tpu.memory_space<vmem>> -> memref<4096xi32, #tpu.memory_space<vmem>>
      %dma_wait3A_2621 = arith.constant 0 : i32
      %dma_wait3A_2622 = tpu.memref_slice %arg7[%dma_wait3A_2621] : memref<100352xi32, #tpu.memory_space<vmem_shared>> -> memref<100352xi32, #tpu.memory_space<vmem_shared>>
      tpu.wait_indirect_dma semaphore(%run_scoped3A : memref<!tpu.dma_semaphore, #tpu.memory_space<semaphore_mem>>) src(%dma_wait3A_2620 : memref<4096xi32, #tpu.memory_space<vmem>>) dst(%dma_wait3A_2622 : memref<100352xi32, #tpu.memory_space<vmem_shared>>)
      tpu.yield
    }) : () -> ()
    %add3A_1770 = arith.constant 9 : i32
    %add3A_1771 = arith.addi %mul3A_2, %add3A_1770 : i32
    %jit3A_1772 = arith.constant 4 : i32
    %div3A_1773 = arith.divsi %add3A_1771, %jit3A_1772 : i32
    %sign3A_1774 = arith.constant 0 : i32
    %sign3A_1775 = arith.cmpi sgt, %add3A_1771, %sign3A_1774 : i32
    %sign3A_1776 = arith.extui %sign3A_1775 : i1 to i32
    %sign3A_1777 = arith.constant 0 : i32
    %sign3A_1778 = arith.cmpi slt, %add3A_1771, %sign3A_1777 : i32
    %sign3A_1779 = arith.extui %sign3A_1778 : i1 to i32
    %sign3A_1780 = arith.subi %sign3A_1776, %sign3A_1779 : i32
    %sign3A_1781 = arith.constant 0 : i32
    %sign3A_1782 = arith.cmpi sgt, %jit3A_1772, %sign3A_1781 : i32
    %sign3A_1783 = arith.extui %sign3A_1782 : i1 to i32
    %sign3A_1784 = arith.constant 0 : i32
    %sign3A_1785 = arith.cmpi slt, %jit3A_1772, %sign3A_1784 : i32
    %sign3A_1786 = arith.extui %sign3A_1785 : i1 to i32
    %sign3A_1787 = arith.subi %sign3A_1783, %sign3A_1786 : i32
    %ne3A_1788 = arith.cmpi ne, %sign3A_1780, %sign3A_1787 : i32
    %rem3A_1789 = arith.remsi %add3A_1771, %jit3A_1772 : i32
    %ne3A_1790 = arith.constant 0 : i32
    %ne3A_1791 = arith.cmpi ne, %rem3A_1789, %ne3A_1790 : i32
    %and3A_1792 = arith.andi %ne3A_1788, %ne3A_1791 : i1
    %sub3A_1793 = arith.constant 1 : i32
    %sub3A_1794 = arith.subi %div3A_1773, %sub3A_1793 : i32
    %select_n3A_1795 = arith.select %and3A_1792, %sub3A_1794, %div3A_1773 : i32
    %jit3A_1796 = arith.constant 4 : i32
    %eq3A_1797 = arith.constant 0 : i32
    %eq3A_1798 = arith.cmpi eq, %jit3A_1796, %eq3A_1797 : i32
    %jit3A_1799 = arith.constant 1 : i32
    %select_n3A_1800 = arith.select %eq3A_1798, %jit3A_1799, %jit3A_1796 : i32
    %rem3A_1801 = arith.remsi %add3A_1771, %select_n3A_1800 : i32
    %ne3A_1802 = arith.constant 0 : i32
    %ne3A_1803 = arith.cmpi ne, %rem3A_1801, %ne3A_1802 : i32
    %lt3A_1804 = arith.constant 0 : i32
    %lt3A_1805 = arith.cmpi slt, %rem3A_1801, %lt3A_1804 : i32
    %lt3A_1806 = arith.constant 0 : i32
    %lt3A_1807 = arith.cmpi slt, %select_n3A_1800, %lt3A_1806 : i32
    %ne3A_1808 = arith.xori %lt3A_1805, %lt3A_1807 : i1
    %and3A_1809 = arith.andi %ne3A_1808, %ne3A_1803 : i1
    %add3A_1810 = arith.addi %rem3A_1801, %select_n3A_1800 : i32
    %select_n3A_1811 = arith.select %and3A_1809, %add3A_1810, %rem3A_1801 : i32
    %mul3A_1812 = arith.constant 4096 : i32
    %mul3A_1813 = arith.muli %select_n3A_1811, %mul3A_1812 : i32
    %dma_start3A_1814 = tpu.memref_slice %arg3[%select_n3A_1795, %mul3A_1813] : memref<200x16384xi32, #tpu.memory_space<hbm>> -> memref<1x4096xi32, #tpu.memory_space<hbm>>
    %dma_start3A_1815 = tpu.memref_squeeze %dma_start3A_1814 : memref<1x4096xi32, #tpu.memory_space<hbm>> -> memref<4096xi32, #tpu.memory_space<hbm>>
    %dma_start3A_1816 = tpu.memref_slice %arg3[%select_n3A_1795, %mul3A_1813] : memref<200x16384xi32, #tpu.memory_space<hbm>> -> memref<1x4096xi32, #tpu.memory_space<hbm>>
    %dma_start3A_1817 = tpu.memref_squeeze %dma_start3A_1816 : memref<1x4096xi32, #tpu.memory_space<hbm>> -> memref<4096xi32, #tpu.memory_space<hbm>>
    tpu.enqueue_dma source(%dma_start3A_1817 : memref<4096xi32, #tpu.memory_space<hbm>>) target(%arg11 : memref<4096xi32, #tpu.memory_space<vmem>>) target_semaphore(%arg17 : memref<!tpu.dma_semaphore, #tpu.memory_space<semaphore_mem>>)
    %dma_wait3A_1818 = tpu.memref_slice %arg3[%select_n3A_1743, %mul3A_1761] : memref<200x16384xi32, #tpu.memory_space<hbm>> -> memref<1x4096xi32, #tpu.memory_space<hbm>>
    %dma_wait3A_1819 = tpu.memref_squeeze %dma_wait3A_1818 : memref<1x4096xi32, #tpu.memory_space<hbm>> -> memref<4096xi32, #tpu.memory_space<hbm>>
    %dma_wait3A_1820 = tpu.memref_slice %arg3[%select_n3A_1743, %mul3A_1761] : memref<200x16384xi32, #tpu.memory_space<hbm>> -> memref<1x4096xi32, #tpu.memory_space<hbm>>
    %dma_wait3A_1821 = tpu.memref_squeeze %dma_wait3A_1820 : memref<1x4096xi32, #tpu.memory_space<hbm>> -> memref<4096xi32, #tpu.memory_space<hbm>>
    tpu.wait_dma2 semaphore(%arg16 : memref<!tpu.dma_semaphore, #tpu.memory_space<semaphore_mem>>) src(%dma_wait3A_1821 : memref<4096xi32, #tpu.memory_space<hbm>>) dst(%arg10 : memref<4096xi32, #tpu.memory_space<vmem>>)
    "tpu.region"() ({
      %run_scoped3A = tpu.sem_alloc : memref<!tpu.dma_semaphore, #tpu.memory_space<semaphore_mem>>
      %dma_start3A_2615 = arith.constant 0 : i32
      %dma_start3A_2616 = tpu.memref_slice %arg12[%dma_start3A_2615] : memref<4096xi32, #tpu.memory_space<vmem>> -> memref<4096xi32, #tpu.memory_space<vmem>>
      %dma_start3A_2617 = arith.constant 0 : i32
      %dma_start3A_2618 = tpu.memref_slice %arg7[%dma_start3A_2617] : memref<100352xi32, #tpu.memory_space<vmem_shared>> -> memref<100352xi32, #tpu.memory_space<vmem_shared>>
      tpu.enqueue_indirect_dma source(%dma_start3A_2616 : memref<4096xi32, #tpu.memory_space<vmem>>) target(%dma_start3A_2618 : memref<100352xi32, #tpu.memory_space<vmem_shared>>) offsets(%arg10 : memref<4096xi32, #tpu.memory_space<vmem>>) semaphore(%run_scoped3A : memref<!tpu.dma_semaphore, #tpu.memory_space<semaphore_mem>>) {add = true}
      %dma_wait3A_2619 = arith.constant 0 : i32
      %dma_wait3A_2620 = tpu.memref_slice %arg12[%dma_wait3A_2619] : memref<4096xi32, #tpu.memory_space<vmem>> -> memref<4096xi32, #tpu.memory_space<vmem>>
      %dma_wait3A_2621 = arith.constant 0 : i32
      %dma_wait3A_2622 = tpu.memref_slice %arg7[%dma_wait3A_2621] : memref<100352xi32, #tpu.memory_space<vmem_shared>> -> memref<100352xi32, #tpu.memory_space<vmem_shared>>
      tpu.wait_indirect_dma semaphore(%run_scoped3A : memref<!tpu.dma_semaphore, #tpu.memory_space<semaphore_mem>>) src(%dma_wait3A_2620 : memref<4096xi32, #tpu.memory_space<vmem>>) dst(%dma_wait3A_2622 : memref<100352xi32, #tpu.memory_space<vmem_shared>>)
      tpu.yield
    }) : () -> ()
    %add3A_1822 = arith.constant 10 : i32
    %add3A_1823 = arith.addi %mul3A_2, %add3A_1822 : i32
    %jit3A_1824 = arith.constant 4 : i32
    %div3A_1825 = arith.divsi %add3A_1823, %jit3A_1824 : i32
    %sign3A_1826 = arith.constant 0 : i32
    %sign3A_1827 = arith.cmpi sgt, %add3A_1823, %sign3A_1826 : i32
    %sign3A_1828 = arith.extui %sign3A_1827 : i1 to i32
    %sign3A_1829 = arith.constant 0 : i32
    %sign3A_1830 = arith.cmpi slt, %add3A_1823, %sign3A_1829 : i32
    %sign3A_1831 = arith.extui %sign3A_1830 : i1 to i32
    %sign3A_1832 = arith.subi %sign3A_1828, %sign3A_1831 : i32
    %sign3A_1833 = arith.constant 0 : i32
    %sign3A_1834 = arith.cmpi sgt, %jit3A_1824, %sign3A_1833 : i32
    %sign3A_1835 = arith.extui %sign3A_1834 : i1 to i32
    %sign3A_1836 = arith.constant 0 : i32
    %sign3A_1837 = arith.cmpi slt, %jit3A_1824, %sign3A_1836 : i32
    %sign3A_1838 = arith.extui %sign3A_1837 : i1 to i32
    %sign3A_1839 = arith.subi %sign3A_1835, %sign3A_1838 : i32
    %ne3A_1840 = arith.cmpi ne, %sign3A_1832, %sign3A_1839 : i32
    %rem3A_1841 = arith.remsi %add3A_1823, %jit3A_1824 : i32
    %ne3A_1842 = arith.constant 0 : i32
    %ne3A_1843 = arith.cmpi ne, %rem3A_1841, %ne3A_1842 : i32
    %and3A_1844 = arith.andi %ne3A_1840, %ne3A_1843 : i1
    %sub3A_1845 = arith.constant 1 : i32
    %sub3A_1846 = arith.subi %div3A_1825, %sub3A_1845 : i32
    %select_n3A_1847 = arith.select %and3A_1844, %sub3A_1846, %div3A_1825 : i32
    %jit3A_1848 = arith.constant 4 : i32
    %eq3A_1849 = arith.constant 0 : i32
    %eq3A_1850 = arith.cmpi eq, %jit3A_1848, %eq3A_1849 : i32
    %jit3A_1851 = arith.constant 1 : i32
    %select_n3A_1852 = arith.select %eq3A_1850, %jit3A_1851, %jit3A_1848 : i32
    %rem3A_1853 = arith.remsi %add3A_1823, %select_n3A_1852 : i32
    %ne3A_1854 = arith.constant 0 : i32
    %ne3A_1855 = arith.cmpi ne, %rem3A_1853, %ne3A_1854 : i32
    %lt3A_1856 = arith.constant 0 : i32
    %lt3A_1857 = arith.cmpi slt, %rem3A_1853, %lt3A_1856 : i32
    %lt3A_1858 = arith.constant 0 : i32
    %lt3A_1859 = arith.cmpi slt, %select_n3A_1852, %lt3A_1858 : i32
    %ne3A_1860 = arith.xori %lt3A_1857, %lt3A_1859 : i1
    %and3A_1861 = arith.andi %ne3A_1860, %ne3A_1855 : i1
    %add3A_1862 = arith.addi %rem3A_1853, %select_n3A_1852 : i32
    %select_n3A_1863 = arith.select %and3A_1861, %add3A_1862, %rem3A_1853 : i32
    %mul3A_1864 = arith.constant 4096 : i32
    %mul3A_1865 = arith.muli %select_n3A_1863, %mul3A_1864 : i32
    %dma_start3A_1866 = tpu.memref_slice %arg3[%select_n3A_1847, %mul3A_1865] : memref<200x16384xi32, #tpu.memory_space<hbm>> -> memref<1x4096xi32, #tpu.memory_space<hbm>>
    %dma_start3A_1867 = tpu.memref_squeeze %dma_start3A_1866 : memref<1x4096xi32, #tpu.memory_space<hbm>> -> memref<4096xi32, #tpu.memory_space<hbm>>
    %dma_start3A_1868 = tpu.memref_slice %arg3[%select_n3A_1847, %mul3A_1865] : memref<200x16384xi32, #tpu.memory_space<hbm>> -> memref<1x4096xi32, #tpu.memory_space<hbm>>
    %dma_start3A_1869 = tpu.memref_squeeze %dma_start3A_1868 : memref<1x4096xi32, #tpu.memory_space<hbm>> -> memref<4096xi32, #tpu.memory_space<hbm>>
    tpu.enqueue_dma source(%dma_start3A_1869 : memref<4096xi32, #tpu.memory_space<hbm>>) target(%arg10 : memref<4096xi32, #tpu.memory_space<vmem>>) target_semaphore(%arg16 : memref<!tpu.dma_semaphore, #tpu.memory_space<semaphore_mem>>)
    %dma_wait3A_1870 = tpu.memref_slice %arg3[%select_n3A_1795, %mul3A_1813] : memref<200x16384xi32, #tpu.memory_space<hbm>> -> memref<1x4096xi32, #tpu.memory_space<hbm>>
    %dma_wait3A_1871 = tpu.memref_squeeze %dma_wait3A_1870 : memref<1x4096xi32, #tpu.memory_space<hbm>> -> memref<4096xi32, #tpu.memory_space<hbm>>
    %dma_wait3A_1872 = tpu.memref_slice %arg3[%select_n3A_1795, %mul3A_1813] : memref<200x16384xi32, #tpu.memory_space<hbm>> -> memref<1x4096xi32, #tpu.memory_space<hbm>>
    %dma_wait3A_1873 = tpu.memref_squeeze %dma_wait3A_1872 : memref<1x4096xi32, #tpu.memory_space<hbm>> -> memref<4096xi32, #tpu.memory_space<hbm>>
    tpu.wait_dma2 semaphore(%arg17 : memref<!tpu.dma_semaphore, #tpu.memory_space<semaphore_mem>>) src(%dma_wait3A_1873 : memref<4096xi32, #tpu.memory_space<hbm>>) dst(%arg11 : memref<4096xi32, #tpu.memory_space<vmem>>)
    "tpu.region"() ({
      %run_scoped3A = tpu.sem_alloc : memref<!tpu.dma_semaphore, #tpu.memory_space<semaphore_mem>>
      %dma_start3A_2615 = arith.constant 0 : i32
      %dma_start3A_2616 = tpu.memref_slice %arg12[%dma_start3A_2615] : memref<4096xi32, #tpu.memory_space<vmem>> -> memref<4096xi32, #tpu.memory_space<vmem>>
      %dma_start3A_2617 = arith.constant 0 : i32
      %dma_start3A_2618 = tpu.memref_slice %arg7[%dma_start3A_2617] : memref<100352xi32, #tpu.memory_space<vmem_shared>> -> memref<100352xi32, #tpu.memory_space<vmem_shared>>
      tpu.enqueue_indirect_dma source(%dma_start3A_2616 : memref<4096xi32, #tpu.memory_space<vmem>>) target(%dma_start3A_2618 : memref<100352xi32, #tpu.memory_space<vmem_shared>>) offsets(%arg11 : memref<4096xi32, #tpu.memory_space<vmem>>) semaphore(%run_scoped3A : memref<!tpu.dma_semaphore, #tpu.memory_space<semaphore_mem>>) {add = true}
      %dma_wait3A_2619 = arith.constant 0 : i32
      %dma_wait3A_2620 = tpu.memref_slice %arg12[%dma_wait3A_2619] : memref<4096xi32, #tpu.memory_space<vmem>> -> memref<4096xi32, #tpu.memory_space<vmem>>
      %dma_wait3A_2621 = arith.constant 0 : i32
      %dma_wait3A_2622 = tpu.memref_slice %arg7[%dma_wait3A_2621] : memref<100352xi32, #tpu.memory_space<vmem_shared>> -> memref<100352xi32, #tpu.memory_space<vmem_shared>>
      tpu.wait_indirect_dma semaphore(%run_scoped3A : memref<!tpu.dma_semaphore, #tpu.memory_space<semaphore_mem>>) src(%dma_wait3A_2620 : memref<4096xi32, #tpu.memory_space<vmem>>) dst(%dma_wait3A_2622 : memref<100352xi32, #tpu.memory_space<vmem_shared>>)
      tpu.yield
    }) : () -> ()
    %add3A_1874 = arith.constant 11 : i32
    %add3A_1875 = arith.addi %mul3A_2, %add3A_1874 : i32
    %jit3A_1876 = arith.constant 4 : i32
    %div3A_1877 = arith.divsi %add3A_1875, %jit3A_1876 : i32
    %sign3A_1878 = arith.constant 0 : i32
    %sign3A_1879 = arith.cmpi sgt, %add3A_1875, %sign3A_1878 : i32
    %sign3A_1880 = arith.extui %sign3A_1879 : i1 to i32
    %sign3A_1881 = arith.constant 0 : i32
    %sign3A_1882 = arith.cmpi slt, %add3A_1875, %sign3A_1881 : i32
    %sign3A_1883 = arith.extui %sign3A_1882 : i1 to i32
    %sign3A_1884 = arith.subi %sign3A_1880, %sign3A_1883 : i32
    %sign3A_1885 = arith.constant 0 : i32
    %sign3A_1886 = arith.cmpi sgt, %jit3A_1876, %sign3A_1885 : i32
    %sign3A_1887 = arith.extui %sign3A_1886 : i1 to i32
    %sign3A_1888 = arith.constant 0 : i32
    %sign3A_1889 = arith.cmpi slt, %jit3A_1876, %sign3A_1888 : i32
    %sign3A_1890 = arith.extui %sign3A_1889 : i1 to i32
    %sign3A_1891 = arith.subi %sign3A_1887, %sign3A_1890 : i32
    %ne3A_1892 = arith.cmpi ne, %sign3A_1884, %sign3A_1891 : i32
    %rem3A_1893 = arith.remsi %add3A_1875, %jit3A_1876 : i32
    %ne3A_1894 = arith.constant 0 : i32
    %ne3A_1895 = arith.cmpi ne, %rem3A_1893, %ne3A_1894 : i32
    %and3A_1896 = arith.andi %ne3A_1892, %ne3A_1895 : i1
    %sub3A_1897 = arith.constant 1 : i32
    %sub3A_1898 = arith.subi %div3A_1877, %sub3A_1897 : i32
    %select_n3A_1899 = arith.select %and3A_1896, %sub3A_1898, %div3A_1877 : i32
    %jit3A_1900 = arith.constant 4 : i32
    %eq3A_1901 = arith.constant 0 : i32
    %eq3A_1902 = arith.cmpi eq, %jit3A_1900, %eq3A_1901 : i32
    %jit3A_1903 = arith.constant 1 : i32
    %select_n3A_1904 = arith.select %eq3A_1902, %jit3A_1903, %jit3A_1900 : i32
    %rem3A_1905 = arith.remsi %add3A_1875, %select_n3A_1904 : i32
    %ne3A_1906 = arith.constant 0 : i32
    %ne3A_1907 = arith.cmpi ne, %rem3A_1905, %ne3A_1906 : i32
    %lt3A_1908 = arith.constant 0 : i32
    %lt3A_1909 = arith.cmpi slt, %rem3A_1905, %lt3A_1908 : i32
    %lt3A_1910 = arith.constant 0 : i32
    %lt3A_1911 = arith.cmpi slt, %select_n3A_1904, %lt3A_1910 : i32
    %ne3A_1912 = arith.xori %lt3A_1909, %lt3A_1911 : i1
    %and3A_1913 = arith.andi %ne3A_1912, %ne3A_1907 : i1
    %add3A_1914 = arith.addi %rem3A_1905, %select_n3A_1904 : i32
    %select_n3A_1915 = arith.select %and3A_1913, %add3A_1914, %rem3A_1905 : i32
    %mul3A_1916 = arith.constant 4096 : i32
    %mul3A_1917 = arith.muli %select_n3A_1915, %mul3A_1916 : i32
    %dma_start3A_1918 = tpu.memref_slice %arg3[%select_n3A_1899, %mul3A_1917] : memref<200x16384xi32, #tpu.memory_space<hbm>> -> memref<1x4096xi32, #tpu.memory_space<hbm>>
    %dma_start3A_1919 = tpu.memref_squeeze %dma_start3A_1918 : memref<1x4096xi32, #tpu.memory_space<hbm>> -> memref<4096xi32, #tpu.memory_space<hbm>>
    %dma_start3A_1920 = tpu.memref_slice %arg3[%select_n3A_1899, %mul3A_1917] : memref<200x16384xi32, #tpu.memory_space<hbm>> -> memref<1x4096xi32, #tpu.memory_space<hbm>>
    %dma_start3A_1921 = tpu.memref_squeeze %dma_start3A_1920 : memref<1x4096xi32, #tpu.memory_space<hbm>> -> memref<4096xi32, #tpu.memory_space<hbm>>
    tpu.enqueue_dma source(%dma_start3A_1921 : memref<4096xi32, #tpu.memory_space<hbm>>) target(%arg11 : memref<4096xi32, #tpu.memory_space<vmem>>) target_semaphore(%arg17 : memref<!tpu.dma_semaphore, #tpu.memory_space<semaphore_mem>>)
    %dma_wait3A_1922 = tpu.memref_slice %arg3[%select_n3A_1847, %mul3A_1865] : memref<200x16384xi32, #tpu.memory_space<hbm>> -> memref<1x4096xi32, #tpu.memory_space<hbm>>
    %dma_wait3A_1923 = tpu.memref_squeeze %dma_wait3A_1922 : memref<1x4096xi32, #tpu.memory_space<hbm>> -> memref<4096xi32, #tpu.memory_space<hbm>>
    %dma_wait3A_1924 = tpu.memref_slice %arg3[%select_n3A_1847, %mul3A_1865] : memref<200x16384xi32, #tpu.memory_space<hbm>> -> memref<1x4096xi32, #tpu.memory_space<hbm>>
    %dma_wait3A_1925 = tpu.memref_squeeze %dma_wait3A_1924 : memref<1x4096xi32, #tpu.memory_space<hbm>> -> memref<4096xi32, #tpu.memory_space<hbm>>
    tpu.wait_dma2 semaphore(%arg16 : memref<!tpu.dma_semaphore, #tpu.memory_space<semaphore_mem>>) src(%dma_wait3A_1925 : memref<4096xi32, #tpu.memory_space<hbm>>) dst(%arg10 : memref<4096xi32, #tpu.memory_space<vmem>>)
    "tpu.region"() ({
      %run_scoped3A = tpu.sem_alloc : memref<!tpu.dma_semaphore, #tpu.memory_space<semaphore_mem>>
      %dma_start3A_2615 = arith.constant 0 : i32
      %dma_start3A_2616 = tpu.memref_slice %arg12[%dma_start3A_2615] : memref<4096xi32, #tpu.memory_space<vmem>> -> memref<4096xi32, #tpu.memory_space<vmem>>
      %dma_start3A_2617 = arith.constant 0 : i32
      %dma_start3A_2618 = tpu.memref_slice %arg7[%dma_start3A_2617] : memref<100352xi32, #tpu.memory_space<vmem_shared>> -> memref<100352xi32, #tpu.memory_space<vmem_shared>>
      tpu.enqueue_indirect_dma source(%dma_start3A_2616 : memref<4096xi32, #tpu.memory_space<vmem>>) target(%dma_start3A_2618 : memref<100352xi32, #tpu.memory_space<vmem_shared>>) offsets(%arg10 : memref<4096xi32, #tpu.memory_space<vmem>>) semaphore(%run_scoped3A : memref<!tpu.dma_semaphore, #tpu.memory_space<semaphore_mem>>) {add = true}
      %dma_wait3A_2619 = arith.constant 0 : i32
      %dma_wait3A_2620 = tpu.memref_slice %arg12[%dma_wait3A_2619] : memref<4096xi32, #tpu.memory_space<vmem>> -> memref<4096xi32, #tpu.memory_space<vmem>>
      %dma_wait3A_2621 = arith.constant 0 : i32
      %dma_wait3A_2622 = tpu.memref_slice %arg7[%dma_wait3A_2621] : memref<100352xi32, #tpu.memory_space<vmem_shared>> -> memref<100352xi32, #tpu.memory_space<vmem_shared>>
      tpu.wait_indirect_dma semaphore(%run_scoped3A : memref<!tpu.dma_semaphore, #tpu.memory_space<semaphore_mem>>) src(%dma_wait3A_2620 : memref<4096xi32, #tpu.memory_space<vmem>>) dst(%dma_wait3A_2622 : memref<100352xi32, #tpu.memory_space<vmem_shared>>)
      tpu.yield
    }) : () -> ()
    %add3A_1926 = arith.constant 12 : i32
    %add3A_1927 = arith.addi %mul3A_2, %add3A_1926 : i32
    %jit3A_1928 = arith.constant 4 : i32
    %div3A_1929 = arith.divsi %add3A_1927, %jit3A_1928 : i32
    %sign3A_1930 = arith.constant 0 : i32
    %sign3A_1931 = arith.cmpi sgt, %add3A_1927, %sign3A_1930 : i32
    %sign3A_1932 = arith.extui %sign3A_1931 : i1 to i32
    %sign3A_1933 = arith.constant 0 : i32
    %sign3A_1934 = arith.cmpi slt, %add3A_1927, %sign3A_1933 : i32
    %sign3A_1935 = arith.extui %sign3A_1934 : i1 to i32
    %sign3A_1936 = arith.subi %sign3A_1932, %sign3A_1935 : i32
    %sign3A_1937 = arith.constant 0 : i32
    %sign3A_1938 = arith.cmpi sgt, %jit3A_1928, %sign3A_1937 : i32
    %sign3A_1939 = arith.extui %sign3A_1938 : i1 to i32
    %sign3A_1940 = arith.constant 0 : i32
    %sign3A_1941 = arith.cmpi slt, %jit3A_1928, %sign3A_1940 : i32
    %sign3A_1942 = arith.extui %sign3A_1941 : i1 to i32
    %sign3A_1943 = arith.subi %sign3A_1939, %sign3A_1942 : i32
    %ne3A_1944 = arith.cmpi ne, %sign3A_1936, %sign3A_1943 : i32
    %rem3A_1945 = arith.remsi %add3A_1927, %jit3A_1928 : i32
    %ne3A_1946 = arith.constant 0 : i32
    %ne3A_1947 = arith.cmpi ne, %rem3A_1945, %ne3A_1946 : i32
    %and3A_1948 = arith.andi %ne3A_1944, %ne3A_1947 : i1
    %sub3A_1949 = arith.constant 1 : i32
    %sub3A_1950 = arith.subi %div3A_1929, %sub3A_1949 : i32
    %select_n3A_1951 = arith.select %and3A_1948, %sub3A_1950, %div3A_1929 : i32
    %jit3A_1952 = arith.constant 4 : i32
    %eq3A_1953 = arith.constant 0 : i32
    %eq3A_1954 = arith.cmpi eq, %jit3A_1952, %eq3A_1953 : i32
    %jit3A_1955 = arith.constant 1 : i32
    %select_n3A_1956 = arith.select %eq3A_1954, %jit3A_1955, %jit3A_1952 : i32
    %rem3A_1957 = arith.remsi %add3A_1927, %select_n3A_1956 : i32
    %ne3A_1958 = arith.constant 0 : i32
    %ne3A_1959 = arith.cmpi ne, %rem3A_1957, %ne3A_1958 : i32
    %lt3A_1960 = arith.constant 0 : i32
    %lt3A_1961 = arith.cmpi slt, %rem3A_1957, %lt3A_1960 : i32
    %lt3A_1962 = arith.constant 0 : i32
    %lt3A_1963 = arith.cmpi slt, %select_n3A_1956, %lt3A_1962 : i32
    %ne3A_1964 = arith.xori %lt3A_1961, %lt3A_1963 : i1
    %and3A_1965 = arith.andi %ne3A_1964, %ne3A_1959 : i1
    %add3A_1966 = arith.addi %rem3A_1957, %select_n3A_1956 : i32
    %select_n3A_1967 = arith.select %and3A_1965, %add3A_1966, %rem3A_1957 : i32
    %mul3A_1968 = arith.constant 4096 : i32
    %mul3A_1969 = arith.muli %select_n3A_1967, %mul3A_1968 : i32
    %dma_start3A_1970 = tpu.memref_slice %arg3[%select_n3A_1951, %mul3A_1969] : memref<200x16384xi32, #tpu.memory_space<hbm>> -> memref<1x4096xi32, #tpu.memory_space<hbm>>
    %dma_start3A_1971 = tpu.memref_squeeze %dma_start3A_1970 : memref<1x4096xi32, #tpu.memory_space<hbm>> -> memref<4096xi32, #tpu.memory_space<hbm>>
    %dma_start3A_1972 = tpu.memref_slice %arg3[%select_n3A_1951, %mul3A_1969] : memref<200x16384xi32, #tpu.memory_space<hbm>> -> memref<1x4096xi32, #tpu.memory_space<hbm>>
    %dma_start3A_1973 = tpu.memref_squeeze %dma_start3A_1972 : memref<1x4096xi32, #tpu.memory_space<hbm>> -> memref<4096xi32, #tpu.memory_space<hbm>>
    tpu.enqueue_dma source(%dma_start3A_1973 : memref<4096xi32, #tpu.memory_space<hbm>>) target(%arg10 : memref<4096xi32, #tpu.memory_space<vmem>>) target_semaphore(%arg16 : memref<!tpu.dma_semaphore, #tpu.memory_space<semaphore_mem>>)
    %dma_wait3A_1974 = tpu.memref_slice %arg3[%select_n3A_1899, %mul3A_1917] : memref<200x16384xi32, #tpu.memory_space<hbm>> -> memref<1x4096xi32, #tpu.memory_space<hbm>>
    %dma_wait3A_1975 = tpu.memref_squeeze %dma_wait3A_1974 : memref<1x4096xi32, #tpu.memory_space<hbm>> -> memref<4096xi32, #tpu.memory_space<hbm>>
    %dma_wait3A_1976 = tpu.memref_slice %arg3[%select_n3A_1899, %mul3A_1917] : memref<200x16384xi32, #tpu.memory_space<hbm>> -> memref<1x4096xi32, #tpu.memory_space<hbm>>
    %dma_wait3A_1977 = tpu.memref_squeeze %dma_wait3A_1976 : memref<1x4096xi32, #tpu.memory_space<hbm>> -> memref<4096xi32, #tpu.memory_space<hbm>>
    tpu.wait_dma2 semaphore(%arg17 : memref<!tpu.dma_semaphore, #tpu.memory_space<semaphore_mem>>) src(%dma_wait3A_1977 : memref<4096xi32, #tpu.memory_space<hbm>>) dst(%arg11 : memref<4096xi32, #tpu.memory_space<vmem>>)
    "tpu.region"() ({
      %run_scoped3A = tpu.sem_alloc : memref<!tpu.dma_semaphore, #tpu.memory_space<semaphore_mem>>
      %dma_start3A_2615 = arith.constant 0 : i32
      %dma_start3A_2616 = tpu.memref_slice %arg12[%dma_start3A_2615] : memref<4096xi32, #tpu.memory_space<vmem>> -> memref<4096xi32, #tpu.memory_space<vmem>>
      %dma_start3A_2617 = arith.constant 0 : i32
      %dma_start3A_2618 = tpu.memref_slice %arg7[%dma_start3A_2617] : memref<100352xi32, #tpu.memory_space<vmem_shared>> -> memref<100352xi32, #tpu.memory_space<vmem_shared>>
      tpu.enqueue_indirect_dma source(%dma_start3A_2616 : memref<4096xi32, #tpu.memory_space<vmem>>) target(%dma_start3A_2618 : memref<100352xi32, #tpu.memory_space<vmem_shared>>) offsets(%arg11 : memref<4096xi32, #tpu.memory_space<vmem>>) semaphore(%run_scoped3A : memref<!tpu.dma_semaphore, #tpu.memory_space<semaphore_mem>>) {add = true}
      %dma_wait3A_2619 = arith.constant 0 : i32
      %dma_wait3A_2620 = tpu.memref_slice %arg12[%dma_wait3A_2619] : memref<4096xi32, #tpu.memory_space<vmem>> -> memref<4096xi32, #tpu.memory_space<vmem>>
      %dma_wait3A_2621 = arith.constant 0 : i32
      %dma_wait3A_2622 = tpu.memref_slice %arg7[%dma_wait3A_2621] : memref<100352xi32, #tpu.memory_space<vmem_shared>> -> memref<100352xi32, #tpu.memory_space<vmem_shared>>
      tpu.wait_indirect_dma semaphore(%run_scoped3A : memref<!tpu.dma_semaphore, #tpu.memory_space<semaphore_mem>>) src(%dma_wait3A_2620 : memref<4096xi32, #tpu.memory_space<vmem>>) dst(%dma_wait3A_2622 : memref<100352xi32, #tpu.memory_space<vmem_shared>>)
      tpu.yield
    }) : () -> ()
    %add3A_1978 = arith.constant 13 : i32
    %add3A_1979 = arith.addi %mul3A_2, %add3A_1978 : i32
    %jit3A_1980 = arith.constant 4 : i32
    %div3A_1981 = arith.divsi %add3A_1979, %jit3A_1980 : i32
    %sign3A_1982 = arith.constant 0 : i32
    %sign3A_1983 = arith.cmpi sgt, %add3A_1979, %sign3A_1982 : i32
    %sign3A_1984 = arith.extui %sign3A_1983 : i1 to i32
    %sign3A_1985 = arith.constant 0 : i32
    %sign3A_1986 = arith.cmpi slt, %add3A_1979, %sign3A_1985 : i32
    %sign3A_1987 = arith.extui %sign3A_1986 : i1 to i32
    %sign3A_1988 = arith.subi %sign3A_1984, %sign3A_1987 : i32
    %sign3A_1989 = arith.constant 0 : i32
    %sign3A_1990 = arith.cmpi sgt, %jit3A_1980, %sign3A_1989 : i32
    %sign3A_1991 = arith.extui %sign3A_1990 : i1 to i32
    %sign3A_1992 = arith.constant 0 : i32
    %sign3A_1993 = arith.cmpi slt, %jit3A_1980, %sign3A_1992 : i32
    %sign3A_1994 = arith.extui %sign3A_1993 : i1 to i32
    %sign3A_1995 = arith.subi %sign3A_1991, %sign3A_1994 : i32
    %ne3A_1996 = arith.cmpi ne, %sign3A_1988, %sign3A_1995 : i32
    %rem3A_1997 = arith.remsi %add3A_1979, %jit3A_1980 : i32
    %ne3A_1998 = arith.constant 0 : i32
    %ne3A_1999 = arith.cmpi ne, %rem3A_1997, %ne3A_1998 : i32
    %and3A_2000 = arith.andi %ne3A_1996, %ne3A_1999 : i1
    %sub3A_2001 = arith.constant 1 : i32
    %sub3A_2002 = arith.subi %div3A_1981, %sub3A_2001 : i32
    %select_n3A_2003 = arith.select %and3A_2000, %sub3A_2002, %div3A_1981 : i32
    %jit3A_2004 = arith.constant 4 : i32
    %eq3A_2005 = arith.constant 0 : i32
    %eq3A_2006 = arith.cmpi eq, %jit3A_2004, %eq3A_2005 : i32
    %jit3A_2007 = arith.constant 1 : i32
    %select_n3A_2008 = arith.select %eq3A_2006, %jit3A_2007, %jit3A_2004 : i32
    %rem3A_2009 = arith.remsi %add3A_1979, %select_n3A_2008 : i32
    %ne3A_2010 = arith.constant 0 : i32
    %ne3A_2011 = arith.cmpi ne, %rem3A_2009, %ne3A_2010 : i32
    %lt3A_2012 = arith.constant 0 : i32
    %lt3A_2013 = arith.cmpi slt, %rem3A_2009, %lt3A_2012 : i32
    %lt3A_2014 = arith.constant 0 : i32
    %lt3A_2015 = arith.cmpi slt, %select_n3A_2008, %lt3A_2014 : i32
    %ne3A_2016 = arith.xori %lt3A_2013, %lt3A_2015 : i1
    %and3A_2017 = arith.andi %ne3A_2016, %ne3A_2011 : i1
    %add3A_2018 = arith.addi %rem3A_2009, %select_n3A_2008 : i32
    %select_n3A_2019 = arith.select %and3A_2017, %add3A_2018, %rem3A_2009 : i32
    %mul3A_2020 = arith.constant 4096 : i32
    %mul3A_2021 = arith.muli %select_n3A_2019, %mul3A_2020 : i32
    %dma_start3A_2022 = tpu.memref_slice %arg3[%select_n3A_2003, %mul3A_2021] : memref<200x16384xi32, #tpu.memory_space<hbm>> -> memref<1x4096xi32, #tpu.memory_space<hbm>>
    %dma_start3A_2023 = tpu.memref_squeeze %dma_start3A_2022 : memref<1x4096xi32, #tpu.memory_space<hbm>> -> memref<4096xi32, #tpu.memory_space<hbm>>
    %dma_start3A_2024 = tpu.memref_slice %arg3[%select_n3A_2003, %mul3A_2021] : memref<200x16384xi32, #tpu.memory_space<hbm>> -> memref<1x4096xi32, #tpu.memory_space<hbm>>
    %dma_start3A_2025 = tpu.memref_squeeze %dma_start3A_2024 : memref<1x4096xi32, #tpu.memory_space<hbm>> -> memref<4096xi32, #tpu.memory_space<hbm>>
    tpu.enqueue_dma source(%dma_start3A_2025 : memref<4096xi32, #tpu.memory_space<hbm>>) target(%arg11 : memref<4096xi32, #tpu.memory_space<vmem>>) target_semaphore(%arg17 : memref<!tpu.dma_semaphore, #tpu.memory_space<semaphore_mem>>)
    %dma_wait3A_2026 = tpu.memref_slice %arg3[%select_n3A_1951, %mul3A_1969] : memref<200x16384xi32, #tpu.memory_space<hbm>> -> memref<1x4096xi32, #tpu.memory_space<hbm>>
    %dma_wait3A_2027 = tpu.memref_squeeze %dma_wait3A_2026 : memref<1x4096xi32, #tpu.memory_space<hbm>> -> memref<4096xi32, #tpu.memory_space<hbm>>
    %dma_wait3A_2028 = tpu.memref_slice %arg3[%select_n3A_1951, %mul3A_1969] : memref<200x16384xi32, #tpu.memory_space<hbm>> -> memref<1x4096xi32, #tpu.memory_space<hbm>>
    %dma_wait3A_2029 = tpu.memref_squeeze %dma_wait3A_2028 : memref<1x4096xi32, #tpu.memory_space<hbm>> -> memref<4096xi32, #tpu.memory_space<hbm>>
    tpu.wait_dma2 semaphore(%arg16 : memref<!tpu.dma_semaphore, #tpu.memory_space<semaphore_mem>>) src(%dma_wait3A_2029 : memref<4096xi32, #tpu.memory_space<hbm>>) dst(%arg10 : memref<4096xi32, #tpu.memory_space<vmem>>)
    "tpu.region"() ({
      %run_scoped3A = tpu.sem_alloc : memref<!tpu.dma_semaphore, #tpu.memory_space<semaphore_mem>>
      %dma_start3A_2615 = arith.constant 0 : i32
      %dma_start3A_2616 = tpu.memref_slice %arg12[%dma_start3A_2615] : memref<4096xi32, #tpu.memory_space<vmem>> -> memref<4096xi32, #tpu.memory_space<vmem>>
      %dma_start3A_2617 = arith.constant 0 : i32
      %dma_start3A_2618 = tpu.memref_slice %arg7[%dma_start3A_2617] : memref<100352xi32, #tpu.memory_space<vmem_shared>> -> memref<100352xi32, #tpu.memory_space<vmem_shared>>
      tpu.enqueue_indirect_dma source(%dma_start3A_2616 : memref<4096xi32, #tpu.memory_space<vmem>>) target(%dma_start3A_2618 : memref<100352xi32, #tpu.memory_space<vmem_shared>>) offsets(%arg10 : memref<4096xi32, #tpu.memory_space<vmem>>) semaphore(%run_scoped3A : memref<!tpu.dma_semaphore, #tpu.memory_space<semaphore_mem>>) {add = true}
      %dma_wait3A_2619 = arith.constant 0 : i32
      %dma_wait3A_2620 = tpu.memref_slice %arg12[%dma_wait3A_2619] : memref<4096xi32, #tpu.memory_space<vmem>> -> memref<4096xi32, #tpu.memory_space<vmem>>
      %dma_wait3A_2621 = arith.constant 0 : i32
      %dma_wait3A_2622 = tpu.memref_slice %arg7[%dma_wait3A_2621] : memref<100352xi32, #tpu.memory_space<vmem_shared>> -> memref<100352xi32, #tpu.memory_space<vmem_shared>>
      tpu.wait_indirect_dma semaphore(%run_scoped3A : memref<!tpu.dma_semaphore, #tpu.memory_space<semaphore_mem>>) src(%dma_wait3A_2620 : memref<4096xi32, #tpu.memory_space<vmem>>) dst(%dma_wait3A_2622 : memref<100352xi32, #tpu.memory_space<vmem_shared>>)
      tpu.yield
    }) : () -> ()
    %add3A_2030 = arith.constant 14 : i32
    %add3A_2031 = arith.addi %mul3A_2, %add3A_2030 : i32
    %jit3A_2032 = arith.constant 4 : i32
    %div3A_2033 = arith.divsi %add3A_2031, %jit3A_2032 : i32
    %sign3A_2034 = arith.constant 0 : i32
    %sign3A_2035 = arith.cmpi sgt, %add3A_2031, %sign3A_2034 : i32
    %sign3A_2036 = arith.extui %sign3A_2035 : i1 to i32
    %sign3A_2037 = arith.constant 0 : i32
    %sign3A_2038 = arith.cmpi slt, %add3A_2031, %sign3A_2037 : i32
    %sign3A_2039 = arith.extui %sign3A_2038 : i1 to i32
    %sign3A_2040 = arith.subi %sign3A_2036, %sign3A_2039 : i32
    %sign3A_2041 = arith.constant 0 : i32
    %sign3A_2042 = arith.cmpi sgt, %jit3A_2032, %sign3A_2041 : i32
    %sign3A_2043 = arith.extui %sign3A_2042 : i1 to i32
    %sign3A_2044 = arith.constant 0 : i32
    %sign3A_2045 = arith.cmpi slt, %jit3A_2032, %sign3A_2044 : i32
    %sign3A_2046 = arith.extui %sign3A_2045 : i1 to i32
    %sign3A_2047 = arith.subi %sign3A_2043, %sign3A_2046 : i32
    %ne3A_2048 = arith.cmpi ne, %sign3A_2040, %sign3A_2047 : i32
    %rem3A_2049 = arith.remsi %add3A_2031, %jit3A_2032 : i32
    %ne3A_2050 = arith.constant 0 : i32
    %ne3A_2051 = arith.cmpi ne, %rem3A_2049, %ne3A_2050 : i32
    %and3A_2052 = arith.andi %ne3A_2048, %ne3A_2051 : i1
    %sub3A_2053 = arith.constant 1 : i32
    %sub3A_2054 = arith.subi %div3A_2033, %sub3A_2053 : i32
    %select_n3A_2055 = arith.select %and3A_2052, %sub3A_2054, %div3A_2033 : i32
    %jit3A_2056 = arith.constant 4 : i32
    %eq3A_2057 = arith.constant 0 : i32
    %eq3A_2058 = arith.cmpi eq, %jit3A_2056, %eq3A_2057 : i32
    %jit3A_2059 = arith.constant 1 : i32
    %select_n3A_2060 = arith.select %eq3A_2058, %jit3A_2059, %jit3A_2056 : i32
    %rem3A_2061 = arith.remsi %add3A_2031, %select_n3A_2060 : i32
    %ne3A_2062 = arith.constant 0 : i32
    %ne3A_2063 = arith.cmpi ne, %rem3A_2061, %ne3A_2062 : i32
    %lt3A_2064 = arith.constant 0 : i32
    %lt3A_2065 = arith.cmpi slt, %rem3A_2061, %lt3A_2064 : i32
    %lt3A_2066 = arith.constant 0 : i32
    %lt3A_2067 = arith.cmpi slt, %select_n3A_2060, %lt3A_2066 : i32
    %ne3A_2068 = arith.xori %lt3A_2065, %lt3A_2067 : i1
    %and3A_2069 = arith.andi %ne3A_2068, %ne3A_2063 : i1
    %add3A_2070 = arith.addi %rem3A_2061, %select_n3A_2060 : i32
    %select_n3A_2071 = arith.select %and3A_2069, %add3A_2070, %rem3A_2061 : i32
    %mul3A_2072 = arith.constant 4096 : i32
    %mul3A_2073 = arith.muli %select_n3A_2071, %mul3A_2072 : i32
    %dma_start3A_2074 = tpu.memref_slice %arg3[%select_n3A_2055, %mul3A_2073] : memref<200x16384xi32, #tpu.memory_space<hbm>> -> memref<1x4096xi32, #tpu.memory_space<hbm>>
    %dma_start3A_2075 = tpu.memref_squeeze %dma_start3A_2074 : memref<1x4096xi32, #tpu.memory_space<hbm>> -> memref<4096xi32, #tpu.memory_space<hbm>>
    %dma_start3A_2076 = tpu.memref_slice %arg3[%select_n3A_2055, %mul3A_2073] : memref<200x16384xi32, #tpu.memory_space<hbm>> -> memref<1x4096xi32, #tpu.memory_space<hbm>>
    %dma_start3A_2077 = tpu.memref_squeeze %dma_start3A_2076 : memref<1x4096xi32, #tpu.memory_space<hbm>> -> memref<4096xi32, #tpu.memory_space<hbm>>
    tpu.enqueue_dma source(%dma_start3A_2077 : memref<4096xi32, #tpu.memory_space<hbm>>) target(%arg10 : memref<4096xi32, #tpu.memory_space<vmem>>) target_semaphore(%arg16 : memref<!tpu.dma_semaphore, #tpu.memory_space<semaphore_mem>>)
    %dma_wait3A_2078 = tpu.memref_slice %arg3[%select_n3A_2003, %mul3A_2021] : memref<200x16384xi32, #tpu.memory_space<hbm>> -> memref<1x4096xi32, #tpu.memory_space<hbm>>
    %dma_wait3A_2079 = tpu.memref_squeeze %dma_wait3A_2078 : memref<1x4096xi32, #tpu.memory_space<hbm>> -> memref<4096xi32, #tpu.memory_space<hbm>>
    %dma_wait3A_2080 = tpu.memref_slice %arg3[%select_n3A_2003, %mul3A_2021] : memref<200x16384xi32, #tpu.memory_space<hbm>> -> memref<1x4096xi32, #tpu.memory_space<hbm>>
    %dma_wait3A_2081 = tpu.memref_squeeze %dma_wait3A_2080 : memref<1x4096xi32, #tpu.memory_space<hbm>> -> memref<4096xi32, #tpu.memory_space<hbm>>
    tpu.wait_dma2 semaphore(%arg17 : memref<!tpu.dma_semaphore, #tpu.memory_space<semaphore_mem>>) src(%dma_wait3A_2081 : memref<4096xi32, #tpu.memory_space<hbm>>) dst(%arg11 : memref<4096xi32, #tpu.memory_space<vmem>>)
    "tpu.region"() ({
      %run_scoped3A = tpu.sem_alloc : memref<!tpu.dma_semaphore, #tpu.memory_space<semaphore_mem>>
      %dma_start3A_2615 = arith.constant 0 : i32
      %dma_start3A_2616 = tpu.memref_slice %arg12[%dma_start3A_2615] : memref<4096xi32, #tpu.memory_space<vmem>> -> memref<4096xi32, #tpu.memory_space<vmem>>
      %dma_start3A_2617 = arith.constant 0 : i32
      %dma_start3A_2618 = tpu.memref_slice %arg7[%dma_start3A_2617] : memref<100352xi32, #tpu.memory_space<vmem_shared>> -> memref<100352xi32, #tpu.memory_space<vmem_shared>>
      tpu.enqueue_indirect_dma source(%dma_start3A_2616 : memref<4096xi32, #tpu.memory_space<vmem>>) target(%dma_start3A_2618 : memref<100352xi32, #tpu.memory_space<vmem_shared>>) offsets(%arg11 : memref<4096xi32, #tpu.memory_space<vmem>>) semaphore(%run_scoped3A : memref<!tpu.dma_semaphore, #tpu.memory_space<semaphore_mem>>) {add = true}
      %dma_wait3A_2619 = arith.constant 0 : i32
      %dma_wait3A_2620 = tpu.memref_slice %arg12[%dma_wait3A_2619] : memref<4096xi32, #tpu.memory_space<vmem>> -> memref<4096xi32, #tpu.memory_space<vmem>>
      %dma_wait3A_2621 = arith.constant 0 : i32
      %dma_wait3A_2622 = tpu.memref_slice %arg7[%dma_wait3A_2621] : memref<100352xi32, #tpu.memory_space<vmem_shared>> -> memref<100352xi32, #tpu.memory_space<vmem_shared>>
      tpu.wait_indirect_dma semaphore(%run_scoped3A : memref<!tpu.dma_semaphore, #tpu.memory_space<semaphore_mem>>) src(%dma_wait3A_2620 : memref<4096xi32, #tpu.memory_space<vmem>>) dst(%dma_wait3A_2622 : memref<100352xi32, #tpu.memory_space<vmem_shared>>)
      tpu.yield
    }) : () -> ()
    %add3A_2082 = arith.constant 15 : i32
    %add3A_2083 = arith.addi %mul3A_2, %add3A_2082 : i32
    %jit3A_2084 = arith.constant 4 : i32
    %div3A_2085 = arith.divsi %add3A_2083, %jit3A_2084 : i32
    %sign3A_2086 = arith.constant 0 : i32
    %sign3A_2087 = arith.cmpi sgt, %add3A_2083, %sign3A_2086 : i32
    %sign3A_2088 = arith.extui %sign3A_2087 : i1 to i32
    %sign3A_2089 = arith.constant 0 : i32
    %sign3A_2090 = arith.cmpi slt, %add3A_2083, %sign3A_2089 : i32
    %sign3A_2091 = arith.extui %sign3A_2090 : i1 to i32
    %sign3A_2092 = arith.subi %sign3A_2088, %sign3A_2091 : i32
    %sign3A_2093 = arith.constant 0 : i32
    %sign3A_2094 = arith.cmpi sgt, %jit3A_2084, %sign3A_2093 : i32
    %sign3A_2095 = arith.extui %sign3A_2094 : i1 to i32
    %sign3A_2096 = arith.constant 0 : i32
    %sign3A_2097 = arith.cmpi slt, %jit3A_2084, %sign3A_2096 : i32
    %sign3A_2098 = arith.extui %sign3A_2097 : i1 to i32
    %sign3A_2099 = arith.subi %sign3A_2095, %sign3A_2098 : i32
    %ne3A_2100 = arith.cmpi ne, %sign3A_2092, %sign3A_2099 : i32
    %rem3A_2101 = arith.remsi %add3A_2083, %jit3A_2084 : i32
    %ne3A_2102 = arith.constant 0 : i32
    %ne3A_2103 = arith.cmpi ne, %rem3A_2101, %ne3A_2102 : i32
    %and3A_2104 = arith.andi %ne3A_2100, %ne3A_2103 : i1
    %sub3A_2105 = arith.constant 1 : i32
    %sub3A_2106 = arith.subi %div3A_2085, %sub3A_2105 : i32
    %select_n3A_2107 = arith.select %and3A_2104, %sub3A_2106, %div3A_2085 : i32
    %jit3A_2108 = arith.constant 4 : i32
    %eq3A_2109 = arith.constant 0 : i32
    %eq3A_2110 = arith.cmpi eq, %jit3A_2108, %eq3A_2109 : i32
    %jit3A_2111 = arith.constant 1 : i32
    %select_n3A_2112 = arith.select %eq3A_2110, %jit3A_2111, %jit3A_2108 : i32
    %rem3A_2113 = arith.remsi %add3A_2083, %select_n3A_2112 : i32
    %ne3A_2114 = arith.constant 0 : i32
    %ne3A_2115 = arith.cmpi ne, %rem3A_2113, %ne3A_2114 : i32
    %lt3A_2116 = arith.constant 0 : i32
    %lt3A_2117 = arith.cmpi slt, %rem3A_2113, %lt3A_2116 : i32
    %lt3A_2118 = arith.constant 0 : i32
    %lt3A_2119 = arith.cmpi slt, %select_n3A_2112, %lt3A_2118 : i32
    %ne3A_2120 = arith.xori %lt3A_2117, %lt3A_2119 : i1
    %and3A_2121 = arith.andi %ne3A_2120, %ne3A_2115 : i1
    %add3A_2122 = arith.addi %rem3A_2113, %select_n3A_2112 : i32
    %select_n3A_2123 = arith.select %and3A_2121, %add3A_2122, %rem3A_2113 : i32
    %mul3A_2124 = arith.constant 4096 : i32
    %mul3A_2125 = arith.muli %select_n3A_2123, %mul3A_2124 : i32
    %dma_start3A_2126 = tpu.memref_slice %arg3[%select_n3A_2107, %mul3A_2125] : memref<200x16384xi32, #tpu.memory_space<hbm>> -> memref<1x4096xi32, #tpu.memory_space<hbm>>
    %dma_start3A_2127 = tpu.memref_squeeze %dma_start3A_2126 : memref<1x4096xi32, #tpu.memory_space<hbm>> -> memref<4096xi32, #tpu.memory_space<hbm>>
    %dma_start3A_2128 = tpu.memref_slice %arg3[%select_n3A_2107, %mul3A_2125] : memref<200x16384xi32, #tpu.memory_space<hbm>> -> memref<1x4096xi32, #tpu.memory_space<hbm>>
    %dma_start3A_2129 = tpu.memref_squeeze %dma_start3A_2128 : memref<1x4096xi32, #tpu.memory_space<hbm>> -> memref<4096xi32, #tpu.memory_space<hbm>>
    tpu.enqueue_dma source(%dma_start3A_2129 : memref<4096xi32, #tpu.memory_space<hbm>>) target(%arg11 : memref<4096xi32, #tpu.memory_space<vmem>>) target_semaphore(%arg17 : memref<!tpu.dma_semaphore, #tpu.memory_space<semaphore_mem>>)
    %dma_wait3A_2130 = tpu.memref_slice %arg3[%select_n3A_2055, %mul3A_2073] : memref<200x16384xi32, #tpu.memory_space<hbm>> -> memref<1x4096xi32, #tpu.memory_space<hbm>>
    %dma_wait3A_2131 = tpu.memref_squeeze %dma_wait3A_2130 : memref<1x4096xi32, #tpu.memory_space<hbm>> -> memref<4096xi32, #tpu.memory_space<hbm>>
    %dma_wait3A_2132 = tpu.memref_slice %arg3[%select_n3A_2055, %mul3A_2073] : memref<200x16384xi32, #tpu.memory_space<hbm>> -> memref<1x4096xi32, #tpu.memory_space<hbm>>
    %dma_wait3A_2133 = tpu.memref_squeeze %dma_wait3A_2132 : memref<1x4096xi32, #tpu.memory_space<hbm>> -> memref<4096xi32, #tpu.memory_space<hbm>>
    tpu.wait_dma2 semaphore(%arg16 : memref<!tpu.dma_semaphore, #tpu.memory_space<semaphore_mem>>) src(%dma_wait3A_2133 : memref<4096xi32, #tpu.memory_space<hbm>>) dst(%arg10 : memref<4096xi32, #tpu.memory_space<vmem>>)
    "tpu.region"() ({
      %run_scoped3A = tpu.sem_alloc : memref<!tpu.dma_semaphore, #tpu.memory_space<semaphore_mem>>
      %dma_start3A_2615 = arith.constant 0 : i32
      %dma_start3A_2616 = tpu.memref_slice %arg12[%dma_start3A_2615] : memref<4096xi32, #tpu.memory_space<vmem>> -> memref<4096xi32, #tpu.memory_space<vmem>>
      %dma_start3A_2617 = arith.constant 0 : i32
      %dma_start3A_2618 = tpu.memref_slice %arg7[%dma_start3A_2617] : memref<100352xi32, #tpu.memory_space<vmem_shared>> -> memref<100352xi32, #tpu.memory_space<vmem_shared>>
      tpu.enqueue_indirect_dma source(%dma_start3A_2616 : memref<4096xi32, #tpu.memory_space<vmem>>) target(%dma_start3A_2618 : memref<100352xi32, #tpu.memory_space<vmem_shared>>) offsets(%arg10 : memref<4096xi32, #tpu.memory_space<vmem>>) semaphore(%run_scoped3A : memref<!tpu.dma_semaphore, #tpu.memory_space<semaphore_mem>>) {add = true}
      %dma_wait3A_2619 = arith.constant 0 : i32
      %dma_wait3A_2620 = tpu.memref_slice %arg12[%dma_wait3A_2619] : memref<4096xi32, #tpu.memory_space<vmem>> -> memref<4096xi32, #tpu.memory_space<vmem>>
      %dma_wait3A_2621 = arith.constant 0 : i32
      %dma_wait3A_2622 = tpu.memref_slice %arg7[%dma_wait3A_2621] : memref<100352xi32, #tpu.memory_space<vmem_shared>> -> memref<100352xi32, #tpu.memory_space<vmem_shared>>
      tpu.wait_indirect_dma semaphore(%run_scoped3A : memref<!tpu.dma_semaphore, #tpu.memory_space<semaphore_mem>>) src(%dma_wait3A_2620 : memref<4096xi32, #tpu.memory_space<vmem>>) dst(%dma_wait3A_2622 : memref<100352xi32, #tpu.memory_space<vmem_shared>>)
      tpu.yield
    }) : () -> ()
    %add3A_2134 = arith.constant 16 : i32
    %add3A_2135 = arith.addi %mul3A_2, %add3A_2134 : i32
    %jit3A_2136 = arith.constant 4 : i32
    %div3A_2137 = arith.divsi %add3A_2135, %jit3A_2136 : i32
    %sign3A_2138 = arith.constant 0 : i32
    %sign3A_2139 = arith.cmpi sgt, %add3A_2135, %sign3A_2138 : i32
    %sign3A_2140 = arith.extui %sign3A_2139 : i1 to i32
    %sign3A_2141 = arith.constant 0 : i32
    %sign3A_2142 = arith.cmpi slt, %add3A_2135, %sign3A_2141 : i32
    %sign3A_2143 = arith.extui %sign3A_2142 : i1 to i32
    %sign3A_2144 = arith.subi %sign3A_2140, %sign3A_2143 : i32
    %sign3A_2145 = arith.constant 0 : i32
    %sign3A_2146 = arith.cmpi sgt, %jit3A_2136, %sign3A_2145 : i32
    %sign3A_2147 = arith.extui %sign3A_2146 : i1 to i32
    %sign3A_2148 = arith.constant 0 : i32
    %sign3A_2149 = arith.cmpi slt, %jit3A_2136, %sign3A_2148 : i32
    %sign3A_2150 = arith.extui %sign3A_2149 : i1 to i32
    %sign3A_2151 = arith.subi %sign3A_2147, %sign3A_2150 : i32
    %ne3A_2152 = arith.cmpi ne, %sign3A_2144, %sign3A_2151 : i32
    %rem3A_2153 = arith.remsi %add3A_2135, %jit3A_2136 : i32
    %ne3A_2154 = arith.constant 0 : i32
    %ne3A_2155 = arith.cmpi ne, %rem3A_2153, %ne3A_2154 : i32
    %and3A_2156 = arith.andi %ne3A_2152, %ne3A_2155 : i1
    %sub3A_2157 = arith.constant 1 : i32
    %sub3A_2158 = arith.subi %div3A_2137, %sub3A_2157 : i32
    %select_n3A_2159 = arith.select %and3A_2156, %sub3A_2158, %div3A_2137 : i32
    %jit3A_2160 = arith.constant 4 : i32
    %eq3A_2161 = arith.constant 0 : i32
    %eq3A_2162 = arith.cmpi eq, %jit3A_2160, %eq3A_2161 : i32
    %jit3A_2163 = arith.constant 1 : i32
    %select_n3A_2164 = arith.select %eq3A_2162, %jit3A_2163, %jit3A_2160 : i32
    %rem3A_2165 = arith.remsi %add3A_2135, %select_n3A_2164 : i32
    %ne3A_2166 = arith.constant 0 : i32
    %ne3A_2167 = arith.cmpi ne, %rem3A_2165, %ne3A_2166 : i32
    %lt3A_2168 = arith.constant 0 : i32
    %lt3A_2169 = arith.cmpi slt, %rem3A_2165, %lt3A_2168 : i32
    %lt3A_2170 = arith.constant 0 : i32
    %lt3A_2171 = arith.cmpi slt, %select_n3A_2164, %lt3A_2170 : i32
    %ne3A_2172 = arith.xori %lt3A_2169, %lt3A_2171 : i1
    %and3A_2173 = arith.andi %ne3A_2172, %ne3A_2167 : i1
    %add3A_2174 = arith.addi %rem3A_2165, %select_n3A_2164 : i32
    %select_n3A_2175 = arith.select %and3A_2173, %add3A_2174, %rem3A_2165 : i32
    %mul3A_2176 = arith.constant 4096 : i32
    %mul3A_2177 = arith.muli %select_n3A_2175, %mul3A_2176 : i32
    %dma_start3A_2178 = tpu.memref_slice %arg3[%select_n3A_2159, %mul3A_2177] : memref<200x16384xi32, #tpu.memory_space<hbm>> -> memref<1x4096xi32, #tpu.memory_space<hbm>>
    %dma_start3A_2179 = tpu.memref_squeeze %dma_start3A_2178 : memref<1x4096xi32, #tpu.memory_space<hbm>> -> memref<4096xi32, #tpu.memory_space<hbm>>
    %dma_start3A_2180 = tpu.memref_slice %arg3[%select_n3A_2159, %mul3A_2177] : memref<200x16384xi32, #tpu.memory_space<hbm>> -> memref<1x4096xi32, #tpu.memory_space<hbm>>
    %dma_start3A_2181 = tpu.memref_squeeze %dma_start3A_2180 : memref<1x4096xi32, #tpu.memory_space<hbm>> -> memref<4096xi32, #tpu.memory_space<hbm>>
    tpu.enqueue_dma source(%dma_start3A_2181 : memref<4096xi32, #tpu.memory_space<hbm>>) target(%arg10 : memref<4096xi32, #tpu.memory_space<vmem>>) target_semaphore(%arg16 : memref<!tpu.dma_semaphore, #tpu.memory_space<semaphore_mem>>)
    %dma_wait3A_2182 = tpu.memref_slice %arg3[%select_n3A_2107, %mul3A_2125] : memref<200x16384xi32, #tpu.memory_space<hbm>> -> memref<1x4096xi32, #tpu.memory_space<hbm>>
    %dma_wait3A_2183 = tpu.memref_squeeze %dma_wait3A_2182 : memref<1x4096xi32, #tpu.memory_space<hbm>> -> memref<4096xi32, #tpu.memory_space<hbm>>
    %dma_wait3A_2184 = tpu.memref_slice %arg3[%select_n3A_2107, %mul3A_2125] : memref<200x16384xi32, #tpu.memory_space<hbm>> -> memref<1x4096xi32, #tpu.memory_space<hbm>>
    %dma_wait3A_2185 = tpu.memref_squeeze %dma_wait3A_2184 : memref<1x4096xi32, #tpu.memory_space<hbm>> -> memref<4096xi32, #tpu.memory_space<hbm>>
    tpu.wait_dma2 semaphore(%arg17 : memref<!tpu.dma_semaphore, #tpu.memory_space<semaphore_mem>>) src(%dma_wait3A_2185 : memref<4096xi32, #tpu.memory_space<hbm>>) dst(%arg11 : memref<4096xi32, #tpu.memory_space<vmem>>)
    "tpu.region"() ({
      %run_scoped3A = tpu.sem_alloc : memref<!tpu.dma_semaphore, #tpu.memory_space<semaphore_mem>>
      %dma_start3A_2615 = arith.constant 0 : i32
      %dma_start3A_2616 = tpu.memref_slice %arg12[%dma_start3A_2615] : memref<4096xi32, #tpu.memory_space<vmem>> -> memref<4096xi32, #tpu.memory_space<vmem>>
      %dma_start3A_2617 = arith.constant 0 : i32
      %dma_start3A_2618 = tpu.memref_slice %arg7[%dma_start3A_2617] : memref<100352xi32, #tpu.memory_space<vmem_shared>> -> memref<100352xi32, #tpu.memory_space<vmem_shared>>
      tpu.enqueue_indirect_dma source(%dma_start3A_2616 : memref<4096xi32, #tpu.memory_space<vmem>>) target(%dma_start3A_2618 : memref<100352xi32, #tpu.memory_space<vmem_shared>>) offsets(%arg11 : memref<4096xi32, #tpu.memory_space<vmem>>) semaphore(%run_scoped3A : memref<!tpu.dma_semaphore, #tpu.memory_space<semaphore_mem>>) {add = true}
      %dma_wait3A_2619 = arith.constant 0 : i32
      %dma_wait3A_2620 = tpu.memref_slice %arg12[%dma_wait3A_2619] : memref<4096xi32, #tpu.memory_space<vmem>> -> memref<4096xi32, #tpu.memory_space<vmem>>
      %dma_wait3A_2621 = arith.constant 0 : i32
      %dma_wait3A_2622 = tpu.memref_slice %arg7[%dma_wait3A_2621] : memref<100352xi32, #tpu.memory_space<vmem_shared>> -> memref<100352xi32, #tpu.memory_space<vmem_shared>>
      tpu.wait_indirect_dma semaphore(%run_scoped3A : memref<!tpu.dma_semaphore, #tpu.memory_space<semaphore_mem>>) src(%dma_wait3A_2620 : memref<4096xi32, #tpu.memory_space<vmem>>) dst(%dma_wait3A_2622 : memref<100352xi32, #tpu.memory_space<vmem_shared>>)
      tpu.yield
    }) : () -> ()
    %add3A_2186 = arith.constant 17 : i32
    %add3A_2187 = arith.addi %mul3A_2, %add3A_2186 : i32
    %jit3A_2188 = arith.constant 4 : i32
    %div3A_2189 = arith.divsi %add3A_2187, %jit3A_2188 : i32
    %sign3A_2190 = arith.constant 0 : i32
    %sign3A_2191 = arith.cmpi sgt, %add3A_2187, %sign3A_2190 : i32
    %sign3A_2192 = arith.extui %sign3A_2191 : i1 to i32
    %sign3A_2193 = arith.constant 0 : i32
    %sign3A_2194 = arith.cmpi slt, %add3A_2187, %sign3A_2193 : i32
    %sign3A_2195 = arith.extui %sign3A_2194 : i1 to i32
    %sign3A_2196 = arith.subi %sign3A_2192, %sign3A_2195 : i32
    %sign3A_2197 = arith.constant 0 : i32
    %sign3A_2198 = arith.cmpi sgt, %jit3A_2188, %sign3A_2197 : i32
    %sign3A_2199 = arith.extui %sign3A_2198 : i1 to i32
    %sign3A_2200 = arith.constant 0 : i32
    %sign3A_2201 = arith.cmpi slt, %jit3A_2188, %sign3A_2200 : i32
    %sign3A_2202 = arith.extui %sign3A_2201 : i1 to i32
    %sign3A_2203 = arith.subi %sign3A_2199, %sign3A_2202 : i32
    %ne3A_2204 = arith.cmpi ne, %sign3A_2196, %sign3A_2203 : i32
    %rem3A_2205 = arith.remsi %add3A_2187, %jit3A_2188 : i32
    %ne3A_2206 = arith.constant 0 : i32
    %ne3A_2207 = arith.cmpi ne, %rem3A_2205, %ne3A_2206 : i32
    %and3A_2208 = arith.andi %ne3A_2204, %ne3A_2207 : i1
    %sub3A_2209 = arith.constant 1 : i32
    %sub3A_2210 = arith.subi %div3A_2189, %sub3A_2209 : i32
    %select_n3A_2211 = arith.select %and3A_2208, %sub3A_2210, %div3A_2189 : i32
    %jit3A_2212 = arith.constant 4 : i32
    %eq3A_2213 = arith.constant 0 : i32
    %eq3A_2214 = arith.cmpi eq, %jit3A_2212, %eq3A_2213 : i32
    %jit3A_2215 = arith.constant 1 : i32
    %select_n3A_2216 = arith.select %eq3A_2214, %jit3A_2215, %jit3A_2212 : i32
    %rem3A_2217 = arith.remsi %add3A_2187, %select_n3A_2216 : i32
    %ne3A_2218 = arith.constant 0 : i32
    %ne3A_2219 = arith.cmpi ne, %rem3A_2217, %ne3A_2218 : i32
    %lt3A_2220 = arith.constant 0 : i32
    %lt3A_2221 = arith.cmpi slt, %rem3A_2217, %lt3A_2220 : i32
    %lt3A_2222 = arith.constant 0 : i32
    %lt3A_2223 = arith.cmpi slt, %select_n3A_2216, %lt3A_2222 : i32
    %ne3A_2224 = arith.xori %lt3A_2221, %lt3A_2223 : i1
    %and3A_2225 = arith.andi %ne3A_2224, %ne3A_2219 : i1
    %add3A_2226 = arith.addi %rem3A_2217, %select_n3A_2216 : i32
    %select_n3A_2227 = arith.select %and3A_2225, %add3A_2226, %rem3A_2217 : i32
    %mul3A_2228 = arith.constant 4096 : i32
    %mul3A_2229 = arith.muli %select_n3A_2227, %mul3A_2228 : i32
    %dma_start3A_2230 = tpu.memref_slice %arg3[%select_n3A_2211, %mul3A_2229] : memref<200x16384xi32, #tpu.memory_space<hbm>> -> memref<1x4096xi32, #tpu.memory_space<hbm>>
    %dma_start3A_2231 = tpu.memref_squeeze %dma_start3A_2230 : memref<1x4096xi32, #tpu.memory_space<hbm>> -> memref<4096xi32, #tpu.memory_space<hbm>>
    %dma_start3A_2232 = tpu.memref_slice %arg3[%select_n3A_2211, %mul3A_2229] : memref<200x16384xi32, #tpu.memory_space<hbm>> -> memref<1x4096xi32, #tpu.memory_space<hbm>>
    %dma_start3A_2233 = tpu.memref_squeeze %dma_start3A_2232 : memref<1x4096xi32, #tpu.memory_space<hbm>> -> memref<4096xi32, #tpu.memory_space<hbm>>
    tpu.enqueue_dma source(%dma_start3A_2233 : memref<4096xi32, #tpu.memory_space<hbm>>) target(%arg11 : memref<4096xi32, #tpu.memory_space<vmem>>) target_semaphore(%arg17 : memref<!tpu.dma_semaphore, #tpu.memory_space<semaphore_mem>>)
    %dma_wait3A_2234 = tpu.memref_slice %arg3[%select_n3A_2159, %mul3A_2177] : memref<200x16384xi32, #tpu.memory_space<hbm>> -> memref<1x4096xi32, #tpu.memory_space<hbm>>
    %dma_wait3A_2235 = tpu.memref_squeeze %dma_wait3A_2234 : memref<1x4096xi32, #tpu.memory_space<hbm>> -> memref<4096xi32, #tpu.memory_space<hbm>>
    %dma_wait3A_2236 = tpu.memref_slice %arg3[%select_n3A_2159, %mul3A_2177] : memref<200x16384xi32, #tpu.memory_space<hbm>> -> memref<1x4096xi32, #tpu.memory_space<hbm>>
    %dma_wait3A_2237 = tpu.memref_squeeze %dma_wait3A_2236 : memref<1x4096xi32, #tpu.memory_space<hbm>> -> memref<4096xi32, #tpu.memory_space<hbm>>
    tpu.wait_dma2 semaphore(%arg16 : memref<!tpu.dma_semaphore, #tpu.memory_space<semaphore_mem>>) src(%dma_wait3A_2237 : memref<4096xi32, #tpu.memory_space<hbm>>) dst(%arg10 : memref<4096xi32, #tpu.memory_space<vmem>>)
    "tpu.region"() ({
      %run_scoped3A = tpu.sem_alloc : memref<!tpu.dma_semaphore, #tpu.memory_space<semaphore_mem>>
      %dma_start3A_2615 = arith.constant 0 : i32
      %dma_start3A_2616 = tpu.memref_slice %arg12[%dma_start3A_2615] : memref<4096xi32, #tpu.memory_space<vmem>> -> memref<4096xi32, #tpu.memory_space<vmem>>
      %dma_start3A_2617 = arith.constant 0 : i32
      %dma_start3A_2618 = tpu.memref_slice %arg7[%dma_start3A_2617] : memref<100352xi32, #tpu.memory_space<vmem_shared>> -> memref<100352xi32, #tpu.memory_space<vmem_shared>>
      tpu.enqueue_indirect_dma source(%dma_start3A_2616 : memref<4096xi32, #tpu.memory_space<vmem>>) target(%dma_start3A_2618 : memref<100352xi32, #tpu.memory_space<vmem_shared>>) offsets(%arg10 : memref<4096xi32, #tpu.memory_space<vmem>>) semaphore(%run_scoped3A : memref<!tpu.dma_semaphore, #tpu.memory_space<semaphore_mem>>) {add = true}
      %dma_wait3A_2619 = arith.constant 0 : i32
      %dma_wait3A_2620 = tpu.memref_slice %arg12[%dma_wait3A_2619] : memref<4096xi32, #tpu.memory_space<vmem>> -> memref<4096xi32, #tpu.memory_space<vmem>>
      %dma_wait3A_2621 = arith.constant 0 : i32
      %dma_wait3A_2622 = tpu.memref_slice %arg7[%dma_wait3A_2621] : memref<100352xi32, #tpu.memory_space<vmem_shared>> -> memref<100352xi32, #tpu.memory_space<vmem_shared>>
      tpu.wait_indirect_dma semaphore(%run_scoped3A : memref<!tpu.dma_semaphore, #tpu.memory_space<semaphore_mem>>) src(%dma_wait3A_2620 : memref<4096xi32, #tpu.memory_space<vmem>>) dst(%dma_wait3A_2622 : memref<100352xi32, #tpu.memory_space<vmem_shared>>)
      tpu.yield
    }) : () -> ()
    %add3A_2238 = arith.constant 18 : i32
    %add3A_2239 = arith.addi %mul3A_2, %add3A_2238 : i32
    %jit3A_2240 = arith.constant 4 : i32
    %div3A_2241 = arith.divsi %add3A_2239, %jit3A_2240 : i32
    %sign3A_2242 = arith.constant 0 : i32
    %sign3A_2243 = arith.cmpi sgt, %add3A_2239, %sign3A_2242 : i32
    %sign3A_2244 = arith.extui %sign3A_2243 : i1 to i32
    %sign3A_2245 = arith.constant 0 : i32
    %sign3A_2246 = arith.cmpi slt, %add3A_2239, %sign3A_2245 : i32
    %sign3A_2247 = arith.extui %sign3A_2246 : i1 to i32
    %sign3A_2248 = arith.subi %sign3A_2244, %sign3A_2247 : i32
    %sign3A_2249 = arith.constant 0 : i32
    %sign3A_2250 = arith.cmpi sgt, %jit3A_2240, %sign3A_2249 : i32
    %sign3A_2251 = arith.extui %sign3A_2250 : i1 to i32
    %sign3A_2252 = arith.constant 0 : i32
    %sign3A_2253 = arith.cmpi slt, %jit3A_2240, %sign3A_2252 : i32
    %sign3A_2254 = arith.extui %sign3A_2253 : i1 to i32
    %sign3A_2255 = arith.subi %sign3A_2251, %sign3A_2254 : i32
    %ne3A_2256 = arith.cmpi ne, %sign3A_2248, %sign3A_2255 : i32
    %rem3A_2257 = arith.remsi %add3A_2239, %jit3A_2240 : i32
    %ne3A_2258 = arith.constant 0 : i32
    %ne3A_2259 = arith.cmpi ne, %rem3A_2257, %ne3A_2258 : i32
    %and3A_2260 = arith.andi %ne3A_2256, %ne3A_2259 : i1
    %sub3A_2261 = arith.constant 1 : i32
    %sub3A_2262 = arith.subi %div3A_2241, %sub3A_2261 : i32
    %select_n3A_2263 = arith.select %and3A_2260, %sub3A_2262, %div3A_2241 : i32
    %jit3A_2264 = arith.constant 4 : i32
    %eq3A_2265 = arith.constant 0 : i32
    %eq3A_2266 = arith.cmpi eq, %jit3A_2264, %eq3A_2265 : i32
    %jit3A_2267 = arith.constant 1 : i32
    %select_n3A_2268 = arith.select %eq3A_2266, %jit3A_2267, %jit3A_2264 : i32
    %rem3A_2269 = arith.remsi %add3A_2239, %select_n3A_2268 : i32
    %ne3A_2270 = arith.constant 0 : i32
    %ne3A_2271 = arith.cmpi ne, %rem3A_2269, %ne3A_2270 : i32
    %lt3A_2272 = arith.constant 0 : i32
    %lt3A_2273 = arith.cmpi slt, %rem3A_2269, %lt3A_2272 : i32
    %lt3A_2274 = arith.constant 0 : i32
    %lt3A_2275 = arith.cmpi slt, %select_n3A_2268, %lt3A_2274 : i32
    %ne3A_2276 = arith.xori %lt3A_2273, %lt3A_2275 : i1
    %and3A_2277 = arith.andi %ne3A_2276, %ne3A_2271 : i1
    %add3A_2278 = arith.addi %rem3A_2269, %select_n3A_2268 : i32
    %select_n3A_2279 = arith.select %and3A_2277, %add3A_2278, %rem3A_2269 : i32
    %mul3A_2280 = arith.constant 4096 : i32
    %mul3A_2281 = arith.muli %select_n3A_2279, %mul3A_2280 : i32
    %dma_start3A_2282 = tpu.memref_slice %arg3[%select_n3A_2263, %mul3A_2281] : memref<200x16384xi32, #tpu.memory_space<hbm>> -> memref<1x4096xi32, #tpu.memory_space<hbm>>
    %dma_start3A_2283 = tpu.memref_squeeze %dma_start3A_2282 : memref<1x4096xi32, #tpu.memory_space<hbm>> -> memref<4096xi32, #tpu.memory_space<hbm>>
    %dma_start3A_2284 = tpu.memref_slice %arg3[%select_n3A_2263, %mul3A_2281] : memref<200x16384xi32, #tpu.memory_space<hbm>> -> memref<1x4096xi32, #tpu.memory_space<hbm>>
    %dma_start3A_2285 = tpu.memref_squeeze %dma_start3A_2284 : memref<1x4096xi32, #tpu.memory_space<hbm>> -> memref<4096xi32, #tpu.memory_space<hbm>>
    tpu.enqueue_dma source(%dma_start3A_2285 : memref<4096xi32, #tpu.memory_space<hbm>>) target(%arg10 : memref<4096xi32, #tpu.memory_space<vmem>>) target_semaphore(%arg16 : memref<!tpu.dma_semaphore, #tpu.memory_space<semaphore_mem>>)
    %dma_wait3A_2286 = tpu.memref_slice %arg3[%select_n3A_2211, %mul3A_2229] : memref<200x16384xi32, #tpu.memory_space<hbm>> -> memref<1x4096xi32, #tpu.memory_space<hbm>>
    %dma_wait3A_2287 = tpu.memref_squeeze %dma_wait3A_2286 : memref<1x4096xi32, #tpu.memory_space<hbm>> -> memref<4096xi32, #tpu.memory_space<hbm>>
    %dma_wait3A_2288 = tpu.memref_slice %arg3[%select_n3A_2211, %mul3A_2229] : memref<200x16384xi32, #tpu.memory_space<hbm>> -> memref<1x4096xi32, #tpu.memory_space<hbm>>
    %dma_wait3A_2289 = tpu.memref_squeeze %dma_wait3A_2288 : memref<1x4096xi32, #tpu.memory_space<hbm>> -> memref<4096xi32, #tpu.memory_space<hbm>>
    tpu.wait_dma2 semaphore(%arg17 : memref<!tpu.dma_semaphore, #tpu.memory_space<semaphore_mem>>) src(%dma_wait3A_2289 : memref<4096xi32, #tpu.memory_space<hbm>>) dst(%arg11 : memref<4096xi32, #tpu.memory_space<vmem>>)
    "tpu.region"() ({
      %run_scoped3A = tpu.sem_alloc : memref<!tpu.dma_semaphore, #tpu.memory_space<semaphore_mem>>
      %dma_start3A_2615 = arith.constant 0 : i32
      %dma_start3A_2616 = tpu.memref_slice %arg12[%dma_start3A_2615] : memref<4096xi32, #tpu.memory_space<vmem>> -> memref<4096xi32, #tpu.memory_space<vmem>>
      %dma_start3A_2617 = arith.constant 0 : i32
      %dma_start3A_2618 = tpu.memref_slice %arg7[%dma_start3A_2617] : memref<100352xi32, #tpu.memory_space<vmem_shared>> -> memref<100352xi32, #tpu.memory_space<vmem_shared>>
      tpu.enqueue_indirect_dma source(%dma_start3A_2616 : memref<4096xi32, #tpu.memory_space<vmem>>) target(%dma_start3A_2618 : memref<100352xi32, #tpu.memory_space<vmem_shared>>) offsets(%arg11 : memref<4096xi32, #tpu.memory_space<vmem>>) semaphore(%run_scoped3A : memref<!tpu.dma_semaphore, #tpu.memory_space<semaphore_mem>>) {add = true}
      %dma_wait3A_2619 = arith.constant 0 : i32
      %dma_wait3A_2620 = tpu.memref_slice %arg12[%dma_wait3A_2619] : memref<4096xi32, #tpu.memory_space<vmem>> -> memref<4096xi32, #tpu.memory_space<vmem>>
      %dma_wait3A_2621 = arith.constant 0 : i32
      %dma_wait3A_2622 = tpu.memref_slice %arg7[%dma_wait3A_2621] : memref<100352xi32, #tpu.memory_space<vmem_shared>> -> memref<100352xi32, #tpu.memory_space<vmem_shared>>
      tpu.wait_indirect_dma semaphore(%run_scoped3A : memref<!tpu.dma_semaphore, #tpu.memory_space<semaphore_mem>>) src(%dma_wait3A_2620 : memref<4096xi32, #tpu.memory_space<vmem>>) dst(%dma_wait3A_2622 : memref<100352xi32, #tpu.memory_space<vmem_shared>>)
      tpu.yield
    }) : () -> ()
    %add3A_2290 = arith.constant 19 : i32
    %add3A_2291 = arith.addi %mul3A_2, %add3A_2290 : i32
    %jit3A_2292 = arith.constant 4 : i32
    %div3A_2293 = arith.divsi %add3A_2291, %jit3A_2292 : i32
    %sign3A_2294 = arith.constant 0 : i32
    %sign3A_2295 = arith.cmpi sgt, %add3A_2291, %sign3A_2294 : i32
    %sign3A_2296 = arith.extui %sign3A_2295 : i1 to i32
    %sign3A_2297 = arith.constant 0 : i32
    %sign3A_2298 = arith.cmpi slt, %add3A_2291, %sign3A_2297 : i32
    %sign3A_2299 = arith.extui %sign3A_2298 : i1 to i32
    %sign3A_2300 = arith.subi %sign3A_2296, %sign3A_2299 : i32
    %sign3A_2301 = arith.constant 0 : i32
    %sign3A_2302 = arith.cmpi sgt, %jit3A_2292, %sign3A_2301 : i32
    %sign3A_2303 = arith.extui %sign3A_2302 : i1 to i32
    %sign3A_2304 = arith.constant 0 : i32
    %sign3A_2305 = arith.cmpi slt, %jit3A_2292, %sign3A_2304 : i32
    %sign3A_2306 = arith.extui %sign3A_2305 : i1 to i32
    %sign3A_2307 = arith.subi %sign3A_2303, %sign3A_2306 : i32
    %ne3A_2308 = arith.cmpi ne, %sign3A_2300, %sign3A_2307 : i32
    %rem3A_2309 = arith.remsi %add3A_2291, %jit3A_2292 : i32
    %ne3A_2310 = arith.constant 0 : i32
    %ne3A_2311 = arith.cmpi ne, %rem3A_2309, %ne3A_2310 : i32
    %and3A_2312 = arith.andi %ne3A_2308, %ne3A_2311 : i1
    %sub3A_2313 = arith.constant 1 : i32
    %sub3A_2314 = arith.subi %div3A_2293, %sub3A_2313 : i32
    %select_n3A_2315 = arith.select %and3A_2312, %sub3A_2314, %div3A_2293 : i32
    %jit3A_2316 = arith.constant 4 : i32
    %eq3A_2317 = arith.constant 0 : i32
    %eq3A_2318 = arith.cmpi eq, %jit3A_2316, %eq3A_2317 : i32
    %jit3A_2319 = arith.constant 1 : i32
    %select_n3A_2320 = arith.select %eq3A_2318, %jit3A_2319, %jit3A_2316 : i32
    %rem3A_2321 = arith.remsi %add3A_2291, %select_n3A_2320 : i32
    %ne3A_2322 = arith.constant 0 : i32
    %ne3A_2323 = arith.cmpi ne, %rem3A_2321, %ne3A_2322 : i32
    %lt3A_2324 = arith.constant 0 : i32
    %lt3A_2325 = arith.cmpi slt, %rem3A_2321, %lt3A_2324 : i32
    %lt3A_2326 = arith.constant 0 : i32
    %lt3A_2327 = arith.cmpi slt, %select_n3A_2320, %lt3A_2326 : i32
    %ne3A_2328 = arith.xori %lt3A_2325, %lt3A_2327 : i1
    %and3A_2329 = arith.andi %ne3A_2328, %ne3A_2323 : i1
    %add3A_2330 = arith.addi %rem3A_2321, %select_n3A_2320 : i32
    %select_n3A_2331 = arith.select %and3A_2329, %add3A_2330, %rem3A_2321 : i32
    %mul3A_2332 = arith.constant 4096 : i32
    %mul3A_2333 = arith.muli %select_n3A_2331, %mul3A_2332 : i32
    %dma_start3A_2334 = tpu.memref_slice %arg3[%select_n3A_2315, %mul3A_2333] : memref<200x16384xi32, #tpu.memory_space<hbm>> -> memref<1x4096xi32, #tpu.memory_space<hbm>>
    %dma_start3A_2335 = tpu.memref_squeeze %dma_start3A_2334 : memref<1x4096xi32, #tpu.memory_space<hbm>> -> memref<4096xi32, #tpu.memory_space<hbm>>
    %dma_start3A_2336 = tpu.memref_slice %arg3[%select_n3A_2315, %mul3A_2333] : memref<200x16384xi32, #tpu.memory_space<hbm>> -> memref<1x4096xi32, #tpu.memory_space<hbm>>
    %dma_start3A_2337 = tpu.memref_squeeze %dma_start3A_2336 : memref<1x4096xi32, #tpu.memory_space<hbm>> -> memref<4096xi32, #tpu.memory_space<hbm>>
    tpu.enqueue_dma source(%dma_start3A_2337 : memref<4096xi32, #tpu.memory_space<hbm>>) target(%arg11 : memref<4096xi32, #tpu.memory_space<vmem>>) target_semaphore(%arg17 : memref<!tpu.dma_semaphore, #tpu.memory_space<semaphore_mem>>)
    %dma_wait3A_2338 = tpu.memref_slice %arg3[%select_n3A_2263, %mul3A_2281] : memref<200x16384xi32, #tpu.memory_space<hbm>> -> memref<1x4096xi32, #tpu.memory_space<hbm>>
    %dma_wait3A_2339 = tpu.memref_squeeze %dma_wait3A_2338 : memref<1x4096xi32, #tpu.memory_space<hbm>> -> memref<4096xi32, #tpu.memory_space<hbm>>
    %dma_wait3A_2340 = tpu.memref_slice %arg3[%select_n3A_2263, %mul3A_2281] : memref<200x16384xi32, #tpu.memory_space<hbm>> -> memref<1x4096xi32, #tpu.memory_space<hbm>>
    %dma_wait3A_2341 = tpu.memref_squeeze %dma_wait3A_2340 : memref<1x4096xi32, #tpu.memory_space<hbm>> -> memref<4096xi32, #tpu.memory_space<hbm>>
    tpu.wait_dma2 semaphore(%arg16 : memref<!tpu.dma_semaphore, #tpu.memory_space<semaphore_mem>>) src(%dma_wait3A_2341 : memref<4096xi32, #tpu.memory_space<hbm>>) dst(%arg10 : memref<4096xi32, #tpu.memory_space<vmem>>)
    "tpu.region"() ({
      %run_scoped3A = tpu.sem_alloc : memref<!tpu.dma_semaphore, #tpu.memory_space<semaphore_mem>>
      %dma_start3A_2615 = arith.constant 0 : i32
      %dma_start3A_2616 = tpu.memref_slice %arg12[%dma_start3A_2615] : memref<4096xi32, #tpu.memory_space<vmem>> -> memref<4096xi32, #tpu.memory_space<vmem>>
      %dma_start3A_2617 = arith.constant 0 : i32
      %dma_start3A_2618 = tpu.memref_slice %arg7[%dma_start3A_2617] : memref<100352xi32, #tpu.memory_space<vmem_shared>> -> memref<100352xi32, #tpu.memory_space<vmem_shared>>
      tpu.enqueue_indirect_dma source(%dma_start3A_2616 : memref<4096xi32, #tpu.memory_space<vmem>>) target(%dma_start3A_2618 : memref<100352xi32, #tpu.memory_space<vmem_shared>>) offsets(%arg10 : memref<4096xi32, #tpu.memory_space<vmem>>) semaphore(%run_scoped3A : memref<!tpu.dma_semaphore, #tpu.memory_space<semaphore_mem>>) {add = true}
      %dma_wait3A_2619 = arith.constant 0 : i32
      %dma_wait3A_2620 = tpu.memref_slice %arg12[%dma_wait3A_2619] : memref<4096xi32, #tpu.memory_space<vmem>> -> memref<4096xi32, #tpu.memory_space<vmem>>
      %dma_wait3A_2621 = arith.constant 0 : i32
      %dma_wait3A_2622 = tpu.memref_slice %arg7[%dma_wait3A_2621] : memref<100352xi32, #tpu.memory_space<vmem_shared>> -> memref<100352xi32, #tpu.memory_space<vmem_shared>>
      tpu.wait_indirect_dma semaphore(%run_scoped3A : memref<!tpu.dma_semaphore, #tpu.memory_space<semaphore_mem>>) src(%dma_wait3A_2620 : memref<4096xi32, #tpu.memory_space<vmem>>) dst(%dma_wait3A_2622 : memref<100352xi32, #tpu.memory_space<vmem_shared>>)
      tpu.yield
    }) : () -> ()
    %add3A_2342 = arith.constant 20 : i32
    %add3A_2343 = arith.addi %mul3A_2, %add3A_2342 : i32
    %jit3A_2344 = arith.constant 4 : i32
    %div3A_2345 = arith.divsi %add3A_2343, %jit3A_2344 : i32
    %sign3A_2346 = arith.constant 0 : i32
    %sign3A_2347 = arith.cmpi sgt, %add3A_2343, %sign3A_2346 : i32
    %sign3A_2348 = arith.extui %sign3A_2347 : i1 to i32
    %sign3A_2349 = arith.constant 0 : i32
    %sign3A_2350 = arith.cmpi slt, %add3A_2343, %sign3A_2349 : i32
    %sign3A_2351 = arith.extui %sign3A_2350 : i1 to i32
    %sign3A_2352 = arith.subi %sign3A_2348, %sign3A_2351 : i32
    %sign3A_2353 = arith.constant 0 : i32
    %sign3A_2354 = arith.cmpi sgt, %jit3A_2344, %sign3A_2353 : i32
    %sign3A_2355 = arith.extui %sign3A_2354 : i1 to i32
    %sign3A_2356 = arith.constant 0 : i32
    %sign3A_2357 = arith.cmpi slt, %jit3A_2344, %sign3A_2356 : i32
    %sign3A_2358 = arith.extui %sign3A_2357 : i1 to i32
    %sign3A_2359 = arith.subi %sign3A_2355, %sign3A_2358 : i32
    %ne3A_2360 = arith.cmpi ne, %sign3A_2352, %sign3A_2359 : i32
    %rem3A_2361 = arith.remsi %add3A_2343, %jit3A_2344 : i32
    %ne3A_2362 = arith.constant 0 : i32
    %ne3A_2363 = arith.cmpi ne, %rem3A_2361, %ne3A_2362 : i32
    %and3A_2364 = arith.andi %ne3A_2360, %ne3A_2363 : i1
    %sub3A_2365 = arith.constant 1 : i32
    %sub3A_2366 = arith.subi %div3A_2345, %sub3A_2365 : i32
    %select_n3A_2367 = arith.select %and3A_2364, %sub3A_2366, %div3A_2345 : i32
    %jit3A_2368 = arith.constant 4 : i32
    %eq3A_2369 = arith.constant 0 : i32
    %eq3A_2370 = arith.cmpi eq, %jit3A_2368, %eq3A_2369 : i32
    %jit3A_2371 = arith.constant 1 : i32
    %select_n3A_2372 = arith.select %eq3A_2370, %jit3A_2371, %jit3A_2368 : i32
    %rem3A_2373 = arith.remsi %add3A_2343, %select_n3A_2372 : i32
    %ne3A_2374 = arith.constant 0 : i32
    %ne3A_2375 = arith.cmpi ne, %rem3A_2373, %ne3A_2374 : i32
    %lt3A_2376 = arith.constant 0 : i32
    %lt3A_2377 = arith.cmpi slt, %rem3A_2373, %lt3A_2376 : i32
    %lt3A_2378 = arith.constant 0 : i32
    %lt3A_2379 = arith.cmpi slt, %select_n3A_2372, %lt3A_2378 : i32
    %ne3A_2380 = arith.xori %lt3A_2377, %lt3A_2379 : i1
    %and3A_2381 = arith.andi %ne3A_2380, %ne3A_2375 : i1
    %add3A_2382 = arith.addi %rem3A_2373, %select_n3A_2372 : i32
    %select_n3A_2383 = arith.select %and3A_2381, %add3A_2382, %rem3A_2373 : i32
    %mul3A_2384 = arith.constant 4096 : i32
    %mul3A_2385 = arith.muli %select_n3A_2383, %mul3A_2384 : i32
    %dma_start3A_2386 = tpu.memref_slice %arg3[%select_n3A_2367, %mul3A_2385] : memref<200x16384xi32, #tpu.memory_space<hbm>> -> memref<1x4096xi32, #tpu.memory_space<hbm>>
    %dma_start3A_2387 = tpu.memref_squeeze %dma_start3A_2386 : memref<1x4096xi32, #tpu.memory_space<hbm>> -> memref<4096xi32, #tpu.memory_space<hbm>>
    %dma_start3A_2388 = tpu.memref_slice %arg3[%select_n3A_2367, %mul3A_2385] : memref<200x16384xi32, #tpu.memory_space<hbm>> -> memref<1x4096xi32, #tpu.memory_space<hbm>>
    %dma_start3A_2389 = tpu.memref_squeeze %dma_start3A_2388 : memref<1x4096xi32, #tpu.memory_space<hbm>> -> memref<4096xi32, #tpu.memory_space<hbm>>
    tpu.enqueue_dma source(%dma_start3A_2389 : memref<4096xi32, #tpu.memory_space<hbm>>) target(%arg10 : memref<4096xi32, #tpu.memory_space<vmem>>) target_semaphore(%arg16 : memref<!tpu.dma_semaphore, #tpu.memory_space<semaphore_mem>>)
    %dma_wait3A_2390 = tpu.memref_slice %arg3[%select_n3A_2315, %mul3A_2333] : memref<200x16384xi32, #tpu.memory_space<hbm>> -> memref<1x4096xi32, #tpu.memory_space<hbm>>
    %dma_wait3A_2391 = tpu.memref_squeeze %dma_wait3A_2390 : memref<1x4096xi32, #tpu.memory_space<hbm>> -> memref<4096xi32, #tpu.memory_space<hbm>>
    %dma_wait3A_2392 = tpu.memref_slice %arg3[%select_n3A_2315, %mul3A_2333] : memref<200x16384xi32, #tpu.memory_space<hbm>> -> memref<1x4096xi32, #tpu.memory_space<hbm>>
    %dma_wait3A_2393 = tpu.memref_squeeze %dma_wait3A_2392 : memref<1x4096xi32, #tpu.memory_space<hbm>> -> memref<4096xi32, #tpu.memory_space<hbm>>
    tpu.wait_dma2 semaphore(%arg17 : memref<!tpu.dma_semaphore, #tpu.memory_space<semaphore_mem>>) src(%dma_wait3A_2393 : memref<4096xi32, #tpu.memory_space<hbm>>) dst(%arg11 : memref<4096xi32, #tpu.memory_space<vmem>>)
    "tpu.region"() ({
      %run_scoped3A = tpu.sem_alloc : memref<!tpu.dma_semaphore, #tpu.memory_space<semaphore_mem>>
      %dma_start3A_2615 = arith.constant 0 : i32
      %dma_start3A_2616 = tpu.memref_slice %arg12[%dma_start3A_2615] : memref<4096xi32, #tpu.memory_space<vmem>> -> memref<4096xi32, #tpu.memory_space<vmem>>
      %dma_start3A_2617 = arith.constant 0 : i32
      %dma_start3A_2618 = tpu.memref_slice %arg7[%dma_start3A_2617] : memref<100352xi32, #tpu.memory_space<vmem_shared>> -> memref<100352xi32, #tpu.memory_space<vmem_shared>>
      tpu.enqueue_indirect_dma source(%dma_start3A_2616 : memref<4096xi32, #tpu.memory_space<vmem>>) target(%dma_start3A_2618 : memref<100352xi32, #tpu.memory_space<vmem_shared>>) offsets(%arg11 : memref<4096xi32, #tpu.memory_space<vmem>>) semaphore(%run_scoped3A : memref<!tpu.dma_semaphore, #tpu.memory_space<semaphore_mem>>) {add = true}
      %dma_wait3A_2619 = arith.constant 0 : i32
      %dma_wait3A_2620 = tpu.memref_slice %arg12[%dma_wait3A_2619] : memref<4096xi32, #tpu.memory_space<vmem>> -> memref<4096xi32, #tpu.memory_space<vmem>>
      %dma_wait3A_2621 = arith.constant 0 : i32
      %dma_wait3A_2622 = tpu.memref_slice %arg7[%dma_wait3A_2621] : memref<100352xi32, #tpu.memory_space<vmem_shared>> -> memref<100352xi32, #tpu.memory_space<vmem_shared>>
      tpu.wait_indirect_dma semaphore(%run_scoped3A : memref<!tpu.dma_semaphore, #tpu.memory_space<semaphore_mem>>) src(%dma_wait3A_2620 : memref<4096xi32, #tpu.memory_space<vmem>>) dst(%dma_wait3A_2622 : memref<100352xi32, #tpu.memory_space<vmem_shared>>)
      tpu.yield
    }) : () -> ()
    %add3A_2394 = arith.constant 21 : i32
    %add3A_2395 = arith.addi %mul3A_2, %add3A_2394 : i32
    %jit3A_2396 = arith.constant 4 : i32
    %div3A_2397 = arith.divsi %add3A_2395, %jit3A_2396 : i32
    %sign3A_2398 = arith.constant 0 : i32
    %sign3A_2399 = arith.cmpi sgt, %add3A_2395, %sign3A_2398 : i32
    %sign3A_2400 = arith.extui %sign3A_2399 : i1 to i32
    %sign3A_2401 = arith.constant 0 : i32
    %sign3A_2402 = arith.cmpi slt, %add3A_2395, %sign3A_2401 : i32
    %sign3A_2403 = arith.extui %sign3A_2402 : i1 to i32
    %sign3A_2404 = arith.subi %sign3A_2400, %sign3A_2403 : i32
    %sign3A_2405 = arith.constant 0 : i32
    %sign3A_2406 = arith.cmpi sgt, %jit3A_2396, %sign3A_2405 : i32
    %sign3A_2407 = arith.extui %sign3A_2406 : i1 to i32
    %sign3A_2408 = arith.constant 0 : i32
    %sign3A_2409 = arith.cmpi slt, %jit3A_2396, %sign3A_2408 : i32
    %sign3A_2410 = arith.extui %sign3A_2409 : i1 to i32
    %sign3A_2411 = arith.subi %sign3A_2407, %sign3A_2410 : i32
    %ne3A_2412 = arith.cmpi ne, %sign3A_2404, %sign3A_2411 : i32
    %rem3A_2413 = arith.remsi %add3A_2395, %jit3A_2396 : i32
    %ne3A_2414 = arith.constant 0 : i32
    %ne3A_2415 = arith.cmpi ne, %rem3A_2413, %ne3A_2414 : i32
    %and3A_2416 = arith.andi %ne3A_2412, %ne3A_2415 : i1
    %sub3A_2417 = arith.constant 1 : i32
    %sub3A_2418 = arith.subi %div3A_2397, %sub3A_2417 : i32
    %select_n3A_2419 = arith.select %and3A_2416, %sub3A_2418, %div3A_2397 : i32
    %jit3A_2420 = arith.constant 4 : i32
    %eq3A_2421 = arith.constant 0 : i32
    %eq3A_2422 = arith.cmpi eq, %jit3A_2420, %eq3A_2421 : i32
    %jit3A_2423 = arith.constant 1 : i32
    %select_n3A_2424 = arith.select %eq3A_2422, %jit3A_2423, %jit3A_2420 : i32
    %rem3A_2425 = arith.remsi %add3A_2395, %select_n3A_2424 : i32
    %ne3A_2426 = arith.constant 0 : i32
    %ne3A_2427 = arith.cmpi ne, %rem3A_2425, %ne3A_2426 : i32
    %lt3A_2428 = arith.constant 0 : i32
    %lt3A_2429 = arith.cmpi slt, %rem3A_2425, %lt3A_2428 : i32
    %lt3A_2430 = arith.constant 0 : i32
    %lt3A_2431 = arith.cmpi slt, %select_n3A_2424, %lt3A_2430 : i32
    %ne3A_2432 = arith.xori %lt3A_2429, %lt3A_2431 : i1
    %and3A_2433 = arith.andi %ne3A_2432, %ne3A_2427 : i1
    %add3A_2434 = arith.addi %rem3A_2425, %select_n3A_2424 : i32
    %select_n3A_2435 = arith.select %and3A_2433, %add3A_2434, %rem3A_2425 : i32
    %mul3A_2436 = arith.constant 4096 : i32
    %mul3A_2437 = arith.muli %select_n3A_2435, %mul3A_2436 : i32
    %dma_start3A_2438 = tpu.memref_slice %arg3[%select_n3A_2419, %mul3A_2437] : memref<200x16384xi32, #tpu.memory_space<hbm>> -> memref<1x4096xi32, #tpu.memory_space<hbm>>
    %dma_start3A_2439 = tpu.memref_squeeze %dma_start3A_2438 : memref<1x4096xi32, #tpu.memory_space<hbm>> -> memref<4096xi32, #tpu.memory_space<hbm>>
    %dma_start3A_2440 = tpu.memref_slice %arg3[%select_n3A_2419, %mul3A_2437] : memref<200x16384xi32, #tpu.memory_space<hbm>> -> memref<1x4096xi32, #tpu.memory_space<hbm>>
    %dma_start3A_2441 = tpu.memref_squeeze %dma_start3A_2440 : memref<1x4096xi32, #tpu.memory_space<hbm>> -> memref<4096xi32, #tpu.memory_space<hbm>>
    tpu.enqueue_dma source(%dma_start3A_2441 : memref<4096xi32, #tpu.memory_space<hbm>>) target(%arg11 : memref<4096xi32, #tpu.memory_space<vmem>>) target_semaphore(%arg17 : memref<!tpu.dma_semaphore, #tpu.memory_space<semaphore_mem>>)
    %dma_wait3A_2442 = tpu.memref_slice %arg3[%select_n3A_2367, %mul3A_2385] : memref<200x16384xi32, #tpu.memory_space<hbm>> -> memref<1x4096xi32, #tpu.memory_space<hbm>>
    %dma_wait3A_2443 = tpu.memref_squeeze %dma_wait3A_2442 : memref<1x4096xi32, #tpu.memory_space<hbm>> -> memref<4096xi32, #tpu.memory_space<hbm>>
    %dma_wait3A_2444 = tpu.memref_slice %arg3[%select_n3A_2367, %mul3A_2385] : memref<200x16384xi32, #tpu.memory_space<hbm>> -> memref<1x4096xi32, #tpu.memory_space<hbm>>
    %dma_wait3A_2445 = tpu.memref_squeeze %dma_wait3A_2444 : memref<1x4096xi32, #tpu.memory_space<hbm>> -> memref<4096xi32, #tpu.memory_space<hbm>>
    tpu.wait_dma2 semaphore(%arg16 : memref<!tpu.dma_semaphore, #tpu.memory_space<semaphore_mem>>) src(%dma_wait3A_2445 : memref<4096xi32, #tpu.memory_space<hbm>>) dst(%arg10 : memref<4096xi32, #tpu.memory_space<vmem>>)
    "tpu.region"() ({
      %run_scoped3A = tpu.sem_alloc : memref<!tpu.dma_semaphore, #tpu.memory_space<semaphore_mem>>
      %dma_start3A_2615 = arith.constant 0 : i32
      %dma_start3A_2616 = tpu.memref_slice %arg12[%dma_start3A_2615] : memref<4096xi32, #tpu.memory_space<vmem>> -> memref<4096xi32, #tpu.memory_space<vmem>>
      %dma_start3A_2617 = arith.constant 0 : i32
      %dma_start3A_2618 = tpu.memref_slice %arg7[%dma_start3A_2617] : memref<100352xi32, #tpu.memory_space<vmem_shared>> -> memref<100352xi32, #tpu.memory_space<vmem_shared>>
      tpu.enqueue_indirect_dma source(%dma_start3A_2616 : memref<4096xi32, #tpu.memory_space<vmem>>) target(%dma_start3A_2618 : memref<100352xi32, #tpu.memory_space<vmem_shared>>) offsets(%arg10 : memref<4096xi32, #tpu.memory_space<vmem>>) semaphore(%run_scoped3A : memref<!tpu.dma_semaphore, #tpu.memory_space<semaphore_mem>>) {add = true}
      %dma_wait3A_2619 = arith.constant 0 : i32
      %dma_wait3A_2620 = tpu.memref_slice %arg12[%dma_wait3A_2619] : memref<4096xi32, #tpu.memory_space<vmem>> -> memref<4096xi32, #tpu.memory_space<vmem>>
      %dma_wait3A_2621 = arith.constant 0 : i32
      %dma_wait3A_2622 = tpu.memref_slice %arg7[%dma_wait3A_2621] : memref<100352xi32, #tpu.memory_space<vmem_shared>> -> memref<100352xi32, #tpu.memory_space<vmem_shared>>
      tpu.wait_indirect_dma semaphore(%run_scoped3A : memref<!tpu.dma_semaphore, #tpu.memory_space<semaphore_mem>>) src(%dma_wait3A_2620 : memref<4096xi32, #tpu.memory_space<vmem>>) dst(%dma_wait3A_2622 : memref<100352xi32, #tpu.memory_space<vmem_shared>>)
      tpu.yield
    }) : () -> ()
    %add3A_2446 = arith.constant 22 : i32
    %add3A_2447 = arith.addi %mul3A_2, %add3A_2446 : i32
    %jit3A_2448 = arith.constant 4 : i32
    %div3A_2449 = arith.divsi %add3A_2447, %jit3A_2448 : i32
    %sign3A_2450 = arith.constant 0 : i32
    %sign3A_2451 = arith.cmpi sgt, %add3A_2447, %sign3A_2450 : i32
    %sign3A_2452 = arith.extui %sign3A_2451 : i1 to i32
    %sign3A_2453 = arith.constant 0 : i32
    %sign3A_2454 = arith.cmpi slt, %add3A_2447, %sign3A_2453 : i32
    %sign3A_2455 = arith.extui %sign3A_2454 : i1 to i32
    %sign3A_2456 = arith.subi %sign3A_2452, %sign3A_2455 : i32
    %sign3A_2457 = arith.constant 0 : i32
    %sign3A_2458 = arith.cmpi sgt, %jit3A_2448, %sign3A_2457 : i32
    %sign3A_2459 = arith.extui %sign3A_2458 : i1 to i32
    %sign3A_2460 = arith.constant 0 : i32
    %sign3A_2461 = arith.cmpi slt, %jit3A_2448, %sign3A_2460 : i32
    %sign3A_2462 = arith.extui %sign3A_2461 : i1 to i32
    %sign3A_2463 = arith.subi %sign3A_2459, %sign3A_2462 : i32
    %ne3A_2464 = arith.cmpi ne, %sign3A_2456, %sign3A_2463 : i32
    %rem3A_2465 = arith.remsi %add3A_2447, %jit3A_2448 : i32
    %ne3A_2466 = arith.constant 0 : i32
    %ne3A_2467 = arith.cmpi ne, %rem3A_2465, %ne3A_2466 : i32
    %and3A_2468 = arith.andi %ne3A_2464, %ne3A_2467 : i1
    %sub3A_2469 = arith.constant 1 : i32
    %sub3A_2470 = arith.subi %div3A_2449, %sub3A_2469 : i32
    %select_n3A_2471 = arith.select %and3A_2468, %sub3A_2470, %div3A_2449 : i32
    %jit3A_2472 = arith.constant 4 : i32
    %eq3A_2473 = arith.constant 0 : i32
    %eq3A_2474 = arith.cmpi eq, %jit3A_2472, %eq3A_2473 : i32
    %jit3A_2475 = arith.constant 1 : i32
    %select_n3A_2476 = arith.select %eq3A_2474, %jit3A_2475, %jit3A_2472 : i32
    %rem3A_2477 = arith.remsi %add3A_2447, %select_n3A_2476 : i32
    %ne3A_2478 = arith.constant 0 : i32
    %ne3A_2479 = arith.cmpi ne, %rem3A_2477, %ne3A_2478 : i32
    %lt3A_2480 = arith.constant 0 : i32
    %lt3A_2481 = arith.cmpi slt, %rem3A_2477, %lt3A_2480 : i32
    %lt3A_2482 = arith.constant 0 : i32
    %lt3A_2483 = arith.cmpi slt, %select_n3A_2476, %lt3A_2482 : i32
    %ne3A_2484 = arith.xori %lt3A_2481, %lt3A_2483 : i1
    %and3A_2485 = arith.andi %ne3A_2484, %ne3A_2479 : i1
    %add3A_2486 = arith.addi %rem3A_2477, %select_n3A_2476 : i32
    %select_n3A_2487 = arith.select %and3A_2485, %add3A_2486, %rem3A_2477 : i32
    %mul3A_2488 = arith.constant 4096 : i32
    %mul3A_2489 = arith.muli %select_n3A_2487, %mul3A_2488 : i32
    %dma_start3A_2490 = tpu.memref_slice %arg3[%select_n3A_2471, %mul3A_2489] : memref<200x16384xi32, #tpu.memory_space<hbm>> -> memref<1x4096xi32, #tpu.memory_space<hbm>>
    %dma_start3A_2491 = tpu.memref_squeeze %dma_start3A_2490 : memref<1x4096xi32, #tpu.memory_space<hbm>> -> memref<4096xi32, #tpu.memory_space<hbm>>
    %dma_start3A_2492 = tpu.memref_slice %arg3[%select_n3A_2471, %mul3A_2489] : memref<200x16384xi32, #tpu.memory_space<hbm>> -> memref<1x4096xi32, #tpu.memory_space<hbm>>
    %dma_start3A_2493 = tpu.memref_squeeze %dma_start3A_2492 : memref<1x4096xi32, #tpu.memory_space<hbm>> -> memref<4096xi32, #tpu.memory_space<hbm>>
    tpu.enqueue_dma source(%dma_start3A_2493 : memref<4096xi32, #tpu.memory_space<hbm>>) target(%arg10 : memref<4096xi32, #tpu.memory_space<vmem>>) target_semaphore(%arg16 : memref<!tpu.dma_semaphore, #tpu.memory_space<semaphore_mem>>)
    %dma_wait3A_2494 = tpu.memref_slice %arg3[%select_n3A_2419, %mul3A_2437] : memref<200x16384xi32, #tpu.memory_space<hbm>> -> memref<1x4096xi32, #tpu.memory_space<hbm>>
    %dma_wait3A_2495 = tpu.memref_squeeze %dma_wait3A_2494 : memref<1x4096xi32, #tpu.memory_space<hbm>> -> memref<4096xi32, #tpu.memory_space<hbm>>
    %dma_wait3A_2496 = tpu.memref_slice %arg3[%select_n3A_2419, %mul3A_2437] : memref<200x16384xi32, #tpu.memory_space<hbm>> -> memref<1x4096xi32, #tpu.memory_space<hbm>>
    %dma_wait3A_2497 = tpu.memref_squeeze %dma_wait3A_2496 : memref<1x4096xi32, #tpu.memory_space<hbm>> -> memref<4096xi32, #tpu.memory_space<hbm>>
    tpu.wait_dma2 semaphore(%arg17 : memref<!tpu.dma_semaphore, #tpu.memory_space<semaphore_mem>>) src(%dma_wait3A_2497 : memref<4096xi32, #tpu.memory_space<hbm>>) dst(%arg11 : memref<4096xi32, #tpu.memory_space<vmem>>)
    "tpu.region"() ({
      %run_scoped3A = tpu.sem_alloc : memref<!tpu.dma_semaphore, #tpu.memory_space<semaphore_mem>>
      %dma_start3A_2615 = arith.constant 0 : i32
      %dma_start3A_2616 = tpu.memref_slice %arg12[%dma_start3A_2615] : memref<4096xi32, #tpu.memory_space<vmem>> -> memref<4096xi32, #tpu.memory_space<vmem>>
      %dma_start3A_2617 = arith.constant 0 : i32
      %dma_start3A_2618 = tpu.memref_slice %arg7[%dma_start3A_2617] : memref<100352xi32, #tpu.memory_space<vmem_shared>> -> memref<100352xi32, #tpu.memory_space<vmem_shared>>
      tpu.enqueue_indirect_dma source(%dma_start3A_2616 : memref<4096xi32, #tpu.memory_space<vmem>>) target(%dma_start3A_2618 : memref<100352xi32, #tpu.memory_space<vmem_shared>>) offsets(%arg11 : memref<4096xi32, #tpu.memory_space<vmem>>) semaphore(%run_scoped3A : memref<!tpu.dma_semaphore, #tpu.memory_space<semaphore_mem>>) {add = true}
      %dma_wait3A_2619 = arith.constant 0 : i32
      %dma_wait3A_2620 = tpu.memref_slice %arg12[%dma_wait3A_2619] : memref<4096xi32, #tpu.memory_space<vmem>> -> memref<4096xi32, #tpu.memory_space<vmem>>
      %dma_wait3A_2621 = arith.constant 0 : i32
      %dma_wait3A_2622 = tpu.memref_slice %arg7[%dma_wait3A_2621] : memref<100352xi32, #tpu.memory_space<vmem_shared>> -> memref<100352xi32, #tpu.memory_space<vmem_shared>>
      tpu.wait_indirect_dma semaphore(%run_scoped3A : memref<!tpu.dma_semaphore, #tpu.memory_space<semaphore_mem>>) src(%dma_wait3A_2620 : memref<4096xi32, #tpu.memory_space<vmem>>) dst(%dma_wait3A_2622 : memref<100352xi32, #tpu.memory_space<vmem_shared>>)
      tpu.yield
    }) : () -> ()
    %add3A_2498 = arith.constant 23 : i32
    %add3A_2499 = arith.addi %mul3A_2, %add3A_2498 : i32
    %jit3A_2500 = arith.constant 4 : i32
    %div3A_2501 = arith.divsi %add3A_2499, %jit3A_2500 : i32
    %sign3A_2502 = arith.constant 0 : i32
    %sign3A_2503 = arith.cmpi sgt, %add3A_2499, %sign3A_2502 : i32
    %sign3A_2504 = arith.extui %sign3A_2503 : i1 to i32
    %sign3A_2505 = arith.constant 0 : i32
    %sign3A_2506 = arith.cmpi slt, %add3A_2499, %sign3A_2505 : i32
    %sign3A_2507 = arith.extui %sign3A_2506 : i1 to i32
    %sign3A_2508 = arith.subi %sign3A_2504, %sign3A_2507 : i32
    %sign3A_2509 = arith.constant 0 : i32
    %sign3A_2510 = arith.cmpi sgt, %jit3A_2500, %sign3A_2509 : i32
    %sign3A_2511 = arith.extui %sign3A_2510 : i1 to i32
    %sign3A_2512 = arith.constant 0 : i32
    %sign3A_2513 = arith.cmpi slt, %jit3A_2500, %sign3A_2512 : i32
    %sign3A_2514 = arith.extui %sign3A_2513 : i1 to i32
    %sign3A_2515 = arith.subi %sign3A_2511, %sign3A_2514 : i32
    %ne3A_2516 = arith.cmpi ne, %sign3A_2508, %sign3A_2515 : i32
    %rem3A_2517 = arith.remsi %add3A_2499, %jit3A_2500 : i32
    %ne3A_2518 = arith.constant 0 : i32
    %ne3A_2519 = arith.cmpi ne, %rem3A_2517, %ne3A_2518 : i32
    %and3A_2520 = arith.andi %ne3A_2516, %ne3A_2519 : i1
    %sub3A_2521 = arith.constant 1 : i32
    %sub3A_2522 = arith.subi %div3A_2501, %sub3A_2521 : i32
    %select_n3A_2523 = arith.select %and3A_2520, %sub3A_2522, %div3A_2501 : i32
    %jit3A_2524 = arith.constant 4 : i32
    %eq3A_2525 = arith.constant 0 : i32
    %eq3A_2526 = arith.cmpi eq, %jit3A_2524, %eq3A_2525 : i32
    %jit3A_2527 = arith.constant 1 : i32
    %select_n3A_2528 = arith.select %eq3A_2526, %jit3A_2527, %jit3A_2524 : i32
    %rem3A_2529 = arith.remsi %add3A_2499, %select_n3A_2528 : i32
    %ne3A_2530 = arith.constant 0 : i32
    %ne3A_2531 = arith.cmpi ne, %rem3A_2529, %ne3A_2530 : i32
    %lt3A_2532 = arith.constant 0 : i32
    %lt3A_2533 = arith.cmpi slt, %rem3A_2529, %lt3A_2532 : i32
    %lt3A_2534 = arith.constant 0 : i32
    %lt3A_2535 = arith.cmpi slt, %select_n3A_2528, %lt3A_2534 : i32
    %ne3A_2536 = arith.xori %lt3A_2533, %lt3A_2535 : i1
    %and3A_2537 = arith.andi %ne3A_2536, %ne3A_2531 : i1
    %add3A_2538 = arith.addi %rem3A_2529, %select_n3A_2528 : i32
    %select_n3A_2539 = arith.select %and3A_2537, %add3A_2538, %rem3A_2529 : i32
    %mul3A_2540 = arith.constant 4096 : i32
    %mul3A_2541 = arith.muli %select_n3A_2539, %mul3A_2540 : i32
    %dma_start3A_2542 = tpu.memref_slice %arg3[%select_n3A_2523, %mul3A_2541] : memref<200x16384xi32, #tpu.memory_space<hbm>> -> memref<1x4096xi32, #tpu.memory_space<hbm>>
    %dma_start3A_2543 = tpu.memref_squeeze %dma_start3A_2542 : memref<1x4096xi32, #tpu.memory_space<hbm>> -> memref<4096xi32, #tpu.memory_space<hbm>>
    %dma_start3A_2544 = tpu.memref_slice %arg3[%select_n3A_2523, %mul3A_2541] : memref<200x16384xi32, #tpu.memory_space<hbm>> -> memref<1x4096xi32, #tpu.memory_space<hbm>>
    %dma_start3A_2545 = tpu.memref_squeeze %dma_start3A_2544 : memref<1x4096xi32, #tpu.memory_space<hbm>> -> memref<4096xi32, #tpu.memory_space<hbm>>
    tpu.enqueue_dma source(%dma_start3A_2545 : memref<4096xi32, #tpu.memory_space<hbm>>) target(%arg11 : memref<4096xi32, #tpu.memory_space<vmem>>) target_semaphore(%arg17 : memref<!tpu.dma_semaphore, #tpu.memory_space<semaphore_mem>>)
    %dma_wait3A_2546 = tpu.memref_slice %arg3[%select_n3A_2471, %mul3A_2489] : memref<200x16384xi32, #tpu.memory_space<hbm>> -> memref<1x4096xi32, #tpu.memory_space<hbm>>
    %dma_wait3A_2547 = tpu.memref_squeeze %dma_wait3A_2546 : memref<1x4096xi32, #tpu.memory_space<hbm>> -> memref<4096xi32, #tpu.memory_space<hbm>>
    %dma_wait3A_2548 = tpu.memref_slice %arg3[%select_n3A_2471, %mul3A_2489] : memref<200x16384xi32, #tpu.memory_space<hbm>> -> memref<1x4096xi32, #tpu.memory_space<hbm>>
    %dma_wait3A_2549 = tpu.memref_squeeze %dma_wait3A_2548 : memref<1x4096xi32, #tpu.memory_space<hbm>> -> memref<4096xi32, #tpu.memory_space<hbm>>
    tpu.wait_dma2 semaphore(%arg16 : memref<!tpu.dma_semaphore, #tpu.memory_space<semaphore_mem>>) src(%dma_wait3A_2549 : memref<4096xi32, #tpu.memory_space<hbm>>) dst(%arg10 : memref<4096xi32, #tpu.memory_space<vmem>>)
    "tpu.region"() ({
      %run_scoped3A = tpu.sem_alloc : memref<!tpu.dma_semaphore, #tpu.memory_space<semaphore_mem>>
      %dma_start3A_2615 = arith.constant 0 : i32
      %dma_start3A_2616 = tpu.memref_slice %arg12[%dma_start3A_2615] : memref<4096xi32, #tpu.memory_space<vmem>> -> memref<4096xi32, #tpu.memory_space<vmem>>
      %dma_start3A_2617 = arith.constant 0 : i32
      %dma_start3A_2618 = tpu.memref_slice %arg7[%dma_start3A_2617] : memref<100352xi32, #tpu.memory_space<vmem_shared>> -> memref<100352xi32, #tpu.memory_space<vmem_shared>>
      tpu.enqueue_indirect_dma source(%dma_start3A_2616 : memref<4096xi32, #tpu.memory_space<vmem>>) target(%dma_start3A_2618 : memref<100352xi32, #tpu.memory_space<vmem_shared>>) offsets(%arg10 : memref<4096xi32, #tpu.memory_space<vmem>>) semaphore(%run_scoped3A : memref<!tpu.dma_semaphore, #tpu.memory_space<semaphore_mem>>) {add = true}
      %dma_wait3A_2619 = arith.constant 0 : i32
      %dma_wait3A_2620 = tpu.memref_slice %arg12[%dma_wait3A_2619] : memref<4096xi32, #tpu.memory_space<vmem>> -> memref<4096xi32, #tpu.memory_space<vmem>>
      %dma_wait3A_2621 = arith.constant 0 : i32
      %dma_wait3A_2622 = tpu.memref_slice %arg7[%dma_wait3A_2621] : memref<100352xi32, #tpu.memory_space<vmem_shared>> -> memref<100352xi32, #tpu.memory_space<vmem_shared>>
      tpu.wait_indirect_dma semaphore(%run_scoped3A : memref<!tpu.dma_semaphore, #tpu.memory_space<semaphore_mem>>) src(%dma_wait3A_2620 : memref<4096xi32, #tpu.memory_space<vmem>>) dst(%dma_wait3A_2622 : memref<100352xi32, #tpu.memory_space<vmem_shared>>)
      tpu.yield
    }) : () -> ()
    %add3A_2550 = arith.constant 24 : i32
    %add3A_2551 = arith.addi %mul3A_2, %add3A_2550 : i32
    %jit3A_2552 = arith.constant 4 : i32
    %div3A_2553 = arith.divsi %add3A_2551, %jit3A_2552 : i32
    %sign3A_2554 = arith.constant 0 : i32
    %sign3A_2555 = arith.cmpi sgt, %add3A_2551, %sign3A_2554 : i32
    %sign3A_2556 = arith.extui %sign3A_2555 : i1 to i32
    %sign3A_2557 = arith.constant 0 : i32
    %sign3A_2558 = arith.cmpi slt, %add3A_2551, %sign3A_2557 : i32
    %sign3A_2559 = arith.extui %sign3A_2558 : i1 to i32
    %sign3A_2560 = arith.subi %sign3A_2556, %sign3A_2559 : i32
    %sign3A_2561 = arith.constant 0 : i32
    %sign3A_2562 = arith.cmpi sgt, %jit3A_2552, %sign3A_2561 : i32
    %sign3A_2563 = arith.extui %sign3A_2562 : i1 to i32
    %sign3A_2564 = arith.constant 0 : i32
    %sign3A_2565 = arith.cmpi slt, %jit3A_2552, %sign3A_2564 : i32
    %sign3A_2566 = arith.extui %sign3A_2565 : i1 to i32
    %sign3A_2567 = arith.subi %sign3A_2563, %sign3A_2566 : i32
    %ne3A_2568 = arith.cmpi ne, %sign3A_2560, %sign3A_2567 : i32
    %rem3A_2569 = arith.remsi %add3A_2551, %jit3A_2552 : i32
    %ne3A_2570 = arith.constant 0 : i32
    %ne3A_2571 = arith.cmpi ne, %rem3A_2569, %ne3A_2570 : i32
    %and3A_2572 = arith.andi %ne3A_2568, %ne3A_2571 : i1
    %sub3A_2573 = arith.constant 1 : i32
    %sub3A_2574 = arith.subi %div3A_2553, %sub3A_2573 : i32
    %select_n3A_2575 = arith.select %and3A_2572, %sub3A_2574, %div3A_2553 : i32
    %jit3A_2576 = arith.constant 4 : i32
    %eq3A_2577 = arith.constant 0 : i32
    %eq3A_2578 = arith.cmpi eq, %jit3A_2576, %eq3A_2577 : i32
    %jit3A_2579 = arith.constant 1 : i32
    %select_n3A_2580 = arith.select %eq3A_2578, %jit3A_2579, %jit3A_2576 : i32
    %rem3A_2581 = arith.remsi %add3A_2551, %select_n3A_2580 : i32
    %ne3A_2582 = arith.constant 0 : i32
    %ne3A_2583 = arith.cmpi ne, %rem3A_2581, %ne3A_2582 : i32
    %lt3A_2584 = arith.constant 0 : i32
    %lt3A_2585 = arith.cmpi slt, %rem3A_2581, %lt3A_2584 : i32
    %lt3A_2586 = arith.constant 0 : i32
    %lt3A_2587 = arith.cmpi slt, %select_n3A_2580, %lt3A_2586 : i32
    %ne3A_2588 = arith.xori %lt3A_2585, %lt3A_2587 : i1
    %and3A_2589 = arith.andi %ne3A_2588, %ne3A_2583 : i1
    %add3A_2590 = arith.addi %rem3A_2581, %select_n3A_2580 : i32
    %select_n3A_2591 = arith.select %and3A_2589, %add3A_2590, %rem3A_2581 : i32
    %mul3A_2592 = arith.constant 4096 : i32
    %mul3A_2593 = arith.muli %select_n3A_2591, %mul3A_2592 : i32
    %dma_start3A_2594 = tpu.memref_slice %arg3[%select_n3A_2575, %mul3A_2593] : memref<200x16384xi32, #tpu.memory_space<hbm>> -> memref<1x4096xi32, #tpu.memory_space<hbm>>
    %dma_start3A_2595 = tpu.memref_squeeze %dma_start3A_2594 : memref<1x4096xi32, #tpu.memory_space<hbm>> -> memref<4096xi32, #tpu.memory_space<hbm>>
    %dma_start3A_2596 = tpu.memref_slice %arg3[%select_n3A_2575, %mul3A_2593] : memref<200x16384xi32, #tpu.memory_space<hbm>> -> memref<1x4096xi32, #tpu.memory_space<hbm>>
    %dma_start3A_2597 = tpu.memref_squeeze %dma_start3A_2596 : memref<1x4096xi32, #tpu.memory_space<hbm>> -> memref<4096xi32, #tpu.memory_space<hbm>>
    tpu.enqueue_dma source(%dma_start3A_2597 : memref<4096xi32, #tpu.memory_space<hbm>>) target(%arg10 : memref<4096xi32, #tpu.memory_space<vmem>>) target_semaphore(%arg16 : memref<!tpu.dma_semaphore, #tpu.memory_space<semaphore_mem>>)
    %dma_wait3A_2598 = tpu.memref_slice %arg3[%select_n3A_2523, %mul3A_2541] : memref<200x16384xi32, #tpu.memory_space<hbm>> -> memref<1x4096xi32, #tpu.memory_space<hbm>>
    %dma_wait3A_2599 = tpu.memref_squeeze %dma_wait3A_2598 : memref<1x4096xi32, #tpu.memory_space<hbm>> -> memref<4096xi32, #tpu.memory_space<hbm>>
    %dma_wait3A_2600 = tpu.memref_slice %arg3[%select_n3A_2523, %mul3A_2541] : memref<200x16384xi32, #tpu.memory_space<hbm>> -> memref<1x4096xi32, #tpu.memory_space<hbm>>
    %dma_wait3A_2601 = tpu.memref_squeeze %dma_wait3A_2600 : memref<1x4096xi32, #tpu.memory_space<hbm>> -> memref<4096xi32, #tpu.memory_space<hbm>>
    tpu.wait_dma2 semaphore(%arg17 : memref<!tpu.dma_semaphore, #tpu.memory_space<semaphore_mem>>) src(%dma_wait3A_2601 : memref<4096xi32, #tpu.memory_space<hbm>>) dst(%arg11 : memref<4096xi32, #tpu.memory_space<vmem>>)
    "tpu.region"() ({
      %run_scoped3A = tpu.sem_alloc : memref<!tpu.dma_semaphore, #tpu.memory_space<semaphore_mem>>
      %dma_start3A_2615 = arith.constant 0 : i32
      %dma_start3A_2616 = tpu.memref_slice %arg12[%dma_start3A_2615] : memref<4096xi32, #tpu.memory_space<vmem>> -> memref<4096xi32, #tpu.memory_space<vmem>>
      %dma_start3A_2617 = arith.constant 0 : i32
      %dma_start3A_2618 = tpu.memref_slice %arg7[%dma_start3A_2617] : memref<100352xi32, #tpu.memory_space<vmem_shared>> -> memref<100352xi32, #tpu.memory_space<vmem_shared>>
      tpu.enqueue_indirect_dma source(%dma_start3A_2616 : memref<4096xi32, #tpu.memory_space<vmem>>) target(%dma_start3A_2618 : memref<100352xi32, #tpu.memory_space<vmem_shared>>) offsets(%arg11 : memref<4096xi32, #tpu.memory_space<vmem>>) semaphore(%run_scoped3A : memref<!tpu.dma_semaphore, #tpu.memory_space<semaphore_mem>>) {add = true}
      %dma_wait3A_2619 = arith.constant 0 : i32
      %dma_wait3A_2620 = tpu.memref_slice %arg12[%dma_wait3A_2619] : memref<4096xi32, #tpu.memory_space<vmem>> -> memref<4096xi32, #tpu.memory_space<vmem>>
      %dma_wait3A_2621 = arith.constant 0 : i32
      %dma_wait3A_2622 = tpu.memref_slice %arg7[%dma_wait3A_2621] : memref<100352xi32, #tpu.memory_space<vmem_shared>> -> memref<100352xi32, #tpu.memory_space<vmem_shared>>
      tpu.wait_indirect_dma semaphore(%run_scoped3A : memref<!tpu.dma_semaphore, #tpu.memory_space<semaphore_mem>>) src(%dma_wait3A_2620 : memref<4096xi32, #tpu.memory_space<vmem>>) dst(%dma_wait3A_2622 : memref<100352xi32, #tpu.memory_space<vmem_shared>>)
      tpu.yield
    }) : () -> ()
    %dma_wait3A_2602 = tpu.memref_slice %arg3[%select_n3A_2575, %mul3A_2593] : memref<200x16384xi32, #tpu.memory_space<hbm>> -> memref<1x4096xi32, #tpu.memory_space<hbm>>
    %dma_wait3A_2603 = tpu.memref_squeeze %dma_wait3A_2602 : memref<1x4096xi32, #tpu.memory_space<hbm>> -> memref<4096xi32, #tpu.memory_space<hbm>>
    %dma_wait3A_2604 = tpu.memref_slice %arg3[%select_n3A_2575, %mul3A_2593] : memref<200x16384xi32, #tpu.memory_space<hbm>> -> memref<1x4096xi32, #tpu.memory_space<hbm>>
    %dma_wait3A_2605 = tpu.memref_squeeze %dma_wait3A_2604 : memref<1x4096xi32, #tpu.memory_space<hbm>> -> memref<4096xi32, #tpu.memory_space<hbm>>
    tpu.wait_dma2 semaphore(%arg16 : memref<!tpu.dma_semaphore, #tpu.memory_space<semaphore_mem>>) src(%dma_wait3A_2605 : memref<4096xi32, #tpu.memory_space<hbm>>) dst(%arg10 : memref<4096xi32, #tpu.memory_space<vmem>>)
    "tpu.region"() ({
      %run_scoped3A = tpu.sem_alloc : memref<!tpu.dma_semaphore, #tpu.memory_space<semaphore_mem>>
      %dma_start3A_2615 = arith.constant 0 : i32
      %dma_start3A_2616 = tpu.memref_slice %arg12[%dma_start3A_2615] : memref<4096xi32, #tpu.memory_space<vmem>> -> memref<4096xi32, #tpu.memory_space<vmem>>
      %dma_start3A_2617 = arith.constant 0 : i32
      %dma_start3A_2618 = tpu.memref_slice %arg7[%dma_start3A_2617] : memref<100352xi32, #tpu.memory_space<vmem_shared>> -> memref<100352xi32, #tpu.memory_space<vmem_shared>>
      tpu.enqueue_indirect_dma source(%dma_start3A_2616 : memref<4096xi32, #tpu.memory_space<vmem>>) target(%dma_start3A_2618 : memref<100352xi32, #tpu.memory_space<vmem_shared>>) offsets(%arg10 : memref<4096xi32, #tpu.memory_space<vmem>>) semaphore(%run_scoped3A : memref<!tpu.dma_semaphore, #tpu.memory_space<semaphore_mem>>) {add = true}
      %dma_wait3A_2619 = arith.constant 0 : i32
      %dma_wait3A_2620 = tpu.memref_slice %arg12[%dma_wait3A_2619] : memref<4096xi32, #tpu.memory_space<vmem>> -> memref<4096xi32, #tpu.memory_space<vmem>>
      %dma_wait3A_2621 = arith.constant 0 : i32
      %dma_wait3A_2622 = tpu.memref_slice %arg7[%dma_wait3A_2621] : memref<100352xi32, #tpu.memory_space<vmem_shared>> -> memref<100352xi32, #tpu.memory_space<vmem_shared>>
      tpu.wait_indirect_dma semaphore(%run_scoped3A : memref<!tpu.dma_semaphore, #tpu.memory_space<semaphore_mem>>) src(%dma_wait3A_2620 : memref<4096xi32, #tpu.memory_space<vmem>>) dst(%dma_wait3A_2622 : memref<100352xi32, #tpu.memory_space<vmem_shared>>)
      tpu.yield
    }) : () -> ()
    %barrier3A_2606 = arith.constant 0 : index
    tpu.barrier barrier_id(%barrier3A_2606)
    %mul3A_2607 = arith.constant 6272 : i32
    %mul3A_2608 = arith.muli %arg1, %mul3A_2607 : i32
    %mul3A_2609 = arith.constant 6272 : i32
    %mul3A_2610 = arith.muli %arg1, %mul3A_2609 : i32
    "tpu.region"() ({
      %run_scoped3A = tpu.sem_alloc : memref<!tpu.dma_semaphore, #tpu.memory_space<semaphore_mem>>
      %dma_start3A_2615 = tpu.memref_slice %arg4[%arg0, %mul3A_2610] : memref<2x100352xi32, #tpu.memory_space<hbm>> -> memref<1x6272xi32, #tpu.memory_space<hbm>>
      %dma_start3A_2616 = tpu.memref_squeeze %dma_start3A_2615 : memref<1x6272xi32, #tpu.memory_space<hbm>> -> memref<6272xi32, #tpu.memory_space<hbm>>
      %dma_start3A_2617 = tpu.memref_slice %arg6[%mul3A_2608] : memref<100352xi32, #tpu.memory_space<vmem_shared>> -> memref<6272xi32, #tpu.memory_space<vmem_shared>>
      tpu.enqueue_dma source(%dma_start3A_2617 : memref<6272xi32, #tpu.memory_space<vmem_shared>>) target(%dma_start3A_2616 : memref<6272xi32, #tpu.memory_space<hbm>>) target_semaphore(%run_scoped3A : memref<!tpu.dma_semaphore, #tpu.memory_space<semaphore_mem>>)
      %dma_wait3A_2618 = tpu.memref_slice %arg4[%arg0, %mul3A_2610] : memref<2x100352xi32, #tpu.memory_space<hbm>> -> memref<1x6272xi32, #tpu.memory_space<hbm>>
      %dma_wait3A_2619 = tpu.memref_squeeze %dma_wait3A_2618 : memref<1x6272xi32, #tpu.memory_space<hbm>> -> memref<6272xi32, #tpu.memory_space<hbm>>
      %dma_wait3A_2620 = tpu.memref_slice %arg6[%mul3A_2608] : memref<100352xi32, #tpu.memory_space<vmem_shared>> -> memref<6272xi32, #tpu.memory_space<vmem_shared>>
      tpu.wait_dma2 semaphore(%run_scoped3A : memref<!tpu.dma_semaphore, #tpu.memory_space<semaphore_mem>>) src(%dma_wait3A_2620 : memref<6272xi32, #tpu.memory_space<vmem_shared>>) dst(%dma_wait3A_2619 : memref<6272xi32, #tpu.memory_space<hbm>>)
      tpu.yield
    }) : () -> ()
    %mul3A_2611 = arith.constant 6272 : i32
    %mul3A_2612 = arith.muli %arg1, %mul3A_2611 : i32
    %mul3A_2613 = arith.constant 6272 : i32
    %mul3A_2614 = arith.muli %arg1, %mul3A_2613 : i32
    "tpu.region"() ({
      %run_scoped3A = tpu.sem_alloc : memref<!tpu.dma_semaphore, #tpu.memory_space<semaphore_mem>>
      %dma_start3A_2615 = tpu.memref_slice %arg5[%arg0, %mul3A_2614] : memref<2x100352xi32, #tpu.memory_space<hbm>> -> memref<1x6272xi32, #tpu.memory_space<hbm>>
      %dma_start3A_2616 = tpu.memref_squeeze %dma_start3A_2615 : memref<1x6272xi32, #tpu.memory_space<hbm>> -> memref<6272xi32, #tpu.memory_space<hbm>>
      %dma_start3A_2617 = tpu.memref_slice %arg7[%mul3A_2612] : memref<100352xi32, #tpu.memory_space<vmem_shared>> -> memref<6272xi32, #tpu.memory_space<vmem_shared>>
      tpu.enqueue_dma source(%dma_start3A_2617 : memref<6272xi32, #tpu.memory_space<vmem_shared>>) target(%dma_start3A_2616 : memref<6272xi32, #tpu.memory_space<hbm>>) target_semaphore(%run_scoped3A : memref<!tpu.dma_semaphore, #tpu.memory_space<semaphore_mem>>)
      %dma_wait3A_2618 = tpu.memref_slice %arg5[%arg0, %mul3A_2614] : memref<2x100352xi32, #tpu.memory_space<hbm>> -> memref<1x6272xi32, #tpu.memory_space<hbm>>
      %dma_wait3A_2619 = tpu.memref_squeeze %dma_wait3A_2618 : memref<1x6272xi32, #tpu.memory_space<hbm>> -> memref<6272xi32, #tpu.memory_space<hbm>>
      %dma_wait3A_2620 = tpu.memref_slice %arg7[%mul3A_2612] : memref<100352xi32, #tpu.memory_space<vmem_shared>> -> memref<6272xi32, #tpu.memory_space<vmem_shared>>
      tpu.wait_dma2 semaphore(%run_scoped3A : memref<!tpu.dma_semaphore, #tpu.memory_space<semaphore_mem>>) src(%dma_wait3A_2620 : memref<6272xi32, #tpu.memory_space<vmem_shared>>) dst(%dma_wait3A_2619 : memref<6272xi32, #tpu.memory_space<hbm>>)
      tpu.yield
    }) : () -> ()
    return
  }
}

module attributes {stable_mosaic.version = 14 : i64} {
  func.func @_tc_merge_body(%arg0: memref<2x100352xi32, #tpu.memory_space<vmem>>, %arg1: memref<2x100352xi32, #tpu.memory_space<vmem>>, %arg2: memref<1x1xf32, #tpu.memory_space<smem>>) attributes {dimension_semantics = [], scalar_prefetch = 0 : i64, scratch_operands = 0 : i64, tpu.core_type = #tpu.core_type<tc>} {
    %get3A = arith.constant 0 : index
    %get3A_0 = arith.constant 0 : index
    %get3A_1 = vector.load %arg0[%get3A, %get3A_0] : memref<2x100352xi32, #tpu.memory_space<vmem>>, vector<1x100352xi32>
    %get3A_2 = vector.shape_cast %get3A_1 : vector<1x100352xi32> to vector<100352xi32>
    %get3A_3 = arith.constant 1 : index
    %get3A_4 = arith.constant 0 : index
    %get3A_5 = vector.load %arg0[%get3A_3, %get3A_4] : memref<2x100352xi32, #tpu.memory_space<vmem>>, vector<1x100352xi32>
    %get3A_6 = vector.shape_cast %get3A_5 : vector<1x100352xi32> to vector<100352xi32>
    %add3A = arith.addi %get3A_2, %get3A_6 : vector<100352xi32>
    %gt3A = arith.constant 0 : i32
    %gt3A_7 = vector.broadcast %gt3A : i32 to vector<100352xi32>
    %gt3A_8 = arith.cmpi sgt, %add3A, %gt3A_7 : vector<100352xi32>
    %convert_element_type3A = arith.extui %gt3A_8 : vector<100352xi1> to vector<100352xi32>
    %reduce_sum3A = vector.shape_cast %convert_element_type3A : vector<100352xi32> to vector<1x100352xi32>
    %reduce_sum3A_9 = arith.constant dense<0> : vector<1xi32>
    %reduce_sum3A_10 = vector.multi_reduction <add>, %reduce_sum3A, %reduce_sum3A_9 [1] : vector<1x100352xi32> to vector<1xi32>
    %reduce_sum3A_11 = vector.shape_cast %reduce_sum3A_10 : vector<1xi32> to vector<1x1xi32>
    %reduce_sum3A_12 = vector.extract %reduce_sum3A_11[0, 0] : i32 from vector<1x1xi32>
    %convert_element_type3A_13 = arith.sitofp %reduce_sum3A_12 : i32 to f32
    %get3A_14 = arith.constant 0 : index
    %get3A_15 = arith.constant 0 : index
    %get3A_16 = vector.load %arg1[%get3A_14, %get3A_15] : memref<2x100352xi32, #tpu.memory_space<vmem>>, vector<1x100352xi32>
    %get3A_17 = vector.shape_cast %get3A_16 : vector<1x100352xi32> to vector<100352xi32>
    %get3A_18 = arith.constant 1 : index
    %get3A_19 = arith.constant 0 : index
    %get3A_20 = vector.load %arg1[%get3A_18, %get3A_19] : memref<2x100352xi32, #tpu.memory_space<vmem>>, vector<1x100352xi32>
    %get3A_21 = vector.shape_cast %get3A_20 : vector<1x100352xi32> to vector<100352xi32>
    %add3A_22 = arith.addi %get3A_17, %get3A_21 : vector<100352xi32>
    %gt3A_23 = arith.constant 0 : i32
    %gt3A_24 = vector.broadcast %gt3A_23 : i32 to vector<100352xi32>
    %gt3A_25 = arith.cmpi sgt, %add3A_22, %gt3A_24 : vector<100352xi32>
    %convert_element_type3A_26 = arith.extui %gt3A_25 : vector<100352xi1> to vector<100352xi32>
    %reduce_sum3A_27 = vector.shape_cast %convert_element_type3A_26 : vector<100352xi32> to vector<1x100352xi32>
    %reduce_sum3A_28 = arith.constant dense<0> : vector<1xi32>
    %reduce_sum3A_29 = vector.multi_reduction <add>, %reduce_sum3A_27, %reduce_sum3A_28 [1] : vector<1x100352xi32> to vector<1xi32>
    %reduce_sum3A_30 = vector.shape_cast %reduce_sum3A_29 : vector<1xi32> to vector<1x1xi32>
    %reduce_sum3A_31 = vector.extract %reduce_sum3A_30[0, 0] : i32 from vector<1x1xi32>
    %convert_element_type3A_32 = arith.sitofp %reduce_sum3A_31 : i32 to f32
    %gt3A_33 = arith.constant 0.000000e+00 : f32
    %gt3A_34 = arith.cmpf ogt, %convert_element_type3A_32, %gt3A_33 : f32
    %max3A = arith.constant 1.000000e+00 : f32
    %max3A_35 = arith.maximumf %convert_element_type3A_32, %max3A : f32
    %div3A = arith.divf %convert_element_type3A_13, %max3A_35 : f32
    %jit3A = arith.constant 0.000000e+00 : f32
    %select_n3A = arith.select %gt3A_34, %div3A, %jit3A : f32
    %swap3A = arith.constant 0 : index
    %swap3A_36 = arith.constant 0 : index
    %swap3A_37 = memref.load %arg2[%swap3A, %swap3A_36] : memref<1x1xf32, #tpu.memory_space<smem>>
    memref.store %select_n3A, %arg2[%swap3A, %swap3A_36] : memref<1x1xf32, #tpu.memory_space<smem>>
    return
  }
}

</mosaic_0001>

<sc_bundles>
// kernel: kernel.4.cloned.1.call-start
scs
__scs_entry_jumppad:
0x0: {  	(pc) =	sbr.rel $0x88, $3  }
0x1: {  	(tag) =	ssettag $0x0;
	lr =	simm.s32 $0x1  }
0x2: {  	[smem:$0x3F9F] =	sst lr;
	_ =	strace $0xD0000000  }
0x3: {  	_ = 	snop  }
0x4: {  	_ = 	snop  }
0x5: {  	_ = 	snop  }
0x6: {  	_ = 	snop  }
0x7: {  	_ = 	snop  }
__scs_overlays_trampoline_lowered:
0x8: {  	[smem:$0x3FAE] =	sst s0  }
0x9: {  	[smem:$0x3FAF] =	sst s1  }
0xa: {  	[smem:$0x3FB0] =	sst s2  }
0xb: {  	[smem:$0x3FB1] =	sst s3  }
0xc: {  	[smem:$0x3FB2] =	sst s4  }
0xd: {  	[smem:$0x3FB3] =	sst s5  }
0xe: {  	[smem:$0x3FB4] =	sst s6  }
0xf: {  	[smem:$0x3FB5] =	sst s7  }
0x10: {  	[smem:$0x3FB6] =	sst s8  }
0x11: {  	[smem:$0x3FB7] =	sst s9;
	s0 =	simm.s32 @!p0 $0x0  }
0x12: {  	s1 =	sld [smem:$0x3F9D];
	s0 =	simm.s32 @p0 $0x1  }
0x13: {  	[smem:$0x3FB8] =	sst s0;
	s0 =	simm.s32 @!p1 $0x0  }
0x14: {  	s2 =	sld [smem:$0x3F9C];
	s0 =	simm.s32 @p1 $0x1  }
0x15: {  	[smem:$0x3FB9] =	sst s0;
	s0 =	simm.s32 @!p2 $0x0  }
0x16: {  	s3 =	sld [smem:$0x3FDB];
	s0 =	simm.s32 @p2 $0x1  }
0x17: {  	s4 =	simm.s32 $0x1BF5;
	[smem:$0x3FBB] =	sst s0  }
0x18: {  	s0 =	sld [smem:$0x3F9E];
	_ =	swait.ge [sflag:s4], $0x0  }
0x19: {  	s7 =	sld [smem:$0x3F9F]  }
0x1a: {  	s8 =	sadd.s32 $0xFFFFE003, lr  }
0x1b: {  	s9 =	sadd.s32 $0xFFFFFEF7, lr;
	s5 =	simm.s32 $0xFFFFFFFF;
	p2 =	slt.u32 s8, $0xFFFFF086  }
0x1c: {  	p1 =	slt.u32 s9, $0xF7A;
	s5 =	simm.s32 @!p2 $0x0  }
0x1d: {  	s5 =	simm.s32 @p1 $0x1;
	p0 =	seq.s32 s7, s2  }
0x1e: {  	s7 =	smul.u32 @!p0 $0xF7A, s2;
	p2 =	seq.s32 @!p0 s5, $0x0  }
0x1f: {  	s9 =	smul.u32 $0xF7A, s1;
	s8 =	simm.s32 @!p0 $0x1BF5;
	p2 =	por !p2, p0  }
0x20: {  	[sflag:s8] =	ssyncset.s32 @!p0 $0xFFFFF086;
	s6 =	sadd.s32 @!p0 s3, s7;
	s7 =	simm.s32 @!p0 $0x108  }
0x21: {  	s3 =	sadd.s32 s3, s9;
	s6 =	sadd.s32 @!p0 $0x88, s6;
	s7 =	simm.s32 @p2 $0x1082  }
0x22: {  	[simem:s7], [sflag:s8] =	dma.local @!p0 [hbm:s6], $0xF7A  }
0x23: {  	s9 =	sor.u32 $0xD0000000, s2;
	s6 =	simm.s32 $0x108;
	_ =	swait.ge @!p0 [sflag:s8], $0x0  }
0x24: {  	s3 =	sadd.s32 $0x88, s3;
	s6 =	simm.s32 @!p1 $0x1082;
	[sflag:s4] =	ssyncset.s32 $0xFFFFF086  }
0x25: {  	[simem:s6], [sflag:s4] =	dma.local [hbm:s3], $0xF7A  }
0x26: {  	[smem:$0x3F9F] =	sst s1;
	(tag) =	ssettag s2;
	_ =	strace s9  }
0x27: {  	s1 =	sld [smem:$0x3FAF]  }
0x28: {  	s2 =	sld [smem:$0x3FB0]  }
0x29: {  	s4 =	sld [smem:$0x3FB2]  }
0x2a: {  	p0 =	seq.s32 s5, $0x0;
	s5 =	sld [smem:$0x3FB3]  }
0x2b: {  	s6 =	sld [smem:$0x3FB4]  }
0x2c: {  	s7 =	sld [smem:$0x3FB5]  }
0x2d: {  	s3 =	simm.s32 $0x108;
	s8 =	sld [smem:$0x3FB6]  }
0x2e: {  	s3 =	simm.s32 @!p0 $0x1082;
	s9 =	sld [smem:$0x3FB7]  }
0x2f: {  	lr =	sadd.s32 s0, s3;
	s0 =	sld [smem:$0x3FAE]  }
0x30: {  	s3 =	sld [smem:$0x3FB1]  }
0x31: {  	[smem:$0x3FBA] =	sst s10  }
0x32: {  	s10 =	sld [smem:$0x3FB8];
	_ =	sdelay $0x3  }
0x33: {  	p0 =	seq.s32 s10, $0x1;
	s10 =	sld [smem:$0x3FBA];
	_ =	sdelay $0x3  }
0x34: {  	[smem:$0x3FBA] =	sst s10  }
0x35: {  	s10 =	sld [smem:$0x3FB9];
	_ =	sdelay $0x3  }
0x36: {  	p1 =	seq.s32 s10, $0x1;
	s10 =	sld [smem:$0x3FBA];
	_ =	sdelay $0x3  }
0x37: {  	[smem:$0x3FBA] =	sst s10  }
0x38: {  	s10 =	sld [smem:$0x3FBB]  }
0x39: {  	_ = 	snop;
	(pc) =	sbr.ind lr, $3  }
0x3a: {  	_ = 	snop  }
0x3b: {  	_ = 	snop  }
0x3c: {  	p2 =	seq.s32 s10, $0x1;
	s10 =	sld [smem:$0x3FBA]  }
0x3d: {  	_ =	shalt  }
0x3e: {  	_ =	shalt  }
0x3f: {  	_ =	shalt  }
0x40: {  	_ =	shalt  }
0x41: {  	_ =	shalt  }
0x42: {  	_ =	shalt  }
0x43: {  	_ =	shalt  }
0x44: {  	_ =	shalt  }
0x45: {  	_ =	shalt  }
0x46: {  	_ =	shalt  }
0x47: {  	_ =	shalt  }
0x48: {  	_ =	shalt  }
0x49: {  	_ =	shalt  }
0x4a: {  	_ =	shalt  }
0x4b: {  	_ =	shalt  }
0x4c: {  	_ =	shalt  }
0x4d: {  	_ =	shalt  }
0x4e: {  	_ =	shalt  }
0x4f: {  	_ =	shalt  }
0x50: {  	_ =	shalt  }
0x51: {  	_ =	shalt  }
0x52: {  	_ =	shalt  }
0x53: {  	_ =	shalt  }
0x54: {  	_ =	shalt  }
0x55: {  	_ =	shalt  }
0x56: {  	_ =	shalt  }
0x57: {  	_ =	shalt  }
0x58: {  	_ =	shalt  }
0x59: {  	_ =	shalt  }
0x5a: {  	_ =	shalt  }
0x5b: {  	_ =	shalt  }
0x5c: {  	_ =	shalt  }
0x5d: {  	_ =	shalt  }
0x5e: {  	_ =	shalt  }
0x5f: {  	_ =	shalt  }
0x60: {  	_ =	shalt  }
0x61: {  	_ =	shalt  }
0x62: {  	_ =	shalt  }
0x63: {  	_ =	shalt  }
0x64: {  	_ =	shalt  }
0x65: {  	_ =	shalt  }
0x66: {  	_ =	shalt  }
0x67: {  	_ =	shalt  }
0x68: {  	_ =	shalt  }
0x69: {  	_ =	shalt  }
0x6a: {  	_ =	shalt  }
0x6b: {  	_ =	shalt  }
0x6c: {  	_ =	shalt  }
0x6d: {  	_ =	shalt  }
0x6e: {  	_ =	shalt  }
0x6f: {  	_ =	shalt  }
0x70: {  	_ =	shalt  }
0x71: {  	_ =	shalt  }
0x72: {  	_ =	shalt  }
0x73: {  	_ =	shalt  }
0x74: {  	_ =	shalt  }
0x75: {  	_ =	shalt  }
0x76: {  	_ =	shalt  }
0x77: {  	_ =	shalt  }
0x78: {  	_ =	shalt  }
0x79: {  	_ =	shalt  }
0x7a: {  	_ =	shalt  }
0x7b: {  	_ =	shalt  }
0x7c: {  	_ =	shalt  }
0x7d: {  	_ =	shalt  }
0x7e: {  	_ =	shalt  }
0x7f: {  	_ =	shalt  }
0x80: {  	_ =	shalt  }
0x81: {  	_ =	shalt  }
0x82: {  	_ =	shalt  }
0x83: {  	_ =	shalt  }
0x84: {  	_ =	shalt  }
0x85: {  	_ =	shalt  }
0x86: {  	_ =	shalt  }
0x87: {  	_ =	shalt  }
.Lfunc_end0:
.L_simem_size_0:
called_computation_lowered:
.L_overlay_start_0:
0x88: {  	s2 =	sld [smem:$0x3FD9]  }
0x89: {  	s3 =	sld [smem:$0x3FFE];
	_ =	sdelay $0x1  }
0x8a: {  	s1 =	srdreg.scid  }
0x8b: {  	s0 =	sand.u32 $0x1, s1  }
0x8c: {  	s17 =	sshll.u32 s0, $0xA;
	s2 =	sadd.s32 s3, s2  }
0x8d: {  	s2 =	sadd.s32 s2, s17  }
0x8e: {  	[smem:$0x3FC6] =	sst s2  }
0x8f: {  	_ = 	snop  }
0x90: {  	s2 =	sld [smem:$0x3FC9]  }
0x91: {  	s18 =	sld [smem:$0x3FC8];
	(tm) =	ssettm $0x1  }
0x92: {  	s4 =	sld [smem:$0x3FFB];
	_ =	sdelay $0x3  }
0x93: {  	_ =	strace s4  }
0x94: {  	s4 =	sld [smem:$0x3FFC];
	_ =	sdelay $0x3  }
0x95: {  	_ =	strace s4  }
0x96: {  	s4 =	sld [smem:$0x3FFD];
	_ =	sdelay $0x3  }
0x97: {  	_ =	strace s4  }
0x98: {  	_ =	strace $0x8FFFFFFF  }
0x99: {  	s19 =	sld [smem:$0x3FDB];
	_ =	sdelay $0x1  }
0x9a: {  	s5 =	simm.s32 $_scs_section_size  }
0x9b: {  	s6 =	simm.s32 $_size__tile_overlayer_lowered;
	s7 =	simm.s32 $_tile_overlayer_lowered  }
0x9c: {  	s22 =	simm.s32 $0x1BFF;
	s21 =	sshll.u32 s7, $0x1;
	s4 =	sadd.s32 s5, s19  }
0x9d: {  	s8 =	simm.s32 $0x0;
	s20 =	sshll.u32 s6, $0x1;
	s6 =	sadd.s32 s21, s4  }
0x9e: {  	[timem:s8], [sflag:s22] =	dma.local [hbm:s6], s20  }
0x9f: {  	_ =	swait.ge [sflag:s22], s20  }
0xa0: {  	s5 =	ssub.s32 $0x0, s20;
	[sflag:s22] =	ssyncset.done $0x0  }
0xa1: {  	[sflag:s22] =	ssyncadd.s32 s5;
	_ =	sdelay $0x1  }
0xa2: {  	s23 =	simm.s32 $0x1B8B  }
0xa3: {  	_ =	swait.ge [sflag:s23], $0x1  }
0xa4: {  	[sflag:s23] =	ssyncset.done $0x0  }
0xa5: {  	s25 =	simm.s32 $0x1B8E;
	s24 =	sld [smem:$0x3FFE];
	[sflag:s23] =	ssyncadd.s32 $0xFFFFFFFF  }
0xa6: {  	s26 =	simm.s32 $execute0_lowered;
	[smem:$0x3FD2] =	sst s25  }
0xa7: {  	s6 =	sshll.u32 s26, $0x1;
	_ =	strace $0x80000046;
	[dreg:$0x1] =	wrdreg $0xFFFFFFFF  }
0xa8: {  	s28 =	simm.s32 $_size_execute0_lowered;
	s4 =	sadd.s32 s4, s6;
	[dreg:$0x0] =	wrdreg $0x0  }
0xa9: {  	s6 =	sshll.u32 s28, $0x1;
	[dreg:$0x2] =	wrdreg s4  }
0xaa: {  	[dreg:$0x3] =	wrdreg s6  }
0xab: {  	[dreg:$0x4] =	wrdreg $0xC0  }
0xac: {  	_ =	task [dreg:s8], $0x5FFFF  }
0xad: {  	[dreg:$0x1] =	wrdreg $0xFFFFFFFF  }
0xae: {  	[dreg:$0x0] =	wrdreg $0x60  }
0xaf: {  	[dreg:$0x2] =	wrdreg s2  }
0xb0: {  	[dreg:$0x3] =	wrdreg s18  }
0xb1: {  	[dreg:$0x4] =	wrdreg s24  }
0xb2: {  	[dreg:$0x5] =	wrdreg $0x0  }
0xb3: {  	[dreg:$0x6] =	wrdreg $0x18800  }
0xb4: {  	[dreg:$0x7] =	wrdreg $0x9  }
0xb5: {  	_ =	task.clear_ibuf [dreg:s8], $0x8FFFF;
	_ =	strace $0x90000046  }
0xb6: {  	s29 =	simm.s32 $0x9;
	_ =	strace $0x80000048  }
0xb7: {  	_ =	swait.ge [sflag:s29], $0x1  }
0xb8: {  	[sflag:s29] =	ssyncadd.s32 $0xFFFFFFFF  }
0xb9: {  	_ =	strace $0x90000048  }
0xba: {  	_ =	sfence  }
0xbb: {  	s30 =	sld [smem:$0x0];
	_ =	sdelay $0x2  }
0xbc: {  	s31 =	sshll.u32 s1, $0xD;
	s1 =	sshrl.u32 s1, $0x2  }
0xbd: {  	s3 =	sand.u32 $0x4000, s31;
	s1 =	sadd.s32 s1, s30  }
0xbe: {  	s0 =	sor.u32 s3, s0;
	s1 =	sshll.u32 s1, $0x11  }
0xbf: {  	s0 =	sor.u32 s1, s0  }
0xc0: {  	s0 =	sadd.s32 $0x8F2B, s0  }
0xc1: {  	[sflag:s0] =	ssyncadd.remote.s32 $0x1  }
0xc2: {  	_ =	sfence.sel $0xFFFF  }
0xc3: {  	[dreg:$0x0] =	wrdreg $0xFFFFFFFF;
	(pc) =	sbr.abs _section_cstart, $3  }
0xc4: {  	[dreg:$0x1] =	wrdreg $0xFFFFFFFF  }
0xc5: {  	_ =	task.clear_ibuf [dreg:s8], $0x2FFFF;
	_ =	strace $0x9FFFFFFF  }
0xc6: {  	(tm) =	ssettm $0x7FFFFFFF  }
0xc7: {  	_ =	shalt  }
tec
execute0_lowered:
.L_overlay_start_1:
0x0: {  	(tag) =	ssettag $0x1  }
0x1: {  	s0 =	srdreg.scid  }
0x2: {  	s4 =	stileid.u32;
	s10 =	rddreg [dreg:$0x2]  }
0x3: {  	s20 =	rddreg [dreg:$0x0];
	s1 =	sand.u32 $0x1, s0;
	s9 =	smul.u32 $0x3100, s4  }
0x4: {  	s2 =	sshll.u32 s1, $0x7;
	s3 =	sshll.u32 s1, $0x4;
	s1 =	ssub.s32 $0x2, s1  }
0x5: {  	s0 =	sor.u32 s2, s9;
	s26 =	sor.u32 s4, s3;
	s11 =	sshrl.u32 s1, $0x1  }
0x6: {  	s0 =	sshrl.u32 s0, $0x3;
	s12 =	smul.u32 $0x19, s26;
	s14 =	ssub.s32 s1, s11  }
0x7: {  	s0 =	sadd.s32 s0, s10;
	[smem:$0x7FD] =	sst s14  }
0x8: {  	[smem:$0x7FC] =	sst s0;
	s13 =	sshll.u32 s12, $0xA;
	s5 =	sshll.u32 s12, $0x3  }
0x9: {  	s29 =	sadd.s32 $0x1, s12;
	s15 =	sshll.u32 s12, $0xC;
	s7 =	sshll.u32 s12, $0x5  }
0xa: {  	s30 =	sadd.s32 $0x10, s12;
	s21 =	sor.u32 s13, s5;
	s16 =	sshll.u32 s29, $0x7  }
0xb: {  	s6 =	sshll.u32 s29, $0xA;
	s17 =	sor.u32 s15, s7;
	s18 =	sand.u32 $0x70, s29  }
0xc: {  	s5 =	sand.u32 $0x3C000, s16;
	s6 =	sand.u32 $0x3C00, s6;
	[smem:$0x7F9] =	sst s17  }
0xd: {  	s7 =	sadd.s32 s20, s18;
	s6 =	sor.u32 s6, s5;
	s5 =	sadd.s32 $0x2, s12  }
0xe: {  	s21 =	sand.u32 $0xE0380, s21;
	s8 =	sshll.u32 s5, $0x7;
	s9 =	sshll.u32 s5, $0xA  }
0xf: {  	s19 =	sadd.s32 s6, s7;
	s7 =	sadd.s32 $0x3, s12;
	s23 =	sand.u32 $0x70, s5  }
0x10: {  	s6 =	sadd.s32 $0x4, s12;
	s8 =	sand.u32 $0x3C000, s8;
	s9 =	sand.u32 $0x3C00, s9  }
0x11: {  	[dreg:$0x6] =	wrdreg s19;
	s24 =	sshll.u32 s7, $0x7;
	s10 =	sshll.u32 s7, $0xA  }
0x12: {  	s1 =	sand.u32 $0x70, s7;
	s2 =	sshll.u32 s6, $0x7;
	s11 =	sshll.u32 s6, $0xA  }
0x13: {  	s22 =	sor.u32 s9, s8;
	s8 =	sadd.s32 s20, s23;
	s9 =	sand.u32 $0x3C000, s24  }
0x14: {  	s10 =	sand.u32 $0x3C00, s10;
	s11 =	sand.u32 $0x3C00, s11;
	s25 =	sadd.s32 s22, s8  }
0x15: {  	s0 =	sor.u32 s10, s9;
	s9 =	sadd.s32 s20, s1;
	s10 =	sand.u32 $0x3C000, s2  }
0x16: {  	s8 =	sadd.s32 $0x5, s12;
	[dreg:$0x7] =	wrdreg s25;
	s3 =	sadd.s32 s0, s9  }
0x17: {  	s4 =	sor.u32 s11, s10;
	s11 =	sand.u32 $0x70, s6;
	s14 =	sshll.u32 s8, $0x7  }
0x18: {  	s13 =	sshll.u32 s8, $0xA;
	s9 =	sadd.s32 $0x6, s12;
	s17 =	sand.u32 $0x70, s8  }
0x19: {  	[dreg:$0x8] =	wrdreg s3;
	s10 =	sadd.s32 s20, s11;
	s11 =	sand.u32 $0x3C000, s14  }
0x1a: {  	s13 =	sand.u32 $0x3C00, s13;
	s18 =	sshll.u32 s9, $0x7;
	s14 =	sshll.u32 s9, $0xA  }
0x1b: {  	s23 =	sand.u32 $0x70, s9;
	s15 =	sadd.s32 s4, s10;
	s16 =	sor.u32 s13, s11  }
0x1c: {  	s11 =	sadd.s32 s20, s17;
	s13 =	sand.u32 $0x3C000, s18;
	s14 =	sand.u32 $0x3C00, s14  }
0x1d: {  	s10 =	sadd.s32 $0x8, s12;
	[dreg:$0x9] =	wrdreg s15;
	s19 =	sadd.s32 s16, s11  }
0x1e: {  	s22 =	sor.u32 s14, s13;
	s11 =	sadd.s32 $0x7, s12;
	s13 =	sadd.s32 s20, s23  }
0x1f: {  	s2 =	sshll.u32 s10, $0x7;
	s16 =	sshll.u32 s10, $0xA;
	[dreg:$0xa] =	wrdreg s19  }
0x20: {  	s24 =	sshll.u32 s11, $0x7;
	s15 =	sshll.u32 s11, $0xA;
	s25 =	sadd.s32 s22, s13  }
0x21: {  	s1 =	sand.u32 $0x70, s11;
	s16 =	sand.u32 $0x3C00, s16;
	s13 =	sadd.s32 $0x9, s12  }
0x22: {  	s14 =	sand.u32 $0x3C000, s24;
	s15 =	sand.u32 $0x3C00, s15;
	[dreg:$0xb] =	wrdreg s25  }
0x23: {  	s18 =	sshll.u32 s13, $0x7;
	s17 =	sshll.u32 s13, $0xA;
	s23 =	sand.u32 $0x70, s13  }
0x24: {  	s0 =	sor.u32 s15, s14;
	s14 =	sadd.s32 s20, s1;
	s15 =	sand.u32 $0x3C000, s2  }
0x25: {  	s17 =	sand.u32 $0x3C00, s17;
	s3 =	sadd.s32 s0, s14;
	s4 =	sor.u32 s16, s15  }
0x26: {  	s16 =	sand.u32 $0x70, s10;
	s14 =	sadd.s32 $0xA, s12;
	[dreg:$0xc] =	wrdreg s3  }
0x27: {  	s15 =	sadd.s32 s20, s16;
	s16 =	sand.u32 $0x3C000, s18;
	s24 =	sshll.u32 s14, $0x7  }
0x28: {  	s18 =	sshll.u32 s14, $0xA;
	s1 =	sand.u32 $0x70, s14;
	s19 =	sadd.s32 s4, s15  }
0x29: {  	s22 =	sor.u32 s17, s16;
	s16 =	sadd.s32 s20, s23;
	s17 =	sand.u32 $0x3C000, s24  }
0x2a: {  	s18 =	sand.u32 $0x3C00, s18;
	s15 =	sadd.s32 $0xC, s12;
	[dreg:$0xd] =	wrdreg s19  }
0x2b: {  	s25 =	sadd.s32 s22, s16;
	s0 =	sor.u32 s18, s17;
	s16 =	sadd.s32 $0xB, s12  }
0x2c: {  	s17 =	sadd.s32 s20, s1;
	s24 =	sshll.u32 s15, $0x7;
	s22 =	sshll.u32 s15, $0xA  }
0x2d: {  	s1 =	sand.u32 $0x70, s15;
	[dreg:$0xe] =	wrdreg s25;
	s2 =	sshll.u32 s16, $0x7  }
0x2e: {  	s19 =	sshll.u32 s16, $0xA;
	s3 =	sadd.s32 s0, s17;
	s23 =	sand.u32 $0x70, s16  }
0x2f: {  	s22 =	sand.u32 $0x3C00, s22;
	s17 =	sadd.s32 $0xD, s12;
	s18 =	sand.u32 $0x3C000, s2  }
0x30: {  	s19 =	sand.u32 $0x3C00, s19;
	[dreg:$0xf] =	wrdreg s3;
	s2 =	sshll.u32 s17, $0x7  }
0x31: {  	s4 =	sor.u32 s19, s18;
	s18 =	sadd.s32 s20, s23;
	s19 =	sand.u32 $0x3C000, s24  }
0x32: {  	s23 =	sshll.u32 s17, $0xA;
	s25 =	sadd.s32 s4, s18;
	s0 =	sor.u32 s22, s19  }
0x33: {  	s19 =	sadd.s32 s20, s1;
	s22 =	sand.u32 $0x3C000, s2;
	s23 =	sand.u32 $0x3C00, s23  }
0x34: {  	s18 =	sadd.s32 $0xE, s12;
	[dreg:$0x10] =	wrdreg s25;
	s3 =	sadd.s32 s0, s19  }
0x35: {  	s4 =	sor.u32 s23, s22;
	s25 =	sand.u32 $0x70, s17;
	s0 =	sshll.u32 s18, $0x7  }
0x36: {  	s24 =	sshll.u32 s18, $0xA;
	s19 =	sadd.s32 $0xF, s12;
	[dreg:$0x11] =	wrdreg s3  }
0x37: {  	s22 =	sadd.s32 s20, s25;
	s23 =	sand.u32 $0x3C000, s0;
	s24 =	sand.u32 $0x3C00, s24  }
0x38: {  	s3 =	sand.u32 $0x70, s18;
	s25 =	sshll.u32 s19, $0xA;
	s0 =	sand.u32 $0x70, s19  }
0x39: {  	s1 =	sadd.s32 s4, s22;
	s2 =	sor.u32 s24, s23;
	s4 =	sshll.u32 s19, $0x7  }
0x3a: {  	s23 =	sadd.s32 s20, s3;
	s25 =	sand.u32 $0x3C00, s25;
	s3 =	sshll.u32 s30, $0xA  }
0x3b: {  	[dreg:$0x12] =	wrdreg s1;
	s24 =	sand.u32 $0x3C000, s4;
	s23 =	sadd.s32 s2, s23  }
0x3c: {  	s1 =	smul.u32 $0x12000, s26;
	s4 =	sshll.u32 s30, $0x3;
	[dreg:$0x13] =	wrdreg s23  }
0x3d: {  	s25 =	sor.u32 s25, s24;
	s23 =	sadd.s32 s20, s0;
	s22 =	sor.u32 s3, s4  }
0x3e: {  	s2 =	sadd.s32 s25, s23;
	s25 =	sand.u32 $0x1E000, s1;
	s22 =	sand.u32 $0x7FFE0380, s22  }
0x3f: {  	[dreg:$0x14] =	wrdreg s2;
	s26 =	sor.u32 s25, s21;
	s21 =	sadd.s32 $0x11, s12  }
0x40: {  	s1 =	sor.u32 s25, s22;
	s2 =	sshll.u32 s21, $0x7;
	s3 =	sshll.u32 s21, $0xA  }
0x41: {  	s4 =	sand.u32 $0x70, s21;
	s22 =	sand.u32 $0x3C000, s2;
	s23 =	sand.u32 $0x3C00, s3  }
0x42: {  	[smem:$0x7E6] =	sst s26;
	s24 =	sadd.s32 s20, s4;
	s23 =	sor.u32 s23, s22  }
0x43: {  	[smem:$0x7E7] =	sst s1;
	s22 =	sadd.s32 $0x12, s12;
	s24 =	sadd.s32 s23, s24  }
0x44: {  	s25 =	sshll.u32 s22, $0x7;
	s26 =	sshll.u32 s22, $0xA;
	s0 =	sand.u32 $0x70, s22  }
0x45: {  	[dreg:$0x15] =	wrdreg s24;
	s23 =	sand.u32 $0x3C000, s25;
	s24 =	sand.u32 $0x3C00, s26  }
0x46: {  	s25 =	sadd.s32 s20, s0;
	s23 =	sor.u32 s24, s23;
	s24 =	sadd.s32 $0x13, s12  }
0x47: {  	s1 =	sadd.s32 s23, s25;
	s2 =	sshll.u32 s24, $0x7;
	s3 =	sshll.u32 s24, $0xA  }
0x48: {  	s4 =	sand.u32 $0x70, s24;
	s23 =	sand.u32 $0x3C000, s2;
	s25 =	sand.u32 $0x3C00, s3  }
0x49: {  	s26 =	sadd.s32 s20, s4;
	s25 =	sor.u32 s25, s23  }
0x4a: {  	s23 =	sadd.s32 $0x14, s12;
	s25 =	sadd.s32 s25, s26  }
0x4b: {  	s26 =	sshll.u32 s23, $0x7;
	s0 =	sshll.u32 s23, $0xA;
	s28 =	sand.u32 $0x70, s23  }
0x4c: {  	[dreg:$0x17] =	wrdreg s25;
	s25 =	sand.u32 $0x3C000, s26;
	s26 =	sand.u32 $0x3C00, s0  }
0x4d: {  	s28 =	sadd.s32 s20, s28;
	s26 =	sor.u32 s26, s25  }
0x4e: {  	[dreg:$0x16] =	wrdreg s1;
	s25 =	sadd.s32 $0x15, s12;
	s1 =	sadd.s32 s26, s28  }
0x4f: {  	s2 =	sshll.u32 s25, $0x7;
	s28 =	sshll.u32 s25, $0xA;
	s31 =	sand.u32 $0x70, s25  }
0x50: {  	[dreg:$0x18] =	wrdreg s1;
	s26 =	sand.u32 $0x3C000, s2;
	s28 =	sand.u32 $0x3C00, s28  }
0x51: {  	s31 =	sadd.s32 s20, s31;
	s28 =	sor.u32 s28, s26;
	s26 =	sadd.s32 $0x16, s12  }
0x52: {  	s3 =	sadd.s32 s28, s31;
	s28 =	sshll.u32 s26, $0x7;
	s31 =	sshll.u32 s26, $0xA  }
0x53: {  	s2 =	sand.u32 $0x70, s26;
	[dreg:$0x19] =	wrdreg s3;
	s4 =	sand.u32 $0x3C000, s28  }
0x54: {  	s31 =	sand.u32 $0x3C00, s31;
	s28 =	sadd.s32 $0x17, s12;
	s2 =	sadd.s32 s20, s2  }
0x55: {  	s4 =	sor.u32 s31, s4;
	s31 =	sshll.u32 s28, $0x7;
	s1 =	sshll.u32 s28, $0xA  }
0x56: {  	s12 =	sadd.s32 $0x18, s12;
	s31 =	sand.u32 $0x3C000, s31;
	s0 =	sand.u32 $0x3C00, s1  }
0x57: {  	s1 =	sshll.u32 s12, $0xA;
	s2 =	sadd.s32 s4, s2;
	s3 =	sor.u32 s0, s31  }
0x58: {  	s31 =	sand.u32 $0x70, s28;
	s0 =	sshll.u32 s12, $0x7;
	[dreg:$0x1a] =	wrdreg s2  }
0x59: {  	s1 =	sand.u32 $0x3C00, s1;
	s2 =	sld [smem:$0x7E6];
	s31 =	sadd.s32 s20, s31  }
0x5a: {  	s0 =	sand.u32 $0x3C000, s0;
	s4 =	sadd.s32 s3, s31;
	s3 =	sld [smem:$0x7E7]  }
0x5b: {  	s0 =	sor.u32 s1, s0  }
0x5c: {  	s31 =	simm.s32 $0x3100;
	[dreg:$0x1b] =	wrdreg s4;
	s1 =	sshrl.u32 s2, $0x3  }
0x5d: {  	s1 =	sadd.s32 s20, s1;
	s2 =	sshrl.u32 s3, $0x3;
	s3 =	sand.u32 $0x70, s12  }
0x5e: {  	[dreg:$0x1c] =	wrdreg s1;
	s4 =	sadd.s32 s20, s2;
	s2 =	sadd.s32 s20, s3  }
0x5f: {  	s3 =	sshll.u32 s29, $0x9;
	s20 =	sshll.u32 s29, $0x2;
	[dreg:$0x1d] =	wrdreg s4  }
0x60: {  	s0 =	sadd.s32 s0, s2;
	s4 =	sshll.u32 s29, $0xC;
	s2 =	sand.u32 $0x70, s20  }
0x61: {  	s20 =	sshll.u32 s5, $0xC;
	s29 =	simm.s32 $0x80;
	[dreg:$0x1e] =	wrdreg s0  }
0x62: {  	s0 =	sand.u32 $0xFC000, s3;
	s1 =	sand.u32 $0x3000, s4;
	s3 =	rddreg [dreg:$0x1]  }
0x63: {  	s4 =	sshll.u32 s5, $0x9;
	s5 =	sshll.u32 s5, $0x2;
	s0 =	sor.u32 s0, s1  }
0x64: {  	s1 =	sadd.s32 s3, s2;
	s2 =	sand.u32 $0xFC000, s4;
	s4 =	sand.u32 $0x3000, s20  }
0x65: {  	s20 =	sand.u32 $0x70, s5;
	s5 =	sshll.u32 s7, $0xC;
	s0 =	sadd.s32 s0, s1  }
0x66: {  	[dreg:$0x1f] =	wrdreg s0;
	s0 =	sor.u32 s2, s4;
	s4 =	sshll.u32 s7, $0x9  }
0x67: {  	s1 =	sadd.s32 s3, s20;
	s7 =	sshll.u32 s7, $0x2;
	s2 =	sand.u32 $0xFC000, s4  }
0x68: {  	s4 =	sand.u32 $0x3000, s5;
	s5 =	sand.u32 $0x70, s7;
	s0 =	sadd.s32 s0, s1  }
0x69: {  	s1 =	sshll.u32 s6, $0x5;
	s2 =	sor.u32 s2, s4;
	s20 =	sadd.s32 s3, s5  }
0x6a: {  	[smem:$0x7E8] =	sst s0;
	s0 =	sshll.u32 s6, $0xC;
	s5 =	sshll.u32 s8, $0x9  }
0x6b: {  	s6 =	sshll.u32 s8, $0xC;
	s4 =	sadd.s32 s2, s20;
	s2 =	sand.u32 $0xFC000, s5  }
0x6c: {  	s7 =	sand.u32 $0x3000, s6;
	s20 =	sshll.u32 s8, $0x2;
	s8 =	sshll.u32 s9, $0xC  }
0x6d: {  	[smem:$0x7E9] =	sst s4;
	s4 =	sor.u32 s0, s1;
	s0 =	sor.u32 s2, s7  }
0x6e: {  	s6 =	sand.u32 $0x70, s20;
	s7 =	sshll.u32 s9, $0x9;
	s5 =	sand.u32 $0x3000, s8  }
0x6f: {  	s20 =	sshll.u32 s9, $0x2;
	s8 =	sshll.u32 s11, $0x9;
	s9 =	sshll.u32 s11, $0xC  }
0x70: {  	s11 =	sshll.u32 s11, $0x2;
	s1 =	sadd.s32 s3, s6;
	s2 =	sand.u32 $0xFC000, s7  }
0x71: {  	s7 =	sand.u32 $0x70, s20;
	s6 =	sand.u32 $0x70, s11;
	s4 =	sand.u32 $0x7FFE0380, s4  }
0x72: {  	s0 =	sadd.s32 s0, s1;
	s1 =	sadd.s32 s3, s7;
	s20 =	sadd.s32 s3, s6  }
0x73: {  	s7 =	sshll.u32 s10, $0xC;
	[smem:$0x7EA] =	sst s0;
	s0 =	sor.u32 s2, s5  }
0x74: {  	s2 =	sand.u32 $0xFC000, s8;
	s5 =	sand.u32 $0x3000, s9;
	s8 =	sshll.u32 s10, $0x5  }
0x75: {  	s9 =	sshll.u32 s13, $0x9;
	s10 =	sshll.u32 s13, $0xC;
	s13 =	sshll.u32 s13, $0x2  }
0x76: {  	s2 =	sor.u32 s2, s5;
	s0 =	sadd.s32 s0, s1;
	s11 =	sand.u32 $0x3000, s10  }
0x77: {  	s5 =	sor.u32 s7, s8;
	s7 =	sshll.u32 s14, $0xC;
	s8 =	sshll.u32 s14, $0x2  }
0x78: {  	[smem:$0x7EB] =	sst s0;
	s6 =	sadd.s32 s2, s20;
	s2 =	sand.u32 $0xFC000, s9  }
0x79: {  	s10 =	sand.u32 $0x70, s8;
	s8 =	sshll.u32 s17, $0x9;
	s5 =	sand.u32 $0x7FFE0380, s5  }
0x7a: {  	[smem:$0x7EC] =	sst s6;
	s20 =	sor.u32 s2, s11;
	s2 =	sand.u32 $0x70, s13  }
0x7b: {  	s6 =	sshll.u32 s14, $0x9;
	s11 =	sshll.u32 s16, $0x9;
	s13 =	sshll.u32 s16, $0xC  }
0x7c: {  	s14 =	sshll.u32 s16, $0x2;
	s1 =	sadd.s32 s3, s2;
	s2 =	sand.u32 $0xFC000, s6  }
0x7d: {  	s6 =	sand.u32 $0x3000, s7;
	s7 =	sand.u32 $0x70, s14;
	s0 =	sadd.s32 s20, s1  }
0x7e: {  	s9 =	sor.u32 s2, s6;
	s2 =	sand.u32 $0xFC000, s11;
	s6 =	sand.u32 $0x3000, s13  }
0x7f: {  	s1 =	sadd.s32 s3, s10;
	s16 =	sadd.s32 s3, s7;
	s7 =	sshll.u32 s15, $0x5  }
0x80: {  	s11 =	sshll.u32 s17, $0x2;
	[smem:$0x7ED] =	sst s0;
	s2 =	sor.u32 s2, s6  }
0x81: {  	s0 =	sadd.s32 s9, s1;
	s1 =	sshll.u32 s15, $0xC;
	s9 =	sshll.u32 s17, $0xC  }
0x82: {  	s14 =	sand.u32 $0x70, s11;
	s15 =	sshll.u32 s18, $0x9;
	s17 =	sshll.u32 s18, $0x2  }
0x83: {  	s11 =	sshll.u32 s19, $0x2;
	[smem:$0x7EE] =	sst s0;
	s20 =	sadd.s32 s2, s16  }
0x84: {  	s2 =	sand.u32 $0xFC000, s8;
	s10 =	sand.u32 $0x3000, s9;
	s6 =	sor.u32 s1, s7  }
0x85: {  	s1 =	sadd.s32 s3, s14;
	s16 =	sshll.u32 s18, $0xC;
	s9 =	sshll.u32 s19, $0x9  }
0x86: {  	s8 =	sand.u32 $0x70, s11;
	s11 =	sshll.u32 s22, $0x2;
	[smem:$0x7EF] =	sst s20  }
0x87: {  	s13 =	sor.u32 s2, s10;
	s2 =	sand.u32 $0xFC000, s15;
	s7 =	sand.u32 $0x3000, s16  }
0x88: {  	s20 =	sand.u32 $0x70, s17;
	s10 =	sshll.u32 s19, $0xC;
	s15 =	sshll.u32 s30, $0xC  }
0x89: {  	s16 =	sshll.u32 s30, $0x5;
	s17 =	sshll.u32 s21, $0x9;
	s6 =	sand.u32 $0x7FFE0380, s6  }
0x8a: {  	s30 =	simm.s32 $0x400;
	s0 =	sadd.s32 s13, s1;
	s18 =	sor.u32 s2, s7  }
0x8b: {  	s2 =	sand.u32 $0xFC000, s9;
	s7 =	sand.u32 $0x3000, s10;
	s1 =	sadd.s32 s3, s20  }
0x8c: {  	s13 =	sadd.s32 s3, s8;
	s20 =	sshll.u32 s21, $0x2;
	s9 =	sshll.u32 s22, $0x9  }
0x8d: {  	s10 =	sshll.u32 s22, $0xC;
	s22 =	sshll.u32 s25, $0x9;
	[smem:$0x7F0] =	sst s0  }
0x8e: {  	s2 =	sor.u32 s2, s7;
	s0 =	sadd.s32 s18, s1;
	s18 =	sshll.u32 s21, $0xC  }
0x8f: {  	s7 =	sor.u32 s15, s16;
	s8 =	sand.u32 $0x70, s20;
	s15 =	sshll.u32 s24, $0x9  }
0x90: {  	s16 =	sshll.u32 s24, $0xC;
	s20 =	sshll.u32 s23, $0xC;
	[smem:$0x7F1] =	sst s0  }
0x91: {  	s14 =	sadd.s32 s2, s13;
	s2 =	sand.u32 $0xFC000, s17;
	s19 =	sand.u32 $0x3000, s18  }
0x92: {  	s1 =	sadd.s32 s3, s8;
	s8 =	sand.u32 $0x3000, s10;
	s17 =	sshll.u32 s24, $0x2  }
0x93: {  	s24 =	sshll.u32 s25, $0x2;
	s10 =	sshll.u32 s26, $0x9;
	s7 =	sand.u32 $0x7FFE0380, s7  }
0x94: {  	[smem:$0x7F2] =	sst s14;
	s21 =	sor.u32 s2, s19;
	s2 =	sand.u32 $0xFC000, s9  }
0x95: {  	s14 =	sand.u32 $0x70, s11;
	s9 =	sand.u32 $0x70, s17;
	s11 =	sshll.u32 s26, $0xC  }
0x96: {  	s17 =	sshll.u32 s28, $0xC;
	s0 =	sadd.s32 s21, s1;
	s13 =	sor.u32 s2, s8  }
0x97: {  	s2 =	sand.u32 $0xFC000, s15;
	s8 =	sand.u32 $0x3000, s16;
	s1 =	sadd.s32 s3, s14  }
0x98: {  	s18 =	sadd.s32 s3, s9;
	s21 =	sshll.u32 s23, $0x5;
	s23 =	sshll.u32 s25, $0xC  }
0x99: {  	s9 =	sand.u32 $0x70, s24;
	s16 =	sshll.u32 s28, $0x9;
	s24 =	sshll.u32 s12, $0x5  }
0x9a: {  	[smem:$0x7F3] =	sst s0;
	s2 =	sor.u32 s2, s8;
	s0 =	sadd.s32 s13, s1  }
0x9b: {  	s8 =	sand.u32 $0x3000, s23;
	s13 =	sshll.u32 s26, $0x2;
	s23 =	sshll.u32 s12, $0xC  }
0x9c: {  	[smem:$0x7F4] =	sst s0;
	s19 =	sadd.s32 s2, s18;
	s2 =	sand.u32 $0xFC000, s22  }
0x9d: {  	s0 =	sor.u32 s20, s21;
	s15 =	sand.u32 $0x70, s13;
	s18 =	sshll.u32 s28, $0x2  }
0x9e: {  	s21 =	stileid.u32;
	s13 =	simm.s32 $0x0;
	[smem:$0x7F5] =	sst s19  }
0x9f: {  	s25 =	sor.u32 s2, s8;
	s2 =	sadd.s32 s3, s9;
	s8 =	sand.u32 $0xFC000, s10  }
0xa0: {  	s9 =	sand.u32 $0x3000, s11;
	s10 =	sand.u32 $0x70, s18;
	[smem:$0x7FF] =	sst s13  }
0xa1: {  	s22 =	sshll.u32 s21, $0xF;
	s0 =	sand.u32 $0x7FFE0380, s0;
	s18 =	rddreg [dreg:$0x3]  }
0xa2: {  	s12 =	smul.u32 $0x1880, s21;
	s1 =	sadd.s32 s25, s2;
	s14 =	sor.u32 s8, s9  }
0xa3: {  	s8 =	sand.u32 $0xFC000, s16;
	s9 =	sand.u32 $0x3000, s17;
	s25 =	sld [smem:$0x7F9]  }
0xa4: {  	s2 =	sadd.s32 s3, s15;
	s19 =	sadd.s32 s3, s10;
	[smem:$0x7F6] =	sst s1  }
0xa5: {  	s8 =	sor.u32 s8, s9;
	s1 =	sadd.s32 s14, s2;
	s2 =	sor.u32 s23, s24  }
0xa6: {  	s23 =	sadd.s32 s12, s18;
	s9 =	simm.s32 $0x1000;
	[smem:$0x7F7] =	sst s1  }
0xa7: {  	s20 =	sadd.s32 s8, s19;
	s1 =	sand.u32 $0x18000, s22;
	s2 =	sand.u32 $0x7FFE0380, s2  }
0xa8: {  	[smem:$0x7F8] =	sst s20;
	s8 =	sand.u32 $0x3E0380, s25;
	s4 =	sor.u32 s1, s4  }
0xa9: {  	s5 =	sor.u32 s1, s5;
	s6 =	sor.u32 s1, s6;
	s7 =	sor.u32 s1, s7  }
0xaa: {  	s0 =	sor.u32 s1, s0;
	s20 =	rddreg [dreg:$0x4];
	s8 =	sor.u32 s1, s8  }
0xab: {  	s1 =	sor.u32 s1, s2;
	s4 =	sshrl.u32 s4, $0x3;
	s10 =	sshrl.u32 s6, $0x3  }
0xac: {  	s11 =	sshrl.u32 s7, $0x3;
	s0 =	sshrl.u32 s0, $0x3;
	s24 =	sadd.s32 s12, s20  }
0xad: {  	s6 =	simm.s32 $0x2;
	s7 =	simm.s32 $0x4900;
	s26 =	sshrl.u32 s8, $0x3  }
0xae: {  	s12 =	simm.s32 $0x10;
	s8 =	sshrl.u32 s5, $0x3;
	s2 =	sadd.s32 s3, s26  }
0xaf: {  	s17 =	sadd.s32 s3, s10;
	[smem:$0x7FA] =	sst s2;
	s2 =	sadd.s32 s3, s4  }
0xb0: {  	s19 =	sadd.s32 s3, s11;
	s1 =	sshrl.u32 s1, $0x3;
	[smem:$0x7FB] =	sst s2  }
0xb1: {  	s21 =	sadd.s32 s3, s0;
	s0 =	simm.s32 $0x3900;
	_ =	strace $0x80000047  }
0xb2: {  	s5 =	simm.s32 $0x5900;
	s10 =	simm.s32 $0x4;
	s14 =	sld [smem:$0x7FC]  }
0xb3: {  	s11 =	simm.s32 $0x20;
	s16 =	sadd.s32 s3, s8;
	s15 =	sld [smem:$0x7FD]  }
0xb4: {  	s22 =	sadd.s32 s3, s1;
	s1 =	simm.s32 $0x6900;
	s8 =	simm.s32 $0x3  }
0xb5: {  	s3 =	simm.s32 $0x3500;
	s4 =	simm.s32 $0x1;
	s2 =	simm.s32 $0x5  }
0xb6: {  	v0 =	vimm.s32 $0x0;
	v1 =	vimm.s32 $0x1;
	s25 =	sadd.s32 $0xC00, s14;
	s26 =	sadd.s32 $0x6E00, s14;
	s28 =	smax.u32 s15, $0x1  }
.LBB2_1:
0xb7: {  	s14 =	rddreg [dreg:$0x1c]  }
0xb8: {  	s15 =	sld [smem:$0x7FA]  }
0xb9: {  	[tilespmem:s31], [sflag:$0x1] =	stream.strided.gather [hbm4b:s14+s29], $0x400, s30, s29, $0x38;
	[tilespmem:$0x8180] =	vst v63  }
0xba: {  	s14 =	simm.s32 $0x0  }
0xbb: {  	[tilespmem:s0], [sflag:$0x3] =	stream.strided.gather [hbm4b:s15+s29], $0x1000, s30, s29, $0x38;
	[tilespmem:$0x8180] =	vst v63  }
.LBB2_2:
0xbc: {  	p0 =	sne.s32 s14, $0x61C0  }
.Ltmp0:
0xbd: {  	_ = 	snop;
	(pc) =	sbr.rel @p0 .LBB2_2-.Ltmp0, $3  }
0xbe: {  	_ =	sdelay $0x1  }
0xbf: {  	s15 =	sshra.s32 s14, $0x2  }
0xc0: {  	s14 =	sadd.s32 $0x40, s14;
	[tilespmem:s15+$0x6900] =	vst v0  }
0xc1: {  	s14 =	simm.s32 $0x40;
	s15 =	simm.s32 $0x0  }
.LBB2_4:
0xc2: {  	p0 =	sne.s32 s14, $0x3FC0;
	[tilespmem:s15+$0x5900] =	vst v1;
	s15 =	smov.u32 s14;
	s14 =	sadd.s32 $0x40, s14  }
.Ltmp1:
0xc3: {  	(pc) =	sbr.rel @p0 .LBB2_4-.Ltmp1, $2  }
0xc4: {  	_ =	sdelay $0x2  }
0xc5: {  	s15 =	sshra.s32 s15, $0x2  }
0xc6: {  	[tilespmem:s15+$0x5900] =	vst v1  }
0xc7: {  	[spmem:s23] =	stream.linear.scatter [tilespmem:s1], [sflag:$0x5], $0x1880, $0x38;
	[tilespmem:$0x8180] =	vst v63  }
0xc8: {  	_ =	swait.ge [sflag:s2], $0x1880  }
0xc9: {  	[sflag:s2] =	ssyncset.done $0x0  }
0xca: {  	[sflag:s2] =	ssyncadd.s32 $0xFFFFE780  }
0xcb: {  	[spmem:s24] =	stream.linear.scatter [tilespmem:s1], [sflag:$0x5], $0x1880, $0x38;
	[tilespmem:$0x8180] =	vst v63  }
0xcc: {  	_ =	swait.ge [sflag:s2], $0x1880  }
0xcd: {  	[sflag:s2] =	ssyncset.done $0x0  }
0xce: {  	[sflag:s2] =	ssyncadd.s32 $0xFFFFE780  }
0xcf: {  	[bflag:$0x0] =	sbarrier.arrive $0xFFFF  }
0xd0: {  	s14 =	rddreg [dreg:$0x6]  }
0xd1: {  	[tilespmem:s3], [sflag:$0x2] =	stream.strided.gather [hbm4b:s14+s29], $0x400, s30, s29, $0x38;
	[tilespmem:$0x8180] =	vst v63  }
0xd2: {  	_ =	swait.ge [sflag:s4], $0x400  }
0xd3: {  	[sflag:s4] =	ssyncset.done $0x0  }
0xd4: {  	[sflag:s4] =	ssyncadd.s32 $0xFFFFFC00  }
0xd5: {  	[spmem:s18] =	stream.indirect.scatter.add.s32 [tilespmem:s5], [sflag:$0x5], $0x1, s31, s30, $0xb8;
	[tilespmem:$0x8180] =	vst v63  }
0xd6: {  	_ =	swait.ge [sflag:s2], $0x400  }
0xd7: {  	[sflag:s2] =	ssyncset.done $0x0  }
0xd8: {  	s15 =	rddreg [dreg:$0x7];
	[sflag:s2] =	ssyncadd.s32 $0xFFFFFC00  }
0xd9: {  	[tilespmem:s31], [sflag:$0x1] =	stream.strided.gather [hbm4b:s15+s29], $0x400, s30, s29, $0x38;
	[tilespmem:$0x8180] =	vst v63  }
0xda: {  	_ =	swait.ge [sflag:s6], $0x400  }
0xdb: {  	[sflag:s6] =	ssyncset.done $0x0  }
0xdc: {  	[sflag:s6] =	ssyncadd.s32 $0xFFFFFC00  }
0xdd: {  	[spmem:s18] =	stream.indirect.scatter.add.s32 [tilespmem:s5], [sflag:$0x5], $0x1, s3, s30, $0xb8;
	[tilespmem:$0x8180] =	vst v63  }
0xde: {  	_ =	swait.ge [sflag:s2], $0x400  }
0xdf: {  	[sflag:s2] =	ssyncset.done $0x0  }
0xe0: {  	s15 =	rddreg [dreg:$0x8];
	[sflag:s2] =	ssyncadd.s32 $0xFFFFFC00  }
0xe1: {  	[tilespmem:s3], [sflag:$0x2] =	stream.strided.gather [hbm4b:s15+s29], $0x400, s30, s29, $0x38;
	[tilespmem:$0x8180] =	vst v63  }
0xe2: {  	_ =	swait.ge [sflag:s4], $0x400  }
0xe3: {  	[sflag:s4] =	ssyncset.done $0x0  }
0xe4: {  	[sflag:s4] =	ssyncadd.s32 $0xFFFFFC00  }
0xe5: {  	[spmem:s18] =	stream.indirect.scatter.add.s32 [tilespmem:s5], [sflag:$0x5], $0x1, s31, s30, $0xb8;
	[tilespmem:$0x8180] =	vst v63  }
0xe6: {  	_ =	swait.ge [sflag:s2], $0x400  }
0xe7: {  	[sflag:s2] =	ssyncset.done $0x0  }
0xe8: {  	s15 =	rddreg [dreg:$0x9];
	[sflag:s2] =	ssyncadd.s32 $0xFFFFFC00  }
0xe9: {  	[tilespmem:s31], [sflag:$0x1] =	stream.strided.gather [hbm4b:s15+s29], $0x400, s30, s29, $0x38;
	[tilespmem:$0x8180] =	vst v63  }
0xea: {  	_ =	swait.ge [sflag:s6], $0x400  }
0xeb: {  	[sflag:s6] =	ssyncset.done $0x0  }
0xec: {  	[sflag:s6] =	ssyncadd.s32 $0xFFFFFC00  }
0xed: {  	[spmem:s18] =	stream.indirect.scatter.add.s32 [tilespmem:s5], [sflag:$0x5], $0x1, s3, s30, $0xb8;
	[tilespmem:$0x8180] =	vst v63  }
0xee: {  	_ =	swait.ge [sflag:s2], $0x400  }
0xef: {  	[sflag:s2] =	ssyncset.done $0x0  }
0xf0: {  	s15 =	rddreg [dreg:$0xa];
	[sflag:s2] =	ssyncadd.s32 $0xFFFFFC00  }
0xf1: {  	[tilespmem:s3], [sflag:$0x2] =	stream.strided.gather [hbm4b:s15+s29], $0x400, s30, s29, $0x38;
	[tilespmem:$0x8180] =	vst v63  }
0xf2: {  	_ =	swait.ge [sflag:s4], $0x400  }
0xf3: {  	[sflag:s4] =	ssyncset.done $0x0  }
0xf4: {  	[sflag:s4] =	ssyncadd.s32 $0xFFFFFC00  }
0xf5: {  	[spmem:s18] =	stream.indirect.scatter.add.s32 [tilespmem:s5], [sflag:$0x5], $0x1, s31, s30, $0xb8;
	[tilespmem:$0x8180] =	vst v63  }
0xf6: {  	_ =	swait.ge [sflag:s2], $0x400  }
0xf7: {  	[sflag:s2] =	ssyncset.done $0x0  }
0xf8: {  	s15 =	rddreg [dreg:$0xb];
	[sflag:s2] =	ssyncadd.s32 $0xFFFFFC00  }
0xf9: {  	[tilespmem:s31], [sflag:$0x1] =	stream.strided.gather [hbm4b:s15+s29], $0x400, s30, s29, $0x38;
	[tilespmem:$0x8180] =	vst v63  }
0xfa: {  	_ =	swait.ge [sflag:s6], $0x400  }
0xfb: {  	[sflag:s6] =	ssyncset.done $0x0  }
0xfc: {  	[sflag:s6] =	ssyncadd.s32 $0xFFFFFC00  }
0xfd: {  	[spmem:s18] =	stream.indirect.scatter.add.s32 [tilespmem:s5], [sflag:$0x5], $0x1, s3, s30, $0xb8;
	[tilespmem:$0x8180] =	vst v63  }
0xfe: {  	_ =	swait.ge [sflag:s2], $0x400  }
0xff: {  	[sflag:s2] =	ssyncset.done $0x0  }
0x100: {  	s15 =	rddreg [dreg:$0xc];
	[sflag:s2] =	ssyncadd.s32 $0xFFFFFC00  }
0x101: {  	[tilespmem:s3], [sflag:$0x2] =	stream.strided.gather [hbm4b:s15+s29], $0x400, s30, s29, $0x38;
	[tilespmem:$0x8180] =	vst v63  }
0x102: {  	_ =	swait.ge [sflag:s4], $0x400  }
0x103: {  	[sflag:s4] =	ssyncset.done $0x0  }
0x104: {  	[sflag:s4] =	ssyncadd.s32 $0xFFFFFC00  }
0x105: {  	[spmem:s18] =	stream.indirect.scatter.add.s32 [tilespmem:s5], [sflag:$0x5], $0x1, s31, s30, $0xb8;
	[tilespmem:$0x8180] =	vst v63  }
0x106: {  	_ =	swait.ge [sflag:s2], $0x400  }
0x107: {  	[sflag:s2] =	ssyncset.done $0x0  }
0x108: {  	s15 =	rddreg [dreg:$0xd];
	[sflag:s2] =	ssyncadd.s32 $0xFFFFFC00  }
0x109: {  	[tilespmem:s31], [sflag:$0x1] =	stream.strided.gather [hbm4b:s15+s29], $0x400, s30, s29, $0x38;
	[tilespmem:$0x8180] =	vst v63  }
0x10a: {  	_ =	swait.ge [sflag:s6], $0x400  }
0x10b: {  	[sflag:s6] =	ssyncset.done $0x0  }
0x10c: {  	[sflag:s6] =	ssyncadd.s32 $0xFFFFFC00  }
0x10d: {  	[spmem:s18] =	stream.indirect.scatter.add.s32 [tilespmem:s5], [sflag:$0x5], $0x1, s3, s30, $0xb8;
	[tilespmem:$0x8180] =	vst v63  }
0x10e: {  	_ =	swait.ge [sflag:s2], $0x400  }
0x10f: {  	[sflag:s2] =	ssyncset.done $0x0  }
0x110: {  	s15 =	rddreg [dreg:$0xe];
	[sflag:s2] =	ssyncadd.s32 $0xFFFFFC00  }
0x111: {  	[tilespmem:s3], [sflag:$0x2] =	stream.strided.gather [hbm4b:s15+s29], $0x400, s30, s29, $0x38;
	[tilespmem:$0x8180] =	vst v63  }
0x112: {  	_ =	swait.ge [sflag:s4], $0x400  }
0x113: {  	[sflag:s4] =	ssyncset.done $0x0  }
0x114: {  	[sflag:s4] =	ssyncadd.s32 $0xFFFFFC00  }
0x115: {  	[spmem:s18] =	stream.indirect.scatter.add.s32 [tilespmem:s5], [sflag:$0x5], $0x1, s31, s30, $0xb8;
	[tilespmem:$0x8180] =	vst v63  }
0x116: {  	_ =	swait.ge [sflag:s2], $0x400  }
0x117: {  	[sflag:s2] =	ssyncset.done $0x0  }
0x118: {  	s15 =	rddreg [dreg:$0xf];
	[sflag:s2] =	ssyncadd.s32 $0xFFFFFC00  }
0x119: {  	[tilespmem:s31], [sflag:$0x1] =	stream.strided.gather [hbm4b:s15+s29], $0x400, s30, s29, $0x38;
	[tilespmem:$0x8180] =	vst v63  }
0x11a: {  	_ =	swait.ge [sflag:s6], $0x400  }
0x11b: {  	[sflag:s6] =	ssyncset.done $0x0  }
0x11c: {  	[sflag:s6] =	ssyncadd.s32 $0xFFFFFC00  }
0x11d: {  	[spmem:s18] =	stream.indirect.scatter.add.s32 [tilespmem:s5], [sflag:$0x5], $0x1, s3, s30, $0xb8;
	[tilespmem:$0x8180] =	vst v63  }
0x11e: {  	_ =	swait.ge [sflag:s2], $0x400  }
0x11f: {  	[sflag:s2] =	ssyncset.done $0x0  }
0x120: {  	s15 =	rddreg [dreg:$0x10];
	[sflag:s2] =	ssyncadd.s32 $0xFFFFFC00  }
0x121: {  	[tilespmem:s3], [sflag:$0x2] =	stream.strided.gather [hbm4b:s15+s29], $0x400, s30, s29, $0x38;
	[tilespmem:$0x8180] =	vst v63  }
0x122: {  	_ =	swait.ge [sflag:s4], $0x400  }
0x123: {  	[sflag:s4] =	ssyncset.done $0x0  }
0x124: {  	[sflag:s4] =	ssyncadd.s32 $0xFFFFFC00  }
0x125: {  	[spmem:s18] =	stream.indirect.scatter.add.s32 [tilespmem:s5], [sflag:$0x5], $0x1, s31, s30, $0xb8;
	[tilespmem:$0x8180] =	vst v63  }
0x126: {  	_ =	swait.ge [sflag:s2], $0x400  }
0x127: {  	[sflag:s2] =	ssyncset.done $0x0  }
0x128: {  	s15 =	rddreg [dreg:$0x11];
	[sflag:s2] =	ssyncadd.s32 $0xFFFFFC00  }
0x129: {  	[tilespmem:s31], [sflag:$0x1] =	stream.strided.gather [hbm4b:s15+s29], $0x400, s30, s29, $0x38;
	[tilespmem:$0x8180] =	vst v63  }
0x12a: {  	_ =	swait.ge [sflag:s6], $0x400  }
0x12b: {  	[sflag:s6] =	ssyncset.done $0x0  }
0x12c: {  	[sflag:s6] =	ssyncadd.s32 $0xFFFFFC00  }
0x12d: {  	[spmem:s18] =	stream.indirect.scatter.add.s32 [tilespmem:s5], [sflag:$0x5], $0x1, s3, s30, $0xb8;
	[tilespmem:$0x8180] =	vst v63  }
0x12e: {  	_ =	swait.ge [sflag:s2], $0x400  }
0x12f: {  	[sflag:s2] =	ssyncset.done $0x0  }
0x130: {  	s15 =	rddreg [dreg:$0x12];
	[sflag:s2] =	ssyncadd.s32 $0xFFFFFC00  }
0x131: {  	[tilespmem:s3], [sflag:$0x2] =	stream.strided.gather [hbm4b:s15+s29], $0x400, s30, s29, $0x38;
	[tilespmem:$0x8180] =	vst v63  }
0x132: {  	_ =	swait.ge [sflag:s4], $0x400  }
0x133: {  	[sflag:s4] =	ssyncset.done $0x0  }
0x134: {  	[sflag:s4] =	ssyncadd.s32 $0xFFFFFC00  }
0x135: {  	[spmem:s18] =	stream.indirect.scatter.add.s32 [tilespmem:s5], [sflag:$0x5], $0x1, s31, s30, $0xb8;
	[tilespmem:$0x8180] =	vst v63  }
0x136: {  	_ =	swait.ge [sflag:s2], $0x400  }
0x137: {  	[sflag:s2] =	ssyncset.done $0x0  }
0x138: {  	s15 =	rddreg [dreg:$0x13];
	[sflag:s2] =	ssyncadd.s32 $0xFFFFFC00  }
0x139: {  	[tilespmem:s31], [sflag:$0x1] =	stream.strided.gather [hbm4b:s15+s29], $0x400, s30, s29, $0x38;
	[tilespmem:$0x8180] =	vst v63  }
0x13a: {  	_ =	swait.ge [sflag:s6], $0x400  }
0x13b: {  	[sflag:s6] =	ssyncset.done $0x0  }
0x13c: {  	[sflag:s6] =	ssyncadd.s32 $0xFFFFFC00  }
0x13d: {  	[spmem:s18] =	stream.indirect.scatter.add.s32 [tilespmem:s5], [sflag:$0x5], $0x1, s3, s30, $0xb8;
	[tilespmem:$0x8180] =	vst v63  }
0x13e: {  	_ =	swait.ge [sflag:s2], $0x400  }
0x13f: {  	[sflag:s2] =	ssyncset.done $0x0  }
0x140: {  	s15 =	rddreg [dreg:$0x14];
	[sflag:s2] =	ssyncadd.s32 $0xFFFFFC00  }
0x141: {  	[tilespmem:s3], [sflag:$0x2] =	stream.strided.gather [hbm4b:s15+s29], $0x400, s30, s29, $0x38;
	[tilespmem:$0x8180] =	vst v63  }
0x142: {  	_ =	swait.ge [sflag:s4], $0x400  }
0x143: {  	[sflag:s4] =	ssyncset.done $0x0  }
0x144: {  	[sflag:s4] =	ssyncadd.s32 $0xFFFFFC00  }
0x145: {  	[spmem:s18] =	stream.indirect.scatter.add.s32 [tilespmem:s5], [sflag:$0x5], $0x1, s31, s30, $0xb8;
	[tilespmem:$0x8180] =	vst v63  }
0x146: {  	_ =	swait.ge [sflag:s2], $0x400  }
0x147: {  	[sflag:s2] =	ssyncset.done $0x0  }
0x148: {  	s15 =	rddreg [dreg:$0x1d];
	[sflag:s2] =	ssyncadd.s32 $0xFFFFFC00  }
0x149: {  	[tilespmem:s31], [sflag:$0x1] =	stream.strided.gather [hbm4b:s15+s29], $0x400, s30, s29, $0x38;
	[tilespmem:$0x8180] =	vst v63  }
0x14a: {  	_ =	swait.ge [sflag:s6], $0x400  }
0x14b: {  	[sflag:s6] =	ssyncset.done $0x0  }
0x14c: {  	[sflag:s6] =	ssyncadd.s32 $0xFFFFFC00  }
0x14d: {  	[spmem:s18] =	stream.indirect.scatter.add.s32 [tilespmem:s5], [sflag:$0x5], $0x1, s3, s30, $0xb8;
	[tilespmem:$0x8180] =	vst v63  }
0x14e: {  	_ =	swait.ge [sflag:s2], $0x400  }
0x14f: {  	[sflag:s2] =	ssyncset.done $0x0  }
0x150: {  	s15 =	rddreg [dreg:$0x15];
	[sflag:s2] =	ssyncadd.s32 $0xFFFFFC00  }
0x151: {  	[tilespmem:s3], [sflag:$0x2] =	stream.strided.gather [hbm4b:s15+s29], $0x400, s30, s29, $0x38;
	[tilespmem:$0x8180] =	vst v63  }
0x152: {  	_ =	swait.ge [sflag:s4], $0x400  }
0x153: {  	[sflag:s4] =	ssyncset.done $0x0  }
0x154: {  	[sflag:s4] =	ssyncadd.s32 $0xFFFFFC00  }
0x155: {  	[spmem:s18] =	stream.indirect.scatter.add.s32 [tilespmem:s5], [sflag:$0x5], $0x1, s31, s30, $0xb8;
	[tilespmem:$0x8180] =	vst v63  }
0x156: {  	_ =	swait.ge [sflag:s2], $0x400  }
0x157: {  	[sflag:s2] =	ssyncset.done $0x0  }
0x158: {  	s15 =	rddreg [dreg:$0x16];
	[sflag:s2] =	ssyncadd.s32 $0xFFFFFC00  }
0x159: {  	[tilespmem:s31], [sflag:$0x1] =	stream.strided.gather [hbm4b:s15+s29], $0x400, s30, s29, $0x38;
	[tilespmem:$0x8180] =	vst v63  }
0x15a: {  	_ =	swait.ge [sflag:s6], $0x400  }
0x15b: {  	[sflag:s6] =	ssyncset.done $0x0  }
0x15c: {  	[sflag:s6] =	ssyncadd.s32 $0xFFFFFC00  }
0x15d: {  	[spmem:s18] =	stream.indirect.scatter.add.s32 [tilespmem:s5], [sflag:$0x5], $0x1, s3, s30, $0xb8;
	[tilespmem:$0x8180] =	vst v63  }
0x15e: {  	_ =	swait.ge [sflag:s2], $0x400  }
0x15f: {  	[sflag:s2] =	ssyncset.done $0x0  }
0x160: {  	s15 =	rddreg [dreg:$0x17];
	[sflag:s2] =	ssyncadd.s32 $0xFFFFFC00  }
0x161: {  	[tilespmem:s3], [sflag:$0x2] =	stream.strided.gather [hbm4b:s15+s29], $0x400, s30, s29, $0x38;
	[tilespmem:$0x8180] =	vst v63  }
0x162: {  	_ =	swait.ge [sflag:s4], $0x400  }
0x163: {  	[sflag:s4] =	ssyncset.done $0x0  }
0x164: {  	[sflag:s4] =	ssyncadd.s32 $0xFFFFFC00  }
0x165: {  	[spmem:s18] =	stream.indirect.scatter.add.s32 [tilespmem:s5], [sflag:$0x5], $0x1, s31, s30, $0xb8;
	[tilespmem:$0x8180] =	vst v63  }
0x166: {  	_ =	swait.ge [sflag:s2], $0x400  }
0x167: {  	[sflag:s2] =	ssyncset.done $0x0  }
0x168: {  	s15 =	rddreg [dreg:$0x18];
	[sflag:s2] =	ssyncadd.s32 $0xFFFFFC00  }
0x169: {  	[tilespmem:s31], [sflag:$0x1] =	stream.strided.gather [hbm4b:s15+s29], $0x400, s30, s29, $0x38;
	[tilespmem:$0x8180] =	vst v63  }
0x16a: {  	_ =	swait.ge [sflag:s6], $0x400  }
0x16b: {  	[sflag:s6] =	ssyncset.done $0x0  }
0x16c: {  	[sflag:s6] =	ssyncadd.s32 $0xFFFFFC00  }
0x16d: {  	[spmem:s18] =	stream.indirect.scatter.add.s32 [tilespmem:s5], [sflag:$0x5], $0x1, s3, s30, $0xb8;
	[tilespmem:$0x8180] =	vst v63  }
0x16e: {  	_ =	swait.ge [sflag:s2], $0x400  }
0x16f: {  	[sflag:s2] =	ssyncset.done $0x0  }
0x170: {  	s15 =	rddreg [dreg:$0x19];
	[sflag:s2] =	ssyncadd.s32 $0xFFFFFC00  }
0x171: {  	[tilespmem:s3], [sflag:$0x2] =	stream.strided.gather [hbm4b:s15+s29], $0x400, s30, s29, $0x38;
	[tilespmem:$0x8180] =	vst v63  }
0x172: {  	_ =	swait.ge [sflag:s4], $0x400  }
0x173: {  	[sflag:s4] =	ssyncset.done $0x0  }
0x174: {  	[sflag:s4] =	ssyncadd.s32 $0xFFFFFC00  }
0x175: {  	[spmem:s18] =	stream.indirect.scatter.add.s32 [tilespmem:s5], [sflag:$0x5], $0x1, s31, s30, $0xb8;
	[tilespmem:$0x8180] =	vst v63  }
0x176: {  	_ =	swait.ge [sflag:s2], $0x400  }
0x177: {  	[sflag:s2] =	ssyncset.done $0x0  }
0x178: {  	s15 =	rddreg [dreg:$0x1a];
	[sflag:s2] =	ssyncadd.s32 $0xFFFFFC00  }
0x179: {  	[tilespmem:s31], [sflag:$0x1] =	stream.strided.gather [hbm4b:s15+s29], $0x400, s30, s29, $0x38;
	[tilespmem:$0x8180] =	vst v63  }
0x17a: {  	_ =	swait.ge [sflag:s6], $0x400  }
0x17b: {  	[sflag:s6] =	ssyncset.done $0x0  }
0x17c: {  	[sflag:s6] =	ssyncadd.s32 $0xFFFFFC00  }
0x17d: {  	[spmem:s18] =	stream.indirect.scatter.add.s32 [tilespmem:s5], [sflag:$0x5], $0x1, s3, s30, $0xb8;
	[tilespmem:$0x8180] =	vst v63  }
0x17e: {  	_ =	swait.ge [sflag:s2], $0x400  }
0x17f: {  	[sflag:s2] =	ssyncset.done $0x0  }
0x180: {  	s15 =	rddreg [dreg:$0x1b];
	[sflag:s2] =	ssyncadd.s32 $0xFFFFFC00  }
0x181: {  	[tilespmem:s3], [sflag:$0x2] =	stream.strided.gather [hbm4b:s15+s29], $0x400, s30, s29, $0x38;
	[tilespmem:$0x8180] =	vst v63  }
0x182: {  	_ =	swait.ge [sflag:s4], $0x400  }
0x183: {  	[sflag:s4] =	ssyncset.done $0x0  }
0x184: {  	[sflag:s4] =	ssyncadd.s32 $0xFFFFFC00  }
0x185: {  	[spmem:s18] =	stream.indirect.scatter.add.s32 [tilespmem:s5], [sflag:$0x5], $0x1, s31, s30, $0xb8;
	[tilespmem:$0x8180] =	vst v63  }
0x186: {  	_ =	swait.ge [sflag:s2], $0x400  }
0x187: {  	[sflag:s2] =	ssyncset.done $0x0  }
0x188: {  	s15 =	rddreg [dreg:$0x1e];
	[sflag:s2] =	ssyncadd.s32 $0xFFFFFC00  }
0x189: {  	[tilespmem:s31], [sflag:$0x1] =	stream.strided.gather [hbm4b:s15+s29], $0x400, s30, s29, $0x38;
	[tilespmem:$0x8180] =	vst v63  }
0x18a: {  	_ =	swait.ge [sflag:s6], $0x400  }
0x18b: {  	[sflag:s6] =	ssyncset.done $0x0  }
0x18c: {  	[sflag:s6] =	ssyncadd.s32 $0xFFFFFC00  }
0x18d: {  	[spmem:s18] =	stream.indirect.scatter.add.s32 [tilespmem:s5], [sflag:$0x5], $0x1, s3, s30, $0xb8;
	[tilespmem:$0x8180] =	vst v63  }
0x18e: {  	_ =	swait.ge [sflag:s2], $0x400  }
0x18f: {  	[sflag:s2] =	ssyncset.done $0x0  }
0x190: {  	[sflag:s2] =	ssyncadd.s32 $0xFFFFFC00  }
0x191: {  	_ =	swait.ge [sflag:s4], $0x400  }
0x192: {  	[sflag:s4] =	ssyncset.done $0x0  }
0x193: {  	[sflag:s4] =	ssyncadd.s32 $0xFFFFFC00  }
0x194: {  	[spmem:s18] =	stream.indirect.scatter.add.s32 [tilespmem:s5], [sflag:$0x5], $0x1, s31, s30, $0xb8;
	[tilespmem:$0x8180] =	vst v63  }
0x195: {  	_ =	swait.ge [sflag:s2], $0x400  }
0x196: {  	[sflag:s2] =	ssyncset.done $0x0  }
0x197: {  	s15 =	rddreg [dreg:$0x1f];
	[sflag:s2] =	ssyncadd.s32 $0xFFFFFC00  }
0x198: {  	[tilespmem:s7], [sflag:$0x4] =	stream.strided.gather [hbm4b:s15+s29], $0x1000, s30, s29, $0x38;
	[tilespmem:$0x8180] =	vst v63  }
0x199: {  	_ =	swait.ge [sflag:s8], $0x1000  }
0x19a: {  	[sflag:s8] =	ssyncset.done $0x0  }
0x19b: {  	[sflag:s8] =	ssyncadd.s32 $0xFFFFF000  }
0x19c: {  	[spmem:s20] =	stream.indirect.scatter.add.s32 [tilespmem:s5], [sflag:$0x5], $0x1, s0, s9, $0xb8;
	[tilespmem:$0x8180] =	vst v63  }
0x19d: {  	_ =	swait.ge [sflag:s2], $0x1000  }
0x19e: {  	s15 =	sld [smem:$0x7E8]  }
0x19f: {  	[sflag:s2] =	ssyncset.done $0x0  }
0x1a0: {  	[sflag:s2] =	ssyncadd.s32 $0xFFFFF000  }
0x1a1: {  	[tilespmem:s0], [sflag:$0x3] =	stream.strided.gather [hbm4b:s15+s29], $0x1000, s30, s29, $0x38;
	[tilespmem:$0x8180] =	vst v63  }
0x1a2: {  	_ =	swait.ge [sflag:s10], $0x1000  }
0x1a3: {  	[sflag:s10] =	ssyncset.done $0x0  }
0x1a4: {  	[sflag:s10] =	ssyncadd.s32 $0xFFFFF000  }
0x1a5: {  	[spmem:s20] =	stream.indirect.scatter.add.s32 [tilespmem:s5], [sflag:$0x5], $0x1, s7, s9, $0xb8;
	[tilespmem:$0x8180] =	vst v63  }
0x1a6: {  	_ =	swait.ge [sflag:s2], $0x1000  }
0x1a7: {  	s15 =	sld [smem:$0x7E9]  }
0x1a8: {  	[sflag:s2] =	ssyncset.done $0x0  }
0x1a9: {  	[sflag:s2] =	ssyncadd.s32 $0xFFFFF000  }
0x1aa: {  	[tilespmem:s7], [sflag:$0x4] =	stream.strided.gather [hbm4b:s15+s29], $0x1000, s30, s29, $0x38;
	[tilespmem:$0x8180] =	vst v63  }
0x1ab: {  	_ =	swait.ge [sflag:s8], $0x1000  }
0x1ac: {  	[sflag:s8] =	ssyncset.done $0x0  }
0x1ad: {  	[sflag:s8] =	ssyncadd.s32 $0xFFFFF000  }
0x1ae: {  	[spmem:s20] =	stream.indirect.scatter.add.s32 [tilespmem:s5], [sflag:$0x5], $0x1, s0, s9, $0xb8;
	[tilespmem:$0x8180] =	vst v63  }
0x1af: {  	_ =	swait.ge [sflag:s2], $0x1000  }
0x1b0: {  	s15 =	sld [smem:$0x7FB]  }
0x1b1: {  	[sflag:s2] =	ssyncset.done $0x0  }
0x1b2: {  	[sflag:s2] =	ssyncadd.s32 $0xFFFFF000  }
0x1b3: {  	[tilespmem:s0], [sflag:$0x3] =	stream.strided.gather [hbm4b:s15+s29], $0x1000, s30, s29, $0x38;
	[tilespmem:$0x8180] =	vst v63  }
0x1b4: {  	_ =	swait.ge [sflag:s10], $0x1000  }
0x1b5: {  	[sflag:s10] =	ssyncset.done $0x0  }
0x1b6: {  	[sflag:s10] =	ssyncadd.s32 $0xFFFFF000  }
0x1b7: {  	[spmem:s20] =	stream.indirect.scatter.add.s32 [tilespmem:s5], [sflag:$0x5], $0x1, s7, s9, $0xb8;
	[tilespmem:$0x8180] =	vst v63  }
0x1b8: {  	_ =	swait.ge [sflag:s2], $0x1000  }
0x1b9: {  	s15 =	sld [smem:$0x7EA]  }
0x1ba: {  	[sflag:s2] =	ssyncset.done $0x0  }
0x1bb: {  	[sflag:s2] =	ssyncadd.s32 $0xFFFFF000  }
0x1bc: {  	[tilespmem:s7], [sflag:$0x4] =	stream.strided.gather [hbm4b:s15+s29], $0x1000, s30, s29, $0x38;
	[tilespmem:$0x8180] =	vst v63  }
0x1bd: {  	_ =	swait.ge [sflag:s8], $0x1000  }
0x1be: {  	[sflag:s8] =	ssyncset.done $0x0  }
0x1bf: {  	[sflag:s8] =	ssyncadd.s32 $0xFFFFF000  }
0x1c0: {  	[spmem:s20] =	stream.indirect.scatter.add.s32 [tilespmem:s5], [sflag:$0x5], $0x1, s0, s9, $0xb8;
	[tilespmem:$0x8180] =	vst v63  }
0x1c1: {  	_ =	swait.ge [sflag:s2], $0x1000  }
0x1c2: {  	s15 =	sld [smem:$0x7EB]  }
0x1c3: {  	[sflag:s2] =	ssyncset.done $0x0  }
0x1c4: {  	[sflag:s2] =	ssyncadd.s32 $0xFFFFF000  }
0x1c5: {  	[tilespmem:s0], [sflag:$0x3] =	stream.strided.gather [hbm4b:s15+s29], $0x1000, s30, s29, $0x38;
	[tilespmem:$0x8180] =	vst v63  }
0x1c6: {  	_ =	swait.ge [sflag:s10], $0x1000  }
0x1c7: {  	[sflag:s10] =	ssyncset.done $0x0  }
0x1c8: {  	[sflag:s10] =	ssyncadd.s32 $0xFFFFF000  }
0x1c9: {  	[spmem:s20] =	stream.indirect.scatter.add.s32 [tilespmem:s5], [sflag:$0x5], $0x1, s7, s9, $0xb8;
	[tilespmem:$0x8180] =	vst v63  }
0x1ca: {  	_ =	swait.ge [sflag:s2], $0x1000  }
0x1cb: {  	s15 =	sld [smem:$0x7EC]  }
0x1cc: {  	[sflag:s2] =	ssyncset.done $0x0  }
0x1cd: {  	[sflag:s2] =	ssyncadd.s32 $0xFFFFF000  }
0x1ce: {  	[tilespmem:s7], [sflag:$0x4] =	stream.strided.gather [hbm4b:s15+s29], $0x1000, s30, s29, $0x38;
	[tilespmem:$0x8180] =	vst v63  }
0x1cf: {  	_ =	swait.ge [sflag:s8], $0x1000  }
0x1d0: {  	[sflag:s8] =	ssyncset.done $0x0  }
0x1d1: {  	[sflag:s8] =	ssyncadd.s32 $0xFFFFF000  }
0x1d2: {  	[spmem:s20] =	stream.indirect.scatter.add.s32 [tilespmem:s5], [sflag:$0x5], $0x1, s0, s9, $0xb8;
	[tilespmem:$0x8180] =	vst v63  }
0x1d3: {  	_ =	swait.ge [sflag:s2], $0x1000  }
0x1d4: {  	[sflag:s2] =	ssyncset.done $0x0  }
0x1d5: {  	[sflag:s2] =	ssyncadd.s32 $0xFFFFF000  }
0x1d6: {  	[tilespmem:s0], [sflag:$0x3] =	stream.strided.gather [hbm4b:s16+s29], $0x1000, s30, s29, $0x38;
	[tilespmem:$0x8180] =	vst v63  }
0x1d7: {  	_ =	swait.ge [sflag:s10], $0x1000  }
0x1d8: {  	[sflag:s10] =	ssyncset.done $0x0  }
0x1d9: {  	[sflag:s10] =	ssyncadd.s32 $0xFFFFF000  }
0x1da: {  	[spmem:s20] =	stream.indirect.scatter.add.s32 [tilespmem:s5], [sflag:$0x5], $0x1, s7, s9, $0xb8;
	[tilespmem:$0x8180] =	vst v63  }
0x1db: {  	_ =	swait.ge [sflag:s2], $0x1000  }
0x1dc: {  	s15 =	sld [smem:$0x7ED]  }
0x1dd: {  	[sflag:s2] =	ssyncset.done $0x0  }
0x1de: {  	[sflag:s2] =	ssyncadd.s32 $0xFFFFF000  }
0x1df: {  	[tilespmem:s7], [sflag:$0x4] =	stream.strided.gather [hbm4b:s15+s29], $0x1000, s30, s29, $0x38;
	[tilespmem:$0x8180] =	vst v63  }
0x1e0: {  	_ =	swait.ge [sflag:s8], $0x1000  }
0x1e1: {  	[sflag:s8] =	ssyncset.done $0x0  }
0x1e2: {  	[sflag:s8] =	ssyncadd.s32 $0xFFFFF000  }
0x1e3: {  	[spmem:s20] =	stream.indirect.scatter.add.s32 [tilespmem:s5], [sflag:$0x5], $0x1, s0, s9, $0xb8;
	[tilespmem:$0x8180] =	vst v63  }
0x1e4: {  	_ =	swait.ge [sflag:s2], $0x1000  }
0x1e5: {  	s15 =	sld [smem:$0x7EE]  }
0x1e6: {  	[sflag:s2] =	ssyncset.done $0x0  }
0x1e7: {  	[sflag:s2] =	ssyncadd.s32 $0xFFFFF000  }
0x1e8: {  	[tilespmem:s0], [sflag:$0x3] =	stream.strided.gather [hbm4b:s15+s29], $0x1000, s30, s29, $0x38;
	[tilespmem:$0x8180] =	vst v63  }
0x1e9: {  	_ =	swait.ge [sflag:s10], $0x1000  }
0x1ea: {  	[sflag:s10] =	ssyncset.done $0x0  }
0x1eb: {  	[sflag:s10] =	ssyncadd.s32 $0xFFFFF000  }
0x1ec: {  	[spmem:s20] =	stream.indirect.scatter.add.s32 [tilespmem:s5], [sflag:$0x5], $0x1, s7, s9, $0xb8;
	[tilespmem:$0x8180] =	vst v63  }
0x1ed: {  	_ =	swait.ge [sflag:s2], $0x1000  }
0x1ee: {  	s15 =	sld [smem:$0x7EF]  }
0x1ef: {  	[sflag:s2] =	ssyncset.done $0x0  }
0x1f0: {  	[sflag:s2] =	ssyncadd.s32 $0xFFFFF000  }
0x1f1: {  	[tilespmem:s7], [sflag:$0x4] =	stream.strided.gather [hbm4b:s15+s29], $0x1000, s30, s29, $0x38;
	[tilespmem:$0x8180] =	vst v63  }
0x1f2: {  	_ =	swait.ge [sflag:s8], $0x1000  }
0x1f3: {  	[sflag:s8] =	ssyncset.done $0x0  }
0x1f4: {  	[sflag:s8] =	ssyncadd.s32 $0xFFFFF000  }
0x1f5: {  	[spmem:s20] =	stream.indirect.scatter.add.s32 [tilespmem:s5], [sflag:$0x5], $0x1, s0, s9, $0xb8;
	[tilespmem:$0x8180] =	vst v63  }
0x1f6: {  	_ =	swait.ge [sflag:s2], $0x1000  }
0x1f7: {  	[sflag:s2] =	ssyncset.done $0x0  }
0x1f8: {  	[sflag:s2] =	ssyncadd.s32 $0xFFFFF000  }
0x1f9: {  	[tilespmem:s0], [sflag:$0x3] =	stream.strided.gather [hbm4b:s17+s29], $0x1000, s30, s29, $0x38;
	[tilespmem:$0x8180] =	vst v63  }
0x1fa: {  	_ =	swait.ge [sflag:s10], $0x1000  }
0x1fb: {  	[sflag:s10] =	ssyncset.done $0x0  }
0x1fc: {  	[sflag:s10] =	ssyncadd.s32 $0xFFFFF000  }
0x1fd: {  	[spmem:s20] =	stream.indirect.scatter.add.s32 [tilespmem:s5], [sflag:$0x5], $0x1, s7, s9, $0xb8;
	[tilespmem:$0x8180] =	vst v63  }
0x1fe: {  	_ =	swait.ge [sflag:s2], $0x1000  }
0x1ff: {  	s15 =	sld [smem:$0x7F0]  }
0x200: {  	[sflag:s2] =	ssyncset.done $0x0  }
0x201: {  	[sflag:s2] =	ssyncadd.s32 $0xFFFFF000  }
0x202: {  	[tilespmem:s7], [sflag:$0x4] =	stream.strided.gather [hbm4b:s15+s29], $0x1000, s30, s29, $0x38;
	[tilespmem:$0x8180] =	vst v63  }
0x203: {  	_ =	swait.ge [sflag:s8], $0x1000  }
0x204: {  	[sflag:s8] =	ssyncset.done $0x0  }
0x205: {  	[sflag:s8] =	ssyncadd.s32 $0xFFFFF000  }
0x206: {  	[spmem:s20] =	stream.indirect.scatter.add.s32 [tilespmem:s5], [sflag:$0x5], $0x1, s0, s9, $0xb8;
	[tilespmem:$0x8180] =	vst v63  }
0x207: {  	_ =	swait.ge [sflag:s2], $0x1000  }
0x208: {  	s15 =	sld [smem:$0x7F1]  }
0x209: {  	[sflag:s2] =	ssyncset.done $0x0  }
0x20a: {  	[sflag:s2] =	ssyncadd.s32 $0xFFFFF000  }
0x20b: {  	[tilespmem:s0], [sflag:$0x3] =	stream.strided.gather [hbm4b:s15+s29], $0x1000, s30, s29, $0x38;
	[tilespmem:$0x8180] =	vst v63  }
0x20c: {  	_ =	swait.ge [sflag:s10], $0x1000  }
0x20d: {  	[sflag:s10] =	ssyncset.done $0x0  }
0x20e: {  	[sflag:s10] =	ssyncadd.s32 $0xFFFFF000  }
0x20f: {  	[spmem:s20] =	stream.indirect.scatter.add.s32 [tilespmem:s5], [sflag:$0x5], $0x1, s7, s9, $0xb8;
	[tilespmem:$0x8180] =	vst v63  }
0x210: {  	_ =	swait.ge [sflag:s2], $0x1000  }
0x211: {  	s15 =	sld [smem:$0x7F2]  }
0x212: {  	[sflag:s2] =	ssyncset.done $0x0  }
0x213: {  	[sflag:s2] =	ssyncadd.s32 $0xFFFFF000  }
0x214: {  	[tilespmem:s7], [sflag:$0x4] =	stream.strided.gather [hbm4b:s15+s29], $0x1000, s30, s29, $0x38;
	[tilespmem:$0x8180] =	vst v63  }
0x215: {  	_ =	swait.ge [sflag:s8], $0x1000  }
0x216: {  	[sflag:s8] =	ssyncset.done $0x0  }
0x217: {  	[sflag:s8] =	ssyncadd.s32 $0xFFFFF000  }
0x218: {  	[spmem:s20] =	stream.indirect.scatter.add.s32 [tilespmem:s5], [sflag:$0x5], $0x1, s0, s9, $0xb8;
	[tilespmem:$0x8180] =	vst v63  }
0x219: {  	_ =	swait.ge [sflag:s2], $0x1000  }
0x21a: {  	[sflag:s2] =	ssyncset.done $0x0  }
0x21b: {  	[sflag:s2] =	ssyncadd.s32 $0xFFFFF000  }
0x21c: {  	[tilespmem:s0], [sflag:$0x3] =	stream.strided.gather [hbm4b:s19+s29], $0x1000, s30, s29, $0x38;
	[tilespmem:$0x8180] =	vst v63  }
0x21d: {  	_ =	swait.ge [sflag:s10], $0x1000  }
0x21e: {  	[sflag:s10] =	ssyncset.done $0x0  }
0x21f: {  	[sflag:s10] =	ssyncadd.s32 $0xFFFFF000  }
0x220: {  	[spmem:s20] =	stream.indirect.scatter.add.s32 [tilespmem:s5], [sflag:$0x5], $0x1, s7, s9, $0xb8;
	[tilespmem:$0x8180] =	vst v63  }
0x221: {  	_ =	swait.ge [sflag:s2], $0x1000  }
0x222: {  	s15 =	sld [smem:$0x7F3]  }
0x223: {  	[sflag:s2] =	ssyncset.done $0x0  }
0x224: {  	[sflag:s2] =	ssyncadd.s32 $0xFFFFF000  }
0x225: {  	[tilespmem:s7], [sflag:$0x4] =	stream.strided.gather [hbm4b:s15+s29], $0x1000, s30, s29, $0x38;
	[tilespmem:$0x8180] =	vst v63  }
0x226: {  	_ =	swait.ge [sflag:s8], $0x1000  }
0x227: {  	[sflag:s8] =	ssyncset.done $0x0  }
0x228: {  	[sflag:s8] =	ssyncadd.s32 $0xFFFFF000  }
0x229: {  	[spmem:s20] =	stream.indirect.scatter.add.s32 [tilespmem:s5], [sflag:$0x5], $0x1, s0, s9, $0xb8;
	[tilespmem:$0x8180] =	vst v63  }
0x22a: {  	_ =	swait.ge [sflag:s2], $0x1000  }
0x22b: {  	s15 =	sld [smem:$0x7F4]  }
0x22c: {  	[sflag:s2] =	ssyncset.done $0x0  }
0x22d: {  	[sflag:s2] =	ssyncadd.s32 $0xFFFFF000  }
0x22e: {  	[tilespmem:s0], [sflag:$0x3] =	stream.strided.gather [hbm4b:s15+s29], $0x1000, s30, s29, $0x38;
	[tilespmem:$0x8180] =	vst v63  }
0x22f: {  	_ =	swait.ge [sflag:s10], $0x1000  }
0x230: {  	[sflag:s10] =	ssyncset.done $0x0  }
0x231: {  	[sflag:s10] =	ssyncadd.s32 $0xFFFFF000  }
0x232: {  	[spmem:s20] =	stream.indirect.scatter.add.s32 [tilespmem:s5], [sflag:$0x5], $0x1, s7, s9, $0xb8;
	[tilespmem:$0x8180] =	vst v63  }
0x233: {  	_ =	swait.ge [sflag:s2], $0x1000  }
0x234: {  	s15 =	sld [smem:$0x7F5]  }
0x235: {  	[sflag:s2] =	ssyncset.done $0x0  }
0x236: {  	[sflag:s2] =	ssyncadd.s32 $0xFFFFF000  }
0x237: {  	[tilespmem:s7], [sflag:$0x4] =	stream.strided.gather [hbm4b:s15+s29], $0x1000, s30, s29, $0x38;
	[tilespmem:$0x8180] =	vst v63  }
0x238: {  	_ =	swait.ge [sflag:s8], $0x1000  }
0x239: {  	[sflag:s8] =	ssyncset.done $0x0  }
0x23a: {  	[sflag:s8] =	ssyncadd.s32 $0xFFFFF000  }
0x23b: {  	[spmem:s20] =	stream.indirect.scatter.add.s32 [tilespmem:s5], [sflag:$0x5], $0x1, s0, s9, $0xb8;
	[tilespmem:$0x8180] =	vst v63  }
0x23c: {  	_ =	swait.ge [sflag:s2], $0x1000  }
0x23d: {  	[sflag:s2] =	ssyncset.done $0x0  }
0x23e: {  	[sflag:s2] =	ssyncadd.s32 $0xFFFFF000  }
0x23f: {  	[tilespmem:s0], [sflag:$0x3] =	stream.strided.gather [hbm4b:s21+s29], $0x1000, s30, s29, $0x38;
	[tilespmem:$0x8180] =	vst v63  }
0x240: {  	_ =	swait.ge [sflag:s10], $0x1000  }
0x241: {  	[sflag:s10] =	ssyncset.done $0x0  }
0x242: {  	[sflag:s10] =	ssyncadd.s32 $0xFFFFF000  }
0x243: {  	[spmem:s20] =	stream.indirect.scatter.add.s32 [tilespmem:s5], [sflag:$0x5], $0x1, s7, s9, $0xb8;
	[tilespmem:$0x8180] =	vst v63  }
0x244: {  	_ =	swait.ge [sflag:s2], $0x1000  }
0x245: {  	s15 =	sld [smem:$0x7F6]  }
0x246: {  	[sflag:s2] =	ssyncset.done $0x0  }
0x247: {  	[sflag:s2] =	ssyncadd.s32 $0xFFFFF000  }
0x248: {  	[tilespmem:s7], [sflag:$0x4] =	stream.strided.gather [hbm4b:s15+s29], $0x1000, s30, s29, $0x38;
	[tilespmem:$0x8180] =	vst v63  }
0x249: {  	_ =	swait.ge [sflag:s8], $0x1000  }
0x24a: {  	[sflag:s8] =	ssyncset.done $0x0  }
0x24b: {  	[sflag:s8] =	ssyncadd.s32 $0xFFFFF000  }
0x24c: {  	[spmem:s20] =	stream.indirect.scatter.add.s32 [tilespmem:s5], [sflag:$0x5], $0x1, s0, s9, $0xb8;
	[tilespmem:$0x8180] =	vst v63  }
0x24d: {  	_ =	swait.ge [sflag:s2], $0x1000  }
0x24e: {  	s15 =	sld [smem:$0x7F7]  }
0x24f: {  	[sflag:s2] =	ssyncset.done $0x0  }
0x250: {  	[sflag:s2] =	ssyncadd.s32 $0xFFFFF000  }
0x251: {  	[tilespmem:s0], [sflag:$0x3] =	stream.strided.gather [hbm4b:s15+s29], $0x1000, s30, s29, $0x38;
	[tilespmem:$0x8180] =	vst v63  }
0x252: {  	_ =	swait.ge [sflag:s10], $0x1000  }
0x253: {  	[sflag:s10] =	ssyncset.done $0x0  }
0x254: {  	[sflag:s10] =	ssyncadd.s32 $0xFFFFF000  }
0x255: {  	[spmem:s20] =	stream.indirect.scatter.add.s32 [tilespmem:s5], [sflag:$0x5], $0x1, s7, s9, $0xb8;
	[tilespmem:$0x8180] =	vst v63  }
0x256: {  	_ =	swait.ge [sflag:s2], $0x1000  }
0x257: {  	s15 =	sld [smem:$0x7F8]  }
0x258: {  	[sflag:s2] =	ssyncset.done $0x0  }
0x259: {  	[sflag:s2] =	ssyncadd.s32 $0xFFFFF000  }
0x25a: {  	[tilespmem:s7], [sflag:$0x4] =	stream.strided.gather [hbm4b:s15+s29], $0x1000, s30, s29, $0x38;
	[tilespmem:$0x8180] =	vst v63  }
0x25b: {  	_ =	swait.ge [sflag:s8], $0x1000  }
0x25c: {  	[sflag:s8] =	ssyncset.done $0x0  }
0x25d: {  	[sflag:s8] =	ssyncadd.s32 $0xFFFFF000  }
0x25e: {  	[spmem:s20] =	stream.indirect.scatter.add.s32 [tilespmem:s5], [sflag:$0x5], $0x1, s0, s9, $0xb8;
	[tilespmem:$0x8180] =	vst v63  }
0x25f: {  	_ =	swait.ge [sflag:s2], $0x1000  }
0x260: {  	[sflag:s2] =	ssyncset.done $0x0  }
0x261: {  	[sflag:s2] =	ssyncadd.s32 $0xFFFFF000  }
0x262: {  	[tilespmem:s0], [sflag:$0x3] =	stream.strided.gather [hbm4b:s22+s29], $0x1000, s30, s29, $0x38;
	[tilespmem:$0x8180] =	vst v63  }
0x263: {  	_ =	swait.ge [sflag:s10], $0x1000  }
0x264: {  	[sflag:s10] =	ssyncset.done $0x0  }
0x265: {  	[sflag:s10] =	ssyncadd.s32 $0xFFFFF000  }
0x266: {  	[spmem:s20] =	stream.indirect.scatter.add.s32 [tilespmem:s5], [sflag:$0x5], $0x1, s7, s9, $0xb8;
	[tilespmem:$0x8180] =	vst v63  }
0x267: {  	_ =	swait.ge [sflag:s2], $0x1000  }
0x268: {  	[sflag:s2] =	ssyncset.done $0x0  }
0x269: {  	[sflag:s2] =	ssyncadd.s32 $0xFFFFF000  }
0x26a: {  	_ =	swait.ge [sflag:s8], $0x1000  }
0x26b: {  	[sflag:s8] =	ssyncset.done $0x0  }
0x26c: {  	[sflag:s8] =	ssyncadd.s32 $0xFFFFF000  }
0x26d: {  	[spmem:s20] =	stream.indirect.scatter.add.s32 [tilespmem:s5], [sflag:$0x5], $0x1, s0, s9, $0xb8;
	[tilespmem:$0x8180] =	vst v63  }
0x26e: {  	_ =	swait.ge [sflag:s2], $0x1000  }
0x26f: {  	s15 =	stileid.u32;
	[sflag:s2] =	ssyncset.done $0x0  }
0x270: {  	s14 =	sshll.u32 s15, $0x6;
	[sflag:s2] =	ssyncadd.s32 $0xFFFFF000  }
0x271: {  	s15 =	sshrl.u32 s23, $0x3;
	s14 =	sor.u32 $0x1C05, s14;
	[bflag:$0x0] =	sbarrier.arrive $0xFFFF  }
0x272: {  	[hbm:s25@s11], [sflag:s14] =	dma.strided [spmem:s15@s12], $0x310, s4, $0x10   }
0x273: {  	s13 =	sadd.s32 $0x1, s13;
	_ =	swait.ge [sflag:s2], $0x310  }
0x274: {  	p0 =	sne.s32 s13, s28;
	[sflag:s2] =	ssyncset.done $0x0  }
.Ltmp2:
0x275: {  	s15 =	sshrl.u32 s24, $0x3;
	[sflag:s2] =	ssyncadd.s32 $0xFFFFFCF0;
	(pc) =	sbr.rel @p0 .LBB2_1-.Ltmp2, $4  }
0x276: {  	[hbm:s26@s11], [sflag:s14] =	dma.strided [spmem:s15@s12], $0x310, s4, $0x10   }
0x277: {  	_ =	swait.ge [sflag:s2], $0x310  }
0x278: {  	[sflag:s2] =	ssyncset.done $0x0  }
0x279: {  	[sflag:s2] =	ssyncadd.s32 $0xFFFFFCF0  }
0x27a: {  	_ =	sfence.sel $0x180000  }
0x27b: {  	[bflag:$0x0] =	sbarrier.arrive $0xFFFF  }
0x27c: {  	_ =	strace $0x90000047  }
0x27d: {  	s0 =	stileid.u32;
	[bflag:$0x2] =	sbarrier.arrive $0xFFFF  }
0x27e: {  	p0 =	sne.s32 s0, $0x0;
	s0 =	rddreg [dreg:$0x5]  }
0x27f: {  	s0 =	sadd.s32 @!p0 $0x100000, s0  }
0x280: {  	[sflag:s0] =	ssyncadd.tile.s32 @!p0 $0x1;
	_ =	shalt  }
.Lfunc_end2:
_tile_overlayer_lowered:
.L_overlay_start_2:
0x281: {  	(tag) =	ssettag $0x2  }
0x282: {  	s0 =	rddreg [dreg:$0x0];
	s2 =	stileid.u32  }
0x283: {  	s1 =	rddreg [dreg:$0x1];
	p0 =	sne.s32 s2, $0x0  }
0x284: {  	s3 =	rddreg [dreg:$0x2];
	[bflag:$0x3] =	sbarrier.arrive $0xFFFF;
	s2 =	simm.s32 @!p0 $0x1C05  }
0x285: {  	[timem:s3], [sflag:s2] =	dma.local @!p0 [hbm:s0], s1  }
0x286: {  	s0 =	simm.s32 @!p0 $0x5  }
0x287: {  	_ =	swait.ge @!p0 [sflag:s0], s1  }
0x288: {  	s1 =	ssub.s32 @!p0 $0x0, s1;
	[sflag:s0] =	ssyncset.done @!p0 $0x0  }
0x289: {  	[sflag:s0] =	ssyncadd.s32 @!p0 s1  }
0x28a: {  	[bflag:$0x3] =	sbarrier.arrive $0xFFFF  }
0x28b: {  	_ =	shalt  }

</sc_bundles>
